<compile_context>
chip_gen: v7x
topology: tpu7x:2x2x1
jax: 0.10.2.dev20260603
libtpu: 0.0.44.dev20260713+nightly
codegen_flags: <defaults>
</compile_context>

<pallas_src>
import functools

import jax
import jax.numpy as jnp
from jax import lax
from jax.experimental import pallas as pl
from jax.experimental.pallas import tpu as pltpu
from jax.experimental.pallas import tpu_sc as plsc

NN = 10000
NP = 10240
EE = 320000
NC = 2
NS = 16
NW = NC * NS
KB1 = 64
NBA1 = 191
NBB1 = 122
R1ROWS = 16 * NBA1 + 16 * NBB1 + (NBA1 - NBB1)
KB2 = 128
NBA2 = 101
NBB2 = 56
R2ROWS = 16 * NBA2 + 16 * NBB2 + (NBA2 - NBB2)
EP = R2ROWS * KB2
DA = 136
DF = 80
RPT = NP // NS

_mesh = plsc.VectorSubcoreMesh(
    core_axis_name="c", subcore_axis_name="s", num_cores=NC, num_subcores=NS
)
_sc_params = pltpu.CompilerParams(
    use_tc_tiling_on_sc=False, needs_layout_passes=False
)


def _zero_rows(rows_v, nrows, width):
    zero = jnp.zeros((16,), jnp.float32)

    def zr(r, carry):
        for c in range(width // 16):
            rows_v[r, pl.ds(c * 16, 16)] = zero
        return carry

    lax.fori_loop(0, nrows, zr, 0)


def _pass1_body(
    x_hbm, src_hbm, dst_hbm, out_hbm, src_v, dst_v, rows_v, acc_sh, isem, gsem
):
    cid = lax.axis_index("c")
    sid = lax.axis_index("s")
    nb = jnp.where(cid == 0, NBA1, NBB1)
    base = jnp.where(cid == 0, sid * NBA1, 16 * NBA1 + sid * NBB1)
    pltpu.async_copy(src_hbm.at[pl.ds(base, NBA1)], src_v, isem)
    pltpu.async_copy(dst_hbm.at[pl.ds(base, NBA1)], dst_v, isem)
    _zero_rows(rows_v.at[0], KB1, DA)
    for b in range(RPT // KB1):
        pltpu.sync_copy(rows_v.at[0], acc_sh.at[pl.ds(sid * RPT + b * KB1, KB1)])
    pltpu.make_async_copy(src_hbm.at[pl.ds(base, NBA1)], src_v, isem).wait()
    pltpu.make_async_copy(dst_hbm.at[pl.ds(base, NBA1)], dst_v, isem).wait()
    plsc.subcore_barrier()
    pltpu.async_copy(x_hbm.at[src_v.at[0]], rows_v.at[0], gsem)

    def eb(j, carry):
        b = lax.rem(j, 2)
        pltpu.make_async_copy(x_hbm.at[src_v.at[j]], rows_v.at[b], gsem).wait()

        @pl.when(j < nb - 1)
        def _():
            pltpu.async_copy(x_hbm.at[src_v.at[j + 1]], rows_v.at[1 - b], gsem)

        pltpu.sync_copy(rows_v.at[b], acc_sh.at[dst_v.at[j]], add=True)
        return carry

    lax.fori_loop(0, nb, eb, 0)
    plsc.subcore_barrier()
    pltpu.sync_copy(
        acc_sh.at[pl.ds(sid * RPT, RPT)], out_hbm.at[cid].at[pl.ds(sid * RPT, RPT)]
    )


_pass1 = pl.kernel(
    _pass1_body,
    out_type=jax.ShapeDtypeStruct((NC, NP, DA), jnp.float32),
    mesh=_mesh,
    scratch_types=[
        pltpu.VMEM((NBA1, KB1), jnp.int32),
        pltpu.VMEM((NBA1, KB1), jnp.int32),
        pltpu.VMEM((2, KB1, DA), jnp.float32),
        pltpu.VMEM_SHARED((NP, DA), jnp.float32),
        pltpu.SemaphoreType.DMA,
        pltpu.SemaphoreType.DMA,
    ],
    compiler_params=_sc_params,
)


def _pass2_body(
    feat_hbm, el_hbm, er_hbm, src_hbm, dst_hbm, out_hbm,
    src_v, dst_v, el_tab, er_tab, rows_v, acc_sh, isem, gsem,
):
    cid = lax.axis_index("c")
    sid = lax.axis_index("s")
    nb = jnp.where(cid == 0, NBA2, NBB2)
    base = jnp.where(cid == 0, sid * NBA2, 16 * NBA2 + sid * NBB2)
    pltpu.async_copy(src_hbm.at[pl.ds(base, NBA2)], src_v, isem)
    pltpu.async_copy(dst_hbm.at[pl.ds(base, NBA2)], dst_v, isem)
    pltpu.async_copy(el_hbm, el_tab, isem)
    pltpu.async_copy(er_hbm, er_tab, isem)
    _zero_rows(rows_v.at[0], KB2, DF)
    for b in range(RPT // KB2):
        pltpu.sync_copy(rows_v.at[0], acc_sh.at[pl.ds(sid * RPT + b * KB2, KB2)])
    pltpu.make_async_copy(src_hbm.at[pl.ds(base, NBA2)], src_v, isem).wait()
    pltpu.make_async_copy(dst_hbm.at[pl.ds(base, NBA2)], dst_v, isem).wait()
    pltpu.make_async_copy(el_hbm, el_tab, isem).wait()
    pltpu.make_async_copy(er_hbm, er_tab, isem).wait()
    plsc.subcore_barrier()
    pltpu.async_copy(feat_hbm.at[src_v.at[0]], rows_v.at[0], gsem)

    def eb(j, carry):
        b = lax.rem(j, 2)
        pltpu.make_async_copy(feat_hbm.at[src_v.at[j]], rows_v.at[b], gsem).wait()

        @pl.when(j < nb - 1)
        def _():
            pltpu.async_copy(feat_hbm.at[src_v.at[j + 1]], rows_v.at[1 - b], gsem)

        def ce(g, c2):
            s16 = src_v[j, pl.ds(g * 16, 16)]
            d16 = dst_v[j, pl.ds(g * 16, 16)]
            s = plsc.load_gather(el_tab, [s16]) + plsc.load_gather(er_tab, [d16])
            ee16 = jnp.exp(jnp.maximum(s, 0.2 * s))
            for l in range(16):
                sc = ee16[l]
                r = g * 16 + l
                for c in range(DF // 16):
                    rows_v[b, r, pl.ds(c * 16, 16)] = (
                        rows_v[b, r, pl.ds(c * 16, 16)] * sc
                    )
            return c2

        lax.fori_loop(0, KB2 // 16, ce, 0)
        pltpu.sync_copy(rows_v.at[b], acc_sh.at[dst_v.at[j]], add=True)
        return carry

    lax.fori_loop(0, nb, eb, 0)
    plsc.subcore_barrier()
    pltpu.sync_copy(
        acc_sh.at[pl.ds(sid * RPT, RPT)], out_hbm.at[cid].at[pl.ds(sid * RPT, RPT)]
    )


_pass2 = pl.kernel(
    _pass2_body,
    out_type=jax.ShapeDtypeStruct((NC, NP, DF), jnp.float32),
    mesh=_mesh,
    scratch_types=[
        pltpu.VMEM((NBA2, KB2), jnp.int32),
        pltpu.VMEM((NBA2, KB2), jnp.int32),
        pltpu.VMEM((NP,), jnp.float32),
        pltpu.VMEM((NP,), jnp.float32),
        pltpu.VMEM((2, KB2, DF), jnp.float32),
        pltpu.VMEM_SHARED((NP, DF), jnp.float32),
        pltpu.SemaphoreType.DMA,
        pltpu.SemaphoreType.DMA,
    ],
    compiler_params=_sc_params,
)

_BLK = 512
_BLKF = 400
_HI = jax.lax.Precision.HIGHEST


def _dense_body(
    x_ref, ap_ref, ws_ref, wn_ref, bs_ref, wg_ref, al_ref, ar_ref,
    wr_ref, bg_ref, fa_ref, el_ref, er_ref, rest_ref,
):
    agg = ap_ref[0] + ap_ref[1]
    deg = jnp.maximum(agg[:, 128:129], 1.0)
    hn = agg[:, :128] / deg
    h = (
        jnp.dot(x_ref[...], ws_ref[...], precision=_HI)
        + jnp.dot(hn, wn_ref[...], precision=_HI)
        + bs_ref[...]
    )
    h = jnp.where(h > 0, h, jnp.exp(h) - 1.0)
    feat = jnp.dot(h, wg_ref[...], precision=_HI)
    el_ref[...] = jnp.sum(feat * al_ref[...], axis=1, keepdims=True)
    er_ref[...] = jnp.sum(feat * ar_ref[...], axis=1, keepdims=True)
    rest_ref[...] = jnp.dot(h, wr_ref[...], precision=_HI) + bg_ref[...]
    fa_ref[...] = jnp.concatenate(
        [
            feat,
            jnp.ones((_BLK, 1), jnp.float32),
            jnp.zeros((_BLK, DF - 65), jnp.float32),
        ],
        axis=1,
    )


def _dense(x_pad, aggp, ws, wn, bs, wg, al, ar, wr, bg):
    g = NP // _BLK
    full = lambda shp: pl.BlockSpec(shp, lambda i: (0, 0))
    blk = lambda w: pl.BlockSpec((_BLK, w), lambda i: (i, 0))
    return pl.pallas_call(
        _dense_body,
        grid=(g,),
        in_specs=[
            blk(128),
            pl.BlockSpec((NC, _BLK, DA), lambda i: (0, i, 0)),
            full((128, 128)), full((128, 128)), full((1, 128)),
            full((128, 64)), full((1, 64)), full((1, 64)),
            full((128, 64)), full((1, 64)),
        ],
        out_specs=[blk(DF), blk(1), blk(1), blk(64)],
        out_shape=[
            jax.ShapeDtypeStruct((NP, DF), jnp.float32),
            jax.ShapeDtypeStruct((NP, 1), jnp.float32),
            jax.ShapeDtypeStruct((NP, 1), jnp.float32),
            jax.ShapeDtypeStruct((NP, 64), jnp.float32),
        ],
    )(x_pad, aggp, ws, wn, bs, wg, al, ar, wr, bg)


def _final_body(np_ref, rest_ref, o_ref):
    nm = np_ref[0] + np_ref[1]
    o_ref[...] = nm[:, :64] / (nm[:, 64:65] + 1e-9) + rest_ref[...]


def _final(nume, rest):
    g = NN // _BLKF
    blk = lambda w: pl.BlockSpec((_BLKF, w), lambda i: (i, 0))
    return pl.pallas_call(
        _final_body,
        grid=(g,),
        in_specs=[pl.BlockSpec((NC, _BLKF, DF), lambda i: (0, i, 0)), blk(64)],
        out_specs=blk(64),
        out_shape=jax.ShapeDtypeStruct((NN, 64), jnp.float32),
    )(nume, rest)


def kernel(x, edge_index, W_self, W_neigh, b_sage, W_gat, attn_l, attn_r, W_res, b_gat):
    src = edge_index[0]
    dst = edge_index[1]
    pad = jnp.full((EP - EE,), NP - 1, jnp.int32)
    srcf = jnp.concatenate([src, pad])
    dstf = jnp.concatenate([dst, pad])
    srcp1 = srcf[: R1ROWS * KB1].reshape(R1ROWS, KB1)
    dstp1 = dstf[: R1ROWS * KB1].reshape(R1ROWS, KB1)
    srcp2 = srcf.reshape(R2ROWS, KB2)
    dstp2 = dstf.reshape(R2ROWS, KB2)

    x_pad = jnp.pad(x, ((0, NP - NN), (0, 0)))
    x_aug = jnp.concatenate(
        [
            x_pad,
            jnp.ones((NP, 1), jnp.float32),
            jnp.zeros((NP, DA - 129), jnp.float32),
        ],
        axis=1,
    )

    aggp = _pass1(x_aug, srcp1, dstp1)

    feat_aug, el2, er2, rest = _dense(
        x_pad,
        aggp,
        W_self,
        W_neigh,
        b_sage.reshape(1, 128),
        W_gat,
        attn_l.reshape(1, 64),
        attn_r.reshape(1, 64),
        W_res,
        b_gat.reshape(1, 64),
    )

    nume = _pass2(feat_aug, el2.reshape(NP), er2.reshape(NP), srcp2, dstp2)

    return _final(nume, rest)

# --- scband reference (transcript-rebuilt; emitter-appended) ---
"""Pipeline reference for scband-gat-37563783971093 (READ-ONLY COPY).

The authoritative reference and input builder live on the scoring server;
editing this copy changes nothing except your own understanding.
"""

import jax, jax.numpy as jnp
import numpy as np

N = 10000
E = 320000
IN = 128
HID0 = 128  # n_hidden(32) * heads(4) for layer 0 (SAGEConv)
H = 1       # heads in last GAT layer
OUT = 64    # n_classes


def setup_inputs(seed: int = 0) -> dict:
    key = jax.random.key(seed)
    ks = jax.random.split(key, 12)
    x = jax.random.normal(ks[0], (N, IN), dtype=jnp.float32)
    edge_index = jax.random.randint(ks[1], (2, E), 0, N, dtype=jnp.int32)
    s_in = 1.0 / np.sqrt(IN)
    s_h = 1.0 / np.sqrt(HID0)
    W_self = jax.random.normal(ks[2], (IN, HID0), dtype=jnp.float32) * s_in
    W_neigh = jax.random.normal(ks[3], (IN, HID0), dtype=jnp.float32) * s_in
    b_sage = jnp.zeros((HID0,), dtype=jnp.float32)
    W_gat = jax.random.normal(ks[4], (HID0, H * OUT), dtype=jnp.float32) * s_h
    attn_l = jax.random.normal(ks[5], (H, OUT), dtype=jnp.float32) * (1.0 / np.sqrt(OUT))
    attn_r = jax.random.normal(ks[6], (H, OUT), dtype=jnp.float32) * (1.0 / np.sqrt(OUT))
    W_res = jax.random.normal(ks[7], (HID0, H * OUT), dtype=jnp.float32) * s_h
    b_gat = jnp.zeros((H * OUT,), dtype=jnp.float32)
    return {
        "x": x, "edge_index": edge_index,
        "W_self": W_self, "W_neigh": W_neigh, "b_sage": b_sage,
        "W_gat": W_gat, "attn_l": attn_l, "attn_r": attn_r,
        "W_res": W_res, "b_gat": b_gat,
    }


def reference(x, edge_index, W_self, W_neigh, b_sage, W_gat, attn_l, attn_r, W_res, b_gat):
    src = edge_index[0]
    dst = edge_index[1]
    n = x.shape[0]
    # --- Layer 0: SAGEConv 'mean' (DGL semantics: fc_self(h) + fc_neigh(mean_agg(h)) + b) ---
    agg = jax.ops.segment_sum(x[src], dst, num_segments=n)
    deg = jax.ops.segment_sum(jnp.ones((src.shape[0],), x.dtype), dst, num_segments=n)
    h_neigh = agg / jnp.clip(deg, 1.0)[:, None]
    h = x @ W_self + h_neigh @ W_neigh + b_sage
    # inter-layer: activation (elu), dropout=eval no-op, flatten (already 2D)
    h = jax.nn.elu(h)
    # --- Layer 1: GATConv (1 head, residual=True, dropouts disabled in eval) ---
    feat = (h @ W_gat).reshape(n, H, OUT)
    el = (feat * attn_l).sum(-1)   # (N, H)
    er = (feat * attn_r).sum(-1)   # (N, H)
    e = jax.nn.leaky_relu(el[src] + er[dst], 0.2)  # (E, H)
    emax = jax.ops.segment_max(e, dst, num_segments=n)
    emax = jnp.where(jnp.isfinite(emax), emax, 0.0)
    ee = jnp.exp(e - emax[dst])
    den = jax.ops.segment_sum(ee, dst, num_segments=n)
    alpha = ee / (den[dst] + 1e-9)
    rst = jax.ops.segment_sum(alpha[:, :, None] * feat[src], dst, num_segments=n)  # (N, H, OUT)
    rst = rst + (h @ W_res).reshape(n, H, OUT) + b_gat.reshape(1, H, OUT)
    # last layer: h.mean(1) over heads
    return rst.mean(axis=1)

if __name__ == "__main__":
    import jax
    _d = setup_inputs()
    print(jax.jit(kernel)(*tuple(_d.values())))

</pallas_src>

<mosaic_0001>
#map = affine_map<(d0, d1) -> (0, 0)>
#map1 = affine_map<(d0, d1) -> (0)>
#map2 = affine_map<(d0, d1) -> (0, 0, 0)>
module attributes {stable_mosaic.version = 14 : i64} {
  func.func @_pass2_body(%arg0: i32, %arg1: i32, %arg2: memref<10240x80xf32, #tpu.memory_space<hbm>>, %arg3: memref<10240xf32, #tpu.memory_space<hbm>>, %arg4: memref<10240xf32, #tpu.memory_space<hbm>>, %arg5: memref<2557x128xi32, #tpu.memory_space<hbm>>, %arg6: memref<2557x128xi32, #tpu.memory_space<hbm>>, %arg7: memref<2x10240x80xf32, #tpu.memory_space<hbm>>, %arg8: memref<101x128xi32, #tpu.memory_space<vmem>>, %arg9: memref<101x128xi32, #tpu.memory_space<vmem>>, %arg10: memref<10240xf32, #tpu.memory_space<vmem>>, %arg11: memref<10240xf32, #tpu.memory_space<vmem>>, %arg12: memref<2x128x80xf32, #tpu.memory_space<vmem>>, %arg13: memref<10240x80xf32, #tpu.memory_space<vmem_shared>>, %arg14: memref<!tpu.dma_semaphore, #tpu.memory_space<semaphore_mem>>, %arg15: memref<!tpu.dma_semaphore, #tpu.memory_space<semaphore_mem>>) attributes {dimension_semantics = [#tpu.dimension_semantics<core_parallel>, #tpu.dimension_semantics<subcore_parallel>], iteration_bounds = array<i64: 2, 16>, scalar_prefetch = 0 : i64, scratch_operands = 8 : i64, tpu.core_type = #tpu.core_type<sc_vector_subcore>, window_params = [{transform_indices = #map}, {transform_indices = #map1}, {transform_indices = #map1}, {transform_indices = #map}, {transform_indices = #map}, {transform_indices = #map2}]} {
    %eq3A = arith.constant 0 : i32
    %eq3A_0 = arith.cmpi eq, %arg0, %eq3A : i32
    %jit3A = arith.constant 101 : i32
    %jit3A_1 = arith.constant 56 : i32
    %select_n3A = arith.select %eq3A_0, %jit3A, %jit3A_1 : i32
    %eq3A_2 = arith.constant 0 : i32
    %eq3A_3 = arith.cmpi eq, %arg0, %eq3A_2 : i32
    %mul3A = arith.constant 101 : i32
    %mul3A_4 = arith.muli %arg1, %mul3A : i32
    %mul3A_5 = arith.constant 56 : i32
    %mul3A_6 = arith.muli %arg1, %mul3A_5 : i32
    %add3A = arith.constant 1616 : i32
    %add3A_7 = arith.addi %add3A, %mul3A_6 : i32
    %select_n3A_8 = arith.select %eq3A_3, %mul3A_4, %add3A_7 : i32
    %dma_start3A = arith.constant 0 : i32
    %dma_start3A_9 = tpu.memref_slice %arg5[%select_n3A_8, %dma_start3A] : memref<2557x128xi32, #tpu.memory_space<hbm>> -> memref<101x128xi32, #tpu.memory_space<hbm>>
    %dma_start3A_10 = arith.constant 0 : i32
    %dma_start3A_11 = tpu.memref_slice %arg5[%select_n3A_8, %dma_start3A_10] : memref<2557x128xi32, #tpu.memory_space<hbm>> -> memref<101x128xi32, #tpu.memory_space<hbm>>
    tpu.enqueue_dma source(%dma_start3A_11 : memref<101x128xi32, #tpu.memory_space<hbm>>) target(%arg8 : memref<101x128xi32, #tpu.memory_space<vmem>>) target_semaphore(%arg14 : memref<!tpu.dma_semaphore, #tpu.memory_space<semaphore_mem>>)
    %dma_start3A_12 = arith.constant 0 : i32
    %dma_start3A_13 = tpu.memref_slice %arg6[%select_n3A_8, %dma_start3A_12] : memref<2557x128xi32, #tpu.memory_space<hbm>> -> memref<101x128xi32, #tpu.memory_space<hbm>>
    %dma_start3A_14 = arith.constant 0 : i32
    %dma_start3A_15 = tpu.memref_slice %arg6[%select_n3A_8, %dma_start3A_14] : memref<2557x128xi32, #tpu.memory_space<hbm>> -> memref<101x128xi32, #tpu.memory_space<hbm>>
    tpu.enqueue_dma source(%dma_start3A_15 : memref<101x128xi32, #tpu.memory_space<hbm>>) target(%arg9 : memref<101x128xi32, #tpu.memory_space<vmem>>) target_semaphore(%arg14 : memref<!tpu.dma_semaphore, #tpu.memory_space<semaphore_mem>>)
    tpu.enqueue_dma source(%arg3 : memref<10240xf32, #tpu.memory_space<hbm>>) target(%arg10 : memref<10240xf32, #tpu.memory_space<vmem>>) target_semaphore(%arg14 : memref<!tpu.dma_semaphore, #tpu.memory_space<semaphore_mem>>)
    tpu.enqueue_dma source(%arg4 : memref<10240xf32, #tpu.memory_space<hbm>>) target(%arg11 : memref<10240xf32, #tpu.memory_space<vmem>>) target_semaphore(%arg14 : memref<!tpu.dma_semaphore, #tpu.memory_space<semaphore_mem>>)
    %broadcast_in_dim3A = arith.constant 0.000000e+00 : f32
    %broadcast_in_dim3A_16 = vector.broadcast %broadcast_in_dim3A : f32 to vector<16xf32>
    %scan3A = arith.constant 0 : i32
    %scan3A_17 = arith.constant 0 : i32
    %scan3A_18 = arith.constant 0 : i32
    %scan3A_19 = arith.constant 128 : i32
    %scan3A_20 = arith.addi %scan3A_18, %scan3A_19 : i32
    %scan3A_21 = arith.constant 1 : i32
    scf.for %scan3A_80 = %scan3A_18 to %scan3A_20 step %scan3A_21  : i32 {
      %swap3A = arith.constant 0 : i32
      %swap3A_81 = arith.constant 0 : i32
      %swap3A_82 = tpu.memref_slice %arg12[%scan3A_17, %swap3A, %swap3A_81] : memref<2x128x80xf32, #tpu.memory_space<vmem>> -> memref<1x128x80xf32, #tpu.memory_space<vmem>>
      %swap3A_83 = tpu.memref_squeeze %swap3A_82 : memref<1x128x80xf32, #tpu.memory_space<vmem>> -> memref<128x80xf32, #tpu.memory_space<vmem>>
      %swap3A_84 = arith.index_cast %scan3A_80 : i32 to index
      %swap3A_85 = arith.constant 0 : index
      %swap3A_86 = tpu.vector_load %swap3A_83[%swap3A_84, %swap3A_85] {strides = array<i32>} : memref<128x80xf32, #tpu.memory_space<vmem>>, vector<16xf32>,
      tpu.vector_store %swap3A_83[%swap3A_84, %swap3A_85], %broadcast_in_dim3A_16 {strides = array<i32>} : memref<128x80xf32, #tpu.memory_space<vmem>>, vector<16xf32>,
      %swap3A_87 = arith.constant 0 : i32
      %swap3A_88 = arith.constant 0 : i32
      %swap3A_89 = tpu.memref_slice %arg12[%scan3A_17, %swap3A_87, %swap3A_88] : memref<2x128x80xf32, #tpu.memory_space<vmem>> -> memref<1x128x80xf32, #tpu.memory_space<vmem>>
      %swap3A_90 = tpu.memref_squeeze %swap3A_89 : memref<1x128x80xf32, #tpu.memory_space<vmem>> -> memref<128x80xf32, #tpu.memory_space<vmem>>
      %swap3A_91 = arith.index_cast %scan3A_80 : i32 to index
      %swap3A_92 = arith.constant 16 : index
      %swap3A_93 = tpu.vector_load %swap3A_90[%swap3A_91, %swap3A_92] {strides = array<i32>} : memref<128x80xf32, #tpu.memory_space<vmem>>, vector<16xf32>,
      tpu.vector_store %swap3A_90[%swap3A_91, %swap3A_92], %broadcast_in_dim3A_16 {strides = array<i32>} : memref<128x80xf32, #tpu.memory_space<vmem>>, vector<16xf32>,
      %swap3A_94 = arith.constant 0 : i32
      %swap3A_95 = arith.constant 0 : i32
      %swap3A_96 = tpu.memref_slice %arg12[%scan3A_17, %swap3A_94, %swap3A_95] : memref<2x128x80xf32, #tpu.memory_space<vmem>> -> memref<1x128x80xf32, #tpu.memory_space<vmem>>
      %swap3A_97 = tpu.memref_squeeze %swap3A_96 : memref<1x128x80xf32, #tpu.memory_space<vmem>> -> memref<128x80xf32, #tpu.memory_space<vmem>>
      %swap3A_98 = arith.index_cast %scan3A_80 : i32 to index
      %swap3A_99 = arith.constant 32 : index
      %swap3A_100 = tpu.vector_load %swap3A_97[%swap3A_98, %swap3A_99] {strides = array<i32>} : memref<128x80xf32, #tpu.memory_space<vmem>>, vector<16xf32>,
      tpu.vector_store %swap3A_97[%swap3A_98, %swap3A_99], %broadcast_in_dim3A_16 {strides = array<i32>} : memref<128x80xf32, #tpu.memory_space<vmem>>, vector<16xf32>,
      %swap3A_101 = arith.constant 0 : i32
      %swap3A_102 = arith.constant 0 : i32
      %swap3A_103 = tpu.memref_slice %arg12[%scan3A_17, %swap3A_101, %swap3A_102] : memref<2x128x80xf32, #tpu.memory_space<vmem>> -> memref<1x128x80xf32, #tpu.memory_space<vmem>>
      %swap3A_104 = tpu.memref_squeeze %swap3A_103 : memref<1x128x80xf32, #tpu.memory_space<vmem>> -> memref<128x80xf32, #tpu.memory_space<vmem>>
      %swap3A_105 = arith.index_cast %scan3A_80 : i32 to index
      %swap3A_106 = arith.constant 48 : index
      %swap3A_107 = tpu.vector_load %swap3A_104[%swap3A_105, %swap3A_106] {strides = array<i32>} : memref<128x80xf32, #tpu.memory_space<vmem>>, vector<16xf32>,
      tpu.vector_store %swap3A_104[%swap3A_105, %swap3A_106], %broadcast_in_dim3A_16 {strides = array<i32>} : memref<128x80xf32, #tpu.memory_space<vmem>>, vector<16xf32>,
      %swap3A_108 = arith.constant 0 : i32
      %swap3A_109 = arith.constant 0 : i32
      %swap3A_110 = tpu.memref_slice %arg12[%scan3A_17, %swap3A_108, %swap3A_109] : memref<2x128x80xf32, #tpu.memory_space<vmem>> -> memref<1x128x80xf32, #tpu.memory_space<vmem>>
      %swap3A_111 = tpu.memref_squeeze %swap3A_110 : memref<1x128x80xf32, #tpu.memory_space<vmem>> -> memref<128x80xf32, #tpu.memory_space<vmem>>
      %swap3A_112 = arith.index_cast %scan3A_80 : i32 to index
      %swap3A_113 = arith.constant 64 : index
      %swap3A_114 = tpu.vector_load %swap3A_111[%swap3A_112, %swap3A_113] {strides = array<i32>} : memref<128x80xf32, #tpu.memory_space<vmem>>, vector<16xf32>,
      tpu.vector_store %swap3A_111[%swap3A_112, %swap3A_113], %broadcast_in_dim3A_16 {strides = array<i32>} : memref<128x80xf32, #tpu.memory_space<vmem>>, vector<16xf32>,
    }
    %scan3A_22 = arith.constant 128 : i32
    %mul3A_23 = arith.constant 640 : i32
    %mul3A_24 = arith.muli %arg1, %mul3A_23 : i32
    %add3A_25 = arith.constant 0 : i32
    %add3A_26 = arith.addi %mul3A_24, %add3A_25 : i32
    %run_scoped3A = arith.constant 0 : i32
    "tpu.region"() ({
      %run_scoped3A_80 = tpu.sem_alloc : memref<!tpu.dma_semaphore, #tpu.memory_space<semaphore_mem>>
      %dma_start3A_81 = arith.constant 0 : i32
      %dma_start3A_82 = arith.constant 0 : i32
      %dma_start3A_83 = tpu.memref_slice %arg12[%run_scoped3A, %dma_start3A_81, %dma_start3A_82] : memref<2x128x80xf32, #tpu.memory_space<vmem>> -> memref<1x128x80xf32, #tpu.memory_space<vmem>>
      %dma_start3A_84 = tpu.memref_squeeze %dma_start3A_83 : memref<1x128x80xf32, #tpu.memory_space<vmem>> -> memref<128x80xf32, #tpu.memory_space<vmem>>
      %dma_start3A_85 = arith.constant 0 : i32
      %dma_start3A_86 = tpu.memref_slice %arg13[%add3A_26, %dma_start3A_85] : memref<10240x80xf32, #tpu.memory_space<vmem_shared>> -> memref<128x80xf32, #tpu.memory_space<vmem_shared>>
      %dma_start3A_87 = arith.constant 0 : i32
      %dma_start3A_88 = tpu.memref_slice %arg13[%add3A_26, %dma_start3A_87] : memref<10240x80xf32, #tpu.memory_space<vmem_shared>> -> memref<128x80xf32, #tpu.memory_space<vmem_shared>>
      %dma_start3A_89 = arith.constant 0 : i32
      %dma_start3A_90 = arith.constant 0 : i32
      %dma_start3A_91 = tpu.memref_slice %arg12[%run_scoped3A, %dma_start3A_89, %dma_start3A_90] : memref<2x128x80xf32, #tpu.memory_space<vmem>> -> memref<1x128x80xf32, #tpu.memory_space<vmem>>
      %dma_start3A_92 = tpu.memref_squeeze %dma_start3A_91 : memref<1x128x80xf32, #tpu.memory_space<vmem>> -> memref<128x80xf32, #tpu.memory_space<vmem>>
      tpu.enqueue_dma source(%dma_start3A_92 : memref<128x80xf32, #tpu.memory_space<vmem>>) target(%dma_start3A_88 : memref<128x80xf32, #tpu.memory_space<vmem_shared>>) target_semaphore(%run_scoped3A_80 : memref<!tpu.dma_semaphore, #tpu.memory_space<semaphore_mem>>)
      %dma_wait3A_93 = arith.constant 0 : i32
      %dma_wait3A_94 = arith.constant 0 : i32
      %dma_wait3A_95 = tpu.memref_slice %arg12[%run_scoped3A, %dma_wait3A_93, %dma_wait3A_94] : memref<2x128x80xf32, #tpu.memory_space<vmem>> -> memref<1x128x80xf32, #tpu.memory_space<vmem>>
      %dma_wait3A_96 = tpu.memref_squeeze %dma_wait3A_95 : memref<1x128x80xf32, #tpu.memory_space<vmem>> -> memref<128x80xf32, #tpu.memory_space<vmem>>
      %dma_wait3A_97 = arith.constant 0 : i32
      %dma_wait3A_98 = tpu.memref_slice %arg13[%add3A_26, %dma_wait3A_97] : memref<10240x80xf32, #tpu.memory_space<vmem_shared>> -> memref<128x80xf32, #tpu.memory_space<vmem_shared>>
      %dma_wait3A_99 = arith.constant 0 : i32
      %dma_wait3A_100 = tpu.memref_slice %arg13[%add3A_26, %dma_wait3A_99] : memref<10240x80xf32, #tpu.memory_space<vmem_shared>> -> memref<128x80xf32, #tpu.memory_space<vmem_shared>>
      %dma_wait3A_101 = arith.constant 0 : i32
      %dma_wait3A_102 = arith.constant 0 : i32
      %dma_wait3A_103 = tpu.memref_slice %arg12[%run_scoped3A, %dma_wait3A_101, %dma_wait3A_102] : memref<2x128x80xf32, #tpu.memory_space<vmem>> -> memref<1x128x80xf32, #tpu.memory_space<vmem>>
      %dma_wait3A_104 = tpu.memref_squeeze %dma_wait3A_103 : memref<1x128x80xf32, #tpu.memory_space<vmem>> -> memref<128x80xf32, #tpu.memory_space<vmem>>
      tpu.wait_dma2 semaphore(%run_scoped3A_80 : memref<!tpu.dma_semaphore, #tpu.memory_space<semaphore_mem>>) src(%dma_wait3A_104 : memref<128x80xf32, #tpu.memory_space<vmem>>) dst(%dma_wait3A_100 : memref<128x80xf32, #tpu.memory_space<vmem_shared>>)
      tpu.yield
    }) : () -> ()
    %mul3A_27 = arith.constant 640 : i32
    %mul3A_28 = arith.muli %arg1, %mul3A_27 : i32
    %add3A_29 = arith.constant 128 : i32
    %add3A_30 = arith.addi %mul3A_28, %add3A_29 : i32
    %run_scoped3A_31 = arith.constant 0 : i32
    "tpu.region"() ({
      %run_scoped3A_80 = tpu.sem_alloc : memref<!tpu.dma_semaphore, #tpu.memory_space<semaphore_mem>>
      %dma_start3A_81 = arith.constant 0 : i32
      %dma_start3A_82 = arith.constant 0 : i32
      %dma_start3A_83 = tpu.memref_slice %arg12[%run_scoped3A_31, %dma_start3A_81, %dma_start3A_82] : memref<2x128x80xf32, #tpu.memory_space<vmem>> -> memref<1x128x80xf32, #tpu.memory_space<vmem>>
      %dma_start3A_84 = tpu.memref_squeeze %dma_start3A_83 : memref<1x128x80xf32, #tpu.memory_space<vmem>> -> memref<128x80xf32, #tpu.memory_space<vmem>>
      %dma_start3A_85 = arith.constant 0 : i32
      %dma_start3A_86 = tpu.memref_slice %arg13[%add3A_30, %dma_start3A_85] : memref<10240x80xf32, #tpu.memory_space<vmem_shared>> -> memref<128x80xf32, #tpu.memory_space<vmem_shared>>
      %dma_start3A_87 = arith.constant 0 : i32
      %dma_start3A_88 = tpu.memref_slice %arg13[%add3A_30, %dma_start3A_87] : memref<10240x80xf32, #tpu.memory_space<vmem_shared>> -> memref<128x80xf32, #tpu.memory_space<vmem_shared>>
      %dma_start3A_89 = arith.constant 0 : i32
      %dma_start3A_90 = arith.constant 0 : i32
      %dma_start3A_91 = tpu.memref_slice %arg12[%run_scoped3A_31, %dma_start3A_89, %dma_start3A_90] : memref<2x128x80xf32, #tpu.memory_space<vmem>> -> memref<1x128x80xf32, #tpu.memory_space<vmem>>
      %dma_start3A_92 = tpu.memref_squeeze %dma_start3A_91 : memref<1x128x80xf32, #tpu.memory_space<vmem>> -> memref<128x80xf32, #tpu.memory_space<vmem>>
      tpu.enqueue_dma source(%dma_start3A_92 : memref<128x80xf32, #tpu.memory_space<vmem>>) target(%dma_start3A_88 : memref<128x80xf32, #tpu.memory_space<vmem_shared>>) target_semaphore(%run_scoped3A_80 : memref<!tpu.dma_semaphore, #tpu.memory_space<semaphore_mem>>)
      %dma_wait3A_93 = arith.constant 0 : i32
      %dma_wait3A_94 = arith.constant 0 : i32
      %dma_wait3A_95 = tpu.memref_slice %arg12[%run_scoped3A_31, %dma_wait3A_93, %dma_wait3A_94] : memref<2x128x80xf32, #tpu.memory_space<vmem>> -> memref<1x128x80xf32, #tpu.memory_space<vmem>>
      %dma_wait3A_96 = tpu.memref_squeeze %dma_wait3A_95 : memref<1x128x80xf32, #tpu.memory_space<vmem>> -> memref<128x80xf32, #tpu.memory_space<vmem>>
      %dma_wait3A_97 = arith.constant 0 : i32
      %dma_wait3A_98 = tpu.memref_slice %arg13[%add3A_30, %dma_wait3A_97] : memref<10240x80xf32, #tpu.memory_space<vmem_shared>> -> memref<128x80xf32, #tpu.memory_space<vmem_shared>>
      %dma_wait3A_99 = arith.constant 0 : i32
      %dma_wait3A_100 = tpu.memref_slice %arg13[%add3A_30, %dma_wait3A_99] : memref<10240x80xf32, #tpu.memory_space<vmem_shared>> -> memref<128x80xf32, #tpu.memory_space<vmem_shared>>
      %dma_wait3A_101 = arith.constant 0 : i32
      %dma_wait3A_102 = arith.constant 0 : i32
      %dma_wait3A_103 = tpu.memref_slice %arg12[%run_scoped3A_31, %dma_wait3A_101, %dma_wait3A_102] : memref<2x128x80xf32, #tpu.memory_space<vmem>> -> memref<1x128x80xf32, #tpu.memory_space<vmem>>
      %dma_wait3A_104 = tpu.memref_squeeze %dma_wait3A_103 : memref<1x128x80xf32, #tpu.memory_space<vmem>> -> memref<128x80xf32, #tpu.memory_space<vmem>>
      tpu.wait_dma2 semaphore(%run_scoped3A_80 : memref<!tpu.dma_semaphore, #tpu.memory_space<semaphore_mem>>) src(%dma_wait3A_104 : memref<128x80xf32, #tpu.memory_space<vmem>>) dst(%dma_wait3A_100 : memref<128x80xf32, #tpu.memory_space<vmem_shared>>)
      tpu.yield
    }) : () -> ()
    %mul3A_32 = arith.constant 640 : i32
    %mul3A_33 = arith.muli %arg1, %mul3A_32 : i32
    %add3A_34 = arith.constant 256 : i32
    %add3A_35 = arith.addi %mul3A_33, %add3A_34 : i32
    %run_scoped3A_36 = arith.constant 0 : i32
    "tpu.region"() ({
      %run_scoped3A_80 = tpu.sem_alloc : memref<!tpu.dma_semaphore, #tpu.memory_space<semaphore_mem>>
      %dma_start3A_81 = arith.constant 0 : i32
      %dma_start3A_82 = arith.constant 0 : i32
      %dma_start3A_83 = tpu.memref_slice %arg12[%run_scoped3A_36, %dma_start3A_81, %dma_start3A_82] : memref<2x128x80xf32, #tpu.memory_space<vmem>> -> memref<1x128x80xf32, #tpu.memory_space<vmem>>
      %dma_start3A_84 = tpu.memref_squeeze %dma_start3A_83 : memref<1x128x80xf32, #tpu.memory_space<vmem>> -> memref<128x80xf32, #tpu.memory_space<vmem>>
      %dma_start3A_85 = arith.constant 0 : i32
      %dma_start3A_86 = tpu.memref_slice %arg13[%add3A_35, %dma_start3A_85] : memref<10240x80xf32, #tpu.memory_space<vmem_shared>> -> memref<128x80xf32, #tpu.memory_space<vmem_shared>>
      %dma_start3A_87 = arith.constant 0 : i32
      %dma_start3A_88 = tpu.memref_slice %arg13[%add3A_35, %dma_start3A_87] : memref<10240x80xf32, #tpu.memory_space<vmem_shared>> -> memref<128x80xf32, #tpu.memory_space<vmem_shared>>
      %dma_start3A_89 = arith.constant 0 : i32
      %dma_start3A_90 = arith.constant 0 : i32
      %dma_start3A_91 = tpu.memref_slice %arg12[%run_scoped3A_36, %dma_start3A_89, %dma_start3A_90] : memref<2x128x80xf32, #tpu.memory_space<vmem>> -> memref<1x128x80xf32, #tpu.memory_space<vmem>>
      %dma_start3A_92 = tpu.memref_squeeze %dma_start3A_91 : memref<1x128x80xf32, #tpu.memory_space<vmem>> -> memref<128x80xf32, #tpu.memory_space<vmem>>
      tpu.enqueue_dma source(%dma_start3A_92 : memref<128x80xf32, #tpu.memory_space<vmem>>) target(%dma_start3A_88 : memref<128x80xf32, #tpu.memory_space<vmem_shared>>) target_semaphore(%run_scoped3A_80 : memref<!tpu.dma_semaphore, #tpu.memory_space<semaphore_mem>>)
      %dma_wait3A_93 = arith.constant 0 : i32
      %dma_wait3A_94 = arith.constant 0 : i32
      %dma_wait3A_95 = tpu.memref_slice %arg12[%run_scoped3A_36, %dma_wait3A_93, %dma_wait3A_94] : memref<2x128x80xf32, #tpu.memory_space<vmem>> -> memref<1x128x80xf32, #tpu.memory_space<vmem>>
      %dma_wait3A_96 = tpu.memref_squeeze %dma_wait3A_95 : memref<1x128x80xf32, #tpu.memory_space<vmem>> -> memref<128x80xf32, #tpu.memory_space<vmem>>
      %dma_wait3A_97 = arith.constant 0 : i32
      %dma_wait3A_98 = tpu.memref_slice %arg13[%add3A_35, %dma_wait3A_97] : memref<10240x80xf32, #tpu.memory_space<vmem_shared>> -> memref<128x80xf32, #tpu.memory_space<vmem_shared>>
      %dma_wait3A_99 = arith.constant 0 : i32
      %dma_wait3A_100 = tpu.memref_slice %arg13[%add3A_35, %dma_wait3A_99] : memref<10240x80xf32, #tpu.memory_space<vmem_shared>> -> memref<128x80xf32, #tpu.memory_space<vmem_shared>>
      %dma_wait3A_101 = arith.constant 0 : i32
      %dma_wait3A_102 = arith.constant 0 : i32
      %dma_wait3A_103 = tpu.memref_slice %arg12[%run_scoped3A_36, %dma_wait3A_101, %dma_wait3A_102] : memref<2x128x80xf32, #tpu.memory_space<vmem>> -> memref<1x128x80xf32, #tpu.memory_space<vmem>>
      %dma_wait3A_104 = tpu.memref_squeeze %dma_wait3A_103 : memref<1x128x80xf32, #tpu.memory_space<vmem>> -> memref<128x80xf32, #tpu.memory_space<vmem>>
      tpu.wait_dma2 semaphore(%run_scoped3A_80 : memref<!tpu.dma_semaphore, #tpu.memory_space<semaphore_mem>>) src(%dma_wait3A_104 : memref<128x80xf32, #tpu.memory_space<vmem>>) dst(%dma_wait3A_100 : memref<128x80xf32, #tpu.memory_space<vmem_shared>>)
      tpu.yield
    }) : () -> ()
    %mul3A_37 = arith.constant 640 : i32
    %mul3A_38 = arith.muli %arg1, %mul3A_37 : i32
    %add3A_39 = arith.constant 384 : i32
    %add3A_40 = arith.addi %mul3A_38, %add3A_39 : i32
    %run_scoped3A_41 = arith.constant 0 : i32
    "tpu.region"() ({
      %run_scoped3A_80 = tpu.sem_alloc : memref<!tpu.dma_semaphore, #tpu.memory_space<semaphore_mem>>
      %dma_start3A_81 = arith.constant 0 : i32
      %dma_start3A_82 = arith.constant 0 : i32
      %dma_start3A_83 = tpu.memref_slice %arg12[%run_scoped3A_41, %dma_start3A_81, %dma_start3A_82] : memref<2x128x80xf32, #tpu.memory_space<vmem>> -> memref<1x128x80xf32, #tpu.memory_space<vmem>>
      %dma_start3A_84 = tpu.memref_squeeze %dma_start3A_83 : memref<1x128x80xf32, #tpu.memory_space<vmem>> -> memref<128x80xf32, #tpu.memory_space<vmem>>
      %dma_start3A_85 = arith.constant 0 : i32
      %dma_start3A_86 = tpu.memref_slice %arg13[%add3A_40, %dma_start3A_85] : memref<10240x80xf32, #tpu.memory_space<vmem_shared>> -> memref<128x80xf32, #tpu.memory_space<vmem_shared>>
      %dma_start3A_87 = arith.constant 0 : i32
      %dma_start3A_88 = tpu.memref_slice %arg13[%add3A_40, %dma_start3A_87] : memref<10240x80xf32, #tpu.memory_space<vmem_shared>> -> memref<128x80xf32, #tpu.memory_space<vmem_shared>>
      %dma_start3A_89 = arith.constant 0 : i32
      %dma_start3A_90 = arith.constant 0 : i32
      %dma_start3A_91 = tpu.memref_slice %arg12[%run_scoped3A_41, %dma_start3A_89, %dma_start3A_90] : memref<2x128x80xf32, #tpu.memory_space<vmem>> -> memref<1x128x80xf32, #tpu.memory_space<vmem>>
      %dma_start3A_92 = tpu.memref_squeeze %dma_start3A_91 : memref<1x128x80xf32, #tpu.memory_space<vmem>> -> memref<128x80xf32, #tpu.memory_space<vmem>>
      tpu.enqueue_dma source(%dma_start3A_92 : memref<128x80xf32, #tpu.memory_space<vmem>>) target(%dma_start3A_88 : memref<128x80xf32, #tpu.memory_space<vmem_shared>>) target_semaphore(%run_scoped3A_80 : memref<!tpu.dma_semaphore, #tpu.memory_space<semaphore_mem>>)
      %dma_wait3A_93 = arith.constant 0 : i32
      %dma_wait3A_94 = arith.constant 0 : i32
      %dma_wait3A_95 = tpu.memref_slice %arg12[%run_scoped3A_41, %dma_wait3A_93, %dma_wait3A_94] : memref<2x128x80xf32, #tpu.memory_space<vmem>> -> memref<1x128x80xf32, #tpu.memory_space<vmem>>
      %dma_wait3A_96 = tpu.memref_squeeze %dma_wait3A_95 : memref<1x128x80xf32, #tpu.memory_space<vmem>> -> memref<128x80xf32, #tpu.memory_space<vmem>>
      %dma_wait3A_97 = arith.constant 0 : i32
      %dma_wait3A_98 = tpu.memref_slice %arg13[%add3A_40, %dma_wait3A_97] : memref<10240x80xf32, #tpu.memory_space<vmem_shared>> -> memref<128x80xf32, #tpu.memory_space<vmem_shared>>
      %dma_wait3A_99 = arith.constant 0 : i32
      %dma_wait3A_100 = tpu.memref_slice %arg13[%add3A_40, %dma_wait3A_99] : memref<10240x80xf32, #tpu.memory_space<vmem_shared>> -> memref<128x80xf32, #tpu.memory_space<vmem_shared>>
      %dma_wait3A_101 = arith.constant 0 : i32
      %dma_wait3A_102 = arith.constant 0 : i32
      %dma_wait3A_103 = tpu.memref_slice %arg12[%run_scoped3A_41, %dma_wait3A_101, %dma_wait3A_102] : memref<2x128x80xf32, #tpu.memory_space<vmem>> -> memref<1x128x80xf32, #tpu.memory_space<vmem>>
      %dma_wait3A_104 = tpu.memref_squeeze %dma_wait3A_103 : memref<1x128x80xf32, #tpu.memory_space<vmem>> -> memref<128x80xf32, #tpu.memory_space<vmem>>
      tpu.wait_dma2 semaphore(%run_scoped3A_80 : memref<!tpu.dma_semaphore, #tpu.memory_space<semaphore_mem>>) src(%dma_wait3A_104 : memref<128x80xf32, #tpu.memory_space<vmem>>) dst(%dma_wait3A_100 : memref<128x80xf32, #tpu.memory_space<vmem_shared>>)
      tpu.yield
    }) : () -> ()
    %mul3A_42 = arith.constant 640 : i32
    %mul3A_43 = arith.muli %arg1, %mul3A_42 : i32
    %add3A_44 = arith.constant 512 : i32
    %add3A_45 = arith.addi %mul3A_43, %add3A_44 : i32
    %run_scoped3A_46 = arith.constant 0 : i32
    "tpu.region"() ({
      %run_scoped3A_80 = tpu.sem_alloc : memref<!tpu.dma_semaphore, #tpu.memory_space<semaphore_mem>>
      %dma_start3A_81 = arith.constant 0 : i32
      %dma_start3A_82 = arith.constant 0 : i32
      %dma_start3A_83 = tpu.memref_slice %arg12[%run_scoped3A_46, %dma_start3A_81, %dma_start3A_82] : memref<2x128x80xf32, #tpu.memory_space<vmem>> -> memref<1x128x80xf32, #tpu.memory_space<vmem>>
      %dma_start3A_84 = tpu.memref_squeeze %dma_start3A_83 : memref<1x128x80xf32, #tpu.memory_space<vmem>> -> memref<128x80xf32, #tpu.memory_space<vmem>>
      %dma_start3A_85 = arith.constant 0 : i32
      %dma_start3A_86 = tpu.memref_slice %arg13[%add3A_45, %dma_start3A_85] : memref<10240x80xf32, #tpu.memory_space<vmem_shared>> -> memref<128x80xf32, #tpu.memory_space<vmem_shared>>
      %dma_start3A_87 = arith.constant 0 : i32
      %dma_start3A_88 = tpu.memref_slice %arg13[%add3A_45, %dma_start3A_87] : memref<10240x80xf32, #tpu.memory_space<vmem_shared>> -> memref<128x80xf32, #tpu.memory_space<vmem_shared>>
      %dma_start3A_89 = arith.constant 0 : i32
      %dma_start3A_90 = arith.constant 0 : i32
      %dma_start3A_91 = tpu.memref_slice %arg12[%run_scoped3A_46, %dma_start3A_89, %dma_start3A_90] : memref<2x128x80xf32, #tpu.memory_space<vmem>> -> memref<1x128x80xf32, #tpu.memory_space<vmem>>
      %dma_start3A_92 = tpu.memref_squeeze %dma_start3A_91 : memref<1x128x80xf32, #tpu.memory_space<vmem>> -> memref<128x80xf32, #tpu.memory_space<vmem>>
      tpu.enqueue_dma source(%dma_start3A_92 : memref<128x80xf32, #tpu.memory_space<vmem>>) target(%dma_start3A_88 : memref<128x80xf32, #tpu.memory_space<vmem_shared>>) target_semaphore(%run_scoped3A_80 : memref<!tpu.dma_semaphore, #tpu.memory_space<semaphore_mem>>)
      %dma_wait3A_93 = arith.constant 0 : i32
      %dma_wait3A_94 = arith.constant 0 : i32
      %dma_wait3A_95 = tpu.memref_slice %arg12[%run_scoped3A_46, %dma_wait3A_93, %dma_wait3A_94] : memref<2x128x80xf32, #tpu.memory_space<vmem>> -> memref<1x128x80xf32, #tpu.memory_space<vmem>>
      %dma_wait3A_96 = tpu.memref_squeeze %dma_wait3A_95 : memref<1x128x80xf32, #tpu.memory_space<vmem>> -> memref<128x80xf32, #tpu.memory_space<vmem>>
      %dma_wait3A_97 = arith.constant 0 : i32
      %dma_wait3A_98 = tpu.memref_slice %arg13[%add3A_45, %dma_wait3A_97] : memref<10240x80xf32, #tpu.memory_space<vmem_shared>> -> memref<128x80xf32, #tpu.memory_space<vmem_shared>>
      %dma_wait3A_99 = arith.constant 0 : i32
      %dma_wait3A_100 = tpu.memref_slice %arg13[%add3A_45, %dma_wait3A_99] : memref<10240x80xf32, #tpu.memory_space<vmem_shared>> -> memref<128x80xf32, #tpu.memory_space<vmem_shared>>
      %dma_wait3A_101 = arith.constant 0 : i32
      %dma_wait3A_102 = arith.constant 0 : i32
      %dma_wait3A_103 = tpu.memref_slice %arg12[%run_scoped3A_46, %dma_wait3A_101, %dma_wait3A_102] : memref<2x128x80xf32, #tpu.memory_space<vmem>> -> memref<1x128x80xf32, #tpu.memory_space<vmem>>
      %dma_wait3A_104 = tpu.memref_squeeze %dma_wait3A_103 : memref<1x128x80xf32, #tpu.memory_space<vmem>> -> memref<128x80xf32, #tpu.memory_space<vmem>>
      tpu.wait_dma2 semaphore(%run_scoped3A_80 : memref<!tpu.dma_semaphore, #tpu.memory_space<semaphore_mem>>) src(%dma_wait3A_104 : memref<128x80xf32, #tpu.memory_space<vmem>>) dst(%dma_wait3A_100 : memref<128x80xf32, #tpu.memory_space<vmem_shared>>)
      tpu.yield
    }) : () -> ()
    %dma_wait3A = arith.constant 0 : i32
    %dma_wait3A_47 = tpu.memref_slice %arg5[%select_n3A_8, %dma_wait3A] : memref<2557x128xi32, #tpu.memory_space<hbm>> -> memref<101x128xi32, #tpu.memory_space<hbm>>
    %dma_wait3A_48 = arith.constant 0 : i32
    %dma_wait3A_49 = tpu.memref_slice %arg5[%select_n3A_8, %dma_wait3A_48] : memref<2557x128xi32, #tpu.memory_space<hbm>> -> memref<101x128xi32, #tpu.memory_space<hbm>>
    tpu.wait_dma2 semaphore(%arg14 : memref<!tpu.dma_semaphore, #tpu.memory_space<semaphore_mem>>) src(%dma_wait3A_49 : memref<101x128xi32, #tpu.memory_space<hbm>>) dst(%arg8 : memref<101x128xi32, #tpu.memory_space<vmem>>)
    %dma_wait3A_50 = arith.constant 0 : i32
    %dma_wait3A_51 = tpu.memref_slice %arg6[%select_n3A_8, %dma_wait3A_50] : memref<2557x128xi32, #tpu.memory_space<hbm>> -> memref<101x128xi32, #tpu.memory_space<hbm>>
    %dma_wait3A_52 = arith.constant 0 : i32
    %dma_wait3A_53 = tpu.memref_slice %arg6[%select_n3A_8, %dma_wait3A_52] : memref<2557x128xi32, #tpu.memory_space<hbm>> -> memref<101x128xi32, #tpu.memory_space<hbm>>
    tpu.wait_dma2 semaphore(%arg14 : memref<!tpu.dma_semaphore, #tpu.memory_space<semaphore_mem>>) src(%dma_wait3A_53 : memref<101x128xi32, #tpu.memory_space<hbm>>) dst(%arg9 : memref<101x128xi32, #tpu.memory_space<vmem>>)
    tpu.wait_dma2 semaphore(%arg14 : memref<!tpu.dma_semaphore, #tpu.memory_space<semaphore_mem>>) src(%arg3 : memref<10240xf32, #tpu.memory_space<hbm>>) dst(%arg10 : memref<10240xf32, #tpu.memory_space<vmem>>)
    tpu.wait_dma2 semaphore(%arg14 : memref<!tpu.dma_semaphore, #tpu.memory_space<semaphore_mem>>) src(%arg4 : memref<10240xf32, #tpu.memory_space<hbm>>) dst(%arg11 : memref<10240xf32, #tpu.memory_space<vmem>>)
    %barrier3A = arith.constant 0 : index
    tpu.barrier barrier_id(%barrier3A)
    %dma_start3A_54 = arith.constant 0 : i32
    %dma_start3A_55 = arith.constant 0 : i32
    %dma_start3A_56 = arith.constant 0 : i32
    %dma_start3A_57 = arith.constant 0 : i32
    %dma_start3A_58 = tpu.memref_slice %arg12[%dma_start3A_55, %dma_start3A_56, %dma_start3A_57] : memref<2x128x80xf32, #tpu.memory_space<vmem>> -> memref<1x128x80xf32, #tpu.memory_space<vmem>>
    %dma_start3A_59 = tpu.memref_squeeze %dma_start3A_58 : memref<1x128x80xf32, #tpu.memory_space<vmem>> -> memref<128x80xf32, #tpu.memory_space<vmem>>
    %dma_start3A_60 = arith.constant 0 : i32
    %dma_start3A_61 = tpu.memref_slice %arg8[%dma_start3A_54, %dma_start3A_60] : memref<101x128xi32, #tpu.memory_space<vmem>> -> memref<1x128xi32, #tpu.memory_space<vmem>>
    %dma_start3A_62 = tpu.memref_squeeze %dma_start3A_61 : memref<1x128xi32, #tpu.memory_space<vmem>> -> memref<128xi32, #tpu.memory_space<vmem>>
    %dma_start3A_63 = arith.constant 0 : i32
    %dma_start3A_64 = arith.constant 0 : i32
    %dma_start3A_65 = tpu.memref_slice %arg2[%dma_start3A_63, %dma_start3A_64] : memref<10240x80xf32, #tpu.memory_space<hbm>> -> memref<10240x80xf32, #tpu.memory_space<hbm>>
    tpu.enqueue_indirect_dma source(%dma_start3A_65 : memref<10240x80xf32, #tpu.memory_space<hbm>>) target(%dma_start3A_59 : memref<128x80xf32, #tpu.memory_space<vmem>>) offsets(%dma_start3A_62 : memref<128xi32, #tpu.memory_space<vmem>>) semaphore(%arg15 : memref<!tpu.dma_semaphore, #tpu.memory_space<semaphore_mem>>)
    %while3A = arith.constant 0 : i32
    %while3A_66 = arith.constant 0 : i32
    %while3A_67 = arith.subi %select_n3A, %while3A_66 : i32
    %while3A_68 = arith.addi %while3A_66, %while3A_67 : i32
    %while3A_69 = arith.constant 1 : i32
    %while3A_70 = arith.divsi %while3A_67, %while3A_69 : i32
    %while3A_71 = arith.muli %while3A_70, %while3A_69 : i32
    %while3A_72 = arith.addi %while3A_66, %while3A_71 : i32
    %while3A_73 = arith.constant 1 : i32
    scf.for %while3A_80 = %while3A_66 to %while3A_72 step %while3A_73  : i32 {
      %rem3A = arith.constant 2 : i32
      %rem3A_81 = arith.remsi %while3A_80, %rem3A : i32
      %dma_wait3A_82 = arith.constant 0 : i32
      %dma_wait3A_83 = arith.constant 0 : i32
      %dma_wait3A_84 = tpu.memref_slice %arg12[%rem3A_81, %dma_wait3A_82, %dma_wait3A_83] : memref<2x128x80xf32, #tpu.memory_space<vmem>> -> memref<1x128x80xf32, #tpu.memory_space<vmem>>
      %dma_wait3A_85 = tpu.memref_squeeze %dma_wait3A_84 : memref<1x128x80xf32, #tpu.memory_space<vmem>> -> memref<128x80xf32, #tpu.memory_space<vmem>>
      %dma_wait3A_86 = arith.constant 0 : i32
      %dma_wait3A_87 = tpu.memref_slice %arg8[%while3A_80, %dma_wait3A_86] : memref<101x128xi32, #tpu.memory_space<vmem>> -> memref<1x128xi32, #tpu.memory_space<vmem>>
      %dma_wait3A_88 = tpu.memref_squeeze %dma_wait3A_87 : memref<1x128xi32, #tpu.memory_space<vmem>> -> memref<128xi32, #tpu.memory_space<vmem>>
      %dma_wait3A_89 = arith.constant 0 : i32
      %dma_wait3A_90 = arith.constant 0 : i32
      %dma_wait3A_91 = tpu.memref_slice %arg2[%dma_wait3A_89, %dma_wait3A_90] : memref<10240x80xf32, #tpu.memory_space<hbm>> -> memref<10240x80xf32, #tpu.memory_space<hbm>>
      tpu.wait_indirect_dma semaphore(%arg15 : memref<!tpu.dma_semaphore, #tpu.memory_space<semaphore_mem>>) src(%dma_wait3A_91 : memref<10240x80xf32, #tpu.memory_space<hbm>>) dst(%dma_wait3A_85 : memref<128x80xf32, #tpu.memory_space<vmem>>)
      %sub3A = arith.constant 1 : i32
      %sub3A_92 = arith.subi %select_n3A, %sub3A : i32
      %lt3A = arith.cmpi slt, %while3A_80, %sub3A_92 : i32
      %convert_element_type3A = arith.extui %lt3A : i1 to i32
      %cond3A = arith.constant 0 : i32
      %cond3A_93 = arith.cmpi ne, %convert_element_type3A, %cond3A : i32
      scf.if %cond3A_93 {
        %add3A_100 = arith.constant 1 : i32
        %add3A_101 = arith.addi %while3A_80, %add3A_100 : i32
        %sub3A_102 = arith.constant 1 : i32
        %sub3A_103 = arith.subi %sub3A_102, %rem3A_81 : i32
        %dma_start3A_104 = arith.constant 0 : i32
        %dma_start3A_105 = arith.constant 0 : i32
        %dma_start3A_106 = tpu.memref_slice %arg12[%sub3A_103, %dma_start3A_104, %dma_start3A_105] : memref<2x128x80xf32, #tpu.memory_space<vmem>> -> memref<1x128x80xf32, #tpu.memory_space<vmem>>
        %dma_start3A_107 = tpu.memref_squeeze %dma_start3A_106 : memref<1x128x80xf32, #tpu.memory_space<vmem>> -> memref<128x80xf32, #tpu.memory_space<vmem>>
        %dma_start3A_108 = arith.constant 0 : i32
        %dma_start3A_109 = tpu.memref_slice %arg8[%add3A_101, %dma_start3A_108] : memref<101x128xi32, #tpu.memory_space<vmem>> -> memref<1x128xi32, #tpu.memory_space<vmem>>
        %dma_start3A_110 = tpu.memref_squeeze %dma_start3A_109 : memref<1x128xi32, #tpu.memory_space<vmem>> -> memref<128xi32, #tpu.memory_space<vmem>>
        %dma_start3A_111 = arith.constant 0 : i32
        %dma_start3A_112 = arith.constant 0 : i32
        %dma_start3A_113 = tpu.memref_slice %arg2[%dma_start3A_111, %dma_start3A_112] : memref<10240x80xf32, #tpu.memory_space<hbm>> -> memref<10240x80xf32, #tpu.memory_space<hbm>>
        tpu.enqueue_indirect_dma source(%dma_start3A_113 : memref<10240x80xf32, #tpu.memory_space<hbm>>) target(%dma_start3A_107 : memref<128x80xf32, #tpu.memory_space<vmem>>) offsets(%dma_start3A_110 : memref<128xi32, #tpu.memory_space<vmem>>) semaphore(%arg15 : memref<!tpu.dma_semaphore, #tpu.memory_space<semaphore_mem>>)
      } else {
      }
      %scan3A_94 = arith.constant 0 : i32
      %scan3A_95 = arith.constant 0 : i32
      %scan3A_96 = arith.constant 8 : i32
      %scan3A_97 = arith.addi %scan3A_95, %scan3A_96 : i32
      %scan3A_98 = arith.constant 1 : i32
      scf.for %scan3A_100 = %scan3A_95 to %scan3A_97 step %scan3A_98  : i32 {
        %mul3A_101 = arith.constant 16 : i32
        %mul3A_102 = arith.muli %scan3A_100, %mul3A_101 : i32
        %get3A = arith.index_cast %while3A_80 : i32 to index
        %get3A_103 = arith.index_cast %mul3A_102 : i32 to index
        %get3A_104 = tpu.vector_load %arg8[%get3A, %get3A_103] {strides = array<i32>} : memref<101x128xi32, #tpu.memory_space<vmem>>, vector<16xi32>,
        %mul3A_105 = arith.constant 16 : i32
        %mul3A_106 = arith.muli %scan3A_100, %mul3A_105 : i32
        %get3A_107 = arith.index_cast %while3A_80 : i32 to index
        %get3A_108 = arith.index_cast %mul3A_106 : i32 to index
        %get3A_109 = tpu.vector_load %arg9[%get3A_107, %get3A_108] {strides = array<i32>} : memref<101x128xi32, #tpu.memory_space<vmem>>, vector<16xi32>,
        %gather3A = tpu.vector_load_idx %arg10[%get3A_104] : memref<10240xf32, #tpu.memory_space<vmem>>[vector<16xi32>], vector<16xf32>,
        %gather3A_110 = tpu.vector_load_idx %arg11[%get3A_109] : memref<10240xf32, #tpu.memory_space<vmem>>[vector<16xi32>], vector<16xf32>,
        %add3A_111 = arith.addf %gather3A, %gather3A_110 : vector<16xf32>
        %mul3A_112 = arith.constant 2.000000e-01 : f32
        %mul3A_113 = vector.broadcast %mul3A_112 : f32 to vector<16xf32>
        %mul3A_114 = arith.mulf %mul3A_113, %add3A_111 : vector<16xf32>
        %max3A = arith.maximumf %add3A_111, %mul3A_114 : vector<16xf32>
        %exp3A = math.exp %max3A : vector<16xf32>
        %slice3A = vector.extract_strided_slice %exp3A {offsets = [0], sizes = [1], strides = [1]} : vector<16xf32> to vector<1xf32>
        %squeeze3A = vector.extract %slice3A[0] : f32 from vector<1xf32>
        %mul3A_115 = arith.constant 16 : i32
        %mul3A_116 = arith.muli %scan3A_100, %mul3A_115 : i32
        %add3A_117 = arith.constant 0 : i32
        %add3A_118 = arith.addi %mul3A_116, %add3A_117 : i32
        %get3A_119 = arith.index_cast %rem3A_81 : i32 to index
        %get3A_120 = arith.index_cast %add3A_118 : i32 to index
        %get3A_121 = arith.constant 0 : index
        %get3A_122 = tpu.vector_load %arg12[%get3A_119, %get3A_120, %get3A_121] {strides = array<i32>} : memref<2x128x80xf32, #tpu.memory_space<vmem>>, vector<16xf32>,
        %mul3A_123 = vector.broadcast %squeeze3A : f32 to vector<16xf32>
        %mul3A_124 = arith.mulf %get3A_122, %mul3A_123 : vector<16xf32>
        %swap3A = arith.index_cast %rem3A_81 : i32 to index
        %swap3A_125 = arith.index_cast %add3A_118 : i32 to index
        %swap3A_126 = arith.constant 0 : index
        %swap3A_127 = tpu.vector_load %arg12[%swap3A, %swap3A_125, %swap3A_126] {strides = array<i32>} : memref<2x128x80xf32, #tpu.memory_space<vmem>>, vector<16xf32>,
        tpu.vector_store %arg12[%swap3A, %swap3A_125, %swap3A_126], %mul3A_124 {strides = array<i32>} : memref<2x128x80xf32, #tpu.memory_space<vmem>>, vector<16xf32>,
        %get3A_128 = arith.index_cast %rem3A_81 : i32 to index
        %get3A_129 = arith.index_cast %add3A_118 : i32 to index
        %get3A_130 = arith.constant 16 : index
        %get3A_131 = tpu.vector_load %arg12[%get3A_128, %get3A_129, %get3A_130] {strides = array<i32>} : memref<2x128x80xf32, #tpu.memory_space<vmem>>, vector<16xf32>,
        %mul3A_132 = vector.broadcast %squeeze3A : f32 to vector<16xf32>
        %mul3A_133 = arith.mulf %get3A_131, %mul3A_132 : vector<16xf32>
        %swap3A_134 = arith.index_cast %rem3A_81 : i32 to index
        %swap3A_135 = arith.index_cast %add3A_118 : i32 to index
        %swap3A_136 = arith.constant 16 : index
        %swap3A_137 = tpu.vector_load %arg12[%swap3A_134, %swap3A_135, %swap3A_136] {strides = array<i32>} : memref<2x128x80xf32, #tpu.memory_space<vmem>>, vector<16xf32>,
        tpu.vector_store %arg12[%swap3A_134, %swap3A_135, %swap3A_136], %mul3A_133 {strides = array<i32>} : memref<2x128x80xf32, #tpu.memory_space<vmem>>, vector<16xf32>,
        %get3A_138 = arith.index_cast %rem3A_81 : i32 to index
        %get3A_139 = arith.index_cast %add3A_118 : i32 to index
        %get3A_140 = arith.constant 32 : index
        %get3A_141 = tpu.vector_load %arg12[%get3A_138, %get3A_139, %get3A_140] {strides = array<i32>} : memref<2x128x80xf32, #tpu.memory_space<vmem>>, vector<16xf32>,
        %mul3A_142 = vector.broadcast %squeeze3A : f32 to vector<16xf32>
        %mul3A_143 = arith.mulf %get3A_141, %mul3A_142 : vector<16xf32>
        %swap3A_144 = arith.index_cast %rem3A_81 : i32 to index
        %swap3A_145 = arith.index_cast %add3A_118 : i32 to index
        %swap3A_146 = arith.constant 32 : index
        %swap3A_147 = tpu.vector_load %arg12[%swap3A_144, %swap3A_145, %swap3A_146] {strides = array<i32>} : memref<2x128x80xf32, #tpu.memory_space<vmem>>, vector<16xf32>,
        tpu.vector_store %arg12[%swap3A_144, %swap3A_145, %swap3A_146], %mul3A_143 {strides = array<i32>} : memref<2x128x80xf32, #tpu.memory_space<vmem>>, vector<16xf32>,
        %get3A_148 = arith.index_cast %rem3A_81 : i32 to index
        %get3A_149 = arith.index_cast %add3A_118 : i32 to index
        %get3A_150 = arith.constant 48 : index
        %get3A_151 = tpu.vector_load %arg12[%get3A_148, %get3A_149, %get3A_150] {strides = array<i32>} : memref<2x128x80xf32, #tpu.memory_space<vmem>>, vector<16xf32>,
        %mul3A_152 = vector.broadcast %squeeze3A : f32 to vector<16xf32>
        %mul3A_153 = arith.mulf %get3A_151, %mul3A_152 : vector<16xf32>
        %swap3A_154 = arith.index_cast %rem3A_81 : i32 to index
        %swap3A_155 = arith.index_cast %add3A_118 : i32 to index
        %swap3A_156 = arith.constant 48 : index
        %swap3A_157 = tpu.vector_load %arg12[%swap3A_154, %swap3A_155, %swap3A_156] {strides = array<i32>} : memref<2x128x80xf32, #tpu.memory_space<vmem>>, vector<16xf32>,
        tpu.vector_store %arg12[%swap3A_154, %swap3A_155, %swap3A_156], %mul3A_153 {strides = array<i32>} : memref<2x128x80xf32, #tpu.memory_space<vmem>>, vector<16xf32>,
        %get3A_158 = arith.index_cast %rem3A_81 : i32 to index
        %get3A_159 = arith.index_cast %add3A_118 : i32 to index
        %get3A_160 = arith.constant 64 : index
        %get3A_161 = tpu.vector_load %arg12[%get3A_158, %get3A_159, %get3A_160] {strides = array<i32>} : memref<2x128x80xf32, #tpu.memory_space<vmem>>, vector<16xf32>,
        %mul3A_162 = vector.broadcast %squeeze3A : f32 to vector<16xf32>
        %mul3A_163 = arith.mulf %get3A_161, %mul3A_162 : vector<16xf32>
        %swap3A_164 = arith.index_cast %rem3A_81 : i32 to index
        %swap3A_165 = arith.index_cast %add3A_118 : i32 to index
        %swap3A_166 = arith.constant 64 : index
        %swap3A_167 = tpu.vector_load %arg12[%swap3A_164, %swap3A_165, %swap3A_166] {strides = array<i32>} : memref<2x128x80xf32, #tpu.memory_space<vmem>>, vector<16xf32>,
        tpu.vector_store %arg12[%swap3A_164, %swap3A_165, %swap3A_166], %mul3A_163 {strides = array<i32>} : memref<2x128x80xf32, #tpu.memory_space<vmem>>, vector<16xf32>,
        %slice3A_168 = vector.extract_strided_slice %exp3A {offsets = [1], sizes = [1], strides = [1]} : vector<16xf32> to vector<1xf32>
        %squeeze3A_169 = vector.extract %slice3A_168[0] : f32 from vector<1xf32>
        %mul3A_170 = arith.constant 16 : i32
        %mul3A_171 = arith.muli %scan3A_100, %mul3A_170 : i32
        %add3A_172 = arith.constant 1 : i32
        %add3A_173 = arith.addi %mul3A_171, %add3A_172 : i32
        %get3A_174 = arith.index_cast %rem3A_81 : i32 to index
        %get3A_175 = arith.index_cast %add3A_173 : i32 to index
        %get3A_176 = arith.constant 0 : index
        %get3A_177 = tpu.vector_load %arg12[%get3A_174, %get3A_175, %get3A_176] {strides = array<i32>} : memref<2x128x80xf32, #tpu.memory_space<vmem>>, vector<16xf32>,
        %mul3A_178 = vector.broadcast %squeeze3A_169 : f32 to vector<16xf32>
        %mul3A_179 = arith.mulf %get3A_177, %mul3A_178 : vector<16xf32>
        %swap3A_180 = arith.index_cast %rem3A_81 : i32 to index
        %swap3A_181 = arith.index_cast %add3A_173 : i32 to index
        %swap3A_182 = arith.constant 0 : index
        %swap3A_183 = tpu.vector_load %arg12[%swap3A_180, %swap3A_181, %swap3A_182] {strides = array<i32>} : memref<2x128x80xf32, #tpu.memory_space<vmem>>, vector<16xf32>,
        tpu.vector_store %arg12[%swap3A_180, %swap3A_181, %swap3A_182], %mul3A_179 {strides = array<i32>} : memref<2x128x80xf32, #tpu.memory_space<vmem>>, vector<16xf32>,
        %get3A_184 = arith.index_cast %rem3A_81 : i32 to index
        %get3A_185 = arith.index_cast %add3A_173 : i32 to index
        %get3A_186 = arith.constant 16 : index
        %get3A_187 = tpu.vector_load %arg12[%get3A_184, %get3A_185, %get3A_186] {strides = array<i32>} : memref<2x128x80xf32, #tpu.memory_space<vmem>>, vector<16xf32>,
        %mul3A_188 = vector.broadcast %squeeze3A_169 : f32 to vector<16xf32>
        %mul3A_189 = arith.mulf %get3A_187, %mul3A_188 : vector<16xf32>
        %swap3A_190 = arith.index_cast %rem3A_81 : i32 to index
        %swap3A_191 = arith.index_cast %add3A_173 : i32 to index
        %swap3A_192 = arith.constant 16 : index
        %swap3A_193 = tpu.vector_load %arg12[%swap3A_190, %swap3A_191, %swap3A_192] {strides = array<i32>} : memref<2x128x80xf32, #tpu.memory_space<vmem>>, vector<16xf32>,
        tpu.vector_store %arg12[%swap3A_190, %swap3A_191, %swap3A_192], %mul3A_189 {strides = array<i32>} : memref<2x128x80xf32, #tpu.memory_space<vmem>>, vector<16xf32>,
        %get3A_194 = arith.index_cast %rem3A_81 : i32 to index
        %get3A_195 = arith.index_cast %add3A_173 : i32 to index
        %get3A_196 = arith.constant 32 : index
        %get3A_197 = tpu.vector_load %arg12[%get3A_194, %get3A_195, %get3A_196] {strides = array<i32>} : memref<2x128x80xf32, #tpu.memory_space<vmem>>, vector<16xf32>,
        %mul3A_198 = vector.broadcast %squeeze3A_169 : f32 to vector<16xf32>
        %mul3A_199 = arith.mulf %get3A_197, %mul3A_198 : vector<16xf32>
        %swap3A_200 = arith.index_cast %rem3A_81 : i32 to index
        %swap3A_201 = arith.index_cast %add3A_173 : i32 to index
        %swap3A_202 = arith.constant 32 : index
        %swap3A_203 = tpu.vector_load %arg12[%swap3A_200, %swap3A_201, %swap3A_202] {strides = array<i32>} : memref<2x128x80xf32, #tpu.memory_space<vmem>>, vector<16xf32>,
        tpu.vector_store %arg12[%swap3A_200, %swap3A_201, %swap3A_202], %mul3A_199 {strides = array<i32>} : memref<2x128x80xf32, #tpu.memory_space<vmem>>, vector<16xf32>,
        %get3A_204 = arith.index_cast %rem3A_81 : i32 to index
        %get3A_205 = arith.index_cast %add3A_173 : i32 to index
        %get3A_206 = arith.constant 48 : index
        %get3A_207 = tpu.vector_load %arg12[%get3A_204, %get3A_205, %get3A_206] {strides = array<i32>} : memref<2x128x80xf32, #tpu.memory_space<vmem>>, vector<16xf32>,
        %mul3A_208 = vector.broadcast %squeeze3A_169 : f32 to vector<16xf32>
        %mul3A_209 = arith.mulf %get3A_207, %mul3A_208 : vector<16xf32>
        %swap3A_210 = arith.index_cast %rem3A_81 : i32 to index
        %swap3A_211 = arith.index_cast %add3A_173 : i32 to index
        %swap3A_212 = arith.constant 48 : index
        %swap3A_213 = tpu.vector_load %arg12[%swap3A_210, %swap3A_211, %swap3A_212] {strides = array<i32>} : memref<2x128x80xf32, #tpu.memory_space<vmem>>, vector<16xf32>,
        tpu.vector_store %arg12[%swap3A_210, %swap3A_211, %swap3A_212], %mul3A_209 {strides = array<i32>} : memref<2x128x80xf32, #tpu.memory_space<vmem>>, vector<16xf32>,
        %get3A_214 = arith.index_cast %rem3A_81 : i32 to index
        %get3A_215 = arith.index_cast %add3A_173 : i32 to index
        %get3A_216 = arith.constant 64 : index
        %get3A_217 = tpu.vector_load %arg12[%get3A_214, %get3A_215, %get3A_216] {strides = array<i32>} : memref<2x128x80xf32, #tpu.memory_space<vmem>>, vector<16xf32>,
        %mul3A_218 = vector.broadcast %squeeze3A_169 : f32 to vector<16xf32>
        %mul3A_219 = arith.mulf %get3A_217, %mul3A_218 : vector<16xf32>
        %swap3A_220 = arith.index_cast %rem3A_81 : i32 to index
        %swap3A_221 = arith.index_cast %add3A_173 : i32 to index
        %swap3A_222 = arith.constant 64 : index
        %swap3A_223 = tpu.vector_load %arg12[%swap3A_220, %swap3A_221, %swap3A_222] {strides = array<i32>} : memref<2x128x80xf32, #tpu.memory_space<vmem>>, vector<16xf32>,
        tpu.vector_store %arg12[%swap3A_220, %swap3A_221, %swap3A_222], %mul3A_219 {strides = array<i32>} : memref<2x128x80xf32, #tpu.memory_space<vmem>>, vector<16xf32>,
        %slice3A_224 = vector.extract_strided_slice %exp3A {offsets = [2], sizes = [1], strides = [1]} : vector<16xf32> to vector<1xf32>
        %squeeze3A_225 = vector.extract %slice3A_224[0] : f32 from vector<1xf32>
        %mul3A_226 = arith.constant 16 : i32
        %mul3A_227 = arith.muli %scan3A_100, %mul3A_226 : i32
        %add3A_228 = arith.constant 2 : i32
        %add3A_229 = arith.addi %mul3A_227, %add3A_228 : i32
        %get3A_230 = arith.index_cast %rem3A_81 : i32 to index
        %get3A_231 = arith.index_cast %add3A_229 : i32 to index
        %get3A_232 = arith.constant 0 : index
        %get3A_233 = tpu.vector_load %arg12[%get3A_230, %get3A_231, %get3A_232] {strides = array<i32>} : memref<2x128x80xf32, #tpu.memory_space<vmem>>, vector<16xf32>,
        %mul3A_234 = vector.broadcast %squeeze3A_225 : f32 to vector<16xf32>
        %mul3A_235 = arith.mulf %get3A_233, %mul3A_234 : vector<16xf32>
        %swap3A_236 = arith.index_cast %rem3A_81 : i32 to index
        %swap3A_237 = arith.index_cast %add3A_229 : i32 to index
        %swap3A_238 = arith.constant 0 : index
        %swap3A_239 = tpu.vector_load %arg12[%swap3A_236, %swap3A_237, %swap3A_238] {strides = array<i32>} : memref<2x128x80xf32, #tpu.memory_space<vmem>>, vector<16xf32>,
        tpu.vector_store %arg12[%swap3A_236, %swap3A_237, %swap3A_238], %mul3A_235 {strides = array<i32>} : memref<2x128x80xf32, #tpu.memory_space<vmem>>, vector<16xf32>,
        %get3A_240 = arith.index_cast %rem3A_81 : i32 to index
        %get3A_241 = arith.index_cast %add3A_229 : i32 to index
        %get3A_242 = arith.constant 16 : index
        %get3A_243 = tpu.vector_load %arg12[%get3A_240, %get3A_241, %get3A_242] {strides = array<i32>} : memref<2x128x80xf32, #tpu.memory_space<vmem>>, vector<16xf32>,
        %mul3A_244 = vector.broadcast %squeeze3A_225 : f32 to vector<16xf32>
        %mul3A_245 = arith.mulf %get3A_243, %mul3A_244 : vector<16xf32>
        %swap3A_246 = arith.index_cast %rem3A_81 : i32 to index
        %swap3A_247 = arith.index_cast %add3A_229 : i32 to index
        %swap3A_248 = arith.constant 16 : index
        %swap3A_249 = tpu.vector_load %arg12[%swap3A_246, %swap3A_247, %swap3A_248] {strides = array<i32>} : memref<2x128x80xf32, #tpu.memory_space<vmem>>, vector<16xf32>,
        tpu.vector_store %arg12[%swap3A_246, %swap3A_247, %swap3A_248], %mul3A_245 {strides = array<i32>} : memref<2x128x80xf32, #tpu.memory_space<vmem>>, vector<16xf32>,
        %get3A_250 = arith.index_cast %rem3A_81 : i32 to index
        %get3A_251 = arith.index_cast %add3A_229 : i32 to index
        %get3A_252 = arith.constant 32 : index
        %get3A_253 = tpu.vector_load %arg12[%get3A_250, %get3A_251, %get3A_252] {strides = array<i32>} : memref<2x128x80xf32, #tpu.memory_space<vmem>>, vector<16xf32>,
        %mul3A_254 = vector.broadcast %squeeze3A_225 : f32 to vector<16xf32>
        %mul3A_255 = arith.mulf %get3A_253, %mul3A_254 : vector<16xf32>
        %swap3A_256 = arith.index_cast %rem3A_81 : i32 to index
        %swap3A_257 = arith.index_cast %add3A_229 : i32 to index
        %swap3A_258 = arith.constant 32 : index
        %swap3A_259 = tpu.vector_load %arg12[%swap3A_256, %swap3A_257, %swap3A_258] {strides = array<i32>} : memref<2x128x80xf32, #tpu.memory_space<vmem>>, vector<16xf32>,
        tpu.vector_store %arg12[%swap3A_256, %swap3A_257, %swap3A_258], %mul3A_255 {strides = array<i32>} : memref<2x128x80xf32, #tpu.memory_space<vmem>>, vector<16xf32>,
        %get3A_260 = arith.index_cast %rem3A_81 : i32 to index
        %get3A_261 = arith.index_cast %add3A_229 : i32 to index
        %get3A_262 = arith.constant 48 : index
        %get3A_263 = tpu.vector_load %arg12[%get3A_260, %get3A_261, %get3A_262] {strides = array<i32>} : memref<2x128x80xf32, #tpu.memory_space<vmem>>, vector<16xf32>,
        %mul3A_264 = vector.broadcast %squeeze3A_225 : f32 to vector<16xf32>
        %mul3A_265 = arith.mulf %get3A_263, %mul3A_264 : vector<16xf32>
        %swap3A_266 = arith.index_cast %rem3A_81 : i32 to index
        %swap3A_267 = arith.index_cast %add3A_229 : i32 to index
        %swap3A_268 = arith.constant 48 : index
        %swap3A_269 = tpu.vector_load %arg12[%swap3A_266, %swap3A_267, %swap3A_268] {strides = array<i32>} : memref<2x128x80xf32, #tpu.memory_space<vmem>>, vector<16xf32>,
        tpu.vector_store %arg12[%swap3A_266, %swap3A_267, %swap3A_268], %mul3A_265 {strides = array<i32>} : memref<2x128x80xf32, #tpu.memory_space<vmem>>, vector<16xf32>,
        %get3A_270 = arith.index_cast %rem3A_81 : i32 to index
        %get3A_271 = arith.index_cast %add3A_229 : i32 to index
        %get3A_272 = arith.constant 64 : index
        %get3A_273 = tpu.vector_load %arg12[%get3A_270, %get3A_271, %get3A_272] {strides = array<i32>} : memref<2x128x80xf32, #tpu.memory_space<vmem>>, vector<16xf32>,
        %mul3A_274 = vector.broadcast %squeeze3A_225 : f32 to vector<16xf32>
        %mul3A_275 = arith.mulf %get3A_273, %mul3A_274 : vector<16xf32>
        %swap3A_276 = arith.index_cast %rem3A_81 : i32 to index
        %swap3A_277 = arith.index_cast %add3A_229 : i32 to index
        %swap3A_278 = arith.constant 64 : index
        %swap3A_279 = tpu.vector_load %arg12[%swap3A_276, %swap3A_277, %swap3A_278] {strides = array<i32>} : memref<2x128x80xf32, #tpu.memory_space<vmem>>, vector<16xf32>,
        tpu.vector_store %arg12[%swap3A_276, %swap3A_277, %swap3A_278], %mul3A_275 {strides = array<i32>} : memref<2x128x80xf32, #tpu.memory_space<vmem>>, vector<16xf32>,
        %slice3A_280 = vector.extract_strided_slice %exp3A {offsets = [3], sizes = [1], strides = [1]} : vector<16xf32> to vector<1xf32>
        %squeeze3A_281 = vector.extract %slice3A_280[0] : f32 from vector<1xf32>
        %mul3A_282 = arith.constant 16 : i32
        %mul3A_283 = arith.muli %scan3A_100, %mul3A_282 : i32
        %add3A_284 = arith.constant 3 : i32
        %add3A_285 = arith.addi %mul3A_283, %add3A_284 : i32
        %get3A_286 = arith.index_cast %rem3A_81 : i32 to index
        %get3A_287 = arith.index_cast %add3A_285 : i32 to index
        %get3A_288 = arith.constant 0 : index
        %get3A_289 = tpu.vector_load %arg12[%get3A_286, %get3A_287, %get3A_288] {strides = array<i32>} : memref<2x128x80xf32, #tpu.memory_space<vmem>>, vector<16xf32>,
        %mul3A_290 = vector.broadcast %squeeze3A_281 : f32 to vector<16xf32>
        %mul3A_291 = arith.mulf %get3A_289, %mul3A_290 : vector<16xf32>
        %swap3A_292 = arith.index_cast %rem3A_81 : i32 to index
        %swap3A_293 = arith.index_cast %add3A_285 : i32 to index
        %swap3A_294 = arith.constant 0 : index
        %swap3A_295 = tpu.vector_load %arg12[%swap3A_292, %swap3A_293, %swap3A_294] {strides = array<i32>} : memref<2x128x80xf32, #tpu.memory_space<vmem>>, vector<16xf32>,
        tpu.vector_store %arg12[%swap3A_292, %swap3A_293, %swap3A_294], %mul3A_291 {strides = array<i32>} : memref<2x128x80xf32, #tpu.memory_space<vmem>>, vector<16xf32>,
        %get3A_296 = arith.index_cast %rem3A_81 : i32 to index
        %get3A_297 = arith.index_cast %add3A_285 : i32 to index
        %get3A_298 = arith.constant 16 : index
        %get3A_299 = tpu.vector_load %arg12[%get3A_296, %get3A_297, %get3A_298] {strides = array<i32>} : memref<2x128x80xf32, #tpu.memory_space<vmem>>, vector<16xf32>,
        %mul3A_300 = vector.broadcast %squeeze3A_281 : f32 to vector<16xf32>
        %mul3A_301 = arith.mulf %get3A_299, %mul3A_300 : vector<16xf32>
        %swap3A_302 = arith.index_cast %rem3A_81 : i32 to index
        %swap3A_303 = arith.index_cast %add3A_285 : i32 to index
        %swap3A_304 = arith.constant 16 : index
        %swap3A_305 = tpu.vector_load %arg12[%swap3A_302, %swap3A_303, %swap3A_304] {strides = array<i32>} : memref<2x128x80xf32, #tpu.memory_space<vmem>>, vector<16xf32>,
        tpu.vector_store %arg12[%swap3A_302, %swap3A_303, %swap3A_304], %mul3A_301 {strides = array<i32>} : memref<2x128x80xf32, #tpu.memory_space<vmem>>, vector<16xf32>,
        %get3A_306 = arith.index_cast %rem3A_81 : i32 to index
        %get3A_307 = arith.index_cast %add3A_285 : i32 to index
        %get3A_308 = arith.constant 32 : index
        %get3A_309 = tpu.vector_load %arg12[%get3A_306, %get3A_307, %get3A_308] {strides = array<i32>} : memref<2x128x80xf32, #tpu.memory_space<vmem>>, vector<16xf32>,
        %mul3A_310 = vector.broadcast %squeeze3A_281 : f32 to vector<16xf32>
        %mul3A_311 = arith.mulf %get3A_309, %mul3A_310 : vector<16xf32>
        %swap3A_312 = arith.index_cast %rem3A_81 : i32 to index
        %swap3A_313 = arith.index_cast %add3A_285 : i32 to index
        %swap3A_314 = arith.constant 32 : index
        %swap3A_315 = tpu.vector_load %arg12[%swap3A_312, %swap3A_313, %swap3A_314] {strides = array<i32>} : memref<2x128x80xf32, #tpu.memory_space<vmem>>, vector<16xf32>,
        tpu.vector_store %arg12[%swap3A_312, %swap3A_313, %swap3A_314], %mul3A_311 {strides = array<i32>} : memref<2x128x80xf32, #tpu.memory_space<vmem>>, vector<16xf32>,
        %get3A_316 = arith.index_cast %rem3A_81 : i32 to index
        %get3A_317 = arith.index_cast %add3A_285 : i32 to index
        %get3A_318 = arith.constant 48 : index
        %get3A_319 = tpu.vector_load %arg12[%get3A_316, %get3A_317, %get3A_318] {strides = array<i32>} : memref<2x128x80xf32, #tpu.memory_space<vmem>>, vector<16xf32>,
        %mul3A_320 = vector.broadcast %squeeze3A_281 : f32 to vector<16xf32>
        %mul3A_321 = arith.mulf %get3A_319, %mul3A_320 : vector<16xf32>
        %swap3A_322 = arith.index_cast %rem3A_81 : i32 to index
        %swap3A_323 = arith.index_cast %add3A_285 : i32 to index
        %swap3A_324 = arith.constant 48 : index
        %swap3A_325 = tpu.vector_load %arg12[%swap3A_322, %swap3A_323, %swap3A_324] {strides = array<i32>} : memref<2x128x80xf32, #tpu.memory_space<vmem>>, vector<16xf32>,
        tpu.vector_store %arg12[%swap3A_322, %swap3A_323, %swap3A_324], %mul3A_321 {strides = array<i32>} : memref<2x128x80xf32, #tpu.memory_space<vmem>>, vector<16xf32>,
        %get3A_326 = arith.index_cast %rem3A_81 : i32 to index
        %get3A_327 = arith.index_cast %add3A_285 : i32 to index
        %get3A_328 = arith.constant 64 : index
        %get3A_329 = tpu.vector_load %arg12[%get3A_326, %get3A_327, %get3A_328] {strides = array<i32>} : memref<2x128x80xf32, #tpu.memory_space<vmem>>, vector<16xf32>,
        %mul3A_330 = vector.broadcast %squeeze3A_281 : f32 to vector<16xf32>
        %mul3A_331 = arith.mulf %get3A_329, %mul3A_330 : vector<16xf32>
        %swap3A_332 = arith.index_cast %rem3A_81 : i32 to index
        %swap3A_333 = arith.index_cast %add3A_285 : i32 to index
        %swap3A_334 = arith.constant 64 : index
        %swap3A_335 = tpu.vector_load %arg12[%swap3A_332, %swap3A_333, %swap3A_334] {strides = array<i32>} : memref<2x128x80xf32, #tpu.memory_space<vmem>>, vector<16xf32>,
        tpu.vector_store %arg12[%swap3A_332, %swap3A_333, %swap3A_334], %mul3A_331 {strides = array<i32>} : memref<2x128x80xf32, #tpu.memory_space<vmem>>, vector<16xf32>,
        %slice3A_336 = vector.extract_strided_slice %exp3A {offsets = [4], sizes = [1], strides = [1]} : vector<16xf32> to vector<1xf32>
        %squeeze3A_337 = vector.extract %slice3A_336[0] : f32 from vector<1xf32>
        %mul3A_338 = arith.constant 16 : i32
        %mul3A_339 = arith.muli %scan3A_100, %mul3A_338 : i32
        %add3A_340 = arith.constant 4 : i32
        %add3A_341 = arith.addi %mul3A_339, %add3A_340 : i32
        %get3A_342 = arith.index_cast %rem3A_81 : i32 to index
        %get3A_343 = arith.index_cast %add3A_341 : i32 to index
        %get3A_344 = arith.constant 0 : index
        %get3A_345 = tpu.vector_load %arg12[%get3A_342, %get3A_343, %get3A_344] {strides = array<i32>} : memref<2x128x80xf32, #tpu.memory_space<vmem>>, vector<16xf32>,
        %mul3A_346 = vector.broadcast %squeeze3A_337 : f32 to vector<16xf32>
        %mul3A_347 = arith.mulf %get3A_345, %mul3A_346 : vector<16xf32>
        %swap3A_348 = arith.index_cast %rem3A_81 : i32 to index
        %swap3A_349 = arith.index_cast %add3A_341 : i32 to index
        %swap3A_350 = arith.constant 0 : index
        %swap3A_351 = tpu.vector_load %arg12[%swap3A_348, %swap3A_349, %swap3A_350] {strides = array<i32>} : memref<2x128x80xf32, #tpu.memory_space<vmem>>, vector<16xf32>,
        tpu.vector_store %arg12[%swap3A_348, %swap3A_349, %swap3A_350], %mul3A_347 {strides = array<i32>} : memref<2x128x80xf32, #tpu.memory_space<vmem>>, vector<16xf32>,
        %get3A_352 = arith.index_cast %rem3A_81 : i32 to index
        %get3A_353 = arith.index_cast %add3A_341 : i32 to index
        %get3A_354 = arith.constant 16 : index
        %get3A_355 = tpu.vector_load %arg12[%get3A_352, %get3A_353, %get3A_354] {strides = array<i32>} : memref<2x128x80xf32, #tpu.memory_space<vmem>>, vector<16xf32>,
        %mul3A_356 = vector.broadcast %squeeze3A_337 : f32 to vector<16xf32>
        %mul3A_357 = arith.mulf %get3A_355, %mul3A_356 : vector<16xf32>
        %swap3A_358 = arith.index_cast %rem3A_81 : i32 to index
        %swap3A_359 = arith.index_cast %add3A_341 : i32 to index
        %swap3A_360 = arith.constant 16 : index
        %swap3A_361 = tpu.vector_load %arg12[%swap3A_358, %swap3A_359, %swap3A_360] {strides = array<i32>} : memref<2x128x80xf32, #tpu.memory_space<vmem>>, vector<16xf32>,
        tpu.vector_store %arg12[%swap3A_358, %swap3A_359, %swap3A_360], %mul3A_357 {strides = array<i32>} : memref<2x128x80xf32, #tpu.memory_space<vmem>>, vector<16xf32>,
        %get3A_362 = arith.index_cast %rem3A_81 : i32 to index
        %get3A_363 = arith.index_cast %add3A_341 : i32 to index
        %get3A_364 = arith.constant 32 : index
        %get3A_365 = tpu.vector_load %arg12[%get3A_362, %get3A_363, %get3A_364] {strides = array<i32>} : memref<2x128x80xf32, #tpu.memory_space<vmem>>, vector<16xf32>,
        %mul3A_366 = vector.broadcast %squeeze3A_337 : f32 to vector<16xf32>
        %mul3A_367 = arith.mulf %get3A_365, %mul3A_366 : vector<16xf32>
        %swap3A_368 = arith.index_cast %rem3A_81 : i32 to index
        %swap3A_369 = arith.index_cast %add3A_341 : i32 to index
        %swap3A_370 = arith.constant 32 : index
        %swap3A_371 = tpu.vector_load %arg12[%swap3A_368, %swap3A_369, %swap3A_370] {strides = array<i32>} : memref<2x128x80xf32, #tpu.memory_space<vmem>>, vector<16xf32>,
        tpu.vector_store %arg12[%swap3A_368, %swap3A_369, %swap3A_370], %mul3A_367 {strides = array<i32>} : memref<2x128x80xf32, #tpu.memory_space<vmem>>, vector<16xf32>,
        %get3A_372 = arith.index_cast %rem3A_81 : i32 to index
        %get3A_373 = arith.index_cast %add3A_341 : i32 to index
        %get3A_374 = arith.constant 48 : index
        %get3A_375 = tpu.vector_load %arg12[%get3A_372, %get3A_373, %get3A_374] {strides = array<i32>} : memref<2x128x80xf32, #tpu.memory_space<vmem>>, vector<16xf32>,
        %mul3A_376 = vector.broadcast %squeeze3A_337 : f32 to vector<16xf32>
        %mul3A_377 = arith.mulf %get3A_375, %mul3A_376 : vector<16xf32>
        %swap3A_378 = arith.index_cast %rem3A_81 : i32 to index
        %swap3A_379 = arith.index_cast %add3A_341 : i32 to index
        %swap3A_380 = arith.constant 48 : index
        %swap3A_381 = tpu.vector_load %arg12[%swap3A_378, %swap3A_379, %swap3A_380] {strides = array<i32>} : memref<2x128x80xf32, #tpu.memory_space<vmem>>, vector<16xf32>,
        tpu.vector_store %arg12[%swap3A_378, %swap3A_379, %swap3A_380], %mul3A_377 {strides = array<i32>} : memref<2x128x80xf32, #tpu.memory_space<vmem>>, vector<16xf32>,
        %get3A_382 = arith.index_cast %rem3A_81 : i32 to index
        %get3A_383 = arith.index_cast %add3A_341 : i32 to index
        %get3A_384 = arith.constant 64 : index
        %get3A_385 = tpu.vector_load %arg12[%get3A_382, %get3A_383, %get3A_384] {strides = array<i32>} : memref<2x128x80xf32, #tpu.memory_space<vmem>>, vector<16xf32>,
        %mul3A_386 = vector.broadcast %squeeze3A_337 : f32 to vector<16xf32>
        %mul3A_387 = arith.mulf %get3A_385, %mul3A_386 : vector<16xf32>
        %swap3A_388 = arith.index_cast %rem3A_81 : i32 to index
        %swap3A_389 = arith.index_cast %add3A_341 : i32 to index
        %swap3A_390 = arith.constant 64 : index
        %swap3A_391 = tpu.vector_load %arg12[%swap3A_388, %swap3A_389, %swap3A_390] {strides = array<i32>} : memref<2x128x80xf32, #tpu.memory_space<vmem>>, vector<16xf32>,
        tpu.vector_store %arg12[%swap3A_388, %swap3A_389, %swap3A_390], %mul3A_387 {strides = array<i32>} : memref<2x128x80xf32, #tpu.memory_space<vmem>>, vector<16xf32>,
        %slice3A_392 = vector.extract_strided_slice %exp3A {offsets = [5], sizes = [1], strides = [1]} : vector<16xf32> to vector<1xf32>
        %squeeze3A_393 = vector.extract %slice3A_392[0] : f32 from vector<1xf32>
        %mul3A_394 = arith.constant 16 : i32
        %mul3A_395 = arith.muli %scan3A_100, %mul3A_394 : i32
        %add3A_396 = arith.constant 5 : i32
        %add3A_397 = arith.addi %mul3A_395, %add3A_396 : i32
        %get3A_398 = arith.index_cast %rem3A_81 : i32 to index
        %get3A_399 = arith.index_cast %add3A_397 : i32 to index
        %get3A_400 = arith.constant 0 : index
        %get3A_401 = tpu.vector_load %arg12[%get3A_398, %get3A_399, %get3A_400] {strides = array<i32>} : memref<2x128x80xf32, #tpu.memory_space<vmem>>, vector<16xf32>,
        %mul3A_402 = vector.broadcast %squeeze3A_393 : f32 to vector<16xf32>
        %mul3A_403 = arith.mulf %get3A_401, %mul3A_402 : vector<16xf32>
        %swap3A_404 = arith.index_cast %rem3A_81 : i32 to index
        %swap3A_405 = arith.index_cast %add3A_397 : i32 to index
        %swap3A_406 = arith.constant 0 : index
        %swap3A_407 = tpu.vector_load %arg12[%swap3A_404, %swap3A_405, %swap3A_406] {strides = array<i32>} : memref<2x128x80xf32, #tpu.memory_space<vmem>>, vector<16xf32>,
        tpu.vector_store %arg12[%swap3A_404, %swap3A_405, %swap3A_406], %mul3A_403 {strides = array<i32>} : memref<2x128x80xf32, #tpu.memory_space<vmem>>, vector<16xf32>,
        %get3A_408 = arith.index_cast %rem3A_81 : i32 to index
        %get3A_409 = arith.index_cast %add3A_397 : i32 to index
        %get3A_410 = arith.constant 16 : index
        %get3A_411 = tpu.vector_load %arg12[%get3A_408, %get3A_409, %get3A_410] {strides = array<i32>} : memref<2x128x80xf32, #tpu.memory_space<vmem>>, vector<16xf32>,
        %mul3A_412 = vector.broadcast %squeeze3A_393 : f32 to vector<16xf32>
        %mul3A_413 = arith.mulf %get3A_411, %mul3A_412 : vector<16xf32>
        %swap3A_414 = arith.index_cast %rem3A_81 : i32 to index
        %swap3A_415 = arith.index_cast %add3A_397 : i32 to index
        %swap3A_416 = arith.constant 16 : index
        %swap3A_417 = tpu.vector_load %arg12[%swap3A_414, %swap3A_415, %swap3A_416] {strides = array<i32>} : memref<2x128x80xf32, #tpu.memory_space<vmem>>, vector<16xf32>,
        tpu.vector_store %arg12[%swap3A_414, %swap3A_415, %swap3A_416], %mul3A_413 {strides = array<i32>} : memref<2x128x80xf32, #tpu.memory_space<vmem>>, vector<16xf32>,
        %get3A_418 = arith.index_cast %rem3A_81 : i32 to index
        %get3A_419 = arith.index_cast %add3A_397 : i32 to index
        %get3A_420 = arith.constant 32 : index
        %get3A_421 = tpu.vector_load %arg12[%get3A_418, %get3A_419, %get3A_420] {strides = array<i32>} : memref<2x128x80xf32, #tpu.memory_space<vmem>>, vector<16xf32>,
        %mul3A_422 = vector.broadcast %squeeze3A_393 : f32 to vector<16xf32>
        %mul3A_423 = arith.mulf %get3A_421, %mul3A_422 : vector<16xf32>
        %swap3A_424 = arith.index_cast %rem3A_81 : i32 to index
        %swap3A_425 = arith.index_cast %add3A_397 : i32 to index
        %swap3A_426 = arith.constant 32 : index
        %swap3A_427 = tpu.vector_load %arg12[%swap3A_424, %swap3A_425, %swap3A_426] {strides = array<i32>} : memref<2x128x80xf32, #tpu.memory_space<vmem>>, vector<16xf32>,
        tpu.vector_store %arg12[%swap3A_424, %swap3A_425, %swap3A_426], %mul3A_423 {strides = array<i32>} : memref<2x128x80xf32, #tpu.memory_space<vmem>>, vector<16xf32>,
        %get3A_428 = arith.index_cast %rem3A_81 : i32 to index
        %get3A_429 = arith.index_cast %add3A_397 : i32 to index
        %get3A_430 = arith.constant 48 : index
        %get3A_431 = tpu.vector_load %arg12[%get3A_428, %get3A_429, %get3A_430] {strides = array<i32>} : memref<2x128x80xf32, #tpu.memory_space<vmem>>, vector<16xf32>,
        %mul3A_432 = vector.broadcast %squeeze3A_393 : f32 to vector<16xf32>
        %mul3A_433 = arith.mulf %get3A_431, %mul3A_432 : vector<16xf32>
        %swap3A_434 = arith.index_cast %rem3A_81 : i32 to index
        %swap3A_435 = arith.index_cast %add3A_397 : i32 to index
        %swap3A_436 = arith.constant 48 : index
        %swap3A_437 = tpu.vector_load %arg12[%swap3A_434, %swap3A_435, %swap3A_436] {strides = array<i32>} : memref<2x128x80xf32, #tpu.memory_space<vmem>>, vector<16xf32>,
        tpu.vector_store %arg12[%swap3A_434, %swap3A_435, %swap3A_436], %mul3A_433 {strides = array<i32>} : memref<2x128x80xf32, #tpu.memory_space<vmem>>, vector<16xf32>,
        %get3A_438 = arith.index_cast %rem3A_81 : i32 to index
        %get3A_439 = arith.index_cast %add3A_397 : i32 to index
        %get3A_440 = arith.constant 64 : index
        %get3A_441 = tpu.vector_load %arg12[%get3A_438, %get3A_439, %get3A_440] {strides = array<i32>} : memref<2x128x80xf32, #tpu.memory_space<vmem>>, vector<16xf32>,
        %mul3A_442 = vector.broadcast %squeeze3A_393 : f32 to vector<16xf32>
        %mul3A_443 = arith.mulf %get3A_441, %mul3A_442 : vector<16xf32>
        %swap3A_444 = arith.index_cast %rem3A_81 : i32 to index
        %swap3A_445 = arith.index_cast %add3A_397 : i32 to index
        %swap3A_446 = arith.constant 64 : index
        %swap3A_447 = tpu.vector_load %arg12[%swap3A_444, %swap3A_445, %swap3A_446] {strides = array<i32>} : memref<2x128x80xf32, #tpu.memory_space<vmem>>, vector<16xf32>,
        tpu.vector_store %arg12[%swap3A_444, %swap3A_445, %swap3A_446], %mul3A_443 {strides = array<i32>} : memref<2x128x80xf32, #tpu.memory_space<vmem>>, vector<16xf32>,
        %slice3A_448 = vector.extract_strided_slice %exp3A {offsets = [6], sizes = [1], strides = [1]} : vector<16xf32> to vector<1xf32>
        %squeeze3A_449 = vector.extract %slice3A_448[0] : f32 from vector<1xf32>
        %mul3A_450 = arith.constant 16 : i32
        %mul3A_451 = arith.muli %scan3A_100, %mul3A_450 : i32
        %add3A_452 = arith.constant 6 : i32
        %add3A_453 = arith.addi %mul3A_451, %add3A_452 : i32
        %get3A_454 = arith.index_cast %rem3A_81 : i32 to index
        %get3A_455 = arith.index_cast %add3A_453 : i32 to index
        %get3A_456 = arith.constant 0 : index
        %get3A_457 = tpu.vector_load %arg12[%get3A_454, %get3A_455, %get3A_456] {strides = array<i32>} : memref<2x128x80xf32, #tpu.memory_space<vmem>>, vector<16xf32>,
        %mul3A_458 = vector.broadcast %squeeze3A_449 : f32 to vector<16xf32>
        %mul3A_459 = arith.mulf %get3A_457, %mul3A_458 : vector<16xf32>
        %swap3A_460 = arith.index_cast %rem3A_81 : i32 to index
        %swap3A_461 = arith.index_cast %add3A_453 : i32 to index
        %swap3A_462 = arith.constant 0 : index
        %swap3A_463 = tpu.vector_load %arg12[%swap3A_460, %swap3A_461, %swap3A_462] {strides = array<i32>} : memref<2x128x80xf32, #tpu.memory_space<vmem>>, vector<16xf32>,
        tpu.vector_store %arg12[%swap3A_460, %swap3A_461, %swap3A_462], %mul3A_459 {strides = array<i32>} : memref<2x128x80xf32, #tpu.memory_space<vmem>>, vector<16xf32>,
        %get3A_464 = arith.index_cast %rem3A_81 : i32 to index
        %get3A_465 = arith.index_cast %add3A_453 : i32 to index
        %get3A_466 = arith.constant 16 : index
        %get3A_467 = tpu.vector_load %arg12[%get3A_464, %get3A_465, %get3A_466] {strides = array<i32>} : memref<2x128x80xf32, #tpu.memory_space<vmem>>, vector<16xf32>,
        %mul3A_468 = vector.broadcast %squeeze3A_449 : f32 to vector<16xf32>
        %mul3A_469 = arith.mulf %get3A_467, %mul3A_468 : vector<16xf32>
        %swap3A_470 = arith.index_cast %rem3A_81 : i32 to index
        %swap3A_471 = arith.index_cast %add3A_453 : i32 to index
        %swap3A_472 = arith.constant 16 : index
        %swap3A_473 = tpu.vector_load %arg12[%swap3A_470, %swap3A_471, %swap3A_472] {strides = array<i32>} : memref<2x128x80xf32, #tpu.memory_space<vmem>>, vector<16xf32>,
        tpu.vector_store %arg12[%swap3A_470, %swap3A_471, %swap3A_472], %mul3A_469 {strides = array<i32>} : memref<2x128x80xf32, #tpu.memory_space<vmem>>, vector<16xf32>,
        %get3A_474 = arith.index_cast %rem3A_81 : i32 to index
        %get3A_475 = arith.index_cast %add3A_453 : i32 to index
        %get3A_476 = arith.constant 32 : index
        %get3A_477 = tpu.vector_load %arg12[%get3A_474, %get3A_475, %get3A_476] {strides = array<i32>} : memref<2x128x80xf32, #tpu.memory_space<vmem>>, vector<16xf32>,
        %mul3A_478 = vector.broadcast %squeeze3A_449 : f32 to vector<16xf32>
        %mul3A_479 = arith.mulf %get3A_477, %mul3A_478 : vector<16xf32>
        %swap3A_480 = arith.index_cast %rem3A_81 : i32 to index
        %swap3A_481 = arith.index_cast %add3A_453 : i32 to index
        %swap3A_482 = arith.constant 32 : index
        %swap3A_483 = tpu.vector_load %arg12[%swap3A_480, %swap3A_481, %swap3A_482] {strides = array<i32>} : memref<2x128x80xf32, #tpu.memory_space<vmem>>, vector<16xf32>,
        tpu.vector_store %arg12[%swap3A_480, %swap3A_481, %swap3A_482], %mul3A_479 {strides = array<i32>} : memref<2x128x80xf32, #tpu.memory_space<vmem>>, vector<16xf32>,
        %get3A_484 = arith.index_cast %rem3A_81 : i32 to index
        %get3A_485 = arith.index_cast %add3A_453 : i32 to index
        %get3A_486 = arith.constant 48 : index
        %get3A_487 = tpu.vector_load %arg12[%get3A_484, %get3A_485, %get3A_486] {strides = array<i32>} : memref<2x128x80xf32, #tpu.memory_space<vmem>>, vector<16xf32>,
        %mul3A_488 = vector.broadcast %squeeze3A_449 : f32 to vector<16xf32>
        %mul3A_489 = arith.mulf %get3A_487, %mul3A_488 : vector<16xf32>
        %swap3A_490 = arith.index_cast %rem3A_81 : i32 to index
        %swap3A_491 = arith.index_cast %add3A_453 : i32 to index
        %swap3A_492 = arith.constant 48 : index
        %swap3A_493 = tpu.vector_load %arg12[%swap3A_490, %swap3A_491, %swap3A_492] {strides = array<i32>} : memref<2x128x80xf32, #tpu.memory_space<vmem>>, vector<16xf32>,
        tpu.vector_store %arg12[%swap3A_490, %swap3A_491, %swap3A_492], %mul3A_489 {strides = array<i32>} : memref<2x128x80xf32, #tpu.memory_space<vmem>>, vector<16xf32>,
        %get3A_494 = arith.index_cast %rem3A_81 : i32 to index
        %get3A_495 = arith.index_cast %add3A_453 : i32 to index
        %get3A_496 = arith.constant 64 : index
        %get3A_497 = tpu.vector_load %arg12[%get3A_494, %get3A_495, %get3A_496] {strides = array<i32>} : memref<2x128x80xf32, #tpu.memory_space<vmem>>, vector<16xf32>,
        %mul3A_498 = vector.broadcast %squeeze3A_449 : f32 to vector<16xf32>
        %mul3A_499 = arith.mulf %get3A_497, %mul3A_498 : vector<16xf32>
        %swap3A_500 = arith.index_cast %rem3A_81 : i32 to index
        %swap3A_501 = arith.index_cast %add3A_453 : i32 to index
        %swap3A_502 = arith.constant 64 : index
        %swap3A_503 = tpu.vector_load %arg12[%swap3A_500, %swap3A_501, %swap3A_502] {strides = array<i32>} : memref<2x128x80xf32, #tpu.memory_space<vmem>>, vector<16xf32>,
        tpu.vector_store %arg12[%swap3A_500, %swap3A_501, %swap3A_502], %mul3A_499 {strides = array<i32>} : memref<2x128x80xf32, #tpu.memory_space<vmem>>, vector<16xf32>,
        %slice3A_504 = vector.extract_strided_slice %exp3A {offsets = [7], sizes = [1], strides = [1]} : vector<16xf32> to vector<1xf32>
        %squeeze3A_505 = vector.extract %slice3A_504[0] : f32 from vector<1xf32>
        %mul3A_506 = arith.constant 16 : i32
        %mul3A_507 = arith.muli %scan3A_100, %mul3A_506 : i32
        %add3A_508 = arith.constant 7 : i32
        %add3A_509 = arith.addi %mul3A_507, %add3A_508 : i32
        %get3A_510 = arith.index_cast %rem3A_81 : i32 to index
        %get3A_511 = arith.index_cast %add3A_509 : i32 to index
        %get3A_512 = arith.constant 0 : index
        %get3A_513 = tpu.vector_load %arg12[%get3A_510, %get3A_511, %get3A_512] {strides = array<i32>} : memref<2x128x80xf32, #tpu.memory_space<vmem>>, vector<16xf32>,
        %mul3A_514 = vector.broadcast %squeeze3A_505 : f32 to vector<16xf32>
        %mul3A_515 = arith.mulf %get3A_513, %mul3A_514 : vector<16xf32>
        %swap3A_516 = arith.index_cast %rem3A_81 : i32 to index
        %swap3A_517 = arith.index_cast %add3A_509 : i32 to index
        %swap3A_518 = arith.constant 0 : index
        %swap3A_519 = tpu.vector_load %arg12[%swap3A_516, %swap3A_517, %swap3A_518] {strides = array<i32>} : memref<2x128x80xf32, #tpu.memory_space<vmem>>, vector<16xf32>,
        tpu.vector_store %arg12[%swap3A_516, %swap3A_517, %swap3A_518], %mul3A_515 {strides = array<i32>} : memref<2x128x80xf32, #tpu.memory_space<vmem>>, vector<16xf32>,
        %get3A_520 = arith.index_cast %rem3A_81 : i32 to index
        %get3A_521 = arith.index_cast %add3A_509 : i32 to index
        %get3A_522 = arith.constant 16 : index
        %get3A_523 = tpu.vector_load %arg12[%get3A_520, %get3A_521, %get3A_522] {strides = array<i32>} : memref<2x128x80xf32, #tpu.memory_space<vmem>>, vector<16xf32>,
        %mul3A_524 = vector.broadcast %squeeze3A_505 : f32 to vector<16xf32>
        %mul3A_525 = arith.mulf %get3A_523, %mul3A_524 : vector<16xf32>
        %swap3A_526 = arith.index_cast %rem3A_81 : i32 to index
        %swap3A_527 = arith.index_cast %add3A_509 : i32 to index
        %swap3A_528 = arith.constant 16 : index
        %swap3A_529 = tpu.vector_load %arg12[%swap3A_526, %swap3A_527, %swap3A_528] {strides = array<i32>} : memref<2x128x80xf32, #tpu.memory_space<vmem>>, vector<16xf32>,
        tpu.vector_store %arg12[%swap3A_526, %swap3A_527, %swap3A_528], %mul3A_525 {strides = array<i32>} : memref<2x128x80xf32, #tpu.memory_space<vmem>>, vector<16xf32>,
        %get3A_530 = arith.index_cast %rem3A_81 : i32 to index
        %get3A_531 = arith.index_cast %add3A_509 : i32 to index
        %get3A_532 = arith.constant 32 : index
        %get3A_533 = tpu.vector_load %arg12[%get3A_530, %get3A_531, %get3A_532] {strides = array<i32>} : memref<2x128x80xf32, #tpu.memory_space<vmem>>, vector<16xf32>,
        %mul3A_534 = vector.broadcast %squeeze3A_505 : f32 to vector<16xf32>
        %mul3A_535 = arith.mulf %get3A_533, %mul3A_534 : vector<16xf32>
        %swap3A_536 = arith.index_cast %rem3A_81 : i32 to index
        %swap3A_537 = arith.index_cast %add3A_509 : i32 to index
        %swap3A_538 = arith.constant 32 : index
        %swap3A_539 = tpu.vector_load %arg12[%swap3A_536, %swap3A_537, %swap3A_538] {strides = array<i32>} : memref<2x128x80xf32, #tpu.memory_space<vmem>>, vector<16xf32>,
        tpu.vector_store %arg12[%swap3A_536, %swap3A_537, %swap3A_538], %mul3A_535 {strides = array<i32>} : memref<2x128x80xf32, #tpu.memory_space<vmem>>, vector<16xf32>,
        %get3A_540 = arith.index_cast %rem3A_81 : i32 to index
        %get3A_541 = arith.index_cast %add3A_509 : i32 to index
        %get3A_542 = arith.constant 48 : index
        %get3A_543 = tpu.vector_load %arg12[%get3A_540, %get3A_541, %get3A_542] {strides = array<i32>} : memref<2x128x80xf32, #tpu.memory_space<vmem>>, vector<16xf32>,
        %mul3A_544 = vector.broadcast %squeeze3A_505 : f32 to vector<16xf32>
        %mul3A_545 = arith.mulf %get3A_543, %mul3A_544 : vector<16xf32>
        %swap3A_546 = arith.index_cast %rem3A_81 : i32 to index
        %swap3A_547 = arith.index_cast %add3A_509 : i32 to index
        %swap3A_548 = arith.constant 48 : index
        %swap3A_549 = tpu.vector_load %arg12[%swap3A_546, %swap3A_547, %swap3A_548] {strides = array<i32>} : memref<2x128x80xf32, #tpu.memory_space<vmem>>, vector<16xf32>,
        tpu.vector_store %arg12[%swap3A_546, %swap3A_547, %swap3A_548], %mul3A_545 {strides = array<i32>} : memref<2x128x80xf32, #tpu.memory_space<vmem>>, vector<16xf32>,
        %get3A_550 = arith.index_cast %rem3A_81 : i32 to index
        %get3A_551 = arith.index_cast %add3A_509 : i32 to index
        %get3A_552 = arith.constant 64 : index
        %get3A_553 = tpu.vector_load %arg12[%get3A_550, %get3A_551, %get3A_552] {strides = array<i32>} : memref<2x128x80xf32, #tpu.memory_space<vmem>>, vector<16xf32>,
        %mul3A_554 = vector.broadcast %squeeze3A_505 : f32 to vector<16xf32>
        %mul3A_555 = arith.mulf %get3A_553, %mul3A_554 : vector<16xf32>
        %swap3A_556 = arith.index_cast %rem3A_81 : i32 to index
        %swap3A_557 = arith.index_cast %add3A_509 : i32 to index
        %swap3A_558 = arith.constant 64 : index
        %swap3A_559 = tpu.vector_load %arg12[%swap3A_556, %swap3A_557, %swap3A_558] {strides = array<i32>} : memref<2x128x80xf32, #tpu.memory_space<vmem>>, vector<16xf32>,
        tpu.vector_store %arg12[%swap3A_556, %swap3A_557, %swap3A_558], %mul3A_555 {strides = array<i32>} : memref<2x128x80xf32, #tpu.memory_space<vmem>>, vector<16xf32>,
        %slice3A_560 = vector.extract_strided_slice %exp3A {offsets = [8], sizes = [1], strides = [1]} : vector<16xf32> to vector<1xf32>
        %squeeze3A_561 = vector.extract %slice3A_560[0] : f32 from vector<1xf32>
        %mul3A_562 = arith.constant 16 : i32
        %mul3A_563 = arith.muli %scan3A_100, %mul3A_562 : i32
        %add3A_564 = arith.constant 8 : i32
        %add3A_565 = arith.addi %mul3A_563, %add3A_564 : i32
        %get3A_566 = arith.index_cast %rem3A_81 : i32 to index
        %get3A_567 = arith.index_cast %add3A_565 : i32 to index
        %get3A_568 = arith.constant 0 : index
        %get3A_569 = tpu.vector_load %arg12[%get3A_566, %get3A_567, %get3A_568] {strides = array<i32>} : memref<2x128x80xf32, #tpu.memory_space<vmem>>, vector<16xf32>,
        %mul3A_570 = vector.broadcast %squeeze3A_561 : f32 to vector<16xf32>
        %mul3A_571 = arith.mulf %get3A_569, %mul3A_570 : vector<16xf32>
        %swap3A_572 = arith.index_cast %rem3A_81 : i32 to index
        %swap3A_573 = arith.index_cast %add3A_565 : i32 to index
        %swap3A_574 = arith.constant 0 : index
        %swap3A_575 = tpu.vector_load %arg12[%swap3A_572, %swap3A_573, %swap3A_574] {strides = array<i32>} : memref<2x128x80xf32, #tpu.memory_space<vmem>>, vector<16xf32>,
        tpu.vector_store %arg12[%swap3A_572, %swap3A_573, %swap3A_574], %mul3A_571 {strides = array<i32>} : memref<2x128x80xf32, #tpu.memory_space<vmem>>, vector<16xf32>,
        %get3A_576 = arith.index_cast %rem3A_81 : i32 to index
        %get3A_577 = arith.index_cast %add3A_565 : i32 to index
        %get3A_578 = arith.constant 16 : index
        %get3A_579 = tpu.vector_load %arg12[%get3A_576, %get3A_577, %get3A_578] {strides = array<i32>} : memref<2x128x80xf32, #tpu.memory_space<vmem>>, vector<16xf32>,
        %mul3A_580 = vector.broadcast %squeeze3A_561 : f32 to vector<16xf32>
        %mul3A_581 = arith.mulf %get3A_579, %mul3A_580 : vector<16xf32>
        %swap3A_582 = arith.index_cast %rem3A_81 : i32 to index
        %swap3A_583 = arith.index_cast %add3A_565 : i32 to index
        %swap3A_584 = arith.constant 16 : index
        %swap3A_585 = tpu.vector_load %arg12[%swap3A_582, %swap3A_583, %swap3A_584] {strides = array<i32>} : memref<2x128x80xf32, #tpu.memory_space<vmem>>, vector<16xf32>,
        tpu.vector_store %arg12[%swap3A_582, %swap3A_583, %swap3A_584], %mul3A_581 {strides = array<i32>} : memref<2x128x80xf32, #tpu.memory_space<vmem>>, vector<16xf32>,
        %get3A_586 = arith.index_cast %rem3A_81 : i32 to index
        %get3A_587 = arith.index_cast %add3A_565 : i32 to index
        %get3A_588 = arith.constant 32 : index
        %get3A_589 = tpu.vector_load %arg12[%get3A_586, %get3A_587, %get3A_588] {strides = array<i32>} : memref<2x128x80xf32, #tpu.memory_space<vmem>>, vector<16xf32>,
        %mul3A_590 = vector.broadcast %squeeze3A_561 : f32 to vector<16xf32>
        %mul3A_591 = arith.mulf %get3A_589, %mul3A_590 : vector<16xf32>
        %swap3A_592 = arith.index_cast %rem3A_81 : i32 to index
        %swap3A_593 = arith.index_cast %add3A_565 : i32 to index
        %swap3A_594 = arith.constant 32 : index
        %swap3A_595 = tpu.vector_load %arg12[%swap3A_592, %swap3A_593, %swap3A_594] {strides = array<i32>} : memref<2x128x80xf32, #tpu.memory_space<vmem>>, vector<16xf32>,
        tpu.vector_store %arg12[%swap3A_592, %swap3A_593, %swap3A_594], %mul3A_591 {strides = array<i32>} : memref<2x128x80xf32, #tpu.memory_space<vmem>>, vector<16xf32>,
        %get3A_596 = arith.index_cast %rem3A_81 : i32 to index
        %get3A_597 = arith.index_cast %add3A_565 : i32 to index
        %get3A_598 = arith.constant 48 : index
        %get3A_599 = tpu.vector_load %arg12[%get3A_596, %get3A_597, %get3A_598] {strides = array<i32>} : memref<2x128x80xf32, #tpu.memory_space<vmem>>, vector<16xf32>,
        %mul3A_600 = vector.broadcast %squeeze3A_561 : f32 to vector<16xf32>
        %mul3A_601 = arith.mulf %get3A_599, %mul3A_600 : vector<16xf32>
        %swap3A_602 = arith.index_cast %rem3A_81 : i32 to index
        %swap3A_603 = arith.index_cast %add3A_565 : i32 to index
        %swap3A_604 = arith.constant 48 : index
        %swap3A_605 = tpu.vector_load %arg12[%swap3A_602, %swap3A_603, %swap3A_604] {strides = array<i32>} : memref<2x128x80xf32, #tpu.memory_space<vmem>>, vector<16xf32>,
        tpu.vector_store %arg12[%swap3A_602, %swap3A_603, %swap3A_604], %mul3A_601 {strides = array<i32>} : memref<2x128x80xf32, #tpu.memory_space<vmem>>, vector<16xf32>,
        %get3A_606 = arith.index_cast %rem3A_81 : i32 to index
        %get3A_607 = arith.index_cast %add3A_565 : i32 to index
        %get3A_608 = arith.constant 64 : index
        %get3A_609 = tpu.vector_load %arg12[%get3A_606, %get3A_607, %get3A_608] {strides = array<i32>} : memref<2x128x80xf32, #tpu.memory_space<vmem>>, vector<16xf32>,
        %mul3A_610 = vector.broadcast %squeeze3A_561 : f32 to vector<16xf32>
        %mul3A_611 = arith.mulf %get3A_609, %mul3A_610 : vector<16xf32>
        %swap3A_612 = arith.index_cast %rem3A_81 : i32 to index
        %swap3A_613 = arith.index_cast %add3A_565 : i32 to index
        %swap3A_614 = arith.constant 64 : index
        %swap3A_615 = tpu.vector_load %arg12[%swap3A_612, %swap3A_613, %swap3A_614] {strides = array<i32>} : memref<2x128x80xf32, #tpu.memory_space<vmem>>, vector<16xf32>,
        tpu.vector_store %arg12[%swap3A_612, %swap3A_613, %swap3A_614], %mul3A_611 {strides = array<i32>} : memref<2x128x80xf32, #tpu.memory_space<vmem>>, vector<16xf32>,
        %slice3A_616 = vector.extract_strided_slice %exp3A {offsets = [9], sizes = [1], strides = [1]} : vector<16xf32> to vector<1xf32>
        %squeeze3A_617 = vector.extract %slice3A_616[0] : f32 from vector<1xf32>
        %mul3A_618 = arith.constant 16 : i32
        %mul3A_619 = arith.muli %scan3A_100, %mul3A_618 : i32
        %add3A_620 = arith.constant 9 : i32
        %add3A_621 = arith.addi %mul3A_619, %add3A_620 : i32
        %get3A_622 = arith.index_cast %rem3A_81 : i32 to index
        %get3A_623 = arith.index_cast %add3A_621 : i32 to index
        %get3A_624 = arith.constant 0 : index
        %get3A_625 = tpu.vector_load %arg12[%get3A_622, %get3A_623, %get3A_624] {strides = array<i32>} : memref<2x128x80xf32, #tpu.memory_space<vmem>>, vector<16xf32>,
        %mul3A_626 = vector.broadcast %squeeze3A_617 : f32 to vector<16xf32>
        %mul3A_627 = arith.mulf %get3A_625, %mul3A_626 : vector<16xf32>
        %swap3A_628 = arith.index_cast %rem3A_81 : i32 to index
        %swap3A_629 = arith.index_cast %add3A_621 : i32 to index
        %swap3A_630 = arith.constant 0 : index
        %swap3A_631 = tpu.vector_load %arg12[%swap3A_628, %swap3A_629, %swap3A_630] {strides = array<i32>} : memref<2x128x80xf32, #tpu.memory_space<vmem>>, vector<16xf32>,
        tpu.vector_store %arg12[%swap3A_628, %swap3A_629, %swap3A_630], %mul3A_627 {strides = array<i32>} : memref<2x128x80xf32, #tpu.memory_space<vmem>>, vector<16xf32>,
        %get3A_632 = arith.index_cast %rem3A_81 : i32 to index
        %get3A_633 = arith.index_cast %add3A_621 : i32 to index
        %get3A_634 = arith.constant 16 : index
        %get3A_635 = tpu.vector_load %arg12[%get3A_632, %get3A_633, %get3A_634] {strides = array<i32>} : memref<2x128x80xf32, #tpu.memory_space<vmem>>, vector<16xf32>,
        %mul3A_636 = vector.broadcast %squeeze3A_617 : f32 to vector<16xf32>
        %mul3A_637 = arith.mulf %get3A_635, %mul3A_636 : vector<16xf32>
        %swap3A_638 = arith.index_cast %rem3A_81 : i32 to index
        %swap3A_639 = arith.index_cast %add3A_621 : i32 to index
        %swap3A_640 = arith.constant 16 : index
        %swap3A_641 = tpu.vector_load %arg12[%swap3A_638, %swap3A_639, %swap3A_640] {strides = array<i32>} : memref<2x128x80xf32, #tpu.memory_space<vmem>>, vector<16xf32>,
        tpu.vector_store %arg12[%swap3A_638, %swap3A_639, %swap3A_640], %mul3A_637 {strides = array<i32>} : memref<2x128x80xf32, #tpu.memory_space<vmem>>, vector<16xf32>,
        %get3A_642 = arith.index_cast %rem3A_81 : i32 to index
        %get3A_643 = arith.index_cast %add3A_621 : i32 to index
        %get3A_644 = arith.constant 32 : index
        %get3A_645 = tpu.vector_load %arg12[%get3A_642, %get3A_643, %get3A_644] {strides = array<i32>} : memref<2x128x80xf32, #tpu.memory_space<vmem>>, vector<16xf32>,
        %mul3A_646 = vector.broadcast %squeeze3A_617 : f32 to vector<16xf32>
        %mul3A_647 = arith.mulf %get3A_645, %mul3A_646 : vector<16xf32>
        %swap3A_648 = arith.index_cast %rem3A_81 : i32 to index
        %swap3A_649 = arith.index_cast %add3A_621 : i32 to index
        %swap3A_650 = arith.constant 32 : index
        %swap3A_651 = tpu.vector_load %arg12[%swap3A_648, %swap3A_649, %swap3A_650] {strides = array<i32>} : memref<2x128x80xf32, #tpu.memory_space<vmem>>, vector<16xf32>,
        tpu.vector_store %arg12[%swap3A_648, %swap3A_649, %swap3A_650], %mul3A_647 {strides = array<i32>} : memref<2x128x80xf32, #tpu.memory_space<vmem>>, vector<16xf32>,
        %get3A_652 = arith.index_cast %rem3A_81 : i32 to index
        %get3A_653 = arith.index_cast %add3A_621 : i32 to index
        %get3A_654 = arith.constant 48 : index
        %get3A_655 = tpu.vector_load %arg12[%get3A_652, %get3A_653, %get3A_654] {strides = array<i32>} : memref<2x128x80xf32, #tpu.memory_space<vmem>>, vector<16xf32>,
        %mul3A_656 = vector.broadcast %squeeze3A_617 : f32 to vector<16xf32>
        %mul3A_657 = arith.mulf %get3A_655, %mul3A_656 : vector<16xf32>
        %swap3A_658 = arith.index_cast %rem3A_81 : i32 to index
        %swap3A_659 = arith.index_cast %add3A_621 : i32 to index
        %swap3A_660 = arith.constant 48 : index
        %swap3A_661 = tpu.vector_load %arg12[%swap3A_658, %swap3A_659, %swap3A_660] {strides = array<i32>} : memref<2x128x80xf32, #tpu.memory_space<vmem>>, vector<16xf32>,
        tpu.vector_store %arg12[%swap3A_658, %swap3A_659, %swap3A_660], %mul3A_657 {strides = array<i32>} : memref<2x128x80xf32, #tpu.memory_space<vmem>>, vector<16xf32>,
        %get3A_662 = arith.index_cast %rem3A_81 : i32 to index
        %get3A_663 = arith.index_cast %add3A_621 : i32 to index
        %get3A_664 = arith.constant 64 : index
        %get3A_665 = tpu.vector_load %arg12[%get3A_662, %get3A_663, %get3A_664] {strides = array<i32>} : memref<2x128x80xf32, #tpu.memory_space<vmem>>, vector<16xf32>,
        %mul3A_666 = vector.broadcast %squeeze3A_617 : f32 to vector<16xf32>
        %mul3A_667 = arith.mulf %get3A_665, %mul3A_666 : vector<16xf32>
        %swap3A_668 = arith.index_cast %rem3A_81 : i32 to index
        %swap3A_669 = arith.index_cast %add3A_621 : i32 to index
        %swap3A_670 = arith.constant 64 : index
        %swap3A_671 = tpu.vector_load %arg12[%swap3A_668, %swap3A_669, %swap3A_670] {strides = array<i32>} : memref<2x128x80xf32, #tpu.memory_space<vmem>>, vector<16xf32>,
        tpu.vector_store %arg12[%swap3A_668, %swap3A_669, %swap3A_670], %mul3A_667 {strides = array<i32>} : memref<2x128x80xf32, #tpu.memory_space<vmem>>, vector<16xf32>,
        %slice3A_672 = vector.extract_strided_slice %exp3A {offsets = [10], sizes = [1], strides = [1]} : vector<16xf32> to vector<1xf32>
        %squeeze3A_673 = vector.extract %slice3A_672[0] : f32 from vector<1xf32>
        %mul3A_674 = arith.constant 16 : i32
        %mul3A_675 = arith.muli %scan3A_100, %mul3A_674 : i32
        %add3A_676 = arith.constant 10 : i32
        %add3A_677 = arith.addi %mul3A_675, %add3A_676 : i32
        %get3A_678 = arith.index_cast %rem3A_81 : i32 to index
        %get3A_679 = arith.index_cast %add3A_677 : i32 to index
        %get3A_680 = arith.constant 0 : index
        %get3A_681 = tpu.vector_load %arg12[%get3A_678, %get3A_679, %get3A_680] {strides = array<i32>} : memref<2x128x80xf32, #tpu.memory_space<vmem>>, vector<16xf32>,
        %mul3A_682 = vector.broadcast %squeeze3A_673 : f32 to vector<16xf32>
        %mul3A_683 = arith.mulf %get3A_681, %mul3A_682 : vector<16xf32>
        %swap3A_684 = arith.index_cast %rem3A_81 : i32 to index
        %swap3A_685 = arith.index_cast %add3A_677 : i32 to index
        %swap3A_686 = arith.constant 0 : index
        %swap3A_687 = tpu.vector_load %arg12[%swap3A_684, %swap3A_685, %swap3A_686] {strides = array<i32>} : memref<2x128x80xf32, #tpu.memory_space<vmem>>, vector<16xf32>,
        tpu.vector_store %arg12[%swap3A_684, %swap3A_685, %swap3A_686], %mul3A_683 {strides = array<i32>} : memref<2x128x80xf32, #tpu.memory_space<vmem>>, vector<16xf32>,
        %get3A_688 = arith.index_cast %rem3A_81 : i32 to index
        %get3A_689 = arith.index_cast %add3A_677 : i32 to index
        %get3A_690 = arith.constant 16 : index
        %get3A_691 = tpu.vector_load %arg12[%get3A_688, %get3A_689, %get3A_690] {strides = array<i32>} : memref<2x128x80xf32, #tpu.memory_space<vmem>>, vector<16xf32>,
        %mul3A_692 = vector.broadcast %squeeze3A_673 : f32 to vector<16xf32>
        %mul3A_693 = arith.mulf %get3A_691, %mul3A_692 : vector<16xf32>
        %swap3A_694 = arith.index_cast %rem3A_81 : i32 to index
        %swap3A_695 = arith.index_cast %add3A_677 : i32 to index
        %swap3A_696 = arith.constant 16 : index
        %swap3A_697 = tpu.vector_load %arg12[%swap3A_694, %swap3A_695, %swap3A_696] {strides = array<i32>} : memref<2x128x80xf32, #tpu.memory_space<vmem>>, vector<16xf32>,
        tpu.vector_store %arg12[%swap3A_694, %swap3A_695, %swap3A_696], %mul3A_693 {strides = array<i32>} : memref<2x128x80xf32, #tpu.memory_space<vmem>>, vector<16xf32>,
        %get3A_698 = arith.index_cast %rem3A_81 : i32 to index
        %get3A_699 = arith.index_cast %add3A_677 : i32 to index
        %get3A_700 = arith.constant 32 : index
        %get3A_701 = tpu.vector_load %arg12[%get3A_698, %get3A_699, %get3A_700] {strides = array<i32>} : memref<2x128x80xf32, #tpu.memory_space<vmem>>, vector<16xf32>,
        %mul3A_702 = vector.broadcast %squeeze3A_673 : f32 to vector<16xf32>
        %mul3A_703 = arith.mulf %get3A_701, %mul3A_702 : vector<16xf32>
        %swap3A_704 = arith.index_cast %rem3A_81 : i32 to index
        %swap3A_705 = arith.index_cast %add3A_677 : i32 to index
        %swap3A_706 = arith.constant 32 : index
        %swap3A_707 = tpu.vector_load %arg12[%swap3A_704, %swap3A_705, %swap3A_706] {strides = array<i32>} : memref<2x128x80xf32, #tpu.memory_space<vmem>>, vector<16xf32>,
        tpu.vector_store %arg12[%swap3A_704, %swap3A_705, %swap3A_706], %mul3A_703 {strides = array<i32>} : memref<2x128x80xf32, #tpu.memory_space<vmem>>, vector<16xf32>,
        %get3A_708 = arith.index_cast %rem3A_81 : i32 to index
        %get3A_709 = arith.index_cast %add3A_677 : i32 to index
        %get3A_710 = arith.constant 48 : index
        %get3A_711 = tpu.vector_load %arg12[%get3A_708, %get3A_709, %get3A_710] {strides = array<i32>} : memref<2x128x80xf32, #tpu.memory_space<vmem>>, vector<16xf32>,
        %mul3A_712 = vector.broadcast %squeeze3A_673 : f32 to vector<16xf32>
        %mul3A_713 = arith.mulf %get3A_711, %mul3A_712 : vector<16xf32>
        %swap3A_714 = arith.index_cast %rem3A_81 : i32 to index
        %swap3A_715 = arith.index_cast %add3A_677 : i32 to index
        %swap3A_716 = arith.constant 48 : index
        %swap3A_717 = tpu.vector_load %arg12[%swap3A_714, %swap3A_715, %swap3A_716] {strides = array<i32>} : memref<2x128x80xf32, #tpu.memory_space<vmem>>, vector<16xf32>,
        tpu.vector_store %arg12[%swap3A_714, %swap3A_715, %swap3A_716], %mul3A_713 {strides = array<i32>} : memref<2x128x80xf32, #tpu.memory_space<vmem>>, vector<16xf32>,
        %get3A_718 = arith.index_cast %rem3A_81 : i32 to index
        %get3A_719 = arith.index_cast %add3A_677 : i32 to index
        %get3A_720 = arith.constant 64 : index
        %get3A_721 = tpu.vector_load %arg12[%get3A_718, %get3A_719, %get3A_720] {strides = array<i32>} : memref<2x128x80xf32, #tpu.memory_space<vmem>>, vector<16xf32>,
        %mul3A_722 = vector.broadcast %squeeze3A_673 : f32 to vector<16xf32>
        %mul3A_723 = arith.mulf %get3A_721, %mul3A_722 : vector<16xf32>
        %swap3A_724 = arith.index_cast %rem3A_81 : i32 to index
        %swap3A_725 = arith.index_cast %add3A_677 : i32 to index
        %swap3A_726 = arith.constant 64 : index
        %swap3A_727 = tpu.vector_load %arg12[%swap3A_724, %swap3A_725, %swap3A_726] {strides = array<i32>} : memref<2x128x80xf32, #tpu.memory_space<vmem>>, vector<16xf32>,
        tpu.vector_store %arg12[%swap3A_724, %swap3A_725, %swap3A_726], %mul3A_723 {strides = array<i32>} : memref<2x128x80xf32, #tpu.memory_space<vmem>>, vector<16xf32>,
        %slice3A_728 = vector.extract_strided_slice %exp3A {offsets = [11], sizes = [1], strides = [1]} : vector<16xf32> to vector<1xf32>
        %squeeze3A_729 = vector.extract %slice3A_728[0] : f32 from vector<1xf32>
        %mul3A_730 = arith.constant 16 : i32
        %mul3A_731 = arith.muli %scan3A_100, %mul3A_730 : i32
        %add3A_732 = arith.constant 11 : i32
        %add3A_733 = arith.addi %mul3A_731, %add3A_732 : i32
        %get3A_734 = arith.index_cast %rem3A_81 : i32 to index
        %get3A_735 = arith.index_cast %add3A_733 : i32 to index
        %get3A_736 = arith.constant 0 : index
        %get3A_737 = tpu.vector_load %arg12[%get3A_734, %get3A_735, %get3A_736] {strides = array<i32>} : memref<2x128x80xf32, #tpu.memory_space<vmem>>, vector<16xf32>,
        %mul3A_738 = vector.broadcast %squeeze3A_729 : f32 to vector<16xf32>
        %mul3A_739 = arith.mulf %get3A_737, %mul3A_738 : vector<16xf32>
        %swap3A_740 = arith.index_cast %rem3A_81 : i32 to index
        %swap3A_741 = arith.index_cast %add3A_733 : i32 to index
        %swap3A_742 = arith.constant 0 : index
        %swap3A_743 = tpu.vector_load %arg12[%swap3A_740, %swap3A_741, %swap3A_742] {strides = array<i32>} : memref<2x128x80xf32, #tpu.memory_space<vmem>>, vector<16xf32>,
        tpu.vector_store %arg12[%swap3A_740, %swap3A_741, %swap3A_742], %mul3A_739 {strides = array<i32>} : memref<2x128x80xf32, #tpu.memory_space<vmem>>, vector<16xf32>,
        %get3A_744 = arith.index_cast %rem3A_81 : i32 to index
        %get3A_745 = arith.index_cast %add3A_733 : i32 to index
        %get3A_746 = arith.constant 16 : index
        %get3A_747 = tpu.vector_load %arg12[%get3A_744, %get3A_745, %get3A_746] {strides = array<i32>} : memref<2x128x80xf32, #tpu.memory_space<vmem>>, vector<16xf32>,
        %mul3A_748 = vector.broadcast %squeeze3A_729 : f32 to vector<16xf32>
        %mul3A_749 = arith.mulf %get3A_747, %mul3A_748 : vector<16xf32>
        %swap3A_750 = arith.index_cast %rem3A_81 : i32 to index
        %swap3A_751 = arith.index_cast %add3A_733 : i32 to index
        %swap3A_752 = arith.constant 16 : index
        %swap3A_753 = tpu.vector_load %arg12[%swap3A_750, %swap3A_751, %swap3A_752] {strides = array<i32>} : memref<2x128x80xf32, #tpu.memory_space<vmem>>, vector<16xf32>,
        tpu.vector_store %arg12[%swap3A_750, %swap3A_751, %swap3A_752], %mul3A_749 {strides = array<i32>} : memref<2x128x80xf32, #tpu.memory_space<vmem>>, vector<16xf32>,
        %get3A_754 = arith.index_cast %rem3A_81 : i32 to index
        %get3A_755 = arith.index_cast %add3A_733 : i32 to index
        %get3A_756 = arith.constant 32 : index
        %get3A_757 = tpu.vector_load %arg12[%get3A_754, %get3A_755, %get3A_756] {strides = array<i32>} : memref<2x128x80xf32, #tpu.memory_space<vmem>>, vector<16xf32>,
        %mul3A_758 = vector.broadcast %squeeze3A_729 : f32 to vector<16xf32>
        %mul3A_759 = arith.mulf %get3A_757, %mul3A_758 : vector<16xf32>
        %swap3A_760 = arith.index_cast %rem3A_81 : i32 to index
        %swap3A_761 = arith.index_cast %add3A_733 : i32 to index
        %swap3A_762 = arith.constant 32 : index
        %swap3A_763 = tpu.vector_load %arg12[%swap3A_760, %swap3A_761, %swap3A_762] {strides = array<i32>} : memref<2x128x80xf32, #tpu.memory_space<vmem>>, vector<16xf32>,
        tpu.vector_store %arg12[%swap3A_760, %swap3A_761, %swap3A_762], %mul3A_759 {strides = array<i32>} : memref<2x128x80xf32, #tpu.memory_space<vmem>>, vector<16xf32>,
        %get3A_764 = arith.index_cast %rem3A_81 : i32 to index
        %get3A_765 = arith.index_cast %add3A_733 : i32 to index
        %get3A_766 = arith.constant 48 : index
        %get3A_767 = tpu.vector_load %arg12[%get3A_764, %get3A_765, %get3A_766] {strides = array<i32>} : memref<2x128x80xf32, #tpu.memory_space<vmem>>, vector<16xf32>,
        %mul3A_768 = vector.broadcast %squeeze3A_729 : f32 to vector<16xf32>
        %mul3A_769 = arith.mulf %get3A_767, %mul3A_768 : vector<16xf32>
        %swap3A_770 = arith.index_cast %rem3A_81 : i32 to index
        %swap3A_771 = arith.index_cast %add3A_733 : i32 to index
        %swap3A_772 = arith.constant 48 : index
        %swap3A_773 = tpu.vector_load %arg12[%swap3A_770, %swap3A_771, %swap3A_772] {strides = array<i32>} : memref<2x128x80xf32, #tpu.memory_space<vmem>>, vector<16xf32>,
        tpu.vector_store %arg12[%swap3A_770, %swap3A_771, %swap3A_772], %mul3A_769 {strides = array<i32>} : memref<2x128x80xf32, #tpu.memory_space<vmem>>, vector<16xf32>,
        %get3A_774 = arith.index_cast %rem3A_81 : i32 to index
        %get3A_775 = arith.index_cast %add3A_733 : i32 to index
        %get3A_776 = arith.constant 64 : index
        %get3A_777 = tpu.vector_load %arg12[%get3A_774, %get3A_775, %get3A_776] {strides = array<i32>} : memref<2x128x80xf32, #tpu.memory_space<vmem>>, vector<16xf32>,
        %mul3A_778 = vector.broadcast %squeeze3A_729 : f32 to vector<16xf32>
        %mul3A_779 = arith.mulf %get3A_777, %mul3A_778 : vector<16xf32>
        %swap3A_780 = arith.index_cast %rem3A_81 : i32 to index
        %swap3A_781 = arith.index_cast %add3A_733 : i32 to index
        %swap3A_782 = arith.constant 64 : index
        %swap3A_783 = tpu.vector_load %arg12[%swap3A_780, %swap3A_781, %swap3A_782] {strides = array<i32>} : memref<2x128x80xf32, #tpu.memory_space<vmem>>, vector<16xf32>,
        tpu.vector_store %arg12[%swap3A_780, %swap3A_781, %swap3A_782], %mul3A_779 {strides = array<i32>} : memref<2x128x80xf32, #tpu.memory_space<vmem>>, vector<16xf32>,
        %slice3A_784 = vector.extract_strided_slice %exp3A {offsets = [12], sizes = [1], strides = [1]} : vector<16xf32> to vector<1xf32>
        %squeeze3A_785 = vector.extract %slice3A_784[0] : f32 from vector<1xf32>
        %mul3A_786 = arith.constant 16 : i32
        %mul3A_787 = arith.muli %scan3A_100, %mul3A_786 : i32
        %add3A_788 = arith.constant 12 : i32
        %add3A_789 = arith.addi %mul3A_787, %add3A_788 : i32
        %get3A_790 = arith.index_cast %rem3A_81 : i32 to index
        %get3A_791 = arith.index_cast %add3A_789 : i32 to index
        %get3A_792 = arith.constant 0 : index
        %get3A_793 = tpu.vector_load %arg12[%get3A_790, %get3A_791, %get3A_792] {strides = array<i32>} : memref<2x128x80xf32, #tpu.memory_space<vmem>>, vector<16xf32>,
        %mul3A_794 = vector.broadcast %squeeze3A_785 : f32 to vector<16xf32>
        %mul3A_795 = arith.mulf %get3A_793, %mul3A_794 : vector<16xf32>
        %swap3A_796 = arith.index_cast %rem3A_81 : i32 to index
        %swap3A_797 = arith.index_cast %add3A_789 : i32 to index
        %swap3A_798 = arith.constant 0 : index
        %swap3A_799 = tpu.vector_load %arg12[%swap3A_796, %swap3A_797, %swap3A_798] {strides = array<i32>} : memref<2x128x80xf32, #tpu.memory_space<vmem>>, vector<16xf32>,
        tpu.vector_store %arg12[%swap3A_796, %swap3A_797, %swap3A_798], %mul3A_795 {strides = array<i32>} : memref<2x128x80xf32, #tpu.memory_space<vmem>>, vector<16xf32>,
        %get3A_800 = arith.index_cast %rem3A_81 : i32 to index
        %get3A_801 = arith.index_cast %add3A_789 : i32 to index
        %get3A_802 = arith.constant 16 : index
        %get3A_803 = tpu.vector_load %arg12[%get3A_800, %get3A_801, %get3A_802] {strides = array<i32>} : memref<2x128x80xf32, #tpu.memory_space<vmem>>, vector<16xf32>,
        %mul3A_804 = vector.broadcast %squeeze3A_785 : f32 to vector<16xf32>
        %mul3A_805 = arith.mulf %get3A_803, %mul3A_804 : vector<16xf32>
        %swap3A_806 = arith.index_cast %rem3A_81 : i32 to index
        %swap3A_807 = arith.index_cast %add3A_789 : i32 to index
        %swap3A_808 = arith.constant 16 : index
        %swap3A_809 = tpu.vector_load %arg12[%swap3A_806, %swap3A_807, %swap3A_808] {strides = array<i32>} : memref<2x128x80xf32, #tpu.memory_space<vmem>>, vector<16xf32>,
        tpu.vector_store %arg12[%swap3A_806, %swap3A_807, %swap3A_808], %mul3A_805 {strides = array<i32>} : memref<2x128x80xf32, #tpu.memory_space<vmem>>, vector<16xf32>,
        %get3A_810 = arith.index_cast %rem3A_81 : i32 to index
        %get3A_811 = arith.index_cast %add3A_789 : i32 to index
        %get3A_812 = arith.constant 32 : index
        %get3A_813 = tpu.vector_load %arg12[%get3A_810, %get3A_811, %get3A_812] {strides = array<i32>} : memref<2x128x80xf32, #tpu.memory_space<vmem>>, vector<16xf32>,
        %mul3A_814 = vector.broadcast %squeeze3A_785 : f32 to vector<16xf32>
        %mul3A_815 = arith.mulf %get3A_813, %mul3A_814 : vector<16xf32>
        %swap3A_816 = arith.index_cast %rem3A_81 : i32 to index
        %swap3A_817 = arith.index_cast %add3A_789 : i32 to index
        %swap3A_818 = arith.constant 32 : index
        %swap3A_819 = tpu.vector_load %arg12[%swap3A_816, %swap3A_817, %swap3A_818] {strides = array<i32>} : memref<2x128x80xf32, #tpu.memory_space<vmem>>, vector<16xf32>,
        tpu.vector_store %arg12[%swap3A_816, %swap3A_817, %swap3A_818], %mul3A_815 {strides = array<i32>} : memref<2x128x80xf32, #tpu.memory_space<vmem>>, vector<16xf32>,
        %get3A_820 = arith.index_cast %rem3A_81 : i32 to index
        %get3A_821 = arith.index_cast %add3A_789 : i32 to index
        %get3A_822 = arith.constant 48 : index
        %get3A_823 = tpu.vector_load %arg12[%get3A_820, %get3A_821, %get3A_822] {strides = array<i32>} : memref<2x128x80xf32, #tpu.memory_space<vmem>>, vector<16xf32>,
        %mul3A_824 = vector.broadcast %squeeze3A_785 : f32 to vector<16xf32>
        %mul3A_825 = arith.mulf %get3A_823, %mul3A_824 : vector<16xf32>
        %swap3A_826 = arith.index_cast %rem3A_81 : i32 to index
        %swap3A_827 = arith.index_cast %add3A_789 : i32 to index
        %swap3A_828 = arith.constant 48 : index
        %swap3A_829 = tpu.vector_load %arg12[%swap3A_826, %swap3A_827, %swap3A_828] {strides = array<i32>} : memref<2x128x80xf32, #tpu.memory_space<vmem>>, vector<16xf32>,
        tpu.vector_store %arg12[%swap3A_826, %swap3A_827, %swap3A_828], %mul3A_825 {strides = array<i32>} : memref<2x128x80xf32, #tpu.memory_space<vmem>>, vector<16xf32>,
        %get3A_830 = arith.index_cast %rem3A_81 : i32 to index
        %get3A_831 = arith.index_cast %add3A_789 : i32 to index
        %get3A_832 = arith.constant 64 : index
        %get3A_833 = tpu.vector_load %arg12[%get3A_830, %get3A_831, %get3A_832] {strides = array<i32>} : memref<2x128x80xf32, #tpu.memory_space<vmem>>, vector<16xf32>,
        %mul3A_834 = vector.broadcast %squeeze3A_785 : f32 to vector<16xf32>
        %mul3A_835 = arith.mulf %get3A_833, %mul3A_834 : vector<16xf32>
        %swap3A_836 = arith.index_cast %rem3A_81 : i32 to index
        %swap3A_837 = arith.index_cast %add3A_789 : i32 to index
        %swap3A_838 = arith.constant 64 : index
        %swap3A_839 = tpu.vector_load %arg12[%swap3A_836, %swap3A_837, %swap3A_838] {strides = array<i32>} : memref<2x128x80xf32, #tpu.memory_space<vmem>>, vector<16xf32>,
        tpu.vector_store %arg12[%swap3A_836, %swap3A_837, %swap3A_838], %mul3A_835 {strides = array<i32>} : memref<2x128x80xf32, #tpu.memory_space<vmem>>, vector<16xf32>,
        %slice3A_840 = vector.extract_strided_slice %exp3A {offsets = [13], sizes = [1], strides = [1]} : vector<16xf32> to vector<1xf32>
        %squeeze3A_841 = vector.extract %slice3A_840[0] : f32 from vector<1xf32>
        %mul3A_842 = arith.constant 16 : i32
        %mul3A_843 = arith.muli %scan3A_100, %mul3A_842 : i32
        %add3A_844 = arith.constant 13 : i32
        %add3A_845 = arith.addi %mul3A_843, %add3A_844 : i32
        %get3A_846 = arith.index_cast %rem3A_81 : i32 to index
        %get3A_847 = arith.index_cast %add3A_845 : i32 to index
        %get3A_848 = arith.constant 0 : index
        %get3A_849 = tpu.vector_load %arg12[%get3A_846, %get3A_847, %get3A_848] {strides = array<i32>} : memref<2x128x80xf32, #tpu.memory_space<vmem>>, vector<16xf32>,
        %mul3A_850 = vector.broadcast %squeeze3A_841 : f32 to vector<16xf32>
        %mul3A_851 = arith.mulf %get3A_849, %mul3A_850 : vector<16xf32>
        %swap3A_852 = arith.index_cast %rem3A_81 : i32 to index
        %swap3A_853 = arith.index_cast %add3A_845 : i32 to index
        %swap3A_854 = arith.constant 0 : index
        %swap3A_855 = tpu.vector_load %arg12[%swap3A_852, %swap3A_853, %swap3A_854] {strides = array<i32>} : memref<2x128x80xf32, #tpu.memory_space<vmem>>, vector<16xf32>,
        tpu.vector_store %arg12[%swap3A_852, %swap3A_853, %swap3A_854], %mul3A_851 {strides = array<i32>} : memref<2x128x80xf32, #tpu.memory_space<vmem>>, vector<16xf32>,
        %get3A_856 = arith.index_cast %rem3A_81 : i32 to index
        %get3A_857 = arith.index_cast %add3A_845 : i32 to index
        %get3A_858 = arith.constant 16 : index
        %get3A_859 = tpu.vector_load %arg12[%get3A_856, %get3A_857, %get3A_858] {strides = array<i32>} : memref<2x128x80xf32, #tpu.memory_space<vmem>>, vector<16xf32>,
        %mul3A_860 = vector.broadcast %squeeze3A_841 : f32 to vector<16xf32>
        %mul3A_861 = arith.mulf %get3A_859, %mul3A_860 : vector<16xf32>
        %swap3A_862 = arith.index_cast %rem3A_81 : i32 to index
        %swap3A_863 = arith.index_cast %add3A_845 : i32 to index
        %swap3A_864 = arith.constant 16 : index
        %swap3A_865 = tpu.vector_load %arg12[%swap3A_862, %swap3A_863, %swap3A_864] {strides = array<i32>} : memref<2x128x80xf32, #tpu.memory_space<vmem>>, vector<16xf32>,
        tpu.vector_store %arg12[%swap3A_862, %swap3A_863, %swap3A_864], %mul3A_861 {strides = array<i32>} : memref<2x128x80xf32, #tpu.memory_space<vmem>>, vector<16xf32>,
        %get3A_866 = arith.index_cast %rem3A_81 : i32 to index
        %get3A_867 = arith.index_cast %add3A_845 : i32 to index
        %get3A_868 = arith.constant 32 : index
        %get3A_869 = tpu.vector_load %arg12[%get3A_866, %get3A_867, %get3A_868] {strides = array<i32>} : memref<2x128x80xf32, #tpu.memory_space<vmem>>, vector<16xf32>,
        %mul3A_870 = vector.broadcast %squeeze3A_841 : f32 to vector<16xf32>
        %mul3A_871 = arith.mulf %get3A_869, %mul3A_870 : vector<16xf32>
        %swap3A_872 = arith.index_cast %rem3A_81 : i32 to index
        %swap3A_873 = arith.index_cast %add3A_845 : i32 to index
        %swap3A_874 = arith.constant 32 : index
        %swap3A_875 = tpu.vector_load %arg12[%swap3A_872, %swap3A_873, %swap3A_874] {strides = array<i32>} : memref<2x128x80xf32, #tpu.memory_space<vmem>>, vector<16xf32>,
        tpu.vector_store %arg12[%swap3A_872, %swap3A_873, %swap3A_874], %mul3A_871 {strides = array<i32>} : memref<2x128x80xf32, #tpu.memory_space<vmem>>, vector<16xf32>,
        %get3A_876 = arith.index_cast %rem3A_81 : i32 to index
        %get3A_877 = arith.index_cast %add3A_845 : i32 to index
        %get3A_878 = arith.constant 48 : index
        %get3A_879 = tpu.vector_load %arg12[%get3A_876, %get3A_877, %get3A_878] {strides = array<i32>} : memref<2x128x80xf32, #tpu.memory_space<vmem>>, vector<16xf32>,
        %mul3A_880 = vector.broadcast %squeeze3A_841 : f32 to vector<16xf32>
        %mul3A_881 = arith.mulf %get3A_879, %mul3A_880 : vector<16xf32>
        %swap3A_882 = arith.index_cast %rem3A_81 : i32 to index
        %swap3A_883 = arith.index_cast %add3A_845 : i32 to index
        %swap3A_884 = arith.constant 48 : index
        %swap3A_885 = tpu.vector_load %arg12[%swap3A_882, %swap3A_883, %swap3A_884] {strides = array<i32>} : memref<2x128x80xf32, #tpu.memory_space<vmem>>, vector<16xf32>,
        tpu.vector_store %arg12[%swap3A_882, %swap3A_883, %swap3A_884], %mul3A_881 {strides = array<i32>} : memref<2x128x80xf32, #tpu.memory_space<vmem>>, vector<16xf32>,
        %get3A_886 = arith.index_cast %rem3A_81 : i32 to index
        %get3A_887 = arith.index_cast %add3A_845 : i32 to index
        %get3A_888 = arith.constant 64 : index
        %get3A_889 = tpu.vector_load %arg12[%get3A_886, %get3A_887, %get3A_888] {strides = array<i32>} : memref<2x128x80xf32, #tpu.memory_space<vmem>>, vector<16xf32>,
        %mul3A_890 = vector.broadcast %squeeze3A_841 : f32 to vector<16xf32>
        %mul3A_891 = arith.mulf %get3A_889, %mul3A_890 : vector<16xf32>
        %swap3A_892 = arith.index_cast %rem3A_81 : i32 to index
        %swap3A_893 = arith.index_cast %add3A_845 : i32 to index
        %swap3A_894 = arith.constant 64 : index
        %swap3A_895 = tpu.vector_load %arg12[%swap3A_892, %swap3A_893, %swap3A_894] {strides = array<i32>} : memref<2x128x80xf32, #tpu.memory_space<vmem>>, vector<16xf32>,
        tpu.vector_store %arg12[%swap3A_892, %swap3A_893, %swap3A_894], %mul3A_891 {strides = array<i32>} : memref<2x128x80xf32, #tpu.memory_space<vmem>>, vector<16xf32>,
        %slice3A_896 = vector.extract_strided_slice %exp3A {offsets = [14], sizes = [1], strides = [1]} : vector<16xf32> to vector<1xf32>
        %squeeze3A_897 = vector.extract %slice3A_896[0] : f32 from vector<1xf32>
        %mul3A_898 = arith.constant 16 : i32
        %mul3A_899 = arith.muli %scan3A_100, %mul3A_898 : i32
        %add3A_900 = arith.constant 14 : i32
        %add3A_901 = arith.addi %mul3A_899, %add3A_900 : i32
        %get3A_902 = arith.index_cast %rem3A_81 : i32 to index
        %get3A_903 = arith.index_cast %add3A_901 : i32 to index
        %get3A_904 = arith.constant 0 : index
        %get3A_905 = tpu.vector_load %arg12[%get3A_902, %get3A_903, %get3A_904] {strides = array<i32>} : memref<2x128x80xf32, #tpu.memory_space<vmem>>, vector<16xf32>,
        %mul3A_906 = vector.broadcast %squeeze3A_897 : f32 to vector<16xf32>
        %mul3A_907 = arith.mulf %get3A_905, %mul3A_906 : vector<16xf32>
        %swap3A_908 = arith.index_cast %rem3A_81 : i32 to index
        %swap3A_909 = arith.index_cast %add3A_901 : i32 to index
        %swap3A_910 = arith.constant 0 : index
        %swap3A_911 = tpu.vector_load %arg12[%swap3A_908, %swap3A_909, %swap3A_910] {strides = array<i32>} : memref<2x128x80xf32, #tpu.memory_space<vmem>>, vector<16xf32>,
        tpu.vector_store %arg12[%swap3A_908, %swap3A_909, %swap3A_910], %mul3A_907 {strides = array<i32>} : memref<2x128x80xf32, #tpu.memory_space<vmem>>, vector<16xf32>,
        %get3A_912 = arith.index_cast %rem3A_81 : i32 to index
        %get3A_913 = arith.index_cast %add3A_901 : i32 to index
        %get3A_914 = arith.constant 16 : index
        %get3A_915 = tpu.vector_load %arg12[%get3A_912, %get3A_913, %get3A_914] {strides = array<i32>} : memref<2x128x80xf32, #tpu.memory_space<vmem>>, vector<16xf32>,
        %mul3A_916 = vector.broadcast %squeeze3A_897 : f32 to vector<16xf32>
        %mul3A_917 = arith.mulf %get3A_915, %mul3A_916 : vector<16xf32>
        %swap3A_918 = arith.index_cast %rem3A_81 : i32 to index
        %swap3A_919 = arith.index_cast %add3A_901 : i32 to index
        %swap3A_920 = arith.constant 16 : index
        %swap3A_921 = tpu.vector_load %arg12[%swap3A_918, %swap3A_919, %swap3A_920] {strides = array<i32>} : memref<2x128x80xf32, #tpu.memory_space<vmem>>, vector<16xf32>,
        tpu.vector_store %arg12[%swap3A_918, %swap3A_919, %swap3A_920], %mul3A_917 {strides = array<i32>} : memref<2x128x80xf32, #tpu.memory_space<vmem>>, vector<16xf32>,
        %get3A_922 = arith.index_cast %rem3A_81 : i32 to index
        %get3A_923 = arith.index_cast %add3A_901 : i32 to index
        %get3A_924 = arith.constant 32 : index
        %get3A_925 = tpu.vector_load %arg12[%get3A_922, %get3A_923, %get3A_924] {strides = array<i32>} : memref<2x128x80xf32, #tpu.memory_space<vmem>>, vector<16xf32>,
        %mul3A_926 = vector.broadcast %squeeze3A_897 : f32 to vector<16xf32>
        %mul3A_927 = arith.mulf %get3A_925, %mul3A_926 : vector<16xf32>
        %swap3A_928 = arith.index_cast %rem3A_81 : i32 to index
        %swap3A_929 = arith.index_cast %add3A_901 : i32 to index
        %swap3A_930 = arith.constant 32 : index
        %swap3A_931 = tpu.vector_load %arg12[%swap3A_928, %swap3A_929, %swap3A_930] {strides = array<i32>} : memref<2x128x80xf32, #tpu.memory_space<vmem>>, vector<16xf32>,
        tpu.vector_store %arg12[%swap3A_928, %swap3A_929, %swap3A_930], %mul3A_927 {strides = array<i32>} : memref<2x128x80xf32, #tpu.memory_space<vmem>>, vector<16xf32>,
        %get3A_932 = arith.index_cast %rem3A_81 : i32 to index
        %get3A_933 = arith.index_cast %add3A_901 : i32 to index
        %get3A_934 = arith.constant 48 : index
        %get3A_935 = tpu.vector_load %arg12[%get3A_932, %get3A_933, %get3A_934] {strides = array<i32>} : memref<2x128x80xf32, #tpu.memory_space<vmem>>, vector<16xf32>,
        %mul3A_936 = vector.broadcast %squeeze3A_897 : f32 to vector<16xf32>
        %mul3A_937 = arith.mulf %get3A_935, %mul3A_936 : vector<16xf32>
        %swap3A_938 = arith.index_cast %rem3A_81 : i32 to index
        %swap3A_939 = arith.index_cast %add3A_901 : i32 to index
        %swap3A_940 = arith.constant 48 : index
        %swap3A_941 = tpu.vector_load %arg12[%swap3A_938, %swap3A_939, %swap3A_940] {strides = array<i32>} : memref<2x128x80xf32, #tpu.memory_space<vmem>>, vector<16xf32>,
        tpu.vector_store %arg12[%swap3A_938, %swap3A_939, %swap3A_940], %mul3A_937 {strides = array<i32>} : memref<2x128x80xf32, #tpu.memory_space<vmem>>, vector<16xf32>,
        %get3A_942 = arith.index_cast %rem3A_81 : i32 to index
        %get3A_943 = arith.index_cast %add3A_901 : i32 to index
        %get3A_944 = arith.constant 64 : index
        %get3A_945 = tpu.vector_load %arg12[%get3A_942, %get3A_943, %get3A_944] {strides = array<i32>} : memref<2x128x80xf32, #tpu.memory_space<vmem>>, vector<16xf32>,
        %mul3A_946 = vector.broadcast %squeeze3A_897 : f32 to vector<16xf32>
        %mul3A_947 = arith.mulf %get3A_945, %mul3A_946 : vector<16xf32>
        %swap3A_948 = arith.index_cast %rem3A_81 : i32 to index
        %swap3A_949 = arith.index_cast %add3A_901 : i32 to index
        %swap3A_950 = arith.constant 64 : index
        %swap3A_951 = tpu.vector_load %arg12[%swap3A_948, %swap3A_949, %swap3A_950] {strides = array<i32>} : memref<2x128x80xf32, #tpu.memory_space<vmem>>, vector<16xf32>,
        tpu.vector_store %arg12[%swap3A_948, %swap3A_949, %swap3A_950], %mul3A_947 {strides = array<i32>} : memref<2x128x80xf32, #tpu.memory_space<vmem>>, vector<16xf32>,
        %slice3A_952 = vector.extract_strided_slice %exp3A {offsets = [15], sizes = [1], strides = [1]} : vector<16xf32> to vector<1xf32>
        %squeeze3A_953 = vector.extract %slice3A_952[0] : f32 from vector<1xf32>
        %mul3A_954 = arith.constant 16 : i32
        %mul3A_955 = arith.muli %scan3A_100, %mul3A_954 : i32
        %add3A_956 = arith.constant 15 : i32
        %add3A_957 = arith.addi %mul3A_955, %add3A_956 : i32
        %get3A_958 = arith.index_cast %rem3A_81 : i32 to index
        %get3A_959 = arith.index_cast %add3A_957 : i32 to index
        %get3A_960 = arith.constant 0 : index
        %get3A_961 = tpu.vector_load %arg12[%get3A_958, %get3A_959, %get3A_960] {strides = array<i32>} : memref<2x128x80xf32, #tpu.memory_space<vmem>>, vector<16xf32>,
        %mul3A_962 = vector.broadcast %squeeze3A_953 : f32 to vector<16xf32>
        %mul3A_963 = arith.mulf %get3A_961, %mul3A_962 : vector<16xf32>
        %swap3A_964 = arith.index_cast %rem3A_81 : i32 to index
        %swap3A_965 = arith.index_cast %add3A_957 : i32 to index
        %swap3A_966 = arith.constant 0 : index
        %swap3A_967 = tpu.vector_load %arg12[%swap3A_964, %swap3A_965, %swap3A_966] {strides = array<i32>} : memref<2x128x80xf32, #tpu.memory_space<vmem>>, vector<16xf32>,
        tpu.vector_store %arg12[%swap3A_964, %swap3A_965, %swap3A_966], %mul3A_963 {strides = array<i32>} : memref<2x128x80xf32, #tpu.memory_space<vmem>>, vector<16xf32>,
        %get3A_968 = arith.index_cast %rem3A_81 : i32 to index
        %get3A_969 = arith.index_cast %add3A_957 : i32 to index
        %get3A_970 = arith.constant 16 : index
        %get3A_971 = tpu.vector_load %arg12[%get3A_968, %get3A_969, %get3A_970] {strides = array<i32>} : memref<2x128x80xf32, #tpu.memory_space<vmem>>, vector<16xf32>,
        %mul3A_972 = vector.broadcast %squeeze3A_953 : f32 to vector<16xf32>
        %mul3A_973 = arith.mulf %get3A_971, %mul3A_972 : vector<16xf32>
        %swap3A_974 = arith.index_cast %rem3A_81 : i32 to index
        %swap3A_975 = arith.index_cast %add3A_957 : i32 to index
        %swap3A_976 = arith.constant 16 : index
        %swap3A_977 = tpu.vector_load %arg12[%swap3A_974, %swap3A_975, %swap3A_976] {strides = array<i32>} : memref<2x128x80xf32, #tpu.memory_space<vmem>>, vector<16xf32>,
        tpu.vector_store %arg12[%swap3A_974, %swap3A_975, %swap3A_976], %mul3A_973 {strides = array<i32>} : memref<2x128x80xf32, #tpu.memory_space<vmem>>, vector<16xf32>,
        %get3A_978 = arith.index_cast %rem3A_81 : i32 to index
        %get3A_979 = arith.index_cast %add3A_957 : i32 to index
        %get3A_980 = arith.constant 32 : index
        %get3A_981 = tpu.vector_load %arg12[%get3A_978, %get3A_979, %get3A_980] {strides = array<i32>} : memref<2x128x80xf32, #tpu.memory_space<vmem>>, vector<16xf32>,
        %mul3A_982 = vector.broadcast %squeeze3A_953 : f32 to vector<16xf32>
        %mul3A_983 = arith.mulf %get3A_981, %mul3A_982 : vector<16xf32>
        %swap3A_984 = arith.index_cast %rem3A_81 : i32 to index
        %swap3A_985 = arith.index_cast %add3A_957 : i32 to index
        %swap3A_986 = arith.constant 32 : index
        %swap3A_987 = tpu.vector_load %arg12[%swap3A_984, %swap3A_985, %swap3A_986] {strides = array<i32>} : memref<2x128x80xf32, #tpu.memory_space<vmem>>, vector<16xf32>,
        tpu.vector_store %arg12[%swap3A_984, %swap3A_985, %swap3A_986], %mul3A_983 {strides = array<i32>} : memref<2x128x80xf32, #tpu.memory_space<vmem>>, vector<16xf32>,
        %get3A_988 = arith.index_cast %rem3A_81 : i32 to index
        %get3A_989 = arith.index_cast %add3A_957 : i32 to index
        %get3A_990 = arith.constant 48 : index
        %get3A_991 = tpu.vector_load %arg12[%get3A_988, %get3A_989, %get3A_990] {strides = array<i32>} : memref<2x128x80xf32, #tpu.memory_space<vmem>>, vector<16xf32>,
        %mul3A_992 = vector.broadcast %squeeze3A_953 : f32 to vector<16xf32>
        %mul3A_993 = arith.mulf %get3A_991, %mul3A_992 : vector<16xf32>
        %swap3A_994 = arith.index_cast %rem3A_81 : i32 to index
        %swap3A_995 = arith.index_cast %add3A_957 : i32 to index
        %swap3A_996 = arith.constant 48 : index
        %swap3A_997 = tpu.vector_load %arg12[%swap3A_994, %swap3A_995, %swap3A_996] {strides = array<i32>} : memref<2x128x80xf32, #tpu.memory_space<vmem>>, vector<16xf32>,
        tpu.vector_store %arg12[%swap3A_994, %swap3A_995, %swap3A_996], %mul3A_993 {strides = array<i32>} : memref<2x128x80xf32, #tpu.memory_space<vmem>>, vector<16xf32>,
        %get3A_998 = arith.index_cast %rem3A_81 : i32 to index
        %get3A_999 = arith.index_cast %add3A_957 : i32 to index
        %get3A_1000 = arith.constant 64 : index
        %get3A_1001 = tpu.vector_load %arg12[%get3A_998, %get3A_999, %get3A_1000] {strides = array<i32>} : memref<2x128x80xf32, #tpu.memory_space<vmem>>, vector<16xf32>,
        %mul3A_1002 = vector.broadcast %squeeze3A_953 : f32 to vector<16xf32>
        %mul3A_1003 = arith.mulf %get3A_1001, %mul3A_1002 : vector<16xf32>
        %swap3A_1004 = arith.index_cast %rem3A_81 : i32 to index
        %swap3A_1005 = arith.index_cast %add3A_957 : i32 to index
        %swap3A_1006 = arith.constant 64 : index
        %swap3A_1007 = tpu.vector_load %arg12[%swap3A_1004, %swap3A_1005, %swap3A_1006] {strides = array<i32>} : memref<2x128x80xf32, #tpu.memory_space<vmem>>, vector<16xf32>,
        tpu.vector_store %arg12[%swap3A_1004, %swap3A_1005, %swap3A_1006], %mul3A_1003 {strides = array<i32>} : memref<2x128x80xf32, #tpu.memory_space<vmem>>, vector<16xf32>,
      }
      %scan3A_99 = arith.constant 8 : i32
      "tpu.region"() ({
        %run_scoped3A_100 = tpu.sem_alloc : memref<!tpu.dma_semaphore, #tpu.memory_space<semaphore_mem>>
        %dma_start3A_101 = arith.constant 0 : i32
        %dma_start3A_102 = arith.constant 0 : i32
        %dma_start3A_103 = tpu.memref_slice %arg12[%rem3A_81, %dma_start3A_101, %dma_start3A_102] : memref<2x128x80xf32, #tpu.memory_space<vmem>> -> memref<1x128x80xf32, #tpu.memory_space<vmem>>
        %dma_start3A_104 = tpu.memref_squeeze %dma_start3A_103 : memref<1x128x80xf32, #tpu.memory_space<vmem>> -> memref<128x80xf32, #tpu.memory_space<vmem>>
        %dma_start3A_105 = arith.constant 0 : i32
        %dma_start3A_106 = tpu.memref_slice %arg9[%while3A_80, %dma_start3A_105] : memref<101x128xi32, #tpu.memory_space<vmem>> -> memref<1x128xi32, #tpu.memory_space<vmem>>
        %dma_start3A_107 = tpu.memref_squeeze %dma_start3A_106 : memref<1x128xi32, #tpu.memory_space<vmem>> -> memref<128xi32, #tpu.memory_space<vmem>>
        %dma_start3A_108 = arith.constant 0 : i32
        %dma_start3A_109 = arith.constant 0 : i32
        %dma_start3A_110 = tpu.memref_slice %arg13[%dma_start3A_108, %dma_start3A_109] : memref<10240x80xf32, #tpu.memory_space<vmem_shared>> -> memref<10240x80xf32, #tpu.memory_space<vmem_shared>>
        tpu.enqueue_indirect_dma source(%dma_start3A_104 : memref<128x80xf32, #tpu.memory_space<vmem>>) target(%dma_start3A_110 : memref<10240x80xf32, #tpu.memory_space<vmem_shared>>) offsets(%dma_start3A_107 : memref<128xi32, #tpu.memory_space<vmem>>) semaphore(%run_scoped3A_100 : memref<!tpu.dma_semaphore, #tpu.memory_space<semaphore_mem>>) {add = true}
        %dma_wait3A_111 = arith.constant 0 : i32
        %dma_wait3A_112 = arith.constant 0 : i32
        %dma_wait3A_113 = tpu.memref_slice %arg12[%rem3A_81, %dma_wait3A_111, %dma_wait3A_112] : memref<2x128x80xf32, #tpu.memory_space<vmem>> -> memref<1x128x80xf32, #tpu.memory_space<vmem>>
        %dma_wait3A_114 = tpu.memref_squeeze %dma_wait3A_113 : memref<1x128x80xf32, #tpu.memory_space<vmem>> -> memref<128x80xf32, #tpu.memory_space<vmem>>
        %dma_wait3A_115 = arith.constant 0 : i32
        %dma_wait3A_116 = tpu.memref_slice %arg9[%while3A_80, %dma_wait3A_115] : memref<101x128xi32, #tpu.memory_space<vmem>> -> memref<1x128xi32, #tpu.memory_space<vmem>>
        %dma_wait3A_117 = tpu.memref_squeeze %dma_wait3A_116 : memref<1x128xi32, #tpu.memory_space<vmem>> -> memref<128xi32, #tpu.memory_space<vmem>>
        %dma_wait3A_118 = arith.constant 0 : i32
        %dma_wait3A_119 = arith.constant 0 : i32
        %dma_wait3A_120 = tpu.memref_slice %arg13[%dma_wait3A_118, %dma_wait3A_119] : memref<10240x80xf32, #tpu.memory_space<vmem_shared>> -> memref<10240x80xf32, #tpu.memory_space<vmem_shared>>
        tpu.wait_indirect_dma semaphore(%run_scoped3A_100 : memref<!tpu.dma_semaphore, #tpu.memory_space<semaphore_mem>>) src(%dma_wait3A_114 : memref<128x80xf32, #tpu.memory_space<vmem>>) dst(%dma_wait3A_120 : memref<10240x80xf32, #tpu.memory_space<vmem_shared>>)
        tpu.yield
      }) : () -> ()
    }
    %while3A_74 = arith.constant 1 : i32
    scf.for %while3A_80 = %while3A_72 to %while3A_68 step %while3A_74  : i32 {
      %rem3A = arith.constant 2 : i32
      %rem3A_81 = arith.remsi %while3A_80, %rem3A : i32
      %dma_wait3A_82 = arith.constant 0 : i32
      %dma_wait3A_83 = arith.constant 0 : i32
      %dma_wait3A_84 = tpu.memref_slice %arg12[%rem3A_81, %dma_wait3A_82, %dma_wait3A_83] : memref<2x128x80xf32, #tpu.memory_space<vmem>> -> memref<1x128x80xf32, #tpu.memory_space<vmem>>
      %dma_wait3A_85 = tpu.memref_squeeze %dma_wait3A_84 : memref<1x128x80xf32, #tpu.memory_space<vmem>> -> memref<128x80xf32, #tpu.memory_space<vmem>>
      %dma_wait3A_86 = arith.constant 0 : i32
      %dma_wait3A_87 = tpu.memref_slice %arg8[%while3A_80, %dma_wait3A_86] : memref<101x128xi32, #tpu.memory_space<vmem>> -> memref<1x128xi32, #tpu.memory_space<vmem>>
      %dma_wait3A_88 = tpu.memref_squeeze %dma_wait3A_87 : memref<1x128xi32, #tpu.memory_space<vmem>> -> memref<128xi32, #tpu.memory_space<vmem>>
      %dma_wait3A_89 = arith.constant 0 : i32
      %dma_wait3A_90 = arith.constant 0 : i32
      %dma_wait3A_91 = tpu.memref_slice %arg2[%dma_wait3A_89, %dma_wait3A_90] : memref<10240x80xf32, #tpu.memory_space<hbm>> -> memref<10240x80xf32, #tpu.memory_space<hbm>>
      tpu.wait_indirect_dma semaphore(%arg15 : memref<!tpu.dma_semaphore, #tpu.memory_space<semaphore_mem>>) src(%dma_wait3A_91 : memref<10240x80xf32, #tpu.memory_space<hbm>>) dst(%dma_wait3A_85 : memref<128x80xf32, #tpu.memory_space<vmem>>)
      %sub3A = arith.constant 1 : i32
      %sub3A_92 = arith.subi %select_n3A, %sub3A : i32
      %lt3A = arith.cmpi slt, %while3A_80, %sub3A_92 : i32
      %convert_element_type3A = arith.extui %lt3A : i1 to i32
      %cond3A = arith.constant 0 : i32
      %cond3A_93 = arith.cmpi ne, %convert_element_type3A, %cond3A : i32
      scf.if %cond3A_93 {
        %add3A_100 = arith.constant 1 : i32
        %add3A_101 = arith.addi %while3A_80, %add3A_100 : i32
        %sub3A_102 = arith.constant 1 : i32
        %sub3A_103 = arith.subi %sub3A_102, %rem3A_81 : i32
        %dma_start3A_104 = arith.constant 0 : i32
        %dma_start3A_105 = arith.constant 0 : i32
        %dma_start3A_106 = tpu.memref_slice %arg12[%sub3A_103, %dma_start3A_104, %dma_start3A_105] : memref<2x128x80xf32, #tpu.memory_space<vmem>> -> memref<1x128x80xf32, #tpu.memory_space<vmem>>
        %dma_start3A_107 = tpu.memref_squeeze %dma_start3A_106 : memref<1x128x80xf32, #tpu.memory_space<vmem>> -> memref<128x80xf32, #tpu.memory_space<vmem>>
        %dma_start3A_108 = arith.constant 0 : i32
        %dma_start3A_109 = tpu.memref_slice %arg8[%add3A_101, %dma_start3A_108] : memref<101x128xi32, #tpu.memory_space<vmem>> -> memref<1x128xi32, #tpu.memory_space<vmem>>
        %dma_start3A_110 = tpu.memref_squeeze %dma_start3A_109 : memref<1x128xi32, #tpu.memory_space<vmem>> -> memref<128xi32, #tpu.memory_space<vmem>>
        %dma_start3A_111 = arith.constant 0 : i32
        %dma_start3A_112 = arith.constant 0 : i32
        %dma_start3A_113 = tpu.memref_slice %arg2[%dma_start3A_111, %dma_start3A_112] : memref<10240x80xf32, #tpu.memory_space<hbm>> -> memref<10240x80xf32, #tpu.memory_space<hbm>>
        tpu.enqueue_indirect_dma source(%dma_start3A_113 : memref<10240x80xf32, #tpu.memory_space<hbm>>) target(%dma_start3A_107 : memref<128x80xf32, #tpu.memory_space<vmem>>) offsets(%dma_start3A_110 : memref<128xi32, #tpu.memory_space<vmem>>) semaphore(%arg15 : memref<!tpu.dma_semaphore, #tpu.memory_space<semaphore_mem>>)
      } else {
      }
      %scan3A_94 = arith.constant 0 : i32
      %scan3A_95 = arith.constant 0 : i32
      %scan3A_96 = arith.constant 8 : i32
      %scan3A_97 = arith.addi %scan3A_95, %scan3A_96 : i32
      %scan3A_98 = arith.constant 1 : i32
      scf.for %scan3A_100 = %scan3A_95 to %scan3A_97 step %scan3A_98  : i32 {
        %mul3A_101 = arith.constant 16 : i32
        %mul3A_102 = arith.muli %scan3A_100, %mul3A_101 : i32
        %get3A = arith.index_cast %while3A_80 : i32 to index
        %get3A_103 = arith.index_cast %mul3A_102 : i32 to index
        %get3A_104 = tpu.vector_load %arg8[%get3A, %get3A_103] {strides = array<i32>} : memref<101x128xi32, #tpu.memory_space<vmem>>, vector<16xi32>,
        %mul3A_105 = arith.constant 16 : i32
        %mul3A_106 = arith.muli %scan3A_100, %mul3A_105 : i32
        %get3A_107 = arith.index_cast %while3A_80 : i32 to index
        %get3A_108 = arith.index_cast %mul3A_106 : i32 to index
        %get3A_109 = tpu.vector_load %arg9[%get3A_107, %get3A_108] {strides = array<i32>} : memref<101x128xi32, #tpu.memory_space<vmem>>, vector<16xi32>,
        %gather3A = tpu.vector_load_idx %arg10[%get3A_104] : memref<10240xf32, #tpu.memory_space<vmem>>[vector<16xi32>], vector<16xf32>,
        %gather3A_110 = tpu.vector_load_idx %arg11[%get3A_109] : memref<10240xf32, #tpu.memory_space<vmem>>[vector<16xi32>], vector<16xf32>,
        %add3A_111 = arith.addf %gather3A, %gather3A_110 : vector<16xf32>
        %mul3A_112 = arith.constant 2.000000e-01 : f32
        %mul3A_113 = vector.broadcast %mul3A_112 : f32 to vector<16xf32>
        %mul3A_114 = arith.mulf %mul3A_113, %add3A_111 : vector<16xf32>
        %max3A = arith.maximumf %add3A_111, %mul3A_114 : vector<16xf32>
        %exp3A = math.exp %max3A : vector<16xf32>
        %slice3A = vector.extract_strided_slice %exp3A {offsets = [0], sizes = [1], strides = [1]} : vector<16xf32> to vector<1xf32>
        %squeeze3A = vector.extract %slice3A[0] : f32 from vector<1xf32>
        %mul3A_115 = arith.constant 16 : i32
        %mul3A_116 = arith.muli %scan3A_100, %mul3A_115 : i32
        %add3A_117 = arith.constant 0 : i32
        %add3A_118 = arith.addi %mul3A_116, %add3A_117 : i32
        %get3A_119 = arith.index_cast %rem3A_81 : i32 to index
        %get3A_120 = arith.index_cast %add3A_118 : i32 to index
        %get3A_121 = arith.constant 0 : index
        %get3A_122 = tpu.vector_load %arg12[%get3A_119, %get3A_120, %get3A_121] {strides = array<i32>} : memref<2x128x80xf32, #tpu.memory_space<vmem>>, vector<16xf32>,
        %mul3A_123 = vector.broadcast %squeeze3A : f32 to vector<16xf32>
        %mul3A_124 = arith.mulf %get3A_122, %mul3A_123 : vector<16xf32>
        %swap3A = arith.index_cast %rem3A_81 : i32 to index
        %swap3A_125 = arith.index_cast %add3A_118 : i32 to index
        %swap3A_126 = arith.constant 0 : index
        %swap3A_127 = tpu.vector_load %arg12[%swap3A, %swap3A_125, %swap3A_126] {strides = array<i32>} : memref<2x128x80xf32, #tpu.memory_space<vmem>>, vector<16xf32>,
        tpu.vector_store %arg12[%swap3A, %swap3A_125, %swap3A_126], %mul3A_124 {strides = array<i32>} : memref<2x128x80xf32, #tpu.memory_space<vmem>>, vector<16xf32>,
        %get3A_128 = arith.index_cast %rem3A_81 : i32 to index
        %get3A_129 = arith.index_cast %add3A_118 : i32 to index
        %get3A_130 = arith.constant 16 : index
        %get3A_131 = tpu.vector_load %arg12[%get3A_128, %get3A_129, %get3A_130] {strides = array<i32>} : memref<2x128x80xf32, #tpu.memory_space<vmem>>, vector<16xf32>,
        %mul3A_132 = vector.broadcast %squeeze3A : f32 to vector<16xf32>
        %mul3A_133 = arith.mulf %get3A_131, %mul3A_132 : vector<16xf32>
        %swap3A_134 = arith.index_cast %rem3A_81 : i32 to index
        %swap3A_135 = arith.index_cast %add3A_118 : i32 to index
        %swap3A_136 = arith.constant 16 : index
        %swap3A_137 = tpu.vector_load %arg12[%swap3A_134, %swap3A_135, %swap3A_136] {strides = array<i32>} : memref<2x128x80xf32, #tpu.memory_space<vmem>>, vector<16xf32>,
        tpu.vector_store %arg12[%swap3A_134, %swap3A_135, %swap3A_136], %mul3A_133 {strides = array<i32>} : memref<2x128x80xf32, #tpu.memory_space<vmem>>, vector<16xf32>,
        %get3A_138 = arith.index_cast %rem3A_81 : i32 to index
        %get3A_139 = arith.index_cast %add3A_118 : i32 to index
        %get3A_140 = arith.constant 32 : index
        %get3A_141 = tpu.vector_load %arg12[%get3A_138, %get3A_139, %get3A_140] {strides = array<i32>} : memref<2x128x80xf32, #tpu.memory_space<vmem>>, vector<16xf32>,
        %mul3A_142 = vector.broadcast %squeeze3A : f32 to vector<16xf32>
        %mul3A_143 = arith.mulf %get3A_141, %mul3A_142 : vector<16xf32>
        %swap3A_144 = arith.index_cast %rem3A_81 : i32 to index
        %swap3A_145 = arith.index_cast %add3A_118 : i32 to index
        %swap3A_146 = arith.constant 32 : index
        %swap3A_147 = tpu.vector_load %arg12[%swap3A_144, %swap3A_145, %swap3A_146] {strides = array<i32>} : memref<2x128x80xf32, #tpu.memory_space<vmem>>, vector<16xf32>,
        tpu.vector_store %arg12[%swap3A_144, %swap3A_145, %swap3A_146], %mul3A_143 {strides = array<i32>} : memref<2x128x80xf32, #tpu.memory_space<vmem>>, vector<16xf32>,
        %get3A_148 = arith.index_cast %rem3A_81 : i32 to index
        %get3A_149 = arith.index_cast %add3A_118 : i32 to index
        %get3A_150 = arith.constant 48 : index
        %get3A_151 = tpu.vector_load %arg12[%get3A_148, %get3A_149, %get3A_150] {strides = array<i32>} : memref<2x128x80xf32, #tpu.memory_space<vmem>>, vector<16xf32>,
        %mul3A_152 = vector.broadcast %squeeze3A : f32 to vector<16xf32>
        %mul3A_153 = arith.mulf %get3A_151, %mul3A_152 : vector<16xf32>
        %swap3A_154 = arith.index_cast %rem3A_81 : i32 to index
        %swap3A_155 = arith.index_cast %add3A_118 : i32 to index
        %swap3A_156 = arith.constant 48 : index
        %swap3A_157 = tpu.vector_load %arg12[%swap3A_154, %swap3A_155, %swap3A_156] {strides = array<i32>} : memref<2x128x80xf32, #tpu.memory_space<vmem>>, vector<16xf32>,
        tpu.vector_store %arg12[%swap3A_154, %swap3A_155, %swap3A_156], %mul3A_153 {strides = array<i32>} : memref<2x128x80xf32, #tpu.memory_space<vmem>>, vector<16xf32>,
        %get3A_158 = arith.index_cast %rem3A_81 : i32 to index
        %get3A_159 = arith.index_cast %add3A_118 : i32 to index
        %get3A_160 = arith.constant 64 : index
        %get3A_161 = tpu.vector_load %arg12[%get3A_158, %get3A_159, %get3A_160] {strides = array<i32>} : memref<2x128x80xf32, #tpu.memory_space<vmem>>, vector<16xf32>,
        %mul3A_162 = vector.broadcast %squeeze3A : f32 to vector<16xf32>
        %mul3A_163 = arith.mulf %get3A_161, %mul3A_162 : vector<16xf32>
        %swap3A_164 = arith.index_cast %rem3A_81 : i32 to index
        %swap3A_165 = arith.index_cast %add3A_118 : i32 to index
        %swap3A_166 = arith.constant 64 : index
        %swap3A_167 = tpu.vector_load %arg12[%swap3A_164, %swap3A_165, %swap3A_166] {strides = array<i32>} : memref<2x128x80xf32, #tpu.memory_space<vmem>>, vector<16xf32>,
        tpu.vector_store %arg12[%swap3A_164, %swap3A_165, %swap3A_166], %mul3A_163 {strides = array<i32>} : memref<2x128x80xf32, #tpu.memory_space<vmem>>, vector<16xf32>,
        %slice3A_168 = vector.extract_strided_slice %exp3A {offsets = [1], sizes = [1], strides = [1]} : vector<16xf32> to vector<1xf32>
        %squeeze3A_169 = vector.extract %slice3A_168[0] : f32 from vector<1xf32>
        %mul3A_170 = arith.constant 16 : i32
        %mul3A_171 = arith.muli %scan3A_100, %mul3A_170 : i32
        %add3A_172 = arith.constant 1 : i32
        %add3A_173 = arith.addi %mul3A_171, %add3A_172 : i32
        %get3A_174 = arith.index_cast %rem3A_81 : i32 to index
        %get3A_175 = arith.index_cast %add3A_173 : i32 to index
        %get3A_176 = arith.constant 0 : index
        %get3A_177 = tpu.vector_load %arg12[%get3A_174, %get3A_175, %get3A_176] {strides = array<i32>} : memref<2x128x80xf32, #tpu.memory_space<vmem>>, vector<16xf32>,
        %mul3A_178 = vector.broadcast %squeeze3A_169 : f32 to vector<16xf32>
        %mul3A_179 = arith.mulf %get3A_177, %mul3A_178 : vector<16xf32>
        %swap3A_180 = arith.index_cast %rem3A_81 : i32 to index
        %swap3A_181 = arith.index_cast %add3A_173 : i32 to index
        %swap3A_182 = arith.constant 0 : index
        %swap3A_183 = tpu.vector_load %arg12[%swap3A_180, %swap3A_181, %swap3A_182] {strides = array<i32>} : memref<2x128x80xf32, #tpu.memory_space<vmem>>, vector<16xf32>,
        tpu.vector_store %arg12[%swap3A_180, %swap3A_181, %swap3A_182], %mul3A_179 {strides = array<i32>} : memref<2x128x80xf32, #tpu.memory_space<vmem>>, vector<16xf32>,
        %get3A_184 = arith.index_cast %rem3A_81 : i32 to index
        %get3A_185 = arith.index_cast %add3A_173 : i32 to index
        %get3A_186 = arith.constant 16 : index
        %get3A_187 = tpu.vector_load %arg12[%get3A_184, %get3A_185, %get3A_186] {strides = array<i32>} : memref<2x128x80xf32, #tpu.memory_space<vmem>>, vector<16xf32>,
        %mul3A_188 = vector.broadcast %squeeze3A_169 : f32 to vector<16xf32>
        %mul3A_189 = arith.mulf %get3A_187, %mul3A_188 : vector<16xf32>
        %swap3A_190 = arith.index_cast %rem3A_81 : i32 to index
        %swap3A_191 = arith.index_cast %add3A_173 : i32 to index
        %swap3A_192 = arith.constant 16 : index
        %swap3A_193 = tpu.vector_load %arg12[%swap3A_190, %swap3A_191, %swap3A_192] {strides = array<i32>} : memref<2x128x80xf32, #tpu.memory_space<vmem>>, vector<16xf32>,
        tpu.vector_store %arg12[%swap3A_190, %swap3A_191, %swap3A_192], %mul3A_189 {strides = array<i32>} : memref<2x128x80xf32, #tpu.memory_space<vmem>>, vector<16xf32>,
        %get3A_194 = arith.index_cast %rem3A_81 : i32 to index
        %get3A_195 = arith.index_cast %add3A_173 : i32 to index
        %get3A_196 = arith.constant 32 : index
        %get3A_197 = tpu.vector_load %arg12[%get3A_194, %get3A_195, %get3A_196] {strides = array<i32>} : memref<2x128x80xf32, #tpu.memory_space<vmem>>, vector<16xf32>,
        %mul3A_198 = vector.broadcast %squeeze3A_169 : f32 to vector<16xf32>
        %mul3A_199 = arith.mulf %get3A_197, %mul3A_198 : vector<16xf32>
        %swap3A_200 = arith.index_cast %rem3A_81 : i32 to index
        %swap3A_201 = arith.index_cast %add3A_173 : i32 to index
        %swap3A_202 = arith.constant 32 : index
        %swap3A_203 = tpu.vector_load %arg12[%swap3A_200, %swap3A_201, %swap3A_202] {strides = array<i32>} : memref<2x128x80xf32, #tpu.memory_space<vmem>>, vector<16xf32>,
        tpu.vector_store %arg12[%swap3A_200, %swap3A_201, %swap3A_202], %mul3A_199 {strides = array<i32>} : memref<2x128x80xf32, #tpu.memory_space<vmem>>, vector<16xf32>,
        %get3A_204 = arith.index_cast %rem3A_81 : i32 to index
        %get3A_205 = arith.index_cast %add3A_173 : i32 to index
        %get3A_206 = arith.constant 48 : index
        %get3A_207 = tpu.vector_load %arg12[%get3A_204, %get3A_205, %get3A_206] {strides = array<i32>} : memref<2x128x80xf32, #tpu.memory_space<vmem>>, vector<16xf32>,
        %mul3A_208 = vector.broadcast %squeeze3A_169 : f32 to vector<16xf32>
        %mul3A_209 = arith.mulf %get3A_207, %mul3A_208 : vector<16xf32>
        %swap3A_210 = arith.index_cast %rem3A_81 : i32 to index
        %swap3A_211 = arith.index_cast %add3A_173 : i32 to index
        %swap3A_212 = arith.constant 48 : index
        %swap3A_213 = tpu.vector_load %arg12[%swap3A_210, %swap3A_211, %swap3A_212] {strides = array<i32>} : memref<2x128x80xf32, #tpu.memory_space<vmem>>, vector<16xf32>,
        tpu.vector_store %arg12[%swap3A_210, %swap3A_211, %swap3A_212], %mul3A_209 {strides = array<i32>} : memref<2x128x80xf32, #tpu.memory_space<vmem>>, vector<16xf32>,
        %get3A_214 = arith.index_cast %rem3A_81 : i32 to index
        %get3A_215 = arith.index_cast %add3A_173 : i32 to index
        %get3A_216 = arith.constant 64 : index
        %get3A_217 = tpu.vector_load %arg12[%get3A_214, %get3A_215, %get3A_216] {strides = array<i32>} : memref<2x128x80xf32, #tpu.memory_space<vmem>>, vector<16xf32>,
        %mul3A_218 = vector.broadcast %squeeze3A_169 : f32 to vector<16xf32>
        %mul3A_219 = arith.mulf %get3A_217, %mul3A_218 : vector<16xf32>
        %swap3A_220 = arith.index_cast %rem3A_81 : i32 to index
        %swap3A_221 = arith.index_cast %add3A_173 : i32 to index
        %swap3A_222 = arith.constant 64 : index
        %swap3A_223 = tpu.vector_load %arg12[%swap3A_220, %swap3A_221, %swap3A_222] {strides = array<i32>} : memref<2x128x80xf32, #tpu.memory_space<vmem>>, vector<16xf32>,
        tpu.vector_store %arg12[%swap3A_220, %swap3A_221, %swap3A_222], %mul3A_219 {strides = array<i32>} : memref<2x128x80xf32, #tpu.memory_space<vmem>>, vector<16xf32>,
        %slice3A_224 = vector.extract_strided_slice %exp3A {offsets = [2], sizes = [1], strides = [1]} : vector<16xf32> to vector<1xf32>
        %squeeze3A_225 = vector.extract %slice3A_224[0] : f32 from vector<1xf32>
        %mul3A_226 = arith.constant 16 : i32
        %mul3A_227 = arith.muli %scan3A_100, %mul3A_226 : i32
        %add3A_228 = arith.constant 2 : i32
        %add3A_229 = arith.addi %mul3A_227, %add3A_228 : i32
        %get3A_230 = arith.index_cast %rem3A_81 : i32 to index
        %get3A_231 = arith.index_cast %add3A_229 : i32 to index
        %get3A_232 = arith.constant 0 : index
        %get3A_233 = tpu.vector_load %arg12[%get3A_230, %get3A_231, %get3A_232] {strides = array<i32>} : memref<2x128x80xf32, #tpu.memory_space<vmem>>, vector<16xf32>,
        %mul3A_234 = vector.broadcast %squeeze3A_225 : f32 to vector<16xf32>
        %mul3A_235 = arith.mulf %get3A_233, %mul3A_234 : vector<16xf32>
        %swap3A_236 = arith.index_cast %rem3A_81 : i32 to index
        %swap3A_237 = arith.index_cast %add3A_229 : i32 to index
        %swap3A_238 = arith.constant 0 : index
        %swap3A_239 = tpu.vector_load %arg12[%swap3A_236, %swap3A_237, %swap3A_238] {strides = array<i32>} : memref<2x128x80xf32, #tpu.memory_space<vmem>>, vector<16xf32>,
        tpu.vector_store %arg12[%swap3A_236, %swap3A_237, %swap3A_238], %mul3A_235 {strides = array<i32>} : memref<2x128x80xf32, #tpu.memory_space<vmem>>, vector<16xf32>,
        %get3A_240 = arith.index_cast %rem3A_81 : i32 to index
        %get3A_241 = arith.index_cast %add3A_229 : i32 to index
        %get3A_242 = arith.constant 16 : index
        %get3A_243 = tpu.vector_load %arg12[%get3A_240, %get3A_241, %get3A_242] {strides = array<i32>} : memref<2x128x80xf32, #tpu.memory_space<vmem>>, vector<16xf32>,
        %mul3A_244 = vector.broadcast %squeeze3A_225 : f32 to vector<16xf32>
        %mul3A_245 = arith.mulf %get3A_243, %mul3A_244 : vector<16xf32>
        %swap3A_246 = arith.index_cast %rem3A_81 : i32 to index
        %swap3A_247 = arith.index_cast %add3A_229 : i32 to index
        %swap3A_248 = arith.constant 16 : index
        %swap3A_249 = tpu.vector_load %arg12[%swap3A_246, %swap3A_247, %swap3A_248] {strides = array<i32>} : memref<2x128x80xf32, #tpu.memory_space<vmem>>, vector<16xf32>,
        tpu.vector_store %arg12[%swap3A_246, %swap3A_247, %swap3A_248], %mul3A_245 {strides = array<i32>} : memref<2x128x80xf32, #tpu.memory_space<vmem>>, vector<16xf32>,
        %get3A_250 = arith.index_cast %rem3A_81 : i32 to index
        %get3A_251 = arith.index_cast %add3A_229 : i32 to index
        %get3A_252 = arith.constant 32 : index
        %get3A_253 = tpu.vector_load %arg12[%get3A_250, %get3A_251, %get3A_252] {strides = array<i32>} : memref<2x128x80xf32, #tpu.memory_space<vmem>>, vector<16xf32>,
        %mul3A_254 = vector.broadcast %squeeze3A_225 : f32 to vector<16xf32>
        %mul3A_255 = arith.mulf %get3A_253, %mul3A_254 : vector<16xf32>
        %swap3A_256 = arith.index_cast %rem3A_81 : i32 to index
        %swap3A_257 = arith.index_cast %add3A_229 : i32 to index
        %swap3A_258 = arith.constant 32 : index
        %swap3A_259 = tpu.vector_load %arg12[%swap3A_256, %swap3A_257, %swap3A_258] {strides = array<i32>} : memref<2x128x80xf32, #tpu.memory_space<vmem>>, vector<16xf32>,
        tpu.vector_store %arg12[%swap3A_256, %swap3A_257, %swap3A_258], %mul3A_255 {strides = array<i32>} : memref<2x128x80xf32, #tpu.memory_space<vmem>>, vector<16xf32>,
        %get3A_260 = arith.index_cast %rem3A_81 : i32 to index
        %get3A_261 = arith.index_cast %add3A_229 : i32 to index
        %get3A_262 = arith.constant 48 : index
        %get3A_263 = tpu.vector_load %arg12[%get3A_260, %get3A_261, %get3A_262] {strides = array<i32>} : memref<2x128x80xf32, #tpu.memory_space<vmem>>, vector<16xf32>,
        %mul3A_264 = vector.broadcast %squeeze3A_225 : f32 to vector<16xf32>
        %mul3A_265 = arith.mulf %get3A_263, %mul3A_264 : vector<16xf32>
        %swap3A_266 = arith.index_cast %rem3A_81 : i32 to index
        %swap3A_267 = arith.index_cast %add3A_229 : i32 to index
        %swap3A_268 = arith.constant 48 : index
        %swap3A_269 = tpu.vector_load %arg12[%swap3A_266, %swap3A_267, %swap3A_268] {strides = array<i32>} : memref<2x128x80xf32, #tpu.memory_space<vmem>>, vector<16xf32>,
        tpu.vector_store %arg12[%swap3A_266, %swap3A_267, %swap3A_268], %mul3A_265 {strides = array<i32>} : memref<2x128x80xf32, #tpu.memory_space<vmem>>, vector<16xf32>,
        %get3A_270 = arith.index_cast %rem3A_81 : i32 to index
        %get3A_271 = arith.index_cast %add3A_229 : i32 to index
        %get3A_272 = arith.constant 64 : index
        %get3A_273 = tpu.vector_load %arg12[%get3A_270, %get3A_271, %get3A_272] {strides = array<i32>} : memref<2x128x80xf32, #tpu.memory_space<vmem>>, vector<16xf32>,
        %mul3A_274 = vector.broadcast %squeeze3A_225 : f32 to vector<16xf32>
        %mul3A_275 = arith.mulf %get3A_273, %mul3A_274 : vector<16xf32>
        %swap3A_276 = arith.index_cast %rem3A_81 : i32 to index
        %swap3A_277 = arith.index_cast %add3A_229 : i32 to index
        %swap3A_278 = arith.constant 64 : index
        %swap3A_279 = tpu.vector_load %arg12[%swap3A_276, %swap3A_277, %swap3A_278] {strides = array<i32>} : memref<2x128x80xf32, #tpu.memory_space<vmem>>, vector<16xf32>,
        tpu.vector_store %arg12[%swap3A_276, %swap3A_277, %swap3A_278], %mul3A_275 {strides = array<i32>} : memref<2x128x80xf32, #tpu.memory_space<vmem>>, vector<16xf32>,
        %slice3A_280 = vector.extract_strided_slice %exp3A {offsets = [3], sizes = [1], strides = [1]} : vector<16xf32> to vector<1xf32>
        %squeeze3A_281 = vector.extract %slice3A_280[0] : f32 from vector<1xf32>
        %mul3A_282 = arith.constant 16 : i32
        %mul3A_283 = arith.muli %scan3A_100, %mul3A_282 : i32
        %add3A_284 = arith.constant 3 : i32
        %add3A_285 = arith.addi %mul3A_283, %add3A_284 : i32
        %get3A_286 = arith.index_cast %rem3A_81 : i32 to index
        %get3A_287 = arith.index_cast %add3A_285 : i32 to index
        %get3A_288 = arith.constant 0 : index
        %get3A_289 = tpu.vector_load %arg12[%get3A_286, %get3A_287, %get3A_288] {strides = array<i32>} : memref<2x128x80xf32, #tpu.memory_space<vmem>>, vector<16xf32>,
        %mul3A_290 = vector.broadcast %squeeze3A_281 : f32 to vector<16xf32>
        %mul3A_291 = arith.mulf %get3A_289, %mul3A_290 : vector<16xf32>
        %swap3A_292 = arith.index_cast %rem3A_81 : i32 to index
        %swap3A_293 = arith.index_cast %add3A_285 : i32 to index
        %swap3A_294 = arith.constant 0 : index
        %swap3A_295 = tpu.vector_load %arg12[%swap3A_292, %swap3A_293, %swap3A_294] {strides = array<i32>} : memref<2x128x80xf32, #tpu.memory_space<vmem>>, vector<16xf32>,
        tpu.vector_store %arg12[%swap3A_292, %swap3A_293, %swap3A_294], %mul3A_291 {strides = array<i32>} : memref<2x128x80xf32, #tpu.memory_space<vmem>>, vector<16xf32>,
        %get3A_296 = arith.index_cast %rem3A_81 : i32 to index
        %get3A_297 = arith.index_cast %add3A_285 : i32 to index
        %get3A_298 = arith.constant 16 : index
        %get3A_299 = tpu.vector_load %arg12[%get3A_296, %get3A_297, %get3A_298] {strides = array<i32>} : memref<2x128x80xf32, #tpu.memory_space<vmem>>, vector<16xf32>,
        %mul3A_300 = vector.broadcast %squeeze3A_281 : f32 to vector<16xf32>
        %mul3A_301 = arith.mulf %get3A_299, %mul3A_300 : vector<16xf32>
        %swap3A_302 = arith.index_cast %rem3A_81 : i32 to index
        %swap3A_303 = arith.index_cast %add3A_285 : i32 to index
        %swap3A_304 = arith.constant 16 : index
        %swap3A_305 = tpu.vector_load %arg12[%swap3A_302, %swap3A_303, %swap3A_304] {strides = array<i32>} : memref<2x128x80xf32, #tpu.memory_space<vmem>>, vector<16xf32>,
        tpu.vector_store %arg12[%swap3A_302, %swap3A_303, %swap3A_304], %mul3A_301 {strides = array<i32>} : memref<2x128x80xf32, #tpu.memory_space<vmem>>, vector<16xf32>,
        %get3A_306 = arith.index_cast %rem3A_81 : i32 to index
        %get3A_307 = arith.index_cast %add3A_285 : i32 to index
        %get3A_308 = arith.constant 32 : index
        %get3A_309 = tpu.vector_load %arg12[%get3A_306, %get3A_307, %get3A_308] {strides = array<i32>} : memref<2x128x80xf32, #tpu.memory_space<vmem>>, vector<16xf32>,
        %mul3A_310 = vector.broadcast %squeeze3A_281 : f32 to vector<16xf32>
        %mul3A_311 = arith.mulf %get3A_309, %mul3A_310 : vector<16xf32>
        %swap3A_312 = arith.index_cast %rem3A_81 : i32 to index
        %swap3A_313 = arith.index_cast %add3A_285 : i32 to index
        %swap3A_314 = arith.constant 32 : index
        %swap3A_315 = tpu.vector_load %arg12[%swap3A_312, %swap3A_313, %swap3A_314] {strides = array<i32>} : memref<2x128x80xf32, #tpu.memory_space<vmem>>, vector<16xf32>,
        tpu.vector_store %arg12[%swap3A_312, %swap3A_313, %swap3A_314], %mul3A_311 {strides = array<i32>} : memref<2x128x80xf32, #tpu.memory_space<vmem>>, vector<16xf32>,
        %get3A_316 = arith.index_cast %rem3A_81 : i32 to index
        %get3A_317 = arith.index_cast %add3A_285 : i32 to index
        %get3A_318 = arith.constant 48 : index
        %get3A_319 = tpu.vector_load %arg12[%get3A_316, %get3A_317, %get3A_318] {strides = array<i32>} : memref<2x128x80xf32, #tpu.memory_space<vmem>>, vector<16xf32>,
        %mul3A_320 = vector.broadcast %squeeze3A_281 : f32 to vector<16xf32>
        %mul3A_321 = arith.mulf %get3A_319, %mul3A_320 : vector<16xf32>
        %swap3A_322 = arith.index_cast %rem3A_81 : i32 to index
        %swap3A_323 = arith.index_cast %add3A_285 : i32 to index
        %swap3A_324 = arith.constant 48 : index
        %swap3A_325 = tpu.vector_load %arg12[%swap3A_322, %swap3A_323, %swap3A_324] {strides = array<i32>} : memref<2x128x80xf32, #tpu.memory_space<vmem>>, vector<16xf32>,
        tpu.vector_store %arg12[%swap3A_322, %swap3A_323, %swap3A_324], %mul3A_321 {strides = array<i32>} : memref<2x128x80xf32, #tpu.memory_space<vmem>>, vector<16xf32>,
        %get3A_326 = arith.index_cast %rem3A_81 : i32 to index
        %get3A_327 = arith.index_cast %add3A_285 : i32 to index
        %get3A_328 = arith.constant 64 : index
        %get3A_329 = tpu.vector_load %arg12[%get3A_326, %get3A_327, %get3A_328] {strides = array<i32>} : memref<2x128x80xf32, #tpu.memory_space<vmem>>, vector<16xf32>,
        %mul3A_330 = vector.broadcast %squeeze3A_281 : f32 to vector<16xf32>
        %mul3A_331 = arith.mulf %get3A_329, %mul3A_330 : vector<16xf32>
        %swap3A_332 = arith.index_cast %rem3A_81 : i32 to index
        %swap3A_333 = arith.index_cast %add3A_285 : i32 to index
        %swap3A_334 = arith.constant 64 : index
        %swap3A_335 = tpu.vector_load %arg12[%swap3A_332, %swap3A_333, %swap3A_334] {strides = array<i32>} : memref<2x128x80xf32, #tpu.memory_space<vmem>>, vector<16xf32>,
        tpu.vector_store %arg12[%swap3A_332, %swap3A_333, %swap3A_334], %mul3A_331 {strides = array<i32>} : memref<2x128x80xf32, #tpu.memory_space<vmem>>, vector<16xf32>,
        %slice3A_336 = vector.extract_strided_slice %exp3A {offsets = [4], sizes = [1], strides = [1]} : vector<16xf32> to vector<1xf32>
        %squeeze3A_337 = vector.extract %slice3A_336[0] : f32 from vector<1xf32>
        %mul3A_338 = arith.constant 16 : i32
        %mul3A_339 = arith.muli %scan3A_100, %mul3A_338 : i32
        %add3A_340 = arith.constant 4 : i32
        %add3A_341 = arith.addi %mul3A_339, %add3A_340 : i32
        %get3A_342 = arith.index_cast %rem3A_81 : i32 to index
        %get3A_343 = arith.index_cast %add3A_341 : i32 to index
        %get3A_344 = arith.constant 0 : index
        %get3A_345 = tpu.vector_load %arg12[%get3A_342, %get3A_343, %get3A_344] {strides = array<i32>} : memref<2x128x80xf32, #tpu.memory_space<vmem>>, vector<16xf32>,
        %mul3A_346 = vector.broadcast %squeeze3A_337 : f32 to vector<16xf32>
        %mul3A_347 = arith.mulf %get3A_345, %mul3A_346 : vector<16xf32>
        %swap3A_348 = arith.index_cast %rem3A_81 : i32 to index
        %swap3A_349 = arith.index_cast %add3A_341 : i32 to index
        %swap3A_350 = arith.constant 0 : index
        %swap3A_351 = tpu.vector_load %arg12[%swap3A_348, %swap3A_349, %swap3A_350] {strides = array<i32>} : memref<2x128x80xf32, #tpu.memory_space<vmem>>, vector<16xf32>,
        tpu.vector_store %arg12[%swap3A_348, %swap3A_349, %swap3A_350], %mul3A_347 {strides = array<i32>} : memref<2x128x80xf32, #tpu.memory_space<vmem>>, vector<16xf32>,
        %get3A_352 = arith.index_cast %rem3A_81 : i32 to index
        %get3A_353 = arith.index_cast %add3A_341 : i32 to index
        %get3A_354 = arith.constant 16 : index
        %get3A_355 = tpu.vector_load %arg12[%get3A_352, %get3A_353, %get3A_354] {strides = array<i32>} : memref<2x128x80xf32, #tpu.memory_space<vmem>>, vector<16xf32>,
        %mul3A_356 = vector.broadcast %squeeze3A_337 : f32 to vector<16xf32>
        %mul3A_357 = arith.mulf %get3A_355, %mul3A_356 : vector<16xf32>
        %swap3A_358 = arith.index_cast %rem3A_81 : i32 to index
        %swap3A_359 = arith.index_cast %add3A_341 : i32 to index
        %swap3A_360 = arith.constant 16 : index
        %swap3A_361 = tpu.vector_load %arg12[%swap3A_358, %swap3A_359, %swap3A_360] {strides = array<i32>} : memref<2x128x80xf32, #tpu.memory_space<vmem>>, vector<16xf32>,
        tpu.vector_store %arg12[%swap3A_358, %swap3A_359, %swap3A_360], %mul3A_357 {strides = array<i32>} : memref<2x128x80xf32, #tpu.memory_space<vmem>>, vector<16xf32>,
        %get3A_362 = arith.index_cast %rem3A_81 : i32 to index
        %get3A_363 = arith.index_cast %add3A_341 : i32 to index
        %get3A_364 = arith.constant 32 : index
        %get3A_365 = tpu.vector_load %arg12[%get3A_362, %get3A_363, %get3A_364] {strides = array<i32>} : memref<2x128x80xf32, #tpu.memory_space<vmem>>, vector<16xf32>,
        %mul3A_366 = vector.broadcast %squeeze3A_337 : f32 to vector<16xf32>
        %mul3A_367 = arith.mulf %get3A_365, %mul3A_366 : vector<16xf32>
        %swap3A_368 = arith.index_cast %rem3A_81 : i32 to index
        %swap3A_369 = arith.index_cast %add3A_341 : i32 to index
        %swap3A_370 = arith.constant 32 : index
        %swap3A_371 = tpu.vector_load %arg12[%swap3A_368, %swap3A_369, %swap3A_370] {strides = array<i32>} : memref<2x128x80xf32, #tpu.memory_space<vmem>>, vector<16xf32>,
        tpu.vector_store %arg12[%swap3A_368, %swap3A_369, %swap3A_370], %mul3A_367 {strides = array<i32>} : memref<2x128x80xf32, #tpu.memory_space<vmem>>, vector<16xf32>,
        %get3A_372 = arith.index_cast %rem3A_81 : i32 to index
        %get3A_373 = arith.index_cast %add3A_341 : i32 to index
        %get3A_374 = arith.constant 48 : index
        %get3A_375 = tpu.vector_load %arg12[%get3A_372, %get3A_373, %get3A_374] {strides = array<i32>} : memref<2x128x80xf32, #tpu.memory_space<vmem>>, vector<16xf32>,
        %mul3A_376 = vector.broadcast %squeeze3A_337 : f32 to vector<16xf32>
        %mul3A_377 = arith.mulf %get3A_375, %mul3A_376 : vector<16xf32>
        %swap3A_378 = arith.index_cast %rem3A_81 : i32 to index
        %swap3A_379 = arith.index_cast %add3A_341 : i32 to index
        %swap3A_380 = arith.constant 48 : index
        %swap3A_381 = tpu.vector_load %arg12[%swap3A_378, %swap3A_379, %swap3A_380] {strides = array<i32>} : memref<2x128x80xf32, #tpu.memory_space<vmem>>, vector<16xf32>,
        tpu.vector_store %arg12[%swap3A_378, %swap3A_379, %swap3A_380], %mul3A_377 {strides = array<i32>} : memref<2x128x80xf32, #tpu.memory_space<vmem>>, vector<16xf32>,
        %get3A_382 = arith.index_cast %rem3A_81 : i32 to index
        %get3A_383 = arith.index_cast %add3A_341 : i32 to index
        %get3A_384 = arith.constant 64 : index
        %get3A_385 = tpu.vector_load %arg12[%get3A_382, %get3A_383, %get3A_384] {strides = array<i32>} : memref<2x128x80xf32, #tpu.memory_space<vmem>>, vector<16xf32>,
        %mul3A_386 = vector.broadcast %squeeze3A_337 : f32 to vector<16xf32>
        %mul3A_387 = arith.mulf %get3A_385, %mul3A_386 : vector<16xf32>
        %swap3A_388 = arith.index_cast %rem3A_81 : i32 to index
        %swap3A_389 = arith.index_cast %add3A_341 : i32 to index
        %swap3A_390 = arith.constant 64 : index
        %swap3A_391 = tpu.vector_load %arg12[%swap3A_388, %swap3A_389, %swap3A_390] {strides = array<i32>} : memref<2x128x80xf32, #tpu.memory_space<vmem>>, vector<16xf32>,
        tpu.vector_store %arg12[%swap3A_388, %swap3A_389, %swap3A_390], %mul3A_387 {strides = array<i32>} : memref<2x128x80xf32, #tpu.memory_space<vmem>>, vector<16xf32>,
        %slice3A_392 = vector.extract_strided_slice %exp3A {offsets = [5], sizes = [1], strides = [1]} : vector<16xf32> to vector<1xf32>
        %squeeze3A_393 = vector.extract %slice3A_392[0] : f32 from vector<1xf32>
        %mul3A_394 = arith.constant 16 : i32
        %mul3A_395 = arith.muli %scan3A_100, %mul3A_394 : i32
        %add3A_396 = arith.constant 5 : i32
        %add3A_397 = arith.addi %mul3A_395, %add3A_396 : i32
        %get3A_398 = arith.index_cast %rem3A_81 : i32 to index
        %get3A_399 = arith.index_cast %add3A_397 : i32 to index
        %get3A_400 = arith.constant 0 : index
        %get3A_401 = tpu.vector_load %arg12[%get3A_398, %get3A_399, %get3A_400] {strides = array<i32>} : memref<2x128x80xf32, #tpu.memory_space<vmem>>, vector<16xf32>,
        %mul3A_402 = vector.broadcast %squeeze3A_393 : f32 to vector<16xf32>
        %mul3A_403 = arith.mulf %get3A_401, %mul3A_402 : vector<16xf32>
        %swap3A_404 = arith.index_cast %rem3A_81 : i32 to index
        %swap3A_405 = arith.index_cast %add3A_397 : i32 to index
        %swap3A_406 = arith.constant 0 : index
        %swap3A_407 = tpu.vector_load %arg12[%swap3A_404, %swap3A_405, %swap3A_406] {strides = array<i32>} : memref<2x128x80xf32, #tpu.memory_space<vmem>>, vector<16xf32>,
        tpu.vector_store %arg12[%swap3A_404, %swap3A_405, %swap3A_406], %mul3A_403 {strides = array<i32>} : memref<2x128x80xf32, #tpu.memory_space<vmem>>, vector<16xf32>,
        %get3A_408 = arith.index_cast %rem3A_81 : i32 to index
        %get3A_409 = arith.index_cast %add3A_397 : i32 to index
        %get3A_410 = arith.constant 16 : index
        %get3A_411 = tpu.vector_load %arg12[%get3A_408, %get3A_409, %get3A_410] {strides = array<i32>} : memref<2x128x80xf32, #tpu.memory_space<vmem>>, vector<16xf32>,
        %mul3A_412 = vector.broadcast %squeeze3A_393 : f32 to vector<16xf32>
        %mul3A_413 = arith.mulf %get3A_411, %mul3A_412 : vector<16xf32>
        %swap3A_414 = arith.index_cast %rem3A_81 : i32 to index
        %swap3A_415 = arith.index_cast %add3A_397 : i32 to index
        %swap3A_416 = arith.constant 16 : index
        %swap3A_417 = tpu.vector_load %arg12[%swap3A_414, %swap3A_415, %swap3A_416] {strides = array<i32>} : memref<2x128x80xf32, #tpu.memory_space<vmem>>, vector<16xf32>,
        tpu.vector_store %arg12[%swap3A_414, %swap3A_415, %swap3A_416], %mul3A_413 {strides = array<i32>} : memref<2x128x80xf32, #tpu.memory_space<vmem>>, vector<16xf32>,
        %get3A_418 = arith.index_cast %rem3A_81 : i32 to index
        %get3A_419 = arith.index_cast %add3A_397 : i32 to index
        %get3A_420 = arith.constant 32 : index
        %get3A_421 = tpu.vector_load %arg12[%get3A_418, %get3A_419, %get3A_420] {strides = array<i32>} : memref<2x128x80xf32, #tpu.memory_space<vmem>>, vector<16xf32>,
        %mul3A_422 = vector.broadcast %squeeze3A_393 : f32 to vector<16xf32>
        %mul3A_423 = arith.mulf %get3A_421, %mul3A_422 : vector<16xf32>
        %swap3A_424 = arith.index_cast %rem3A_81 : i32 to index
        %swap3A_425 = arith.index_cast %add3A_397 : i32 to index
        %swap3A_426 = arith.constant 32 : index
        %swap3A_427 = tpu.vector_load %arg12[%swap3A_424, %swap3A_425, %swap3A_426] {strides = array<i32>} : memref<2x128x80xf32, #tpu.memory_space<vmem>>, vector<16xf32>,
        tpu.vector_store %arg12[%swap3A_424, %swap3A_425, %swap3A_426], %mul3A_423 {strides = array<i32>} : memref<2x128x80xf32, #tpu.memory_space<vmem>>, vector<16xf32>,
        %get3A_428 = arith.index_cast %rem3A_81 : i32 to index
        %get3A_429 = arith.index_cast %add3A_397 : i32 to index
        %get3A_430 = arith.constant 48 : index
        %get3A_431 = tpu.vector_load %arg12[%get3A_428, %get3A_429, %get3A_430] {strides = array<i32>} : memref<2x128x80xf32, #tpu.memory_space<vmem>>, vector<16xf32>,
        %mul3A_432 = vector.broadcast %squeeze3A_393 : f32 to vector<16xf32>
        %mul3A_433 = arith.mulf %get3A_431, %mul3A_432 : vector<16xf32>
        %swap3A_434 = arith.index_cast %rem3A_81 : i32 to index
        %swap3A_435 = arith.index_cast %add3A_397 : i32 to index
        %swap3A_436 = arith.constant 48 : index
        %swap3A_437 = tpu.vector_load %arg12[%swap3A_434, %swap3A_435, %swap3A_436] {strides = array<i32>} : memref<2x128x80xf32, #tpu.memory_space<vmem>>, vector<16xf32>,
        tpu.vector_store %arg12[%swap3A_434, %swap3A_435, %swap3A_436], %mul3A_433 {strides = array<i32>} : memref<2x128x80xf32, #tpu.memory_space<vmem>>, vector<16xf32>,
        %get3A_438 = arith.index_cast %rem3A_81 : i32 to index
        %get3A_439 = arith.index_cast %add3A_397 : i32 to index
        %get3A_440 = arith.constant 64 : index
        %get3A_441 = tpu.vector_load %arg12[%get3A_438, %get3A_439, %get3A_440] {strides = array<i32>} : memref<2x128x80xf32, #tpu.memory_space<vmem>>, vector<16xf32>,
        %mul3A_442 = vector.broadcast %squeeze3A_393 : f32 to vector<16xf32>
        %mul3A_443 = arith.mulf %get3A_441, %mul3A_442 : vector<16xf32>
        %swap3A_444 = arith.index_cast %rem3A_81 : i32 to index
        %swap3A_445 = arith.index_cast %add3A_397 : i32 to index
        %swap3A_446 = arith.constant 64 : index
        %swap3A_447 = tpu.vector_load %arg12[%swap3A_444, %swap3A_445, %swap3A_446] {strides = array<i32>} : memref<2x128x80xf32, #tpu.memory_space<vmem>>, vector<16xf32>,
        tpu.vector_store %arg12[%swap3A_444, %swap3A_445, %swap3A_446], %mul3A_443 {strides = array<i32>} : memref<2x128x80xf32, #tpu.memory_space<vmem>>, vector<16xf32>,
        %slice3A_448 = vector.extract_strided_slice %exp3A {offsets = [6], sizes = [1], strides = [1]} : vector<16xf32> to vector<1xf32>
        %squeeze3A_449 = vector.extract %slice3A_448[0] : f32 from vector<1xf32>
        %mul3A_450 = arith.constant 16 : i32
        %mul3A_451 = arith.muli %scan3A_100, %mul3A_450 : i32
        %add3A_452 = arith.constant 6 : i32
        %add3A_453 = arith.addi %mul3A_451, %add3A_452 : i32
        %get3A_454 = arith.index_cast %rem3A_81 : i32 to index
        %get3A_455 = arith.index_cast %add3A_453 : i32 to index
        %get3A_456 = arith.constant 0 : index
        %get3A_457 = tpu.vector_load %arg12[%get3A_454, %get3A_455, %get3A_456] {strides = array<i32>} : memref<2x128x80xf32, #tpu.memory_space<vmem>>, vector<16xf32>,
        %mul3A_458 = vector.broadcast %squeeze3A_449 : f32 to vector<16xf32>
        %mul3A_459 = arith.mulf %get3A_457, %mul3A_458 : vector<16xf32>
        %swap3A_460 = arith.index_cast %rem3A_81 : i32 to index
        %swap3A_461 = arith.index_cast %add3A_453 : i32 to index
        %swap3A_462 = arith.constant 0 : index
        %swap3A_463 = tpu.vector_load %arg12[%swap3A_460, %swap3A_461, %swap3A_462] {strides = array<i32>} : memref<2x128x80xf32, #tpu.memory_space<vmem>>, vector<16xf32>,
        tpu.vector_store %arg12[%swap3A_460, %swap3A_461, %swap3A_462], %mul3A_459 {strides = array<i32>} : memref<2x128x80xf32, #tpu.memory_space<vmem>>, vector<16xf32>,
        %get3A_464 = arith.index_cast %rem3A_81 : i32 to index
        %get3A_465 = arith.index_cast %add3A_453 : i32 to index
        %get3A_466 = arith.constant 16 : index
        %get3A_467 = tpu.vector_load %arg12[%get3A_464, %get3A_465, %get3A_466] {strides = array<i32>} : memref<2x128x80xf32, #tpu.memory_space<vmem>>, vector<16xf32>,
        %mul3A_468 = vector.broadcast %squeeze3A_449 : f32 to vector<16xf32>
        %mul3A_469 = arith.mulf %get3A_467, %mul3A_468 : vector<16xf32>
        %swap3A_470 = arith.index_cast %rem3A_81 : i32 to index
        %swap3A_471 = arith.index_cast %add3A_453 : i32 to index
        %swap3A_472 = arith.constant 16 : index
        %swap3A_473 = tpu.vector_load %arg12[%swap3A_470, %swap3A_471, %swap3A_472] {strides = array<i32>} : memref<2x128x80xf32, #tpu.memory_space<vmem>>, vector<16xf32>,
        tpu.vector_store %arg12[%swap3A_470, %swap3A_471, %swap3A_472], %mul3A_469 {strides = array<i32>} : memref<2x128x80xf32, #tpu.memory_space<vmem>>, vector<16xf32>,
        %get3A_474 = arith.index_cast %rem3A_81 : i32 to index
        %get3A_475 = arith.index_cast %add3A_453 : i32 to index
        %get3A_476 = arith.constant 32 : index
        %get3A_477 = tpu.vector_load %arg12[%get3A_474, %get3A_475, %get3A_476] {strides = array<i32>} : memref<2x128x80xf32, #tpu.memory_space<vmem>>, vector<16xf32>,
        %mul3A_478 = vector.broadcast %squeeze3A_449 : f32 to vector<16xf32>
        %mul3A_479 = arith.mulf %get3A_477, %mul3A_478 : vector<16xf32>
        %swap3A_480 = arith.index_cast %rem3A_81 : i32 to index
        %swap3A_481 = arith.index_cast %add3A_453 : i32 to index
        %swap3A_482 = arith.constant 32 : index
        %swap3A_483 = tpu.vector_load %arg12[%swap3A_480, %swap3A_481, %swap3A_482] {strides = array<i32>} : memref<2x128x80xf32, #tpu.memory_space<vmem>>, vector<16xf32>,
        tpu.vector_store %arg12[%swap3A_480, %swap3A_481, %swap3A_482], %mul3A_479 {strides = array<i32>} : memref<2x128x80xf32, #tpu.memory_space<vmem>>, vector<16xf32>,
        %get3A_484 = arith.index_cast %rem3A_81 : i32 to index
        %get3A_485 = arith.index_cast %add3A_453 : i32 to index
        %get3A_486 = arith.constant 48 : index
        %get3A_487 = tpu.vector_load %arg12[%get3A_484, %get3A_485, %get3A_486] {strides = array<i32>} : memref<2x128x80xf32, #tpu.memory_space<vmem>>, vector<16xf32>,
        %mul3A_488 = vector.broadcast %squeeze3A_449 : f32 to vector<16xf32>
        %mul3A_489 = arith.mulf %get3A_487, %mul3A_488 : vector<16xf32>
        %swap3A_490 = arith.index_cast %rem3A_81 : i32 to index
        %swap3A_491 = arith.index_cast %add3A_453 : i32 to index
        %swap3A_492 = arith.constant 48 : index
        %swap3A_493 = tpu.vector_load %arg12[%swap3A_490, %swap3A_491, %swap3A_492] {strides = array<i32>} : memref<2x128x80xf32, #tpu.memory_space<vmem>>, vector<16xf32>,
        tpu.vector_store %arg12[%swap3A_490, %swap3A_491, %swap3A_492], %mul3A_489 {strides = array<i32>} : memref<2x128x80xf32, #tpu.memory_space<vmem>>, vector<16xf32>,
        %get3A_494 = arith.index_cast %rem3A_81 : i32 to index
        %get3A_495 = arith.index_cast %add3A_453 : i32 to index
        %get3A_496 = arith.constant 64 : index
        %get3A_497 = tpu.vector_load %arg12[%get3A_494, %get3A_495, %get3A_496] {strides = array<i32>} : memref<2x128x80xf32, #tpu.memory_space<vmem>>, vector<16xf32>,
        %mul3A_498 = vector.broadcast %squeeze3A_449 : f32 to vector<16xf32>
        %mul3A_499 = arith.mulf %get3A_497, %mul3A_498 : vector<16xf32>
        %swap3A_500 = arith.index_cast %rem3A_81 : i32 to index
        %swap3A_501 = arith.index_cast %add3A_453 : i32 to index
        %swap3A_502 = arith.constant 64 : index
        %swap3A_503 = tpu.vector_load %arg12[%swap3A_500, %swap3A_501, %swap3A_502] {strides = array<i32>} : memref<2x128x80xf32, #tpu.memory_space<vmem>>, vector<16xf32>,
        tpu.vector_store %arg12[%swap3A_500, %swap3A_501, %swap3A_502], %mul3A_499 {strides = array<i32>} : memref<2x128x80xf32, #tpu.memory_space<vmem>>, vector<16xf32>,
        %slice3A_504 = vector.extract_strided_slice %exp3A {offsets = [7], sizes = [1], strides = [1]} : vector<16xf32> to vector<1xf32>
        %squeeze3A_505 = vector.extract %slice3A_504[0] : f32 from vector<1xf32>
        %mul3A_506 = arith.constant 16 : i32
        %mul3A_507 = arith.muli %scan3A_100, %mul3A_506 : i32
        %add3A_508 = arith.constant 7 : i32
        %add3A_509 = arith.addi %mul3A_507, %add3A_508 : i32
        %get3A_510 = arith.index_cast %rem3A_81 : i32 to index
        %get3A_511 = arith.index_cast %add3A_509 : i32 to index
        %get3A_512 = arith.constant 0 : index
        %get3A_513 = tpu.vector_load %arg12[%get3A_510, %get3A_511, %get3A_512] {strides = array<i32>} : memref<2x128x80xf32, #tpu.memory_space<vmem>>, vector<16xf32>,
        %mul3A_514 = vector.broadcast %squeeze3A_505 : f32 to vector<16xf32>
        %mul3A_515 = arith.mulf %get3A_513, %mul3A_514 : vector<16xf32>
        %swap3A_516 = arith.index_cast %rem3A_81 : i32 to index
        %swap3A_517 = arith.index_cast %add3A_509 : i32 to index
        %swap3A_518 = arith.constant 0 : index
        %swap3A_519 = tpu.vector_load %arg12[%swap3A_516, %swap3A_517, %swap3A_518] {strides = array<i32>} : memref<2x128x80xf32, #tpu.memory_space<vmem>>, vector<16xf32>,
        tpu.vector_store %arg12[%swap3A_516, %swap3A_517, %swap3A_518], %mul3A_515 {strides = array<i32>} : memref<2x128x80xf32, #tpu.memory_space<vmem>>, vector<16xf32>,
        %get3A_520 = arith.index_cast %rem3A_81 : i32 to index
        %get3A_521 = arith.index_cast %add3A_509 : i32 to index
        %get3A_522 = arith.constant 16 : index
        %get3A_523 = tpu.vector_load %arg12[%get3A_520, %get3A_521, %get3A_522] {strides = array<i32>} : memref<2x128x80xf32, #tpu.memory_space<vmem>>, vector<16xf32>,
        %mul3A_524 = vector.broadcast %squeeze3A_505 : f32 to vector<16xf32>
        %mul3A_525 = arith.mulf %get3A_523, %mul3A_524 : vector<16xf32>
        %swap3A_526 = arith.index_cast %rem3A_81 : i32 to index
        %swap3A_527 = arith.index_cast %add3A_509 : i32 to index
        %swap3A_528 = arith.constant 16 : index
        %swap3A_529 = tpu.vector_load %arg12[%swap3A_526, %swap3A_527, %swap3A_528] {strides = array<i32>} : memref<2x128x80xf32, #tpu.memory_space<vmem>>, vector<16xf32>,
        tpu.vector_store %arg12[%swap3A_526, %swap3A_527, %swap3A_528], %mul3A_525 {strides = array<i32>} : memref<2x128x80xf32, #tpu.memory_space<vmem>>, vector<16xf32>,
        %get3A_530 = arith.index_cast %rem3A_81 : i32 to index
        %get3A_531 = arith.index_cast %add3A_509 : i32 to index
        %get3A_532 = arith.constant 32 : index
        %get3A_533 = tpu.vector_load %arg12[%get3A_530, %get3A_531, %get3A_532] {strides = array<i32>} : memref<2x128x80xf32, #tpu.memory_space<vmem>>, vector<16xf32>,
        %mul3A_534 = vector.broadcast %squeeze3A_505 : f32 to vector<16xf32>
        %mul3A_535 = arith.mulf %get3A_533, %mul3A_534 : vector<16xf32>
        %swap3A_536 = arith.index_cast %rem3A_81 : i32 to index
        %swap3A_537 = arith.index_cast %add3A_509 : i32 to index
        %swap3A_538 = arith.constant 32 : index
        %swap3A_539 = tpu.vector_load %arg12[%swap3A_536, %swap3A_537, %swap3A_538] {strides = array<i32>} : memref<2x128x80xf32, #tpu.memory_space<vmem>>, vector<16xf32>,
        tpu.vector_store %arg12[%swap3A_536, %swap3A_537, %swap3A_538], %mul3A_535 {strides = array<i32>} : memref<2x128x80xf32, #tpu.memory_space<vmem>>, vector<16xf32>,
        %get3A_540 = arith.index_cast %rem3A_81 : i32 to index
        %get3A_541 = arith.index_cast %add3A_509 : i32 to index
        %get3A_542 = arith.constant 48 : index
        %get3A_543 = tpu.vector_load %arg12[%get3A_540, %get3A_541, %get3A_542] {strides = array<i32>} : memref<2x128x80xf32, #tpu.memory_space<vmem>>, vector<16xf32>,
        %mul3A_544 = vector.broadcast %squeeze3A_505 : f32 to vector<16xf32>
        %mul3A_545 = arith.mulf %get3A_543, %mul3A_544 : vector<16xf32>
        %swap3A_546 = arith.index_cast %rem3A_81 : i32 to index
        %swap3A_547 = arith.index_cast %add3A_509 : i32 to index
        %swap3A_548 = arith.constant 48 : index
        %swap3A_549 = tpu.vector_load %arg12[%swap3A_546, %swap3A_547, %swap3A_548] {strides = array<i32>} : memref<2x128x80xf32, #tpu.memory_space<vmem>>, vector<16xf32>,
        tpu.vector_store %arg12[%swap3A_546, %swap3A_547, %swap3A_548], %mul3A_545 {strides = array<i32>} : memref<2x128x80xf32, #tpu.memory_space<vmem>>, vector<16xf32>,
        %get3A_550 = arith.index_cast %rem3A_81 : i32 to index
        %get3A_551 = arith.index_cast %add3A_509 : i32 to index
        %get3A_552 = arith.constant 64 : index
        %get3A_553 = tpu.vector_load %arg12[%get3A_550, %get3A_551, %get3A_552] {strides = array<i32>} : memref<2x128x80xf32, #tpu.memory_space<vmem>>, vector<16xf32>,
        %mul3A_554 = vector.broadcast %squeeze3A_505 : f32 to vector<16xf32>
        %mul3A_555 = arith.mulf %get3A_553, %mul3A_554 : vector<16xf32>
        %swap3A_556 = arith.index_cast %rem3A_81 : i32 to index
        %swap3A_557 = arith.index_cast %add3A_509 : i32 to index
        %swap3A_558 = arith.constant 64 : index
        %swap3A_559 = tpu.vector_load %arg12[%swap3A_556, %swap3A_557, %swap3A_558] {strides = array<i32>} : memref<2x128x80xf32, #tpu.memory_space<vmem>>, vector<16xf32>,
        tpu.vector_store %arg12[%swap3A_556, %swap3A_557, %swap3A_558], %mul3A_555 {strides = array<i32>} : memref<2x128x80xf32, #tpu.memory_space<vmem>>, vector<16xf32>,
        %slice3A_560 = vector.extract_strided_slice %exp3A {offsets = [8], sizes = [1], strides = [1]} : vector<16xf32> to vector<1xf32>
        %squeeze3A_561 = vector.extract %slice3A_560[0] : f32 from vector<1xf32>
        %mul3A_562 = arith.constant 16 : i32
        %mul3A_563 = arith.muli %scan3A_100, %mul3A_562 : i32
        %add3A_564 = arith.constant 8 : i32
        %add3A_565 = arith.addi %mul3A_563, %add3A_564 : i32
        %get3A_566 = arith.index_cast %rem3A_81 : i32 to index
        %get3A_567 = arith.index_cast %add3A_565 : i32 to index
        %get3A_568 = arith.constant 0 : index
        %get3A_569 = tpu.vector_load %arg12[%get3A_566, %get3A_567, %get3A_568] {strides = array<i32>} : memref<2x128x80xf32, #tpu.memory_space<vmem>>, vector<16xf32>,
        %mul3A_570 = vector.broadcast %squeeze3A_561 : f32 to vector<16xf32>
        %mul3A_571 = arith.mulf %get3A_569, %mul3A_570 : vector<16xf32>
        %swap3A_572 = arith.index_cast %rem3A_81 : i32 to index
        %swap3A_573 = arith.index_cast %add3A_565 : i32 to index
        %swap3A_574 = arith.constant 0 : index
        %swap3A_575 = tpu.vector_load %arg12[%swap3A_572, %swap3A_573, %swap3A_574] {strides = array<i32>} : memref<2x128x80xf32, #tpu.memory_space<vmem>>, vector<16xf32>,
        tpu.vector_store %arg12[%swap3A_572, %swap3A_573, %swap3A_574], %mul3A_571 {strides = array<i32>} : memref<2x128x80xf32, #tpu.memory_space<vmem>>, vector<16xf32>,
        %get3A_576 = arith.index_cast %rem3A_81 : i32 to index
        %get3A_577 = arith.index_cast %add3A_565 : i32 to index
        %get3A_578 = arith.constant 16 : index
        %get3A_579 = tpu.vector_load %arg12[%get3A_576, %get3A_577, %get3A_578] {strides = array<i32>} : memref<2x128x80xf32, #tpu.memory_space<vmem>>, vector<16xf32>,
        %mul3A_580 = vector.broadcast %squeeze3A_561 : f32 to vector<16xf32>
        %mul3A_581 = arith.mulf %get3A_579, %mul3A_580 : vector<16xf32>
        %swap3A_582 = arith.index_cast %rem3A_81 : i32 to index
        %swap3A_583 = arith.index_cast %add3A_565 : i32 to index
        %swap3A_584 = arith.constant 16 : index
        %swap3A_585 = tpu.vector_load %arg12[%swap3A_582, %swap3A_583, %swap3A_584] {strides = array<i32>} : memref<2x128x80xf32, #tpu.memory_space<vmem>>, vector<16xf32>,
        tpu.vector_store %arg12[%swap3A_582, %swap3A_583, %swap3A_584], %mul3A_581 {strides = array<i32>} : memref<2x128x80xf32, #tpu.memory_space<vmem>>, vector<16xf32>,
        %get3A_586 = arith.index_cast %rem3A_81 : i32 to index
        %get3A_587 = arith.index_cast %add3A_565 : i32 to index
        %get3A_588 = arith.constant 32 : index
        %get3A_589 = tpu.vector_load %arg12[%get3A_586, %get3A_587, %get3A_588] {strides = array<i32>} : memref<2x128x80xf32, #tpu.memory_space<vmem>>, vector<16xf32>,
        %mul3A_590 = vector.broadcast %squeeze3A_561 : f32 to vector<16xf32>
        %mul3A_591 = arith.mulf %get3A_589, %mul3A_590 : vector<16xf32>
        %swap3A_592 = arith.index_cast %rem3A_81 : i32 to index
        %swap3A_593 = arith.index_cast %add3A_565 : i32 to index
        %swap3A_594 = arith.constant 32 : index
        %swap3A_595 = tpu.vector_load %arg12[%swap3A_592, %swap3A_593, %swap3A_594] {strides = array<i32>} : memref<2x128x80xf32, #tpu.memory_space<vmem>>, vector<16xf32>,
        tpu.vector_store %arg12[%swap3A_592, %swap3A_593, %swap3A_594], %mul3A_591 {strides = array<i32>} : memref<2x128x80xf32, #tpu.memory_space<vmem>>, vector<16xf32>,
        %get3A_596 = arith.index_cast %rem3A_81 : i32 to index
        %get3A_597 = arith.index_cast %add3A_565 : i32 to index
        %get3A_598 = arith.constant 48 : index
        %get3A_599 = tpu.vector_load %arg12[%get3A_596, %get3A_597, %get3A_598] {strides = array<i32>} : memref<2x128x80xf32, #tpu.memory_space<vmem>>, vector<16xf32>,
        %mul3A_600 = vector.broadcast %squeeze3A_561 : f32 to vector<16xf32>
        %mul3A_601 = arith.mulf %get3A_599, %mul3A_600 : vector<16xf32>
        %swap3A_602 = arith.index_cast %rem3A_81 : i32 to index
        %swap3A_603 = arith.index_cast %add3A_565 : i32 to index
        %swap3A_604 = arith.constant 48 : index
        %swap3A_605 = tpu.vector_load %arg12[%swap3A_602, %swap3A_603, %swap3A_604] {strides = array<i32>} : memref<2x128x80xf32, #tpu.memory_space<vmem>>, vector<16xf32>,
        tpu.vector_store %arg12[%swap3A_602, %swap3A_603, %swap3A_604], %mul3A_601 {strides = array<i32>} : memref<2x128x80xf32, #tpu.memory_space<vmem>>, vector<16xf32>,
        %get3A_606 = arith.index_cast %rem3A_81 : i32 to index
        %get3A_607 = arith.index_cast %add3A_565 : i32 to index
        %get3A_608 = arith.constant 64 : index
        %get3A_609 = tpu.vector_load %arg12[%get3A_606, %get3A_607, %get3A_608] {strides = array<i32>} : memref<2x128x80xf32, #tpu.memory_space<vmem>>, vector<16xf32>,
        %mul3A_610 = vector.broadcast %squeeze3A_561 : f32 to vector<16xf32>
        %mul3A_611 = arith.mulf %get3A_609, %mul3A_610 : vector<16xf32>
        %swap3A_612 = arith.index_cast %rem3A_81 : i32 to index
        %swap3A_613 = arith.index_cast %add3A_565 : i32 to index
        %swap3A_614 = arith.constant 64 : index
        %swap3A_615 = tpu.vector_load %arg12[%swap3A_612, %swap3A_613, %swap3A_614] {strides = array<i32>} : memref<2x128x80xf32, #tpu.memory_space<vmem>>, vector<16xf32>,
        tpu.vector_store %arg12[%swap3A_612, %swap3A_613, %swap3A_614], %mul3A_611 {strides = array<i32>} : memref<2x128x80xf32, #tpu.memory_space<vmem>>, vector<16xf32>,
        %slice3A_616 = vector.extract_strided_slice %exp3A {offsets = [9], sizes = [1], strides = [1]} : vector<16xf32> to vector<1xf32>
        %squeeze3A_617 = vector.extract %slice3A_616[0] : f32 from vector<1xf32>
        %mul3A_618 = arith.constant 16 : i32
        %mul3A_619 = arith.muli %scan3A_100, %mul3A_618 : i32
        %add3A_620 = arith.constant 9 : i32
        %add3A_621 = arith.addi %mul3A_619, %add3A_620 : i32
        %get3A_622 = arith.index_cast %rem3A_81 : i32 to index
        %get3A_623 = arith.index_cast %add3A_621 : i32 to index
        %get3A_624 = arith.constant 0 : index
        %get3A_625 = tpu.vector_load %arg12[%get3A_622, %get3A_623, %get3A_624] {strides = array<i32>} : memref<2x128x80xf32, #tpu.memory_space<vmem>>, vector<16xf32>,
        %mul3A_626 = vector.broadcast %squeeze3A_617 : f32 to vector<16xf32>
        %mul3A_627 = arith.mulf %get3A_625, %mul3A_626 : vector<16xf32>
        %swap3A_628 = arith.index_cast %rem3A_81 : i32 to index
        %swap3A_629 = arith.index_cast %add3A_621 : i32 to index
        %swap3A_630 = arith.constant 0 : index
        %swap3A_631 = tpu.vector_load %arg12[%swap3A_628, %swap3A_629, %swap3A_630] {strides = array<i32>} : memref<2x128x80xf32, #tpu.memory_space<vmem>>, vector<16xf32>,
        tpu.vector_store %arg12[%swap3A_628, %swap3A_629, %swap3A_630], %mul3A_627 {strides = array<i32>} : memref<2x128x80xf32, #tpu.memory_space<vmem>>, vector<16xf32>,
        %get3A_632 = arith.index_cast %rem3A_81 : i32 to index
        %get3A_633 = arith.index_cast %add3A_621 : i32 to index
        %get3A_634 = arith.constant 16 : index
        %get3A_635 = tpu.vector_load %arg12[%get3A_632, %get3A_633, %get3A_634] {strides = array<i32>} : memref<2x128x80xf32, #tpu.memory_space<vmem>>, vector<16xf32>,
        %mul3A_636 = vector.broadcast %squeeze3A_617 : f32 to vector<16xf32>
        %mul3A_637 = arith.mulf %get3A_635, %mul3A_636 : vector<16xf32>
        %swap3A_638 = arith.index_cast %rem3A_81 : i32 to index
        %swap3A_639 = arith.index_cast %add3A_621 : i32 to index
        %swap3A_640 = arith.constant 16 : index
        %swap3A_641 = tpu.vector_load %arg12[%swap3A_638, %swap3A_639, %swap3A_640] {strides = array<i32>} : memref<2x128x80xf32, #tpu.memory_space<vmem>>, vector<16xf32>,
        tpu.vector_store %arg12[%swap3A_638, %swap3A_639, %swap3A_640], %mul3A_637 {strides = array<i32>} : memref<2x128x80xf32, #tpu.memory_space<vmem>>, vector<16xf32>,
        %get3A_642 = arith.index_cast %rem3A_81 : i32 to index
        %get3A_643 = arith.index_cast %add3A_621 : i32 to index
        %get3A_644 = arith.constant 32 : index
        %get3A_645 = tpu.vector_load %arg12[%get3A_642, %get3A_643, %get3A_644] {strides = array<i32>} : memref<2x128x80xf32, #tpu.memory_space<vmem>>, vector<16xf32>,
        %mul3A_646 = vector.broadcast %squeeze3A_617 : f32 to vector<16xf32>
        %mul3A_647 = arith.mulf %get3A_645, %mul3A_646 : vector<16xf32>
        %swap3A_648 = arith.index_cast %rem3A_81 : i32 to index
        %swap3A_649 = arith.index_cast %add3A_621 : i32 to index
        %swap3A_650 = arith.constant 32 : index
        %swap3A_651 = tpu.vector_load %arg12[%swap3A_648, %swap3A_649, %swap3A_650] {strides = array<i32>} : memref<2x128x80xf32, #tpu.memory_space<vmem>>, vector<16xf32>,
        tpu.vector_store %arg12[%swap3A_648, %swap3A_649, %swap3A_650], %mul3A_647 {strides = array<i32>} : memref<2x128x80xf32, #tpu.memory_space<vmem>>, vector<16xf32>,
        %get3A_652 = arith.index_cast %rem3A_81 : i32 to index
        %get3A_653 = arith.index_cast %add3A_621 : i32 to index
        %get3A_654 = arith.constant 48 : index
        %get3A_655 = tpu.vector_load %arg12[%get3A_652, %get3A_653, %get3A_654] {strides = array<i32>} : memref<2x128x80xf32, #tpu.memory_space<vmem>>, vector<16xf32>,
        %mul3A_656 = vector.broadcast %squeeze3A_617 : f32 to vector<16xf32>
        %mul3A_657 = arith.mulf %get3A_655, %mul3A_656 : vector<16xf32>
        %swap3A_658 = arith.index_cast %rem3A_81 : i32 to index
        %swap3A_659 = arith.index_cast %add3A_621 : i32 to index
        %swap3A_660 = arith.constant 48 : index
        %swap3A_661 = tpu.vector_load %arg12[%swap3A_658, %swap3A_659, %swap3A_660] {strides = array<i32>} : memref<2x128x80xf32, #tpu.memory_space<vmem>>, vector<16xf32>,
        tpu.vector_store %arg12[%swap3A_658, %swap3A_659, %swap3A_660], %mul3A_657 {strides = array<i32>} : memref<2x128x80xf32, #tpu.memory_space<vmem>>, vector<16xf32>,
        %get3A_662 = arith.index_cast %rem3A_81 : i32 to index
        %get3A_663 = arith.index_cast %add3A_621 : i32 to index
        %get3A_664 = arith.constant 64 : index
        %get3A_665 = tpu.vector_load %arg12[%get3A_662, %get3A_663, %get3A_664] {strides = array<i32>} : memref<2x128x80xf32, #tpu.memory_space<vmem>>, vector<16xf32>,
        %mul3A_666 = vector.broadcast %squeeze3A_617 : f32 to vector<16xf32>
        %mul3A_667 = arith.mulf %get3A_665, %mul3A_666 : vector<16xf32>
        %swap3A_668 = arith.index_cast %rem3A_81 : i32 to index
        %swap3A_669 = arith.index_cast %add3A_621 : i32 to index
        %swap3A_670 = arith.constant 64 : index
        %swap3A_671 = tpu.vector_load %arg12[%swap3A_668, %swap3A_669, %swap3A_670] {strides = array<i32>} : memref<2x128x80xf32, #tpu.memory_space<vmem>>, vector<16xf32>,
        tpu.vector_store %arg12[%swap3A_668, %swap3A_669, %swap3A_670], %mul3A_667 {strides = array<i32>} : memref<2x128x80xf32, #tpu.memory_space<vmem>>, vector<16xf32>,
        %slice3A_672 = vector.extract_strided_slice %exp3A {offsets = [10], sizes = [1], strides = [1]} : vector<16xf32> to vector<1xf32>
        %squeeze3A_673 = vector.extract %slice3A_672[0] : f32 from vector<1xf32>
        %mul3A_674 = arith.constant 16 : i32
        %mul3A_675 = arith.muli %scan3A_100, %mul3A_674 : i32
        %add3A_676 = arith.constant 10 : i32
        %add3A_677 = arith.addi %mul3A_675, %add3A_676 : i32
        %get3A_678 = arith.index_cast %rem3A_81 : i32 to index
        %get3A_679 = arith.index_cast %add3A_677 : i32 to index
        %get3A_680 = arith.constant 0 : index
        %get3A_681 = tpu.vector_load %arg12[%get3A_678, %get3A_679, %get3A_680] {strides = array<i32>} : memref<2x128x80xf32, #tpu.memory_space<vmem>>, vector<16xf32>,
        %mul3A_682 = vector.broadcast %squeeze3A_673 : f32 to vector<16xf32>
        %mul3A_683 = arith.mulf %get3A_681, %mul3A_682 : vector<16xf32>
        %swap3A_684 = arith.index_cast %rem3A_81 : i32 to index
        %swap3A_685 = arith.index_cast %add3A_677 : i32 to index
        %swap3A_686 = arith.constant 0 : index
        %swap3A_687 = tpu.vector_load %arg12[%swap3A_684, %swap3A_685, %swap3A_686] {strides = array<i32>} : memref<2x128x80xf32, #tpu.memory_space<vmem>>, vector<16xf32>,
        tpu.vector_store %arg12[%swap3A_684, %swap3A_685, %swap3A_686], %mul3A_683 {strides = array<i32>} : memref<2x128x80xf32, #tpu.memory_space<vmem>>, vector<16xf32>,
        %get3A_688 = arith.index_cast %rem3A_81 : i32 to index
        %get3A_689 = arith.index_cast %add3A_677 : i32 to index
        %get3A_690 = arith.constant 16 : index
        %get3A_691 = tpu.vector_load %arg12[%get3A_688, %get3A_689, %get3A_690] {strides = array<i32>} : memref<2x128x80xf32, #tpu.memory_space<vmem>>, vector<16xf32>,
        %mul3A_692 = vector.broadcast %squeeze3A_673 : f32 to vector<16xf32>
        %mul3A_693 = arith.mulf %get3A_691, %mul3A_692 : vector<16xf32>
        %swap3A_694 = arith.index_cast %rem3A_81 : i32 to index
        %swap3A_695 = arith.index_cast %add3A_677 : i32 to index
        %swap3A_696 = arith.constant 16 : index
        %swap3A_697 = tpu.vector_load %arg12[%swap3A_694, %swap3A_695, %swap3A_696] {strides = array<i32>} : memref<2x128x80xf32, #tpu.memory_space<vmem>>, vector<16xf32>,
        tpu.vector_store %arg12[%swap3A_694, %swap3A_695, %swap3A_696], %mul3A_693 {strides = array<i32>} : memref<2x128x80xf32, #tpu.memory_space<vmem>>, vector<16xf32>,
        %get3A_698 = arith.index_cast %rem3A_81 : i32 to index
        %get3A_699 = arith.index_cast %add3A_677 : i32 to index
        %get3A_700 = arith.constant 32 : index
        %get3A_701 = tpu.vector_load %arg12[%get3A_698, %get3A_699, %get3A_700] {strides = array<i32>} : memref<2x128x80xf32, #tpu.memory_space<vmem>>, vector<16xf32>,
        %mul3A_702 = vector.broadcast %squeeze3A_673 : f32 to vector<16xf32>
        %mul3A_703 = arith.mulf %get3A_701, %mul3A_702 : vector<16xf32>
        %swap3A_704 = arith.index_cast %rem3A_81 : i32 to index
        %swap3A_705 = arith.index_cast %add3A_677 : i32 to index
        %swap3A_706 = arith.constant 32 : index
        %swap3A_707 = tpu.vector_load %arg12[%swap3A_704, %swap3A_705, %swap3A_706] {strides = array<i32>} : memref<2x128x80xf32, #tpu.memory_space<vmem>>, vector<16xf32>,
        tpu.vector_store %arg12[%swap3A_704, %swap3A_705, %swap3A_706], %mul3A_703 {strides = array<i32>} : memref<2x128x80xf32, #tpu.memory_space<vmem>>, vector<16xf32>,
        %get3A_708 = arith.index_cast %rem3A_81 : i32 to index
        %get3A_709 = arith.index_cast %add3A_677 : i32 to index
        %get3A_710 = arith.constant 48 : index
        %get3A_711 = tpu.vector_load %arg12[%get3A_708, %get3A_709, %get3A_710] {strides = array<i32>} : memref<2x128x80xf32, #tpu.memory_space<vmem>>, vector<16xf32>,
        %mul3A_712 = vector.broadcast %squeeze3A_673 : f32 to vector<16xf32>
        %mul3A_713 = arith.mulf %get3A_711, %mul3A_712 : vector<16xf32>
        %swap3A_714 = arith.index_cast %rem3A_81 : i32 to index
        %swap3A_715 = arith.index_cast %add3A_677 : i32 to index
        %swap3A_716 = arith.constant 48 : index
        %swap3A_717 = tpu.vector_load %arg12[%swap3A_714, %swap3A_715, %swap3A_716] {strides = array<i32>} : memref<2x128x80xf32, #tpu.memory_space<vmem>>, vector<16xf32>,
        tpu.vector_store %arg12[%swap3A_714, %swap3A_715, %swap3A_716], %mul3A_713 {strides = array<i32>} : memref<2x128x80xf32, #tpu.memory_space<vmem>>, vector<16xf32>,
        %get3A_718 = arith.index_cast %rem3A_81 : i32 to index
        %get3A_719 = arith.index_cast %add3A_677 : i32 to index
        %get3A_720 = arith.constant 64 : index
        %get3A_721 = tpu.vector_load %arg12[%get3A_718, %get3A_719, %get3A_720] {strides = array<i32>} : memref<2x128x80xf32, #tpu.memory_space<vmem>>, vector<16xf32>,
        %mul3A_722 = vector.broadcast %squeeze3A_673 : f32 to vector<16xf32>
        %mul3A_723 = arith.mulf %get3A_721, %mul3A_722 : vector<16xf32>
        %swap3A_724 = arith.index_cast %rem3A_81 : i32 to index
        %swap3A_725 = arith.index_cast %add3A_677 : i32 to index
        %swap3A_726 = arith.constant 64 : index
        %swap3A_727 = tpu.vector_load %arg12[%swap3A_724, %swap3A_725, %swap3A_726] {strides = array<i32>} : memref<2x128x80xf32, #tpu.memory_space<vmem>>, vector<16xf32>,
        tpu.vector_store %arg12[%swap3A_724, %swap3A_725, %swap3A_726], %mul3A_723 {strides = array<i32>} : memref<2x128x80xf32, #tpu.memory_space<vmem>>, vector<16xf32>,
        %slice3A_728 = vector.extract_strided_slice %exp3A {offsets = [11], sizes = [1], strides = [1]} : vector<16xf32> to vector<1xf32>
        %squeeze3A_729 = vector.extract %slice3A_728[0] : f32 from vector<1xf32>
        %mul3A_730 = arith.constant 16 : i32
        %mul3A_731 = arith.muli %scan3A_100, %mul3A_730 : i32
        %add3A_732 = arith.constant 11 : i32
        %add3A_733 = arith.addi %mul3A_731, %add3A_732 : i32
        %get3A_734 = arith.index_cast %rem3A_81 : i32 to index
        %get3A_735 = arith.index_cast %add3A_733 : i32 to index
        %get3A_736 = arith.constant 0 : index
        %get3A_737 = tpu.vector_load %arg12[%get3A_734, %get3A_735, %get3A_736] {strides = array<i32>} : memref<2x128x80xf32, #tpu.memory_space<vmem>>, vector<16xf32>,
        %mul3A_738 = vector.broadcast %squeeze3A_729 : f32 to vector<16xf32>
        %mul3A_739 = arith.mulf %get3A_737, %mul3A_738 : vector<16xf32>
        %swap3A_740 = arith.index_cast %rem3A_81 : i32 to index
        %swap3A_741 = arith.index_cast %add3A_733 : i32 to index
        %swap3A_742 = arith.constant 0 : index
        %swap3A_743 = tpu.vector_load %arg12[%swap3A_740, %swap3A_741, %swap3A_742] {strides = array<i32>} : memref<2x128x80xf32, #tpu.memory_space<vmem>>, vector<16xf32>,
        tpu.vector_store %arg12[%swap3A_740, %swap3A_741, %swap3A_742], %mul3A_739 {strides = array<i32>} : memref<2x128x80xf32, #tpu.memory_space<vmem>>, vector<16xf32>,
        %get3A_744 = arith.index_cast %rem3A_81 : i32 to index
        %get3A_745 = arith.index_cast %add3A_733 : i32 to index
        %get3A_746 = arith.constant 16 : index
        %get3A_747 = tpu.vector_load %arg12[%get3A_744, %get3A_745, %get3A_746] {strides = array<i32>} : memref<2x128x80xf32, #tpu.memory_space<vmem>>, vector<16xf32>,
        %mul3A_748 = vector.broadcast %squeeze3A_729 : f32 to vector<16xf32>
        %mul3A_749 = arith.mulf %get3A_747, %mul3A_748 : vector<16xf32>
        %swap3A_750 = arith.index_cast %rem3A_81 : i32 to index
        %swap3A_751 = arith.index_cast %add3A_733 : i32 to index
        %swap3A_752 = arith.constant 16 : index
        %swap3A_753 = tpu.vector_load %arg12[%swap3A_750, %swap3A_751, %swap3A_752] {strides = array<i32>} : memref<2x128x80xf32, #tpu.memory_space<vmem>>, vector<16xf32>,
        tpu.vector_store %arg12[%swap3A_750, %swap3A_751, %swap3A_752], %mul3A_749 {strides = array<i32>} : memref<2x128x80xf32, #tpu.memory_space<vmem>>, vector<16xf32>,
        %get3A_754 = arith.index_cast %rem3A_81 : i32 to index
        %get3A_755 = arith.index_cast %add3A_733 : i32 to index
        %get3A_756 = arith.constant 32 : index
        %get3A_757 = tpu.vector_load %arg12[%get3A_754, %get3A_755, %get3A_756] {strides = array<i32>} : memref<2x128x80xf32, #tpu.memory_space<vmem>>, vector<16xf32>,
        %mul3A_758 = vector.broadcast %squeeze3A_729 : f32 to vector<16xf32>
        %mul3A_759 = arith.mulf %get3A_757, %mul3A_758 : vector<16xf32>
        %swap3A_760 = arith.index_cast %rem3A_81 : i32 to index
        %swap3A_761 = arith.index_cast %add3A_733 : i32 to index
        %swap3A_762 = arith.constant 32 : index
        %swap3A_763 = tpu.vector_load %arg12[%swap3A_760, %swap3A_761, %swap3A_762] {strides = array<i32>} : memref<2x128x80xf32, #tpu.memory_space<vmem>>, vector<16xf32>,
        tpu.vector_store %arg12[%swap3A_760, %swap3A_761, %swap3A_762], %mul3A_759 {strides = array<i32>} : memref<2x128x80xf32, #tpu.memory_space<vmem>>, vector<16xf32>,
        %get3A_764 = arith.index_cast %rem3A_81 : i32 to index
        %get3A_765 = arith.index_cast %add3A_733 : i32 to index
        %get3A_766 = arith.constant 48 : index
        %get3A_767 = tpu.vector_load %arg12[%get3A_764, %get3A_765, %get3A_766] {strides = array<i32>} : memref<2x128x80xf32, #tpu.memory_space<vmem>>, vector<16xf32>,
        %mul3A_768 = vector.broadcast %squeeze3A_729 : f32 to vector<16xf32>
        %mul3A_769 = arith.mulf %get3A_767, %mul3A_768 : vector<16xf32>
        %swap3A_770 = arith.index_cast %rem3A_81 : i32 to index
        %swap3A_771 = arith.index_cast %add3A_733 : i32 to index
        %swap3A_772 = arith.constant 48 : index
        %swap3A_773 = tpu.vector_load %arg12[%swap3A_770, %swap3A_771, %swap3A_772] {strides = array<i32>} : memref<2x128x80xf32, #tpu.memory_space<vmem>>, vector<16xf32>,
        tpu.vector_store %arg12[%swap3A_770, %swap3A_771, %swap3A_772], %mul3A_769 {strides = array<i32>} : memref<2x128x80xf32, #tpu.memory_space<vmem>>, vector<16xf32>,
        %get3A_774 = arith.index_cast %rem3A_81 : i32 to index
        %get3A_775 = arith.index_cast %add3A_733 : i32 to index
        %get3A_776 = arith.constant 64 : index
        %get3A_777 = tpu.vector_load %arg12[%get3A_774, %get3A_775, %get3A_776] {strides = array<i32>} : memref<2x128x80xf32, #tpu.memory_space<vmem>>, vector<16xf32>,
        %mul3A_778 = vector.broadcast %squeeze3A_729 : f32 to vector<16xf32>
        %mul3A_779 = arith.mulf %get3A_777, %mul3A_778 : vector<16xf32>
        %swap3A_780 = arith.index_cast %rem3A_81 : i32 to index
        %swap3A_781 = arith.index_cast %add3A_733 : i32 to index
        %swap3A_782 = arith.constant 64 : index
        %swap3A_783 = tpu.vector_load %arg12[%swap3A_780, %swap3A_781, %swap3A_782] {strides = array<i32>} : memref<2x128x80xf32, #tpu.memory_space<vmem>>, vector<16xf32>,
        tpu.vector_store %arg12[%swap3A_780, %swap3A_781, %swap3A_782], %mul3A_779 {strides = array<i32>} : memref<2x128x80xf32, #tpu.memory_space<vmem>>, vector<16xf32>,
        %slice3A_784 = vector.extract_strided_slice %exp3A {offsets = [12], sizes = [1], strides = [1]} : vector<16xf32> to vector<1xf32>
        %squeeze3A_785 = vector.extract %slice3A_784[0] : f32 from vector<1xf32>
        %mul3A_786 = arith.constant 16 : i32
        %mul3A_787 = arith.muli %scan3A_100, %mul3A_786 : i32
        %add3A_788 = arith.constant 12 : i32
        %add3A_789 = arith.addi %mul3A_787, %add3A_788 : i32
        %get3A_790 = arith.index_cast %rem3A_81 : i32 to index
        %get3A_791 = arith.index_cast %add3A_789 : i32 to index
        %get3A_792 = arith.constant 0 : index
        %get3A_793 = tpu.vector_load %arg12[%get3A_790, %get3A_791, %get3A_792] {strides = array<i32>} : memref<2x128x80xf32, #tpu.memory_space<vmem>>, vector<16xf32>,
        %mul3A_794 = vector.broadcast %squeeze3A_785 : f32 to vector<16xf32>
        %mul3A_795 = arith.mulf %get3A_793, %mul3A_794 : vector<16xf32>
        %swap3A_796 = arith.index_cast %rem3A_81 : i32 to index
        %swap3A_797 = arith.index_cast %add3A_789 : i32 to index
        %swap3A_798 = arith.constant 0 : index
        %swap3A_799 = tpu.vector_load %arg12[%swap3A_796, %swap3A_797, %swap3A_798] {strides = array<i32>} : memref<2x128x80xf32, #tpu.memory_space<vmem>>, vector<16xf32>,
        tpu.vector_store %arg12[%swap3A_796, %swap3A_797, %swap3A_798], %mul3A_795 {strides = array<i32>} : memref<2x128x80xf32, #tpu.memory_space<vmem>>, vector<16xf32>,
        %get3A_800 = arith.index_cast %rem3A_81 : i32 to index
        %get3A_801 = arith.index_cast %add3A_789 : i32 to index
        %get3A_802 = arith.constant 16 : index
        %get3A_803 = tpu.vector_load %arg12[%get3A_800, %get3A_801, %get3A_802] {strides = array<i32>} : memref<2x128x80xf32, #tpu.memory_space<vmem>>, vector<16xf32>,
        %mul3A_804 = vector.broadcast %squeeze3A_785 : f32 to vector<16xf32>
        %mul3A_805 = arith.mulf %get3A_803, %mul3A_804 : vector<16xf32>
        %swap3A_806 = arith.index_cast %rem3A_81 : i32 to index
        %swap3A_807 = arith.index_cast %add3A_789 : i32 to index
        %swap3A_808 = arith.constant 16 : index
        %swap3A_809 = tpu.vector_load %arg12[%swap3A_806, %swap3A_807, %swap3A_808] {strides = array<i32>} : memref<2x128x80xf32, #tpu.memory_space<vmem>>, vector<16xf32>,
        tpu.vector_store %arg12[%swap3A_806, %swap3A_807, %swap3A_808], %mul3A_805 {strides = array<i32>} : memref<2x128x80xf32, #tpu.memory_space<vmem>>, vector<16xf32>,
        %get3A_810 = arith.index_cast %rem3A_81 : i32 to index
        %get3A_811 = arith.index_cast %add3A_789 : i32 to index
        %get3A_812 = arith.constant 32 : index
        %get3A_813 = tpu.vector_load %arg12[%get3A_810, %get3A_811, %get3A_812] {strides = array<i32>} : memref<2x128x80xf32, #tpu.memory_space<vmem>>, vector<16xf32>,
        %mul3A_814 = vector.broadcast %squeeze3A_785 : f32 to vector<16xf32>
        %mul3A_815 = arith.mulf %get3A_813, %mul3A_814 : vector<16xf32>
        %swap3A_816 = arith.index_cast %rem3A_81 : i32 to index
        %swap3A_817 = arith.index_cast %add3A_789 : i32 to index
        %swap3A_818 = arith.constant 32 : index
        %swap3A_819 = tpu.vector_load %arg12[%swap3A_816, %swap3A_817, %swap3A_818] {strides = array<i32>} : memref<2x128x80xf32, #tpu.memory_space<vmem>>, vector<16xf32>,
        tpu.vector_store %arg12[%swap3A_816, %swap3A_817, %swap3A_818], %mul3A_815 {strides = array<i32>} : memref<2x128x80xf32, #tpu.memory_space<vmem>>, vector<16xf32>,
        %get3A_820 = arith.index_cast %rem3A_81 : i32 to index
        %get3A_821 = arith.index_cast %add3A_789 : i32 to index
        %get3A_822 = arith.constant 48 : index
        %get3A_823 = tpu.vector_load %arg12[%get3A_820, %get3A_821, %get3A_822] {strides = array<i32>} : memref<2x128x80xf32, #tpu.memory_space<vmem>>, vector<16xf32>,
        %mul3A_824 = vector.broadcast %squeeze3A_785 : f32 to vector<16xf32>
        %mul3A_825 = arith.mulf %get3A_823, %mul3A_824 : vector<16xf32>
        %swap3A_826 = arith.index_cast %rem3A_81 : i32 to index
        %swap3A_827 = arith.index_cast %add3A_789 : i32 to index
        %swap3A_828 = arith.constant 48 : index
        %swap3A_829 = tpu.vector_load %arg12[%swap3A_826, %swap3A_827, %swap3A_828] {strides = array<i32>} : memref<2x128x80xf32, #tpu.memory_space<vmem>>, vector<16xf32>,
        tpu.vector_store %arg12[%swap3A_826, %swap3A_827, %swap3A_828], %mul3A_825 {strides = array<i32>} : memref<2x128x80xf32, #tpu.memory_space<vmem>>, vector<16xf32>,
        %get3A_830 = arith.index_cast %rem3A_81 : i32 to index
        %get3A_831 = arith.index_cast %add3A_789 : i32 to index
        %get3A_832 = arith.constant 64 : index
        %get3A_833 = tpu.vector_load %arg12[%get3A_830, %get3A_831, %get3A_832] {strides = array<i32>} : memref<2x128x80xf32, #tpu.memory_space<vmem>>, vector<16xf32>,
        %mul3A_834 = vector.broadcast %squeeze3A_785 : f32 to vector<16xf32>
        %mul3A_835 = arith.mulf %get3A_833, %mul3A_834 : vector<16xf32>
        %swap3A_836 = arith.index_cast %rem3A_81 : i32 to index
        %swap3A_837 = arith.index_cast %add3A_789 : i32 to index
        %swap3A_838 = arith.constant 64 : index
        %swap3A_839 = tpu.vector_load %arg12[%swap3A_836, %swap3A_837, %swap3A_838] {strides = array<i32>} : memref<2x128x80xf32, #tpu.memory_space<vmem>>, vector<16xf32>,
        tpu.vector_store %arg12[%swap3A_836, %swap3A_837, %swap3A_838], %mul3A_835 {strides = array<i32>} : memref<2x128x80xf32, #tpu.memory_space<vmem>>, vector<16xf32>,
        %slice3A_840 = vector.extract_strided_slice %exp3A {offsets = [13], sizes = [1], strides = [1]} : vector<16xf32> to vector<1xf32>
        %squeeze3A_841 = vector.extract %slice3A_840[0] : f32 from vector<1xf32>
        %mul3A_842 = arith.constant 16 : i32
        %mul3A_843 = arith.muli %scan3A_100, %mul3A_842 : i32
        %add3A_844 = arith.constant 13 : i32
        %add3A_845 = arith.addi %mul3A_843, %add3A_844 : i32
        %get3A_846 = arith.index_cast %rem3A_81 : i32 to index
        %get3A_847 = arith.index_cast %add3A_845 : i32 to index
        %get3A_848 = arith.constant 0 : index
        %get3A_849 = tpu.vector_load %arg12[%get3A_846, %get3A_847, %get3A_848] {strides = array<i32>} : memref<2x128x80xf32, #tpu.memory_space<vmem>>, vector<16xf32>,
        %mul3A_850 = vector.broadcast %squeeze3A_841 : f32 to vector<16xf32>
        %mul3A_851 = arith.mulf %get3A_849, %mul3A_850 : vector<16xf32>
        %swap3A_852 = arith.index_cast %rem3A_81 : i32 to index
        %swap3A_853 = arith.index_cast %add3A_845 : i32 to index
        %swap3A_854 = arith.constant 0 : index
        %swap3A_855 = tpu.vector_load %arg12[%swap3A_852, %swap3A_853, %swap3A_854] {strides = array<i32>} : memref<2x128x80xf32, #tpu.memory_space<vmem>>, vector<16xf32>,
        tpu.vector_store %arg12[%swap3A_852, %swap3A_853, %swap3A_854], %mul3A_851 {strides = array<i32>} : memref<2x128x80xf32, #tpu.memory_space<vmem>>, vector<16xf32>,
        %get3A_856 = arith.index_cast %rem3A_81 : i32 to index
        %get3A_857 = arith.index_cast %add3A_845 : i32 to index
        %get3A_858 = arith.constant 16 : index
        %get3A_859 = tpu.vector_load %arg12[%get3A_856, %get3A_857, %get3A_858] {strides = array<i32>} : memref<2x128x80xf32, #tpu.memory_space<vmem>>, vector<16xf32>,
        %mul3A_860 = vector.broadcast %squeeze3A_841 : f32 to vector<16xf32>
        %mul3A_861 = arith.mulf %get3A_859, %mul3A_860 : vector<16xf32>
        %swap3A_862 = arith.index_cast %rem3A_81 : i32 to index
        %swap3A_863 = arith.index_cast %add3A_845 : i32 to index
        %swap3A_864 = arith.constant 16 : index
        %swap3A_865 = tpu.vector_load %arg12[%swap3A_862, %swap3A_863, %swap3A_864] {strides = array<i32>} : memref<2x128x80xf32, #tpu.memory_space<vmem>>, vector<16xf32>,
        tpu.vector_store %arg12[%swap3A_862, %swap3A_863, %swap3A_864], %mul3A_861 {strides = array<i32>} : memref<2x128x80xf32, #tpu.memory_space<vmem>>, vector<16xf32>,
        %get3A_866 = arith.index_cast %rem3A_81 : i32 to index
        %get3A_867 = arith.index_cast %add3A_845 : i32 to index
        %get3A_868 = arith.constant 32 : index
        %get3A_869 = tpu.vector_load %arg12[%get3A_866, %get3A_867, %get3A_868] {strides = array<i32>} : memref<2x128x80xf32, #tpu.memory_space<vmem>>, vector<16xf32>,
        %mul3A_870 = vector.broadcast %squeeze3A_841 : f32 to vector<16xf32>
        %mul3A_871 = arith.mulf %get3A_869, %mul3A_870 : vector<16xf32>
        %swap3A_872 = arith.index_cast %rem3A_81 : i32 to index
        %swap3A_873 = arith.index_cast %add3A_845 : i32 to index
        %swap3A_874 = arith.constant 32 : index
        %swap3A_875 = tpu.vector_load %arg12[%swap3A_872, %swap3A_873, %swap3A_874] {strides = array<i32>} : memref<2x128x80xf32, #tpu.memory_space<vmem>>, vector<16xf32>,
        tpu.vector_store %arg12[%swap3A_872, %swap3A_873, %swap3A_874], %mul3A_871 {strides = array<i32>} : memref<2x128x80xf32, #tpu.memory_space<vmem>>, vector<16xf32>,
        %get3A_876 = arith.index_cast %rem3A_81 : i32 to index
        %get3A_877 = arith.index_cast %add3A_845 : i32 to index
        %get3A_878 = arith.constant 48 : index
        %get3A_879 = tpu.vector_load %arg12[%get3A_876, %get3A_877, %get3A_878] {strides = array<i32>} : memref<2x128x80xf32, #tpu.memory_space<vmem>>, vector<16xf32>,
        %mul3A_880 = vector.broadcast %squeeze3A_841 : f32 to vector<16xf32>
        %mul3A_881 = arith.mulf %get3A_879, %mul3A_880 : vector<16xf32>
        %swap3A_882 = arith.index_cast %rem3A_81 : i32 to index
        %swap3A_883 = arith.index_cast %add3A_845 : i32 to index
        %swap3A_884 = arith.constant 48 : index
        %swap3A_885 = tpu.vector_load %arg12[%swap3A_882, %swap3A_883, %swap3A_884] {strides = array<i32>} : memref<2x128x80xf32, #tpu.memory_space<vmem>>, vector<16xf32>,
        tpu.vector_store %arg12[%swap3A_882, %swap3A_883, %swap3A_884], %mul3A_881 {strides = array<i32>} : memref<2x128x80xf32, #tpu.memory_space<vmem>>, vector<16xf32>,
        %get3A_886 = arith.index_cast %rem3A_81 : i32 to index
        %get3A_887 = arith.index_cast %add3A_845 : i32 to index
        %get3A_888 = arith.constant 64 : index
        %get3A_889 = tpu.vector_load %arg12[%get3A_886, %get3A_887, %get3A_888] {strides = array<i32>} : memref<2x128x80xf32, #tpu.memory_space<vmem>>, vector<16xf32>,
        %mul3A_890 = vector.broadcast %squeeze3A_841 : f32 to vector<16xf32>
        %mul3A_891 = arith.mulf %get3A_889, %mul3A_890 : vector<16xf32>
        %swap3A_892 = arith.index_cast %rem3A_81 : i32 to index
        %swap3A_893 = arith.index_cast %add3A_845 : i32 to index
        %swap3A_894 = arith.constant 64 : index
        %swap3A_895 = tpu.vector_load %arg12[%swap3A_892, %swap3A_893, %swap3A_894] {strides = array<i32>} : memref<2x128x80xf32, #tpu.memory_space<vmem>>, vector<16xf32>,
        tpu.vector_store %arg12[%swap3A_892, %swap3A_893, %swap3A_894], %mul3A_891 {strides = array<i32>} : memref<2x128x80xf32, #tpu.memory_space<vmem>>, vector<16xf32>,
        %slice3A_896 = vector.extract_strided_slice %exp3A {offsets = [14], sizes = [1], strides = [1]} : vector<16xf32> to vector<1xf32>
        %squeeze3A_897 = vector.extract %slice3A_896[0] : f32 from vector<1xf32>
        %mul3A_898 = arith.constant 16 : i32
        %mul3A_899 = arith.muli %scan3A_100, %mul3A_898 : i32
        %add3A_900 = arith.constant 14 : i32
        %add3A_901 = arith.addi %mul3A_899, %add3A_900 : i32
        %get3A_902 = arith.index_cast %rem3A_81 : i32 to index
        %get3A_903 = arith.index_cast %add3A_901 : i32 to index
        %get3A_904 = arith.constant 0 : index
        %get3A_905 = tpu.vector_load %arg12[%get3A_902, %get3A_903, %get3A_904] {strides = array<i32>} : memref<2x128x80xf32, #tpu.memory_space<vmem>>, vector<16xf32>,
        %mul3A_906 = vector.broadcast %squeeze3A_897 : f32 to vector<16xf32>
        %mul3A_907 = arith.mulf %get3A_905, %mul3A_906 : vector<16xf32>
        %swap3A_908 = arith.index_cast %rem3A_81 : i32 to index
        %swap3A_909 = arith.index_cast %add3A_901 : i32 to index
        %swap3A_910 = arith.constant 0 : index
        %swap3A_911 = tpu.vector_load %arg12[%swap3A_908, %swap3A_909, %swap3A_910] {strides = array<i32>} : memref<2x128x80xf32, #tpu.memory_space<vmem>>, vector<16xf32>,
        tpu.vector_store %arg12[%swap3A_908, %swap3A_909, %swap3A_910], %mul3A_907 {strides = array<i32>} : memref<2x128x80xf32, #tpu.memory_space<vmem>>, vector<16xf32>,
        %get3A_912 = arith.index_cast %rem3A_81 : i32 to index
        %get3A_913 = arith.index_cast %add3A_901 : i32 to index
        %get3A_914 = arith.constant 16 : index
        %get3A_915 = tpu.vector_load %arg12[%get3A_912, %get3A_913, %get3A_914] {strides = array<i32>} : memref<2x128x80xf32, #tpu.memory_space<vmem>>, vector<16xf32>,
        %mul3A_916 = vector.broadcast %squeeze3A_897 : f32 to vector<16xf32>
        %mul3A_917 = arith.mulf %get3A_915, %mul3A_916 : vector<16xf32>
        %swap3A_918 = arith.index_cast %rem3A_81 : i32 to index
        %swap3A_919 = arith.index_cast %add3A_901 : i32 to index
        %swap3A_920 = arith.constant 16 : index
        %swap3A_921 = tpu.vector_load %arg12[%swap3A_918, %swap3A_919, %swap3A_920] {strides = array<i32>} : memref<2x128x80xf32, #tpu.memory_space<vmem>>, vector<16xf32>,
        tpu.vector_store %arg12[%swap3A_918, %swap3A_919, %swap3A_920], %mul3A_917 {strides = array<i32>} : memref<2x128x80xf32, #tpu.memory_space<vmem>>, vector<16xf32>,
        %get3A_922 = arith.index_cast %rem3A_81 : i32 to index
        %get3A_923 = arith.index_cast %add3A_901 : i32 to index
        %get3A_924 = arith.constant 32 : index
        %get3A_925 = tpu.vector_load %arg12[%get3A_922, %get3A_923, %get3A_924] {strides = array<i32>} : memref<2x128x80xf32, #tpu.memory_space<vmem>>, vector<16xf32>,
        %mul3A_926 = vector.broadcast %squeeze3A_897 : f32 to vector<16xf32>
        %mul3A_927 = arith.mulf %get3A_925, %mul3A_926 : vector<16xf32>
        %swap3A_928 = arith.index_cast %rem3A_81 : i32 to index
        %swap3A_929 = arith.index_cast %add3A_901 : i32 to index
        %swap3A_930 = arith.constant 32 : index
        %swap3A_931 = tpu.vector_load %arg12[%swap3A_928, %swap3A_929, %swap3A_930] {strides = array<i32>} : memref<2x128x80xf32, #tpu.memory_space<vmem>>, vector<16xf32>,
        tpu.vector_store %arg12[%swap3A_928, %swap3A_929, %swap3A_930], %mul3A_927 {strides = array<i32>} : memref<2x128x80xf32, #tpu.memory_space<vmem>>, vector<16xf32>,
        %get3A_932 = arith.index_cast %rem3A_81 : i32 to index
        %get3A_933 = arith.index_cast %add3A_901 : i32 to index
        %get3A_934 = arith.constant 48 : index
        %get3A_935 = tpu.vector_load %arg12[%get3A_932, %get3A_933, %get3A_934] {strides = array<i32>} : memref<2x128x80xf32, #tpu.memory_space<vmem>>, vector<16xf32>,
        %mul3A_936 = vector.broadcast %squeeze3A_897 : f32 to vector<16xf32>
        %mul3A_937 = arith.mulf %get3A_935, %mul3A_936 : vector<16xf32>
        %swap3A_938 = arith.index_cast %rem3A_81 : i32 to index
        %swap3A_939 = arith.index_cast %add3A_901 : i32 to index
        %swap3A_940 = arith.constant 48 : index
        %swap3A_941 = tpu.vector_load %arg12[%swap3A_938, %swap3A_939, %swap3A_940] {strides = array<i32>} : memref<2x128x80xf32, #tpu.memory_space<vmem>>, vector<16xf32>,
        tpu.vector_store %arg12[%swap3A_938, %swap3A_939, %swap3A_940], %mul3A_937 {strides = array<i32>} : memref<2x128x80xf32, #tpu.memory_space<vmem>>, vector<16xf32>,
        %get3A_942 = arith.index_cast %rem3A_81 : i32 to index
        %get3A_943 = arith.index_cast %add3A_901 : i32 to index
        %get3A_944 = arith.constant 64 : index
        %get3A_945 = tpu.vector_load %arg12[%get3A_942, %get3A_943, %get3A_944] {strides = array<i32>} : memref<2x128x80xf32, #tpu.memory_space<vmem>>, vector<16xf32>,
        %mul3A_946 = vector.broadcast %squeeze3A_897 : f32 to vector<16xf32>
        %mul3A_947 = arith.mulf %get3A_945, %mul3A_946 : vector<16xf32>
        %swap3A_948 = arith.index_cast %rem3A_81 : i32 to index
        %swap3A_949 = arith.index_cast %add3A_901 : i32 to index
        %swap3A_950 = arith.constant 64 : index
        %swap3A_951 = tpu.vector_load %arg12[%swap3A_948, %swap3A_949, %swap3A_950] {strides = array<i32>} : memref<2x128x80xf32, #tpu.memory_space<vmem>>, vector<16xf32>,
        tpu.vector_store %arg12[%swap3A_948, %swap3A_949, %swap3A_950], %mul3A_947 {strides = array<i32>} : memref<2x128x80xf32, #tpu.memory_space<vmem>>, vector<16xf32>,
        %slice3A_952 = vector.extract_strided_slice %exp3A {offsets = [15], sizes = [1], strides = [1]} : vector<16xf32> to vector<1xf32>
        %squeeze3A_953 = vector.extract %slice3A_952[0] : f32 from vector<1xf32>
        %mul3A_954 = arith.constant 16 : i32
        %mul3A_955 = arith.muli %scan3A_100, %mul3A_954 : i32
        %add3A_956 = arith.constant 15 : i32
        %add3A_957 = arith.addi %mul3A_955, %add3A_956 : i32
        %get3A_958 = arith.index_cast %rem3A_81 : i32 to index
        %get3A_959 = arith.index_cast %add3A_957 : i32 to index
        %get3A_960 = arith.constant 0 : index
        %get3A_961 = tpu.vector_load %arg12[%get3A_958, %get3A_959, %get3A_960] {strides = array<i32>} : memref<2x128x80xf32, #tpu.memory_space<vmem>>, vector<16xf32>,
        %mul3A_962 = vector.broadcast %squeeze3A_953 : f32 to vector<16xf32>
        %mul3A_963 = arith.mulf %get3A_961, %mul3A_962 : vector<16xf32>
        %swap3A_964 = arith.index_cast %rem3A_81 : i32 to index
        %swap3A_965 = arith.index_cast %add3A_957 : i32 to index
        %swap3A_966 = arith.constant 0 : index
        %swap3A_967 = tpu.vector_load %arg12[%swap3A_964, %swap3A_965, %swap3A_966] {strides = array<i32>} : memref<2x128x80xf32, #tpu.memory_space<vmem>>, vector<16xf32>,
        tpu.vector_store %arg12[%swap3A_964, %swap3A_965, %swap3A_966], %mul3A_963 {strides = array<i32>} : memref<2x128x80xf32, #tpu.memory_space<vmem>>, vector<16xf32>,
        %get3A_968 = arith.index_cast %rem3A_81 : i32 to index
        %get3A_969 = arith.index_cast %add3A_957 : i32 to index
        %get3A_970 = arith.constant 16 : index
        %get3A_971 = tpu.vector_load %arg12[%get3A_968, %get3A_969, %get3A_970] {strides = array<i32>} : memref<2x128x80xf32, #tpu.memory_space<vmem>>, vector<16xf32>,
        %mul3A_972 = vector.broadcast %squeeze3A_953 : f32 to vector<16xf32>
        %mul3A_973 = arith.mulf %get3A_971, %mul3A_972 : vector<16xf32>
        %swap3A_974 = arith.index_cast %rem3A_81 : i32 to index
        %swap3A_975 = arith.index_cast %add3A_957 : i32 to index
        %swap3A_976 = arith.constant 16 : index
        %swap3A_977 = tpu.vector_load %arg12[%swap3A_974, %swap3A_975, %swap3A_976] {strides = array<i32>} : memref<2x128x80xf32, #tpu.memory_space<vmem>>, vector<16xf32>,
        tpu.vector_store %arg12[%swap3A_974, %swap3A_975, %swap3A_976], %mul3A_973 {strides = array<i32>} : memref<2x128x80xf32, #tpu.memory_space<vmem>>, vector<16xf32>,
        %get3A_978 = arith.index_cast %rem3A_81 : i32 to index
        %get3A_979 = arith.index_cast %add3A_957 : i32 to index
        %get3A_980 = arith.constant 32 : index
        %get3A_981 = tpu.vector_load %arg12[%get3A_978, %get3A_979, %get3A_980] {strides = array<i32>} : memref<2x128x80xf32, #tpu.memory_space<vmem>>, vector<16xf32>,
        %mul3A_982 = vector.broadcast %squeeze3A_953 : f32 to vector<16xf32>
        %mul3A_983 = arith.mulf %get3A_981, %mul3A_982 : vector<16xf32>
        %swap3A_984 = arith.index_cast %rem3A_81 : i32 to index
        %swap3A_985 = arith.index_cast %add3A_957 : i32 to index
        %swap3A_986 = arith.constant 32 : index
        %swap3A_987 = tpu.vector_load %arg12[%swap3A_984, %swap3A_985, %swap3A_986] {strides = array<i32>} : memref<2x128x80xf32, #tpu.memory_space<vmem>>, vector<16xf32>,
        tpu.vector_store %arg12[%swap3A_984, %swap3A_985, %swap3A_986], %mul3A_983 {strides = array<i32>} : memref<2x128x80xf32, #tpu.memory_space<vmem>>, vector<16xf32>,
        %get3A_988 = arith.index_cast %rem3A_81 : i32 to index
        %get3A_989 = arith.index_cast %add3A_957 : i32 to index
        %get3A_990 = arith.constant 48 : index
        %get3A_991 = tpu.vector_load %arg12[%get3A_988, %get3A_989, %get3A_990] {strides = array<i32>} : memref<2x128x80xf32, #tpu.memory_space<vmem>>, vector<16xf32>,
        %mul3A_992 = vector.broadcast %squeeze3A_953 : f32 to vector<16xf32>
        %mul3A_993 = arith.mulf %get3A_991, %mul3A_992 : vector<16xf32>
        %swap3A_994 = arith.index_cast %rem3A_81 : i32 to index
        %swap3A_995 = arith.index_cast %add3A_957 : i32 to index
        %swap3A_996 = arith.constant 48 : index
        %swap3A_997 = tpu.vector_load %arg12[%swap3A_994, %swap3A_995, %swap3A_996] {strides = array<i32>} : memref<2x128x80xf32, #tpu.memory_space<vmem>>, vector<16xf32>,
        tpu.vector_store %arg12[%swap3A_994, %swap3A_995, %swap3A_996], %mul3A_993 {strides = array<i32>} : memref<2x128x80xf32, #tpu.memory_space<vmem>>, vector<16xf32>,
        %get3A_998 = arith.index_cast %rem3A_81 : i32 to index
        %get3A_999 = arith.index_cast %add3A_957 : i32 to index
        %get3A_1000 = arith.constant 64 : index
        %get3A_1001 = tpu.vector_load %arg12[%get3A_998, %get3A_999, %get3A_1000] {strides = array<i32>} : memref<2x128x80xf32, #tpu.memory_space<vmem>>, vector<16xf32>,
        %mul3A_1002 = vector.broadcast %squeeze3A_953 : f32 to vector<16xf32>
        %mul3A_1003 = arith.mulf %get3A_1001, %mul3A_1002 : vector<16xf32>
        %swap3A_1004 = arith.index_cast %rem3A_81 : i32 to index
        %swap3A_1005 = arith.index_cast %add3A_957 : i32 to index
        %swap3A_1006 = arith.constant 64 : index
        %swap3A_1007 = tpu.vector_load %arg12[%swap3A_1004, %swap3A_1005, %swap3A_1006] {strides = array<i32>} : memref<2x128x80xf32, #tpu.memory_space<vmem>>, vector<16xf32>,
        tpu.vector_store %arg12[%swap3A_1004, %swap3A_1005, %swap3A_1006], %mul3A_1003 {strides = array<i32>} : memref<2x128x80xf32, #tpu.memory_space<vmem>>, vector<16xf32>,
      }
      %scan3A_99 = arith.constant 8 : i32
      "tpu.region"() ({
        %run_scoped3A_100 = tpu.sem_alloc : memref<!tpu.dma_semaphore, #tpu.memory_space<semaphore_mem>>
        %dma_start3A_101 = arith.constant 0 : i32
        %dma_start3A_102 = arith.constant 0 : i32
        %dma_start3A_103 = tpu.memref_slice %arg12[%rem3A_81, %dma_start3A_101, %dma_start3A_102] : memref<2x128x80xf32, #tpu.memory_space<vmem>> -> memref<1x128x80xf32, #tpu.memory_space<vmem>>
        %dma_start3A_104 = tpu.memref_squeeze %dma_start3A_103 : memref<1x128x80xf32, #tpu.memory_space<vmem>> -> memref<128x80xf32, #tpu.memory_space<vmem>>
        %dma_start3A_105 = arith.constant 0 : i32
        %dma_start3A_106 = tpu.memref_slice %arg9[%while3A_80, %dma_start3A_105] : memref<101x128xi32, #tpu.memory_space<vmem>> -> memref<1x128xi32, #tpu.memory_space<vmem>>
        %dma_start3A_107 = tpu.memref_squeeze %dma_start3A_106 : memref<1x128xi32, #tpu.memory_space<vmem>> -> memref<128xi32, #tpu.memory_space<vmem>>
        %dma_start3A_108 = arith.constant 0 : i32
        %dma_start3A_109 = arith.constant 0 : i32
        %dma_start3A_110 = tpu.memref_slice %arg13[%dma_start3A_108, %dma_start3A_109] : memref<10240x80xf32, #tpu.memory_space<vmem_shared>> -> memref<10240x80xf32, #tpu.memory_space<vmem_shared>>
        tpu.enqueue_indirect_dma source(%dma_start3A_104 : memref<128x80xf32, #tpu.memory_space<vmem>>) target(%dma_start3A_110 : memref<10240x80xf32, #tpu.memory_space<vmem_shared>>) offsets(%dma_start3A_107 : memref<128xi32, #tpu.memory_space<vmem>>) semaphore(%run_scoped3A_100 : memref<!tpu.dma_semaphore, #tpu.memory_space<semaphore_mem>>) {add = true}
        %dma_wait3A_111 = arith.constant 0 : i32
        %dma_wait3A_112 = arith.constant 0 : i32
        %dma_wait3A_113 = tpu.memref_slice %arg12[%rem3A_81, %dma_wait3A_111, %dma_wait3A_112] : memref<2x128x80xf32, #tpu.memory_space<vmem>> -> memref<1x128x80xf32, #tpu.memory_space<vmem>>
        %dma_wait3A_114 = tpu.memref_squeeze %dma_wait3A_113 : memref<1x128x80xf32, #tpu.memory_space<vmem>> -> memref<128x80xf32, #tpu.memory_space<vmem>>
        %dma_wait3A_115 = arith.constant 0 : i32
        %dma_wait3A_116 = tpu.memref_slice %arg9[%while3A_80, %dma_wait3A_115] : memref<101x128xi32, #tpu.memory_space<vmem>> -> memref<1x128xi32, #tpu.memory_space<vmem>>
        %dma_wait3A_117 = tpu.memref_squeeze %dma_wait3A_116 : memref<1x128xi32, #tpu.memory_space<vmem>> -> memref<128xi32, #tpu.memory_space<vmem>>
        %dma_wait3A_118 = arith.constant 0 : i32
        %dma_wait3A_119 = arith.constant 0 : i32
        %dma_wait3A_120 = tpu.memref_slice %arg13[%dma_wait3A_118, %dma_wait3A_119] : memref<10240x80xf32, #tpu.memory_space<vmem_shared>> -> memref<10240x80xf32, #tpu.memory_space<vmem_shared>>
        tpu.wait_indirect_dma semaphore(%run_scoped3A_100 : memref<!tpu.dma_semaphore, #tpu.memory_space<semaphore_mem>>) src(%dma_wait3A_114 : memref<128x80xf32, #tpu.memory_space<vmem>>) dst(%dma_wait3A_120 : memref<10240x80xf32, #tpu.memory_space<vmem_shared>>)
        tpu.yield
      }) : () -> ()
    }
    %barrier3A_75 = arith.constant 0 : index
    tpu.barrier barrier_id(%barrier3A_75)
    %mul3A_76 = arith.constant 640 : i32
    %mul3A_77 = arith.muli %arg1, %mul3A_76 : i32
    %mul3A_78 = arith.constant 640 : i32
    %mul3A_79 = arith.muli %arg1, %mul3A_78 : i32
    "tpu.region"() ({
      %run_scoped3A_80 = tpu.sem_alloc : memref<!tpu.dma_semaphore, #tpu.memory_space<semaphore_mem>>
      %dma_start3A_81 = arith.constant 0 : i32
      %dma_start3A_82 = arith.constant 0 : i32
      %dma_start3A_83 = tpu.memref_slice %arg7[%arg0, %dma_start3A_81, %dma_start3A_82] : memref<2x10240x80xf32, #tpu.memory_space<hbm>> -> memref<1x10240x80xf32, #tpu.memory_space<hbm>>
      %dma_start3A_84 = tpu.memref_squeeze %dma_start3A_83 : memref<1x10240x80xf32, #tpu.memory_space<hbm>> -> memref<10240x80xf32, #tpu.memory_space<hbm>>
      %dma_start3A_85 = arith.constant 0 : i32
      %dma_start3A_86 = tpu.memref_slice %dma_start3A_84[%mul3A_79, %dma_start3A_85] : memref<10240x80xf32, #tpu.memory_space<hbm>> -> memref<640x80xf32, #tpu.memory_space<hbm>>
      %dma_start3A_87 = arith.constant 0 : i32
      %dma_start3A_88 = tpu.memref_slice %arg13[%mul3A_77, %dma_start3A_87] : memref<10240x80xf32, #tpu.memory_space<vmem_shared>> -> memref<640x80xf32, #tpu.memory_space<vmem_shared>>
      tpu.enqueue_dma source(%dma_start3A_88 : memref<640x80xf32, #tpu.memory_space<vmem_shared>>) target(%dma_start3A_86 : memref<640x80xf32, #tpu.memory_space<hbm>>) target_semaphore(%run_scoped3A_80 : memref<!tpu.dma_semaphore, #tpu.memory_space<semaphore_mem>>)
      %dma_wait3A_89 = arith.constant 0 : i32
      %dma_wait3A_90 = arith.constant 0 : i32
      %dma_wait3A_91 = tpu.memref_slice %arg7[%arg0, %dma_wait3A_89, %dma_wait3A_90] : memref<2x10240x80xf32, #tpu.memory_space<hbm>> -> memref<1x10240x80xf32, #tpu.memory_space<hbm>>
      %dma_wait3A_92 = tpu.memref_squeeze %dma_wait3A_91 : memref<1x10240x80xf32, #tpu.memory_space<hbm>> -> memref<10240x80xf32, #tpu.memory_space<hbm>>
      %dma_wait3A_93 = arith.constant 0 : i32
      %dma_wait3A_94 = tpu.memref_slice %dma_wait3A_92[%mul3A_79, %dma_wait3A_93] : memref<10240x80xf32, #tpu.memory_space<hbm>> -> memref<640x80xf32, #tpu.memory_space<hbm>>
      %dma_wait3A_95 = arith.constant 0 : i32
      %dma_wait3A_96 = tpu.memref_slice %arg13[%mul3A_77, %dma_wait3A_95] : memref<10240x80xf32, #tpu.memory_space<vmem_shared>> -> memref<640x80xf32, #tpu.memory_space<vmem_shared>>
      tpu.wait_dma2 semaphore(%run_scoped3A_80 : memref<!tpu.dma_semaphore, #tpu.memory_space<semaphore_mem>>) src(%dma_wait3A_96 : memref<640x80xf32, #tpu.memory_space<vmem_shared>>) dst(%dma_wait3A_94 : memref<640x80xf32, #tpu.memory_space<hbm>>)
      tpu.yield
    }) : () -> ()
    return
  }
}

#map = affine_map<(d0, d1) -> (0, 0)>
#map1 = affine_map<(d0, d1) -> (0, 0, 0)>
module attributes {stable_mosaic.version = 14 : i64} {
  func.func @_pass1_body(%arg0: i32, %arg1: i32, %arg2: memref<10240x136xf32, #tpu.memory_space<hbm>>, %arg3: memref<5077x64xi32, #tpu.memory_space<hbm>>, %arg4: memref<5077x64xi32, #tpu.memory_space<hbm>>, %arg5: memref<2x10240x136xf32, #tpu.memory_space<hbm>>, %arg6: memref<191x64xi32, #tpu.memory_space<vmem>>, %arg7: memref<191x64xi32, #tpu.memory_space<vmem>>, %arg8: memref<2x64x136xf32, #tpu.memory_space<vmem>>, %arg9: memref<10240x136xf32, #tpu.memory_space<vmem_shared>>, %arg10: memref<!tpu.dma_semaphore, #tpu.memory_space<semaphore_mem>>, %arg11: memref<!tpu.dma_semaphore, #tpu.memory_space<semaphore_mem>>) attributes {dimension_semantics = [#tpu.dimension_semantics<core_parallel>, #tpu.dimension_semantics<subcore_parallel>], iteration_bounds = array<i64: 2, 16>, scalar_prefetch = 0 : i64, scratch_operands = 6 : i64, tpu.core_type = #tpu.core_type<sc_vector_subcore>, window_params = [{transform_indices = #map}, {transform_indices = #map}, {transform_indices = #map}, {transform_indices = #map1}]} {
    %eq3A = arith.constant 0 : i32
    %eq3A_0 = arith.cmpi eq, %arg0, %eq3A : i32
    %jit3A = arith.constant 191 : i32
    %jit3A_1 = arith.constant 122 : i32
    %select_n3A = arith.select %eq3A_0, %jit3A, %jit3A_1 : i32
    %eq3A_2 = arith.constant 0 : i32
    %eq3A_3 = arith.cmpi eq, %arg0, %eq3A_2 : i32
    %mul3A = arith.constant 191 : i32
    %mul3A_4 = arith.muli %arg1, %mul3A : i32
    %mul3A_5 = arith.constant 122 : i32
    %mul3A_6 = arith.muli %arg1, %mul3A_5 : i32
    %add3A = arith.constant 3056 : i32
    %add3A_7 = arith.addi %add3A, %mul3A_6 : i32
    %select_n3A_8 = arith.select %eq3A_3, %mul3A_4, %add3A_7 : i32
    %dma_start3A = arith.constant 0 : i32
    %dma_start3A_9 = tpu.memref_slice %arg3[%select_n3A_8, %dma_start3A] : memref<5077x64xi32, #tpu.memory_space<hbm>> -> memref<191x64xi32, #tpu.memory_space<hbm>>
    %dma_start3A_10 = arith.constant 0 : i32
    %dma_start3A_11 = tpu.memref_slice %arg3[%select_n3A_8, %dma_start3A_10] : memref<5077x64xi32, #tpu.memory_space<hbm>> -> memref<191x64xi32, #tpu.memory_space<hbm>>
    tpu.enqueue_dma source(%dma_start3A_11 : memref<191x64xi32, #tpu.memory_space<hbm>>) target(%arg6 : memref<191x64xi32, #tpu.memory_space<vmem>>) target_semaphore(%arg10 : memref<!tpu.dma_semaphore, #tpu.memory_space<semaphore_mem>>)
    %dma_start3A_12 = arith.constant 0 : i32
    %dma_start3A_13 = tpu.memref_slice %arg4[%select_n3A_8, %dma_start3A_12] : memref<5077x64xi32, #tpu.memory_space<hbm>> -> memref<191x64xi32, #tpu.memory_space<hbm>>
    %dma_start3A_14 = arith.constant 0 : i32
    %dma_start3A_15 = tpu.memref_slice %arg4[%select_n3A_8, %dma_start3A_14] : memref<5077x64xi32, #tpu.memory_space<hbm>> -> memref<191x64xi32, #tpu.memory_space<hbm>>
    tpu.enqueue_dma source(%dma_start3A_15 : memref<191x64xi32, #tpu.memory_space<hbm>>) target(%arg7 : memref<191x64xi32, #tpu.memory_space<vmem>>) target_semaphore(%arg10 : memref<!tpu.dma_semaphore, #tpu.memory_space<semaphore_mem>>)
    %broadcast_in_dim3A = arith.constant 0.000000e+00 : f32
    %broadcast_in_dim3A_16 = vector.broadcast %broadcast_in_dim3A : f32 to vector<16xf32>
    %scan3A = arith.constant 0 : i32
    %scan3A_17 = arith.constant 0 : i32
    %scan3A_18 = arith.constant 0 : i32
    %scan3A_19 = arith.constant 64 : i32
    %scan3A_20 = arith.addi %scan3A_18, %scan3A_19 : i32
    %scan3A_21 = arith.constant 1 : i32
    scf.for %scan3A_105 = %scan3A_18 to %scan3A_20 step %scan3A_21  : i32 {
      %swap3A = arith.constant 0 : i32
      %swap3A_106 = arith.constant 0 : i32
      %swap3A_107 = tpu.memref_slice %arg8[%scan3A_17, %swap3A, %swap3A_106] : memref<2x64x136xf32, #tpu.memory_space<vmem>> -> memref<1x64x136xf32, #tpu.memory_space<vmem>>
      %swap3A_108 = tpu.memref_squeeze %swap3A_107 : memref<1x64x136xf32, #tpu.memory_space<vmem>> -> memref<64x136xf32, #tpu.memory_space<vmem>>
      %swap3A_109 = arith.index_cast %scan3A_105 : i32 to index
      %swap3A_110 = arith.constant 0 : index
      %swap3A_111 = tpu.vector_load %swap3A_108[%swap3A_109, %swap3A_110] {strides = array<i32>} : memref<64x136xf32, #tpu.memory_space<vmem>>, vector<16xf32>,
      tpu.vector_store %swap3A_108[%swap3A_109, %swap3A_110], %broadcast_in_dim3A_16 {strides = array<i32>} : memref<64x136xf32, #tpu.memory_space<vmem>>, vector<16xf32>,
      %swap3A_112 = arith.constant 0 : i32
      %swap3A_113 = arith.constant 0 : i32
      %swap3A_114 = tpu.memref_slice %arg8[%scan3A_17, %swap3A_112, %swap3A_113] : memref<2x64x136xf32, #tpu.memory_space<vmem>> -> memref<1x64x136xf32, #tpu.memory_space<vmem>>
      %swap3A_115 = tpu.memref_squeeze %swap3A_114 : memref<1x64x136xf32, #tpu.memory_space<vmem>> -> memref<64x136xf32, #tpu.memory_space<vmem>>
      %swap3A_116 = arith.index_cast %scan3A_105 : i32 to index
      %swap3A_117 = arith.constant 16 : index
      %swap3A_118 = tpu.vector_load %swap3A_115[%swap3A_116, %swap3A_117] {strides = array<i32>} : memref<64x136xf32, #tpu.memory_space<vmem>>, vector<16xf32>,
      tpu.vector_store %swap3A_115[%swap3A_116, %swap3A_117], %broadcast_in_dim3A_16 {strides = array<i32>} : memref<64x136xf32, #tpu.memory_space<vmem>>, vector<16xf32>,
      %swap3A_119 = arith.constant 0 : i32
      %swap3A_120 = arith.constant 0 : i32
      %swap3A_121 = tpu.memref_slice %arg8[%scan3A_17, %swap3A_119, %swap3A_120] : memref<2x64x136xf32, #tpu.memory_space<vmem>> -> memref<1x64x136xf32, #tpu.memory_space<vmem>>
      %swap3A_122 = tpu.memref_squeeze %swap3A_121 : memref<1x64x136xf32, #tpu.memory_space<vmem>> -> memref<64x136xf32, #tpu.memory_space<vmem>>
      %swap3A_123 = arith.index_cast %scan3A_105 : i32 to index
      %swap3A_124 = arith.constant 32 : index
      %swap3A_125 = tpu.vector_load %swap3A_122[%swap3A_123, %swap3A_124] {strides = array<i32>} : memref<64x136xf32, #tpu.memory_space<vmem>>, vector<16xf32>,
      tpu.vector_store %swap3A_122[%swap3A_123, %swap3A_124], %broadcast_in_dim3A_16 {strides = array<i32>} : memref<64x136xf32, #tpu.memory_space<vmem>>, vector<16xf32>,
      %swap3A_126 = arith.constant 0 : i32
      %swap3A_127 = arith.constant 0 : i32
      %swap3A_128 = tpu.memref_slice %arg8[%scan3A_17, %swap3A_126, %swap3A_127] : memref<2x64x136xf32, #tpu.memory_space<vmem>> -> memref<1x64x136xf32, #tpu.memory_space<vmem>>
      %swap3A_129 = tpu.memref_squeeze %swap3A_128 : memref<1x64x136xf32, #tpu.memory_space<vmem>> -> memref<64x136xf32, #tpu.memory_space<vmem>>
      %swap3A_130 = arith.index_cast %scan3A_105 : i32 to index
      %swap3A_131 = arith.constant 48 : index
      %swap3A_132 = tpu.vector_load %swap3A_129[%swap3A_130, %swap3A_131] {strides = array<i32>} : memref<64x136xf32, #tpu.memory_space<vmem>>, vector<16xf32>,
      tpu.vector_store %swap3A_129[%swap3A_130, %swap3A_131], %broadcast_in_dim3A_16 {strides = array<i32>} : memref<64x136xf32, #tpu.memory_space<vmem>>, vector<16xf32>,
      %swap3A_133 = arith.constant 0 : i32
      %swap3A_134 = arith.constant 0 : i32
      %swap3A_135 = tpu.memref_slice %arg8[%scan3A_17, %swap3A_133, %swap3A_134] : memref<2x64x136xf32, #tpu.memory_space<vmem>> -> memref<1x64x136xf32, #tpu.memory_space<vmem>>
      %swap3A_136 = tpu.memref_squeeze %swap3A_135 : memref<1x64x136xf32, #tpu.memory_space<vmem>> -> memref<64x136xf32, #tpu.memory_space<vmem>>
      %swap3A_137 = arith.index_cast %scan3A_105 : i32 to index
      %swap3A_138 = arith.constant 64 : index
      %swap3A_139 = tpu.vector_load %swap3A_136[%swap3A_137, %swap3A_138] {strides = array<i32>} : memref<64x136xf32, #tpu.memory_space<vmem>>, vector<16xf32>,
      tpu.vector_store %swap3A_136[%swap3A_137, %swap3A_138], %broadcast_in_dim3A_16 {strides = array<i32>} : memref<64x136xf32, #tpu.memory_space<vmem>>, vector<16xf32>,
      %swap3A_140 = arith.constant 0 : i32
      %swap3A_141 = arith.constant 0 : i32
      %swap3A_142 = tpu.memref_slice %arg8[%scan3A_17, %swap3A_140, %swap3A_141] : memref<2x64x136xf32, #tpu.memory_space<vmem>> -> memref<1x64x136xf32, #tpu.memory_space<vmem>>
      %swap3A_143 = tpu.memref_squeeze %swap3A_142 : memref<1x64x136xf32, #tpu.memory_space<vmem>> -> memref<64x136xf32, #tpu.memory_space<vmem>>
      %swap3A_144 = arith.index_cast %scan3A_105 : i32 to index
      %swap3A_145 = arith.constant 80 : index
      %swap3A_146 = tpu.vector_load %swap3A_143[%swap3A_144, %swap3A_145] {strides = array<i32>} : memref<64x136xf32, #tpu.memory_space<vmem>>, vector<16xf32>,
      tpu.vector_store %swap3A_143[%swap3A_144, %swap3A_145], %broadcast_in_dim3A_16 {strides = array<i32>} : memref<64x136xf32, #tpu.memory_space<vmem>>, vector<16xf32>,
      %swap3A_147 = arith.constant 0 : i32
      %swap3A_148 = arith.constant 0 : i32
      %swap3A_149 = tpu.memref_slice %arg8[%scan3A_17, %swap3A_147, %swap3A_148] : memref<2x64x136xf32, #tpu.memory_space<vmem>> -> memref<1x64x136xf32, #tpu.memory_space<vmem>>
      %swap3A_150 = tpu.memref_squeeze %swap3A_149 : memref<1x64x136xf32, #tpu.memory_space<vmem>> -> memref<64x136xf32, #tpu.memory_space<vmem>>
      %swap3A_151 = arith.index_cast %scan3A_105 : i32 to index
      %swap3A_152 = arith.constant 96 : index
      %swap3A_153 = tpu.vector_load %swap3A_150[%swap3A_151, %swap3A_152] {strides = array<i32>} : memref<64x136xf32, #tpu.memory_space<vmem>>, vector<16xf32>,
      tpu.vector_store %swap3A_150[%swap3A_151, %swap3A_152], %broadcast_in_dim3A_16 {strides = array<i32>} : memref<64x136xf32, #tpu.memory_space<vmem>>, vector<16xf32>,
      %swap3A_154 = arith.constant 0 : i32
      %swap3A_155 = arith.constant 0 : i32
      %swap3A_156 = tpu.memref_slice %arg8[%scan3A_17, %swap3A_154, %swap3A_155] : memref<2x64x136xf32, #tpu.memory_space<vmem>> -> memref<1x64x136xf32, #tpu.memory_space<vmem>>
      %swap3A_157 = tpu.memref_squeeze %swap3A_156 : memref<1x64x136xf32, #tpu.memory_space<vmem>> -> memref<64x136xf32, #tpu.memory_space<vmem>>
      %swap3A_158 = arith.index_cast %scan3A_105 : i32 to index
      %swap3A_159 = arith.constant 112 : index
      %swap3A_160 = tpu.vector_load %swap3A_157[%swap3A_158, %swap3A_159] {strides = array<i32>} : memref<64x136xf32, #tpu.memory_space<vmem>>, vector<16xf32>,
      tpu.vector_store %swap3A_157[%swap3A_158, %swap3A_159], %broadcast_in_dim3A_16 {strides = array<i32>} : memref<64x136xf32, #tpu.memory_space<vmem>>, vector<16xf32>,
    }
    %scan3A_22 = arith.constant 64 : i32
    %mul3A_23 = arith.constant 640 : i32
    %mul3A_24 = arith.muli %arg1, %mul3A_23 : i32
    %add3A_25 = arith.constant 0 : i32
    %add3A_26 = arith.addi %mul3A_24, %add3A_25 : i32
    %run_scoped3A = arith.constant 0 : i32
    "tpu.region"() ({
      %run_scoped3A_105 = tpu.sem_alloc : memref<!tpu.dma_semaphore, #tpu.memory_space<semaphore_mem>>
      %dma_start3A_106 = arith.constant 0 : i32
      %dma_start3A_107 = arith.constant 0 : i32
      %dma_start3A_108 = tpu.memref_slice %arg8[%run_scoped3A, %dma_start3A_106, %dma_start3A_107] : memref<2x64x136xf32, #tpu.memory_space<vmem>> -> memref<1x64x136xf32, #tpu.memory_space<vmem>>
      %dma_start3A_109 = tpu.memref_squeeze %dma_start3A_108 : memref<1x64x136xf32, #tpu.memory_space<vmem>> -> memref<64x136xf32, #tpu.memory_space<vmem>>
      %dma_start3A_110 = arith.constant 0 : i32
      %dma_start3A_111 = tpu.memref_slice %arg9[%add3A_26, %dma_start3A_110] : memref<10240x136xf32, #tpu.memory_space<vmem_shared>> -> memref<64x136xf32, #tpu.memory_space<vmem_shared>>
      %dma_start3A_112 = arith.constant 0 : i32
      %dma_start3A_113 = tpu.memref_slice %arg9[%add3A_26, %dma_start3A_112] : memref<10240x136xf32, #tpu.memory_space<vmem_shared>> -> memref<64x136xf32, #tpu.memory_space<vmem_shared>>
      %dma_start3A_114 = arith.constant 0 : i32
      %dma_start3A_115 = arith.constant 0 : i32
      %dma_start3A_116 = tpu.memref_slice %arg8[%run_scoped3A, %dma_start3A_114, %dma_start3A_115] : memref<2x64x136xf32, #tpu.memory_space<vmem>> -> memref<1x64x136xf32, #tpu.memory_space<vmem>>
      %dma_start3A_117 = tpu.memref_squeeze %dma_start3A_116 : memref<1x64x136xf32, #tpu.memory_space<vmem>> -> memref<64x136xf32, #tpu.memory_space<vmem>>
      tpu.enqueue_dma source(%dma_start3A_117 : memref<64x136xf32, #tpu.memory_space<vmem>>) target(%dma_start3A_113 : memref<64x136xf32, #tpu.memory_space<vmem_shared>>) target_semaphore(%run_scoped3A_105 : memref<!tpu.dma_semaphore, #tpu.memory_space<semaphore_mem>>)
      %dma_wait3A_118 = arith.constant 0 : i32
      %dma_wait3A_119 = arith.constant 0 : i32
      %dma_wait3A_120 = tpu.memref_slice %arg8[%run_scoped3A, %dma_wait3A_118, %dma_wait3A_119] : memref<2x64x136xf32, #tpu.memory_space<vmem>> -> memref<1x64x136xf32, #tpu.memory_space<vmem>>
      %dma_wait3A_121 = tpu.memref_squeeze %dma_wait3A_120 : memref<1x64x136xf32, #tpu.memory_space<vmem>> -> memref<64x136xf32, #tpu.memory_space<vmem>>
      %dma_wait3A_122 = arith.constant 0 : i32
      %dma_wait3A_123 = tpu.memref_slice %arg9[%add3A_26, %dma_wait3A_122] : memref<10240x136xf32, #tpu.memory_space<vmem_shared>> -> memref<64x136xf32, #tpu.memory_space<vmem_shared>>
      %dma_wait3A_124 = arith.constant 0 : i32
      %dma_wait3A_125 = tpu.memref_slice %arg9[%add3A_26, %dma_wait3A_124] : memref<10240x136xf32, #tpu.memory_space<vmem_shared>> -> memref<64x136xf32, #tpu.memory_space<vmem_shared>>
      %dma_wait3A_126 = arith.constant 0 : i32
      %dma_wait3A_127 = arith.constant 0 : i32
      %dma_wait3A_128 = tpu.memref_slice %arg8[%run_scoped3A, %dma_wait3A_126, %dma_wait3A_127] : memref<2x64x136xf32, #tpu.memory_space<vmem>> -> memref<1x64x136xf32, #tpu.memory_space<vmem>>
      %dma_wait3A_129 = tpu.memref_squeeze %dma_wait3A_128 : memref<1x64x136xf32, #tpu.memory_space<vmem>> -> memref<64x136xf32, #tpu.memory_space<vmem>>
      tpu.wait_dma2 semaphore(%run_scoped3A_105 : memref<!tpu.dma_semaphore, #tpu.memory_space<semaphore_mem>>) src(%dma_wait3A_129 : memref<64x136xf32, #tpu.memory_space<vmem>>) dst(%dma_wait3A_125 : memref<64x136xf32, #tpu.memory_space<vmem_shared>>)
      tpu.yield
    }) : () -> ()
    %mul3A_27 = arith.constant 640 : i32
    %mul3A_28 = arith.muli %arg1, %mul3A_27 : i32
    %add3A_29 = arith.constant 64 : i32
    %add3A_30 = arith.addi %mul3A_28, %add3A_29 : i32
    %run_scoped3A_31 = arith.constant 0 : i32
    "tpu.region"() ({
      %run_scoped3A_105 = tpu.sem_alloc : memref<!tpu.dma_semaphore, #tpu.memory_space<semaphore_mem>>
      %dma_start3A_106 = arith.constant 0 : i32
      %dma_start3A_107 = arith.constant 0 : i32
      %dma_start3A_108 = tpu.memref_slice %arg8[%run_scoped3A_31, %dma_start3A_106, %dma_start3A_107] : memref<2x64x136xf32, #tpu.memory_space<vmem>> -> memref<1x64x136xf32, #tpu.memory_space<vmem>>
      %dma_start3A_109 = tpu.memref_squeeze %dma_start3A_108 : memref<1x64x136xf32, #tpu.memory_space<vmem>> -> memref<64x136xf32, #tpu.memory_space<vmem>>
      %dma_start3A_110 = arith.constant 0 : i32
      %dma_start3A_111 = tpu.memref_slice %arg9[%add3A_30, %dma_start3A_110] : memref<10240x136xf32, #tpu.memory_space<vmem_shared>> -> memref<64x136xf32, #tpu.memory_space<vmem_shared>>
      %dma_start3A_112 = arith.constant 0 : i32
      %dma_start3A_113 = tpu.memref_slice %arg9[%add3A_30, %dma_start3A_112] : memref<10240x136xf32, #tpu.memory_space<vmem_shared>> -> memref<64x136xf32, #tpu.memory_space<vmem_shared>>
      %dma_start3A_114 = arith.constant 0 : i32
      %dma_start3A_115 = arith.constant 0 : i32
      %dma_start3A_116 = tpu.memref_slice %arg8[%run_scoped3A_31, %dma_start3A_114, %dma_start3A_115] : memref<2x64x136xf32, #tpu.memory_space<vmem>> -> memref<1x64x136xf32, #tpu.memory_space<vmem>>
      %dma_start3A_117 = tpu.memref_squeeze %dma_start3A_116 : memref<1x64x136xf32, #tpu.memory_space<vmem>> -> memref<64x136xf32, #tpu.memory_space<vmem>>
      tpu.enqueue_dma source(%dma_start3A_117 : memref<64x136xf32, #tpu.memory_space<vmem>>) target(%dma_start3A_113 : memref<64x136xf32, #tpu.memory_space<vmem_shared>>) target_semaphore(%run_scoped3A_105 : memref<!tpu.dma_semaphore, #tpu.memory_space<semaphore_mem>>)
      %dma_wait3A_118 = arith.constant 0 : i32
      %dma_wait3A_119 = arith.constant 0 : i32
      %dma_wait3A_120 = tpu.memref_slice %arg8[%run_scoped3A_31, %dma_wait3A_118, %dma_wait3A_119] : memref<2x64x136xf32, #tpu.memory_space<vmem>> -> memref<1x64x136xf32, #tpu.memory_space<vmem>>
      %dma_wait3A_121 = tpu.memref_squeeze %dma_wait3A_120 : memref<1x64x136xf32, #tpu.memory_space<vmem>> -> memref<64x136xf32, #tpu.memory_space<vmem>>
      %dma_wait3A_122 = arith.constant 0 : i32
      %dma_wait3A_123 = tpu.memref_slice %arg9[%add3A_30, %dma_wait3A_122] : memref<10240x136xf32, #tpu.memory_space<vmem_shared>> -> memref<64x136xf32, #tpu.memory_space<vmem_shared>>
      %dma_wait3A_124 = arith.constant 0 : i32
      %dma_wait3A_125 = tpu.memref_slice %arg9[%add3A_30, %dma_wait3A_124] : memref<10240x136xf32, #tpu.memory_space<vmem_shared>> -> memref<64x136xf32, #tpu.memory_space<vmem_shared>>
      %dma_wait3A_126 = arith.constant 0 : i32
      %dma_wait3A_127 = arith.constant 0 : i32
      %dma_wait3A_128 = tpu.memref_slice %arg8[%run_scoped3A_31, %dma_wait3A_126, %dma_wait3A_127] : memref<2x64x136xf32, #tpu.memory_space<vmem>> -> memref<1x64x136xf32, #tpu.memory_space<vmem>>
      %dma_wait3A_129 = tpu.memref_squeeze %dma_wait3A_128 : memref<1x64x136xf32, #tpu.memory_space<vmem>> -> memref<64x136xf32, #tpu.memory_space<vmem>>
      tpu.wait_dma2 semaphore(%run_scoped3A_105 : memref<!tpu.dma_semaphore, #tpu.memory_space<semaphore_mem>>) src(%dma_wait3A_129 : memref<64x136xf32, #tpu.memory_space<vmem>>) dst(%dma_wait3A_125 : memref<64x136xf32, #tpu.memory_space<vmem_shared>>)
      tpu.yield
    }) : () -> ()
    %mul3A_32 = arith.constant 640 : i32
    %mul3A_33 = arith.muli %arg1, %mul3A_32 : i32
    %add3A_34 = arith.constant 128 : i32
    %add3A_35 = arith.addi %mul3A_33, %add3A_34 : i32
    %run_scoped3A_36 = arith.constant 0 : i32
    "tpu.region"() ({
      %run_scoped3A_105 = tpu.sem_alloc : memref<!tpu.dma_semaphore, #tpu.memory_space<semaphore_mem>>
      %dma_start3A_106 = arith.constant 0 : i32
      %dma_start3A_107 = arith.constant 0 : i32
      %dma_start3A_108 = tpu.memref_slice %arg8[%run_scoped3A_36, %dma_start3A_106, %dma_start3A_107] : memref<2x64x136xf32, #tpu.memory_space<vmem>> -> memref<1x64x136xf32, #tpu.memory_space<vmem>>
      %dma_start3A_109 = tpu.memref_squeeze %dma_start3A_108 : memref<1x64x136xf32, #tpu.memory_space<vmem>> -> memref<64x136xf32, #tpu.memory_space<vmem>>
      %dma_start3A_110 = arith.constant 0 : i32
      %dma_start3A_111 = tpu.memref_slice %arg9[%add3A_35, %dma_start3A_110] : memref<10240x136xf32, #tpu.memory_space<vmem_shared>> -> memref<64x136xf32, #tpu.memory_space<vmem_shared>>
      %dma_start3A_112 = arith.constant 0 : i32
      %dma_start3A_113 = tpu.memref_slice %arg9[%add3A_35, %dma_start3A_112] : memref<10240x136xf32, #tpu.memory_space<vmem_shared>> -> memref<64x136xf32, #tpu.memory_space<vmem_shared>>
      %dma_start3A_114 = arith.constant 0 : i32
      %dma_start3A_115 = arith.constant 0 : i32
      %dma_start3A_116 = tpu.memref_slice %arg8[%run_scoped3A_36, %dma_start3A_114, %dma_start3A_115] : memref<2x64x136xf32, #tpu.memory_space<vmem>> -> memref<1x64x136xf32, #tpu.memory_space<vmem>>
      %dma_start3A_117 = tpu.memref_squeeze %dma_start3A_116 : memref<1x64x136xf32, #tpu.memory_space<vmem>> -> memref<64x136xf32, #tpu.memory_space<vmem>>
      tpu.enqueue_dma source(%dma_start3A_117 : memref<64x136xf32, #tpu.memory_space<vmem>>) target(%dma_start3A_113 : memref<64x136xf32, #tpu.memory_space<vmem_shared>>) target_semaphore(%run_scoped3A_105 : memref<!tpu.dma_semaphore, #tpu.memory_space<semaphore_mem>>)
      %dma_wait3A_118 = arith.constant 0 : i32
      %dma_wait3A_119 = arith.constant 0 : i32
      %dma_wait3A_120 = tpu.memref_slice %arg8[%run_scoped3A_36, %dma_wait3A_118, %dma_wait3A_119] : memref<2x64x136xf32, #tpu.memory_space<vmem>> -> memref<1x64x136xf32, #tpu.memory_space<vmem>>
      %dma_wait3A_121 = tpu.memref_squeeze %dma_wait3A_120 : memref<1x64x136xf32, #tpu.memory_space<vmem>> -> memref<64x136xf32, #tpu.memory_space<vmem>>
      %dma_wait3A_122 = arith.constant 0 : i32
      %dma_wait3A_123 = tpu.memref_slice %arg9[%add3A_35, %dma_wait3A_122] : memref<10240x136xf32, #tpu.memory_space<vmem_shared>> -> memref<64x136xf32, #tpu.memory_space<vmem_shared>>
      %dma_wait3A_124 = arith.constant 0 : i32
      %dma_wait3A_125 = tpu.memref_slice %arg9[%add3A_35, %dma_wait3A_124] : memref<10240x136xf32, #tpu.memory_space<vmem_shared>> -> memref<64x136xf32, #tpu.memory_space<vmem_shared>>
      %dma_wait3A_126 = arith.constant 0 : i32
      %dma_wait3A_127 = arith.constant 0 : i32
      %dma_wait3A_128 = tpu.memref_slice %arg8[%run_scoped3A_36, %dma_wait3A_126, %dma_wait3A_127] : memref<2x64x136xf32, #tpu.memory_space<vmem>> -> memref<1x64x136xf32, #tpu.memory_space<vmem>>
      %dma_wait3A_129 = tpu.memref_squeeze %dma_wait3A_128 : memref<1x64x136xf32, #tpu.memory_space<vmem>> -> memref<64x136xf32, #tpu.memory_space<vmem>>
      tpu.wait_dma2 semaphore(%run_scoped3A_105 : memref<!tpu.dma_semaphore, #tpu.memory_space<semaphore_mem>>) src(%dma_wait3A_129 : memref<64x136xf32, #tpu.memory_space<vmem>>) dst(%dma_wait3A_125 : memref<64x136xf32, #tpu.memory_space<vmem_shared>>)
      tpu.yield
    }) : () -> ()
    %mul3A_37 = arith.constant 640 : i32
    %mul3A_38 = arith.muli %arg1, %mul3A_37 : i32
    %add3A_39 = arith.constant 192 : i32
    %add3A_40 = arith.addi %mul3A_38, %add3A_39 : i32
    %run_scoped3A_41 = arith.constant 0 : i32
    "tpu.region"() ({
      %run_scoped3A_105 = tpu.sem_alloc : memref<!tpu.dma_semaphore, #tpu.memory_space<semaphore_mem>>
      %dma_start3A_106 = arith.constant 0 : i32
      %dma_start3A_107 = arith.constant 0 : i32
      %dma_start3A_108 = tpu.memref_slice %arg8[%run_scoped3A_41, %dma_start3A_106, %dma_start3A_107] : memref<2x64x136xf32, #tpu.memory_space<vmem>> -> memref<1x64x136xf32, #tpu.memory_space<vmem>>
      %dma_start3A_109 = tpu.memref_squeeze %dma_start3A_108 : memref<1x64x136xf32, #tpu.memory_space<vmem>> -> memref<64x136xf32, #tpu.memory_space<vmem>>
      %dma_start3A_110 = arith.constant 0 : i32
      %dma_start3A_111 = tpu.memref_slice %arg9[%add3A_40, %dma_start3A_110] : memref<10240x136xf32, #tpu.memory_space<vmem_shared>> -> memref<64x136xf32, #tpu.memory_space<vmem_shared>>
      %dma_start3A_112 = arith.constant 0 : i32
      %dma_start3A_113 = tpu.memref_slice %arg9[%add3A_40, %dma_start3A_112] : memref<10240x136xf32, #tpu.memory_space<vmem_shared>> -> memref<64x136xf32, #tpu.memory_space<vmem_shared>>
      %dma_start3A_114 = arith.constant 0 : i32
      %dma_start3A_115 = arith.constant 0 : i32
      %dma_start3A_116 = tpu.memref_slice %arg8[%run_scoped3A_41, %dma_start3A_114, %dma_start3A_115] : memref<2x64x136xf32, #tpu.memory_space<vmem>> -> memref<1x64x136xf32, #tpu.memory_space<vmem>>
      %dma_start3A_117 = tpu.memref_squeeze %dma_start3A_116 : memref<1x64x136xf32, #tpu.memory_space<vmem>> -> memref<64x136xf32, #tpu.memory_space<vmem>>
      tpu.enqueue_dma source(%dma_start3A_117 : memref<64x136xf32, #tpu.memory_space<vmem>>) target(%dma_start3A_113 : memref<64x136xf32, #tpu.memory_space<vmem_shared>>) target_semaphore(%run_scoped3A_105 : memref<!tpu.dma_semaphore, #tpu.memory_space<semaphore_mem>>)
      %dma_wait3A_118 = arith.constant 0 : i32
      %dma_wait3A_119 = arith.constant 0 : i32
      %dma_wait3A_120 = tpu.memref_slice %arg8[%run_scoped3A_41, %dma_wait3A_118, %dma_wait3A_119] : memref<2x64x136xf32, #tpu.memory_space<vmem>> -> memref<1x64x136xf32, #tpu.memory_space<vmem>>
      %dma_wait3A_121 = tpu.memref_squeeze %dma_wait3A_120 : memref<1x64x136xf32, #tpu.memory_space<vmem>> -> memref<64x136xf32, #tpu.memory_space<vmem>>
      %dma_wait3A_122 = arith.constant 0 : i32
      %dma_wait3A_123 = tpu.memref_slice %arg9[%add3A_40, %dma_wait3A_122] : memref<10240x136xf32, #tpu.memory_space<vmem_shared>> -> memref<64x136xf32, #tpu.memory_space<vmem_shared>>
      %dma_wait3A_124 = arith.constant 0 : i32
      %dma_wait3A_125 = tpu.memref_slice %arg9[%add3A_40, %dma_wait3A_124] : memref<10240x136xf32, #tpu.memory_space<vmem_shared>> -> memref<64x136xf32, #tpu.memory_space<vmem_shared>>
      %dma_wait3A_126 = arith.constant 0 : i32
      %dma_wait3A_127 = arith.constant 0 : i32
      %dma_wait3A_128 = tpu.memref_slice %arg8[%run_scoped3A_41, %dma_wait3A_126, %dma_wait3A_127] : memref<2x64x136xf32, #tpu.memory_space<vmem>> -> memref<1x64x136xf32, #tpu.memory_space<vmem>>
      %dma_wait3A_129 = tpu.memref_squeeze %dma_wait3A_128 : memref<1x64x136xf32, #tpu.memory_space<vmem>> -> memref<64x136xf32, #tpu.memory_space<vmem>>
      tpu.wait_dma2 semaphore(%run_scoped3A_105 : memref<!tpu.dma_semaphore, #tpu.memory_space<semaphore_mem>>) src(%dma_wait3A_129 : memref<64x136xf32, #tpu.memory_space<vmem>>) dst(%dma_wait3A_125 : memref<64x136xf32, #tpu.memory_space<vmem_shared>>)
      tpu.yield
    }) : () -> ()
    %mul3A_42 = arith.constant 640 : i32
    %mul3A_43 = arith.muli %arg1, %mul3A_42 : i32
    %add3A_44 = arith.constant 256 : i32
    %add3A_45 = arith.addi %mul3A_43, %add3A_44 : i32
    %run_scoped3A_46 = arith.constant 0 : i32
    "tpu.region"() ({
      %run_scoped3A_105 = tpu.sem_alloc : memref<!tpu.dma_semaphore, #tpu.memory_space<semaphore_mem>>
      %dma_start3A_106 = arith.constant 0 : i32
      %dma_start3A_107 = arith.constant 0 : i32
      %dma_start3A_108 = tpu.memref_slice %arg8[%run_scoped3A_46, %dma_start3A_106, %dma_start3A_107] : memref<2x64x136xf32, #tpu.memory_space<vmem>> -> memref<1x64x136xf32, #tpu.memory_space<vmem>>
      %dma_start3A_109 = tpu.memref_squeeze %dma_start3A_108 : memref<1x64x136xf32, #tpu.memory_space<vmem>> -> memref<64x136xf32, #tpu.memory_space<vmem>>
      %dma_start3A_110 = arith.constant 0 : i32
      %dma_start3A_111 = tpu.memref_slice %arg9[%add3A_45, %dma_start3A_110] : memref<10240x136xf32, #tpu.memory_space<vmem_shared>> -> memref<64x136xf32, #tpu.memory_space<vmem_shared>>
      %dma_start3A_112 = arith.constant 0 : i32
      %dma_start3A_113 = tpu.memref_slice %arg9[%add3A_45, %dma_start3A_112] : memref<10240x136xf32, #tpu.memory_space<vmem_shared>> -> memref<64x136xf32, #tpu.memory_space<vmem_shared>>
      %dma_start3A_114 = arith.constant 0 : i32
      %dma_start3A_115 = arith.constant 0 : i32
      %dma_start3A_116 = tpu.memref_slice %arg8[%run_scoped3A_46, %dma_start3A_114, %dma_start3A_115] : memref<2x64x136xf32, #tpu.memory_space<vmem>> -> memref<1x64x136xf32, #tpu.memory_space<vmem>>
      %dma_start3A_117 = tpu.memref_squeeze %dma_start3A_116 : memref<1x64x136xf32, #tpu.memory_space<vmem>> -> memref<64x136xf32, #tpu.memory_space<vmem>>
      tpu.enqueue_dma source(%dma_start3A_117 : memref<64x136xf32, #tpu.memory_space<vmem>>) target(%dma_start3A_113 : memref<64x136xf32, #tpu.memory_space<vmem_shared>>) target_semaphore(%run_scoped3A_105 : memref<!tpu.dma_semaphore, #tpu.memory_space<semaphore_mem>>)
      %dma_wait3A_118 = arith.constant 0 : i32
      %dma_wait3A_119 = arith.constant 0 : i32
      %dma_wait3A_120 = tpu.memref_slice %arg8[%run_scoped3A_46, %dma_wait3A_118, %dma_wait3A_119] : memref<2x64x136xf32, #tpu.memory_space<vmem>> -> memref<1x64x136xf32, #tpu.memory_space<vmem>>
      %dma_wait3A_121 = tpu.memref_squeeze %dma_wait3A_120 : memref<1x64x136xf32, #tpu.memory_space<vmem>> -> memref<64x136xf32, #tpu.memory_space<vmem>>
      %dma_wait3A_122 = arith.constant 0 : i32
      %dma_wait3A_123 = tpu.memref_slice %arg9[%add3A_45, %dma_wait3A_122] : memref<10240x136xf32, #tpu.memory_space<vmem_shared>> -> memref<64x136xf32, #tpu.memory_space<vmem_shared>>
      %dma_wait3A_124 = arith.constant 0 : i32
      %dma_wait3A_125 = tpu.memref_slice %arg9[%add3A_45, %dma_wait3A_124] : memref<10240x136xf32, #tpu.memory_space<vmem_shared>> -> memref<64x136xf32, #tpu.memory_space<vmem_shared>>
      %dma_wait3A_126 = arith.constant 0 : i32
      %dma_wait3A_127 = arith.constant 0 : i32
      %dma_wait3A_128 = tpu.memref_slice %arg8[%run_scoped3A_46, %dma_wait3A_126, %dma_wait3A_127] : memref<2x64x136xf32, #tpu.memory_space<vmem>> -> memref<1x64x136xf32, #tpu.memory_space<vmem>>
      %dma_wait3A_129 = tpu.memref_squeeze %dma_wait3A_128 : memref<1x64x136xf32, #tpu.memory_space<vmem>> -> memref<64x136xf32, #tpu.memory_space<vmem>>
      tpu.wait_dma2 semaphore(%run_scoped3A_105 : memref<!tpu.dma_semaphore, #tpu.memory_space<semaphore_mem>>) src(%dma_wait3A_129 : memref<64x136xf32, #tpu.memory_space<vmem>>) dst(%dma_wait3A_125 : memref<64x136xf32, #tpu.memory_space<vmem_shared>>)
      tpu.yield
    }) : () -> ()
    %mul3A_47 = arith.constant 640 : i32
    %mul3A_48 = arith.muli %arg1, %mul3A_47 : i32
    %add3A_49 = arith.constant 320 : i32
    %add3A_50 = arith.addi %mul3A_48, %add3A_49 : i32
    %run_scoped3A_51 = arith.constant 0 : i32
    "tpu.region"() ({
      %run_scoped3A_105 = tpu.sem_alloc : memref<!tpu.dma_semaphore, #tpu.memory_space<semaphore_mem>>
      %dma_start3A_106 = arith.constant 0 : i32
      %dma_start3A_107 = arith.constant 0 : i32
      %dma_start3A_108 = tpu.memref_slice %arg8[%run_scoped3A_51, %dma_start3A_106, %dma_start3A_107] : memref<2x64x136xf32, #tpu.memory_space<vmem>> -> memref<1x64x136xf32, #tpu.memory_space<vmem>>
      %dma_start3A_109 = tpu.memref_squeeze %dma_start3A_108 : memref<1x64x136xf32, #tpu.memory_space<vmem>> -> memref<64x136xf32, #tpu.memory_space<vmem>>
      %dma_start3A_110 = arith.constant 0 : i32
      %dma_start3A_111 = tpu.memref_slice %arg9[%add3A_50, %dma_start3A_110] : memref<10240x136xf32, #tpu.memory_space<vmem_shared>> -> memref<64x136xf32, #tpu.memory_space<vmem_shared>>
      %dma_start3A_112 = arith.constant 0 : i32
      %dma_start3A_113 = tpu.memref_slice %arg9[%add3A_50, %dma_start3A_112] : memref<10240x136xf32, #tpu.memory_space<vmem_shared>> -> memref<64x136xf32, #tpu.memory_space<vmem_shared>>
      %dma_start3A_114 = arith.constant 0 : i32
      %dma_start3A_115 = arith.constant 0 : i32
      %dma_start3A_116 = tpu.memref_slice %arg8[%run_scoped3A_51, %dma_start3A_114, %dma_start3A_115] : memref<2x64x136xf32, #tpu.memory_space<vmem>> -> memref<1x64x136xf32, #tpu.memory_space<vmem>>
      %dma_start3A_117 = tpu.memref_squeeze %dma_start3A_116 : memref<1x64x136xf32, #tpu.memory_space<vmem>> -> memref<64x136xf32, #tpu.memory_space<vmem>>
      tpu.enqueue_dma source(%dma_start3A_117 : memref<64x136xf32, #tpu.memory_space<vmem>>) target(%dma_start3A_113 : memref<64x136xf32, #tpu.memory_space<vmem_shared>>) target_semaphore(%run_scoped3A_105 : memref<!tpu.dma_semaphore, #tpu.memory_space<semaphore_mem>>)
      %dma_wait3A_118 = arith.constant 0 : i32
      %dma_wait3A_119 = arith.constant 0 : i32
      %dma_wait3A_120 = tpu.memref_slice %arg8[%run_scoped3A_51, %dma_wait3A_118, %dma_wait3A_119] : memref<2x64x136xf32, #tpu.memory_space<vmem>> -> memref<1x64x136xf32, #tpu.memory_space<vmem>>
      %dma_wait3A_121 = tpu.memref_squeeze %dma_wait3A_120 : memref<1x64x136xf32, #tpu.memory_space<vmem>> -> memref<64x136xf32, #tpu.memory_space<vmem>>
      %dma_wait3A_122 = arith.constant 0 : i32
      %dma_wait3A_123 = tpu.memref_slice %arg9[%add3A_50, %dma_wait3A_122] : memref<10240x136xf32, #tpu.memory_space<vmem_shared>> -> memref<64x136xf32, #tpu.memory_space<vmem_shared>>
      %dma_wait3A_124 = arith.constant 0 : i32
      %dma_wait3A_125 = tpu.memref_slice %arg9[%add3A_50, %dma_wait3A_124] : memref<10240x136xf32, #tpu.memory_space<vmem_shared>> -> memref<64x136xf32, #tpu.memory_space<vmem_shared>>
      %dma_wait3A_126 = arith.constant 0 : i32
      %dma_wait3A_127 = arith.constant 0 : i32
      %dma_wait3A_128 = tpu.memref_slice %arg8[%run_scoped3A_51, %dma_wait3A_126, %dma_wait3A_127] : memref<2x64x136xf32, #tpu.memory_space<vmem>> -> memref<1x64x136xf32, #tpu.memory_space<vmem>>
      %dma_wait3A_129 = tpu.memref_squeeze %dma_wait3A_128 : memref<1x64x136xf32, #tpu.memory_space<vmem>> -> memref<64x136xf32, #tpu.memory_space<vmem>>
      tpu.wait_dma2 semaphore(%run_scoped3A_105 : memref<!tpu.dma_semaphore, #tpu.memory_space<semaphore_mem>>) src(%dma_wait3A_129 : memref<64x136xf32, #tpu.memory_space<vmem>>) dst(%dma_wait3A_125 : memref<64x136xf32, #tpu.memory_space<vmem_shared>>)
      tpu.yield
    }) : () -> ()
    %mul3A_52 = arith.constant 640 : i32
    %mul3A_53 = arith.muli %arg1, %mul3A_52 : i32
    %add3A_54 = arith.constant 384 : i32
    %add3A_55 = arith.addi %mul3A_53, %add3A_54 : i32
    %run_scoped3A_56 = arith.constant 0 : i32
    "tpu.region"() ({
      %run_scoped3A_105 = tpu.sem_alloc : memref<!tpu.dma_semaphore, #tpu.memory_space<semaphore_mem>>
      %dma_start3A_106 = arith.constant 0 : i32
      %dma_start3A_107 = arith.constant 0 : i32
      %dma_start3A_108 = tpu.memref_slice %arg8[%run_scoped3A_56, %dma_start3A_106, %dma_start3A_107] : memref<2x64x136xf32, #tpu.memory_space<vmem>> -> memref<1x64x136xf32, #tpu.memory_space<vmem>>
      %dma_start3A_109 = tpu.memref_squeeze %dma_start3A_108 : memref<1x64x136xf32, #tpu.memory_space<vmem>> -> memref<64x136xf32, #tpu.memory_space<vmem>>
      %dma_start3A_110 = arith.constant 0 : i32
      %dma_start3A_111 = tpu.memref_slice %arg9[%add3A_55, %dma_start3A_110] : memref<10240x136xf32, #tpu.memory_space<vmem_shared>> -> memref<64x136xf32, #tpu.memory_space<vmem_shared>>
      %dma_start3A_112 = arith.constant 0 : i32
      %dma_start3A_113 = tpu.memref_slice %arg9[%add3A_55, %dma_start3A_112] : memref<10240x136xf32, #tpu.memory_space<vmem_shared>> -> memref<64x136xf32, #tpu.memory_space<vmem_shared>>
      %dma_start3A_114 = arith.constant 0 : i32
      %dma_start3A_115 = arith.constant 0 : i32
      %dma_start3A_116 = tpu.memref_slice %arg8[%run_scoped3A_56, %dma_start3A_114, %dma_start3A_115] : memref<2x64x136xf32, #tpu.memory_space<vmem>> -> memref<1x64x136xf32, #tpu.memory_space<vmem>>
      %dma_start3A_117 = tpu.memref_squeeze %dma_start3A_116 : memref<1x64x136xf32, #tpu.memory_space<vmem>> -> memref<64x136xf32, #tpu.memory_space<vmem>>
      tpu.enqueue_dma source(%dma_start3A_117 : memref<64x136xf32, #tpu.memory_space<vmem>>) target(%dma_start3A_113 : memref<64x136xf32, #tpu.memory_space<vmem_shared>>) target_semaphore(%run_scoped3A_105 : memref<!tpu.dma_semaphore, #tpu.memory_space<semaphore_mem>>)
      %dma_wait3A_118 = arith.constant 0 : i32
      %dma_wait3A_119 = arith.constant 0 : i32
      %dma_wait3A_120 = tpu.memref_slice %arg8[%run_scoped3A_56, %dma_wait3A_118, %dma_wait3A_119] : memref<2x64x136xf32, #tpu.memory_space<vmem>> -> memref<1x64x136xf32, #tpu.memory_space<vmem>>
      %dma_wait3A_121 = tpu.memref_squeeze %dma_wait3A_120 : memref<1x64x136xf32, #tpu.memory_space<vmem>> -> memref<64x136xf32, #tpu.memory_space<vmem>>
      %dma_wait3A_122 = arith.constant 0 : i32
      %dma_wait3A_123 = tpu.memref_slice %arg9[%add3A_55, %dma_wait3A_122] : memref<10240x136xf32, #tpu.memory_space<vmem_shared>> -> memref<64x136xf32, #tpu.memory_space<vmem_shared>>
      %dma_wait3A_124 = arith.constant 0 : i32
      %dma_wait3A_125 = tpu.memref_slice %arg9[%add3A_55, %dma_wait3A_124] : memref<10240x136xf32, #tpu.memory_space<vmem_shared>> -> memref<64x136xf32, #tpu.memory_space<vmem_shared>>
      %dma_wait3A_126 = arith.constant 0 : i32
      %dma_wait3A_127 = arith.constant 0 : i32
      %dma_wait3A_128 = tpu.memref_slice %arg8[%run_scoped3A_56, %dma_wait3A_126, %dma_wait3A_127] : memref<2x64x136xf32, #tpu.memory_space<vmem>> -> memref<1x64x136xf32, #tpu.memory_space<vmem>>
      %dma_wait3A_129 = tpu.memref_squeeze %dma_wait3A_128 : memref<1x64x136xf32, #tpu.memory_space<vmem>> -> memref<64x136xf32, #tpu.memory_space<vmem>>
      tpu.wait_dma2 semaphore(%run_scoped3A_105 : memref<!tpu.dma_semaphore, #tpu.memory_space<semaphore_mem>>) src(%dma_wait3A_129 : memref<64x136xf32, #tpu.memory_space<vmem>>) dst(%dma_wait3A_125 : memref<64x136xf32, #tpu.memory_space<vmem_shared>>)
      tpu.yield
    }) : () -> ()
    %mul3A_57 = arith.constant 640 : i32
    %mul3A_58 = arith.muli %arg1, %mul3A_57 : i32
    %add3A_59 = arith.constant 448 : i32
    %add3A_60 = arith.addi %mul3A_58, %add3A_59 : i32
    %run_scoped3A_61 = arith.constant 0 : i32
    "tpu.region"() ({
      %run_scoped3A_105 = tpu.sem_alloc : memref<!tpu.dma_semaphore, #tpu.memory_space<semaphore_mem>>
      %dma_start3A_106 = arith.constant 0 : i32
      %dma_start3A_107 = arith.constant 0 : i32
      %dma_start3A_108 = tpu.memref_slice %arg8[%run_scoped3A_61, %dma_start3A_106, %dma_start3A_107] : memref<2x64x136xf32, #tpu.memory_space<vmem>> -> memref<1x64x136xf32, #tpu.memory_space<vmem>>
      %dma_start3A_109 = tpu.memref_squeeze %dma_start3A_108 : memref<1x64x136xf32, #tpu.memory_space<vmem>> -> memref<64x136xf32, #tpu.memory_space<vmem>>
      %dma_start3A_110 = arith.constant 0 : i32
      %dma_start3A_111 = tpu.memref_slice %arg9[%add3A_60, %dma_start3A_110] : memref<10240x136xf32, #tpu.memory_space<vmem_shared>> -> memref<64x136xf32, #tpu.memory_space<vmem_shared>>
      %dma_start3A_112 = arith.constant 0 : i32
      %dma_start3A_113 = tpu.memref_slice %arg9[%add3A_60, %dma_start3A_112] : memref<10240x136xf32, #tpu.memory_space<vmem_shared>> -> memref<64x136xf32, #tpu.memory_space<vmem_shared>>
      %dma_start3A_114 = arith.constant 0 : i32
      %dma_start3A_115 = arith.constant 0 : i32
      %dma_start3A_116 = tpu.memref_slice %arg8[%run_scoped3A_61, %dma_start3A_114, %dma_start3A_115] : memref<2x64x136xf32, #tpu.memory_space<vmem>> -> memref<1x64x136xf32, #tpu.memory_space<vmem>>
      %dma_start3A_117 = tpu.memref_squeeze %dma_start3A_116 : memref<1x64x136xf32, #tpu.memory_space<vmem>> -> memref<64x136xf32, #tpu.memory_space<vmem>>
      tpu.enqueue_dma source(%dma_start3A_117 : memref<64x136xf32, #tpu.memory_space<vmem>>) target(%dma_start3A_113 : memref<64x136xf32, #tpu.memory_space<vmem_shared>>) target_semaphore(%run_scoped3A_105 : memref<!tpu.dma_semaphore, #tpu.memory_space<semaphore_mem>>)
      %dma_wait3A_118 = arith.constant 0 : i32
      %dma_wait3A_119 = arith.constant 0 : i32
      %dma_wait3A_120 = tpu.memref_slice %arg8[%run_scoped3A_61, %dma_wait3A_118, %dma_wait3A_119] : memref<2x64x136xf32, #tpu.memory_space<vmem>> -> memref<1x64x136xf32, #tpu.memory_space<vmem>>
      %dma_wait3A_121 = tpu.memref_squeeze %dma_wait3A_120 : memref<1x64x136xf32, #tpu.memory_space<vmem>> -> memref<64x136xf32, #tpu.memory_space<vmem>>
      %dma_wait3A_122 = arith.constant 0 : i32
      %dma_wait3A_123 = tpu.memref_slice %arg9[%add3A_60, %dma_wait3A_122] : memref<10240x136xf32, #tpu.memory_space<vmem_shared>> -> memref<64x136xf32, #tpu.memory_space<vmem_shared>>
      %dma_wait3A_124 = arith.constant 0 : i32
      %dma_wait3A_125 = tpu.memref_slice %arg9[%add3A_60, %dma_wait3A_124] : memref<10240x136xf32, #tpu.memory_space<vmem_shared>> -> memref<64x136xf32, #tpu.memory_space<vmem_shared>>
      %dma_wait3A_126 = arith.constant 0 : i32
      %dma_wait3A_127 = arith.constant 0 : i32
      %dma_wait3A_128 = tpu.memref_slice %arg8[%run_scoped3A_61, %dma_wait3A_126, %dma_wait3A_127] : memref<2x64x136xf32, #tpu.memory_space<vmem>> -> memref<1x64x136xf32, #tpu.memory_space<vmem>>
      %dma_wait3A_129 = tpu.memref_squeeze %dma_wait3A_128 : memref<1x64x136xf32, #tpu.memory_space<vmem>> -> memref<64x136xf32, #tpu.memory_space<vmem>>
      tpu.wait_dma2 semaphore(%run_scoped3A_105 : memref<!tpu.dma_semaphore, #tpu.memory_space<semaphore_mem>>) src(%dma_wait3A_129 : memref<64x136xf32, #tpu.memory_space<vmem>>) dst(%dma_wait3A_125 : memref<64x136xf32, #tpu.memory_space<vmem_shared>>)
      tpu.yield
    }) : () -> ()
    %mul3A_62 = arith.constant 640 : i32
    %mul3A_63 = arith.muli %arg1, %mul3A_62 : i32
    %add3A_64 = arith.constant 512 : i32
    %add3A_65 = arith.addi %mul3A_63, %add3A_64 : i32
    %run_scoped3A_66 = arith.constant 0 : i32
    "tpu.region"() ({
      %run_scoped3A_105 = tpu.sem_alloc : memref<!tpu.dma_semaphore, #tpu.memory_space<semaphore_mem>>
      %dma_start3A_106 = arith.constant 0 : i32
      %dma_start3A_107 = arith.constant 0 : i32
      %dma_start3A_108 = tpu.memref_slice %arg8[%run_scoped3A_66, %dma_start3A_106, %dma_start3A_107] : memref<2x64x136xf32, #tpu.memory_space<vmem>> -> memref<1x64x136xf32, #tpu.memory_space<vmem>>
      %dma_start3A_109 = tpu.memref_squeeze %dma_start3A_108 : memref<1x64x136xf32, #tpu.memory_space<vmem>> -> memref<64x136xf32, #tpu.memory_space<vmem>>
      %dma_start3A_110 = arith.constant 0 : i32
      %dma_start3A_111 = tpu.memref_slice %arg9[%add3A_65, %dma_start3A_110] : memref<10240x136xf32, #tpu.memory_space<vmem_shared>> -> memref<64x136xf32, #tpu.memory_space<vmem_shared>>
      %dma_start3A_112 = arith.constant 0 : i32
      %dma_start3A_113 = tpu.memref_slice %arg9[%add3A_65, %dma_start3A_112] : memref<10240x136xf32, #tpu.memory_space<vmem_shared>> -> memref<64x136xf32, #tpu.memory_space<vmem_shared>>
      %dma_start3A_114 = arith.constant 0 : i32
      %dma_start3A_115 = arith.constant 0 : i32
      %dma_start3A_116 = tpu.memref_slice %arg8[%run_scoped3A_66, %dma_start3A_114, %dma_start3A_115] : memref<2x64x136xf32, #tpu.memory_space<vmem>> -> memref<1x64x136xf32, #tpu.memory_space<vmem>>
      %dma_start3A_117 = tpu.memref_squeeze %dma_start3A_116 : memref<1x64x136xf32, #tpu.memory_space<vmem>> -> memref<64x136xf32, #tpu.memory_space<vmem>>
      tpu.enqueue_dma source(%dma_start3A_117 : memref<64x136xf32, #tpu.memory_space<vmem>>) target(%dma_start3A_113 : memref<64x136xf32, #tpu.memory_space<vmem_shared>>) target_semaphore(%run_scoped3A_105 : memref<!tpu.dma_semaphore, #tpu.memory_space<semaphore_mem>>)
      %dma_wait3A_118 = arith.constant 0 : i32
      %dma_wait3A_119 = arith.constant 0 : i32
      %dma_wait3A_120 = tpu.memref_slice %arg8[%run_scoped3A_66, %dma_wait3A_118, %dma_wait3A_119] : memref<2x64x136xf32, #tpu.memory_space<vmem>> -> memref<1x64x136xf32, #tpu.memory_space<vmem>>
      %dma_wait3A_121 = tpu.memref_squeeze %dma_wait3A_120 : memref<1x64x136xf32, #tpu.memory_space<vmem>> -> memref<64x136xf32, #tpu.memory_space<vmem>>
      %dma_wait3A_122 = arith.constant 0 : i32
      %dma_wait3A_123 = tpu.memref_slice %arg9[%add3A_65, %dma_wait3A_122] : memref<10240x136xf32, #tpu.memory_space<vmem_shared>> -> memref<64x136xf32, #tpu.memory_space<vmem_shared>>
      %dma_wait3A_124 = arith.constant 0 : i32
      %dma_wait3A_125 = tpu.memref_slice %arg9[%add3A_65, %dma_wait3A_124] : memref<10240x136xf32, #tpu.memory_space<vmem_shared>> -> memref<64x136xf32, #tpu.memory_space<vmem_shared>>
      %dma_wait3A_126 = arith.constant 0 : i32
      %dma_wait3A_127 = arith.constant 0 : i32
      %dma_wait3A_128 = tpu.memref_slice %arg8[%run_scoped3A_66, %dma_wait3A_126, %dma_wait3A_127] : memref<2x64x136xf32, #tpu.memory_space<vmem>> -> memref<1x64x136xf32, #tpu.memory_space<vmem>>
      %dma_wait3A_129 = tpu.memref_squeeze %dma_wait3A_128 : memref<1x64x136xf32, #tpu.memory_space<vmem>> -> memref<64x136xf32, #tpu.memory_space<vmem>>
      tpu.wait_dma2 semaphore(%run_scoped3A_105 : memref<!tpu.dma_semaphore, #tpu.memory_space<semaphore_mem>>) src(%dma_wait3A_129 : memref<64x136xf32, #tpu.memory_space<vmem>>) dst(%dma_wait3A_125 : memref<64x136xf32, #tpu.memory_space<vmem_shared>>)
      tpu.yield
    }) : () -> ()
    %mul3A_67 = arith.constant 640 : i32
    %mul3A_68 = arith.muli %arg1, %mul3A_67 : i32
    %add3A_69 = arith.constant 576 : i32
    %add3A_70 = arith.addi %mul3A_68, %add3A_69 : i32
    %run_scoped3A_71 = arith.constant 0 : i32
    "tpu.region"() ({
      %run_scoped3A_105 = tpu.sem_alloc : memref<!tpu.dma_semaphore, #tpu.memory_space<semaphore_mem>>
      %dma_start3A_106 = arith.constant 0 : i32
      %dma_start3A_107 = arith.constant 0 : i32
      %dma_start3A_108 = tpu.memref_slice %arg8[%run_scoped3A_71, %dma_start3A_106, %dma_start3A_107] : memref<2x64x136xf32, #tpu.memory_space<vmem>> -> memref<1x64x136xf32, #tpu.memory_space<vmem>>
      %dma_start3A_109 = tpu.memref_squeeze %dma_start3A_108 : memref<1x64x136xf32, #tpu.memory_space<vmem>> -> memref<64x136xf32, #tpu.memory_space<vmem>>
      %dma_start3A_110 = arith.constant 0 : i32
      %dma_start3A_111 = tpu.memref_slice %arg9[%add3A_70, %dma_start3A_110] : memref<10240x136xf32, #tpu.memory_space<vmem_shared>> -> memref<64x136xf32, #tpu.memory_space<vmem_shared>>
      %dma_start3A_112 = arith.constant 0 : i32
      %dma_start3A_113 = tpu.memref_slice %arg9[%add3A_70, %dma_start3A_112] : memref<10240x136xf32, #tpu.memory_space<vmem_shared>> -> memref<64x136xf32, #tpu.memory_space<vmem_shared>>
      %dma_start3A_114 = arith.constant 0 : i32
      %dma_start3A_115 = arith.constant 0 : i32
      %dma_start3A_116 = tpu.memref_slice %arg8[%run_scoped3A_71, %dma_start3A_114, %dma_start3A_115] : memref<2x64x136xf32, #tpu.memory_space<vmem>> -> memref<1x64x136xf32, #tpu.memory_space<vmem>>
      %dma_start3A_117 = tpu.memref_squeeze %dma_start3A_116 : memref<1x64x136xf32, #tpu.memory_space<vmem>> -> memref<64x136xf32, #tpu.memory_space<vmem>>
      tpu.enqueue_dma source(%dma_start3A_117 : memref<64x136xf32, #tpu.memory_space<vmem>>) target(%dma_start3A_113 : memref<64x136xf32, #tpu.memory_space<vmem_shared>>) target_semaphore(%run_scoped3A_105 : memref<!tpu.dma_semaphore, #tpu.memory_space<semaphore_mem>>)
      %dma_wait3A_118 = arith.constant 0 : i32
      %dma_wait3A_119 = arith.constant 0 : i32
      %dma_wait3A_120 = tpu.memref_slice %arg8[%run_scoped3A_71, %dma_wait3A_118, %dma_wait3A_119] : memref<2x64x136xf32, #tpu.memory_space<vmem>> -> memref<1x64x136xf32, #tpu.memory_space<vmem>>
      %dma_wait3A_121 = tpu.memref_squeeze %dma_wait3A_120 : memref<1x64x136xf32, #tpu.memory_space<vmem>> -> memref<64x136xf32, #tpu.memory_space<vmem>>
      %dma_wait3A_122 = arith.constant 0 : i32
      %dma_wait3A_123 = tpu.memref_slice %arg9[%add3A_70, %dma_wait3A_122] : memref<10240x136xf32, #tpu.memory_space<vmem_shared>> -> memref<64x136xf32, #tpu.memory_space<vmem_shared>>
      %dma_wait3A_124 = arith.constant 0 : i32
      %dma_wait3A_125 = tpu.memref_slice %arg9[%add3A_70, %dma_wait3A_124] : memref<10240x136xf32, #tpu.memory_space<vmem_shared>> -> memref<64x136xf32, #tpu.memory_space<vmem_shared>>
      %dma_wait3A_126 = arith.constant 0 : i32
      %dma_wait3A_127 = arith.constant 0 : i32
      %dma_wait3A_128 = tpu.memref_slice %arg8[%run_scoped3A_71, %dma_wait3A_126, %dma_wait3A_127] : memref<2x64x136xf32, #tpu.memory_space<vmem>> -> memref<1x64x136xf32, #tpu.memory_space<vmem>>
      %dma_wait3A_129 = tpu.memref_squeeze %dma_wait3A_128 : memref<1x64x136xf32, #tpu.memory_space<vmem>> -> memref<64x136xf32, #tpu.memory_space<vmem>>
      tpu.wait_dma2 semaphore(%run_scoped3A_105 : memref<!tpu.dma_semaphore, #tpu.memory_space<semaphore_mem>>) src(%dma_wait3A_129 : memref<64x136xf32, #tpu.memory_space<vmem>>) dst(%dma_wait3A_125 : memref<64x136xf32, #tpu.memory_space<vmem_shared>>)
      tpu.yield
    }) : () -> ()
    %dma_wait3A = arith.constant 0 : i32
    %dma_wait3A_72 = tpu.memref_slice %arg3[%select_n3A_8, %dma_wait3A] : memref<5077x64xi32, #tpu.memory_space<hbm>> -> memref<191x64xi32, #tpu.memory_space<hbm>>
    %dma_wait3A_73 = arith.constant 0 : i32
    %dma_wait3A_74 = tpu.memref_slice %arg3[%select_n3A_8, %dma_wait3A_73] : memref<5077x64xi32, #tpu.memory_space<hbm>> -> memref<191x64xi32, #tpu.memory_space<hbm>>
    tpu.wait_dma2 semaphore(%arg10 : memref<!tpu.dma_semaphore, #tpu.memory_space<semaphore_mem>>) src(%dma_wait3A_74 : memref<191x64xi32, #tpu.memory_space<hbm>>) dst(%arg6 : memref<191x64xi32, #tpu.memory_space<vmem>>)
    %dma_wait3A_75 = arith.constant 0 : i32
    %dma_wait3A_76 = tpu.memref_slice %arg4[%select_n3A_8, %dma_wait3A_75] : memref<5077x64xi32, #tpu.memory_space<hbm>> -> memref<191x64xi32, #tpu.memory_space<hbm>>
    %dma_wait3A_77 = arith.constant 0 : i32
    %dma_wait3A_78 = tpu.memref_slice %arg4[%select_n3A_8, %dma_wait3A_77] : memref<5077x64xi32, #tpu.memory_space<hbm>> -> memref<191x64xi32, #tpu.memory_space<hbm>>
    tpu.wait_dma2 semaphore(%arg10 : memref<!tpu.dma_semaphore, #tpu.memory_space<semaphore_mem>>) src(%dma_wait3A_78 : memref<191x64xi32, #tpu.memory_space<hbm>>) dst(%arg7 : memref<191x64xi32, #tpu.memory_space<vmem>>)
    %barrier3A = arith.constant 0 : index
    tpu.barrier barrier_id(%barrier3A)
    %dma_start3A_79 = arith.constant 0 : i32
    %dma_start3A_80 = arith.constant 0 : i32
    %dma_start3A_81 = arith.constant 0 : i32
    %dma_start3A_82 = arith.constant 0 : i32
    %dma_start3A_83 = tpu.memref_slice %arg8[%dma_start3A_80, %dma_start3A_81, %dma_start3A_82] : memref<2x64x136xf32, #tpu.memory_space<vmem>> -> memref<1x64x136xf32, #tpu.memory_space<vmem>>
    %dma_start3A_84 = tpu.memref_squeeze %dma_start3A_83 : memref<1x64x136xf32, #tpu.memory_space<vmem>> -> memref<64x136xf32, #tpu.memory_space<vmem>>
    %dma_start3A_85 = arith.constant 0 : i32
    %dma_start3A_86 = tpu.memref_slice %arg6[%dma_start3A_79, %dma_start3A_85] : memref<191x64xi32, #tpu.memory_space<vmem>> -> memref<1x64xi32, #tpu.memory_space<vmem>>
    %dma_start3A_87 = tpu.memref_squeeze %dma_start3A_86 : memref<1x64xi32, #tpu.memory_space<vmem>> -> memref<64xi32, #tpu.memory_space<vmem>>
    %dma_start3A_88 = arith.constant 0 : i32
    %dma_start3A_89 = arith.constant 0 : i32
    %dma_start3A_90 = tpu.memref_slice %arg2[%dma_start3A_88, %dma_start3A_89] : memref<10240x136xf32, #tpu.memory_space<hbm>> -> memref<10240x136xf32, #tpu.memory_space<hbm>>
    tpu.enqueue_indirect_dma source(%dma_start3A_90 : memref<10240x136xf32, #tpu.memory_space<hbm>>) target(%dma_start3A_84 : memref<64x136xf32, #tpu.memory_space<vmem>>) offsets(%dma_start3A_87 : memref<64xi32, #tpu.memory_space<vmem>>) semaphore(%arg11 : memref<!tpu.dma_semaphore, #tpu.memory_space<semaphore_mem>>)
    %while3A = arith.constant 0 : i32
    %while3A_91 = arith.constant 0 : i32
    %while3A_92 = arith.subi %select_n3A, %while3A_91 : i32
    %while3A_93 = arith.addi %while3A_91, %while3A_92 : i32
    %while3A_94 = arith.constant 1 : i32
    %while3A_95 = arith.divsi %while3A_92, %while3A_94 : i32
    %while3A_96 = arith.muli %while3A_95, %while3A_94 : i32
    %while3A_97 = arith.addi %while3A_91, %while3A_96 : i32
    %while3A_98 = arith.constant 1 : i32
    scf.for %while3A_105 = %while3A_91 to %while3A_97 step %while3A_98  : i32 {
      %rem3A = arith.constant 2 : i32
      %rem3A_106 = arith.remsi %while3A_105, %rem3A : i32
      %dma_wait3A_107 = arith.constant 0 : i32
      %dma_wait3A_108 = arith.constant 0 : i32
      %dma_wait3A_109 = tpu.memref_slice %arg8[%rem3A_106, %dma_wait3A_107, %dma_wait3A_108] : memref<2x64x136xf32, #tpu.memory_space<vmem>> -> memref<1x64x136xf32, #tpu.memory_space<vmem>>
      %dma_wait3A_110 = tpu.memref_squeeze %dma_wait3A_109 : memref<1x64x136xf32, #tpu.memory_space<vmem>> -> memref<64x136xf32, #tpu.memory_space<vmem>>
      %dma_wait3A_111 = arith.constant 0 : i32
      %dma_wait3A_112 = tpu.memref_slice %arg6[%while3A_105, %dma_wait3A_111] : memref<191x64xi32, #tpu.memory_space<vmem>> -> memref<1x64xi32, #tpu.memory_space<vmem>>
      %dma_wait3A_113 = tpu.memref_squeeze %dma_wait3A_112 : memref<1x64xi32, #tpu.memory_space<vmem>> -> memref<64xi32, #tpu.memory_space<vmem>>
      %dma_wait3A_114 = arith.constant 0 : i32
      %dma_wait3A_115 = arith.constant 0 : i32
      %dma_wait3A_116 = tpu.memref_slice %arg2[%dma_wait3A_114, %dma_wait3A_115] : memref<10240x136xf32, #tpu.memory_space<hbm>> -> memref<10240x136xf32, #tpu.memory_space<hbm>>
      tpu.wait_indirect_dma semaphore(%arg11 : memref<!tpu.dma_semaphore, #tpu.memory_space<semaphore_mem>>) src(%dma_wait3A_116 : memref<10240x136xf32, #tpu.memory_space<hbm>>) dst(%dma_wait3A_110 : memref<64x136xf32, #tpu.memory_space<vmem>>)
      %sub3A = arith.constant 1 : i32
      %sub3A_117 = arith.subi %select_n3A, %sub3A : i32
      %lt3A = arith.cmpi slt, %while3A_105, %sub3A_117 : i32
      %convert_element_type3A = arith.extui %lt3A : i1 to i32
      %cond3A = arith.constant 0 : i32
      %cond3A_118 = arith.cmpi ne, %convert_element_type3A, %cond3A : i32
      scf.if %cond3A_118 {
        %add3A_119 = arith.constant 1 : i32
        %add3A_120 = arith.addi %while3A_105, %add3A_119 : i32
        %sub3A_121 = arith.constant 1 : i32
        %sub3A_122 = arith.subi %sub3A_121, %rem3A_106 : i32
        %dma_start3A_123 = arith.constant 0 : i32
        %dma_start3A_124 = arith.constant 0 : i32
        %dma_start3A_125 = tpu.memref_slice %arg8[%sub3A_122, %dma_start3A_123, %dma_start3A_124] : memref<2x64x136xf32, #tpu.memory_space<vmem>> -> memref<1x64x136xf32, #tpu.memory_space<vmem>>
        %dma_start3A_126 = tpu.memref_squeeze %dma_start3A_125 : memref<1x64x136xf32, #tpu.memory_space<vmem>> -> memref<64x136xf32, #tpu.memory_space<vmem>>
        %dma_start3A_127 = arith.constant 0 : i32
        %dma_start3A_128 = tpu.memref_slice %arg6[%add3A_120, %dma_start3A_127] : memref<191x64xi32, #tpu.memory_space<vmem>> -> memref<1x64xi32, #tpu.memory_space<vmem>>
        %dma_start3A_129 = tpu.memref_squeeze %dma_start3A_128 : memref<1x64xi32, #tpu.memory_space<vmem>> -> memref<64xi32, #tpu.memory_space<vmem>>
        %dma_start3A_130 = arith.constant 0 : i32
        %dma_start3A_131 = arith.constant 0 : i32
        %dma_start3A_132 = tpu.memref_slice %arg2[%dma_start3A_130, %dma_start3A_131] : memref<10240x136xf32, #tpu.memory_space<hbm>> -> memref<10240x136xf32, #tpu.memory_space<hbm>>
        tpu.enqueue_indirect_dma source(%dma_start3A_132 : memref<10240x136xf32, #tpu.memory_space<hbm>>) target(%dma_start3A_126 : memref<64x136xf32, #tpu.memory_space<vmem>>) offsets(%dma_start3A_129 : memref<64xi32, #tpu.memory_space<vmem>>) semaphore(%arg11 : memref<!tpu.dma_semaphore, #tpu.memory_space<semaphore_mem>>)
      } else {
      }
      "tpu.region"() ({
        %run_scoped3A_119 = tpu.sem_alloc : memref<!tpu.dma_semaphore, #tpu.memory_space<semaphore_mem>>
        %dma_start3A_120 = arith.constant 0 : i32
        %dma_start3A_121 = arith.constant 0 : i32
        %dma_start3A_122 = tpu.memref_slice %arg8[%rem3A_106, %dma_start3A_120, %dma_start3A_121] : memref<2x64x136xf32, #tpu.memory_space<vmem>> -> memref<1x64x136xf32, #tpu.memory_space<vmem>>
        %dma_start3A_123 = tpu.memref_squeeze %dma_start3A_122 : memref<1x64x136xf32, #tpu.memory_space<vmem>> -> memref<64x136xf32, #tpu.memory_space<vmem>>
        %dma_start3A_124 = arith.constant 0 : i32
        %dma_start3A_125 = tpu.memref_slice %arg7[%while3A_105, %dma_start3A_124] : memref<191x64xi32, #tpu.memory_space<vmem>> -> memref<1x64xi32, #tpu.memory_space<vmem>>
        %dma_start3A_126 = tpu.memref_squeeze %dma_start3A_125 : memref<1x64xi32, #tpu.memory_space<vmem>> -> memref<64xi32, #tpu.memory_space<vmem>>
        %dma_start3A_127 = arith.constant 0 : i32
        %dma_start3A_128 = arith.constant 0 : i32
        %dma_start3A_129 = tpu.memref_slice %arg9[%dma_start3A_127, %dma_start3A_128] : memref<10240x136xf32, #tpu.memory_space<vmem_shared>> -> memref<10240x136xf32, #tpu.memory_space<vmem_shared>>
        tpu.enqueue_indirect_dma source(%dma_start3A_123 : memref<64x136xf32, #tpu.memory_space<vmem>>) target(%dma_start3A_129 : memref<10240x136xf32, #tpu.memory_space<vmem_shared>>) offsets(%dma_start3A_126 : memref<64xi32, #tpu.memory_space<vmem>>) semaphore(%run_scoped3A_119 : memref<!tpu.dma_semaphore, #tpu.memory_space<semaphore_mem>>) {add = true}
        %dma_wait3A_130 = arith.constant 0 : i32
        %dma_wait3A_131 = arith.constant 0 : i32
        %dma_wait3A_132 = tpu.memref_slice %arg8[%rem3A_106, %dma_wait3A_130, %dma_wait3A_131] : memref<2x64x136xf32, #tpu.memory_space<vmem>> -> memref<1x64x136xf32, #tpu.memory_space<vmem>>
        %dma_wait3A_133 = tpu.memref_squeeze %dma_wait3A_132 : memref<1x64x136xf32, #tpu.memory_space<vmem>> -> memref<64x136xf32, #tpu.memory_space<vmem>>
        %dma_wait3A_134 = arith.constant 0 : i32
        %dma_wait3A_135 = tpu.memref_slice %arg7[%while3A_105, %dma_wait3A_134] : memref<191x64xi32, #tpu.memory_space<vmem>> -> memref<1x64xi32, #tpu.memory_space<vmem>>
        %dma_wait3A_136 = tpu.memref_squeeze %dma_wait3A_135 : memref<1x64xi32, #tpu.memory_space<vmem>> -> memref<64xi32, #tpu.memory_space<vmem>>
        %dma_wait3A_137 = arith.constant 0 : i32
        %dma_wait3A_138 = arith.constant 0 : i32
        %dma_wait3A_139 = tpu.memref_slice %arg9[%dma_wait3A_137, %dma_wait3A_138] : memref<10240x136xf32, #tpu.memory_space<vmem_shared>> -> memref<10240x136xf32, #tpu.memory_space<vmem_shared>>
        tpu.wait_indirect_dma semaphore(%run_scoped3A_119 : memref<!tpu.dma_semaphore, #tpu.memory_space<semaphore_mem>>) src(%dma_wait3A_133 : memref<64x136xf32, #tpu.memory_space<vmem>>) dst(%dma_wait3A_139 : memref<10240x136xf32, #tpu.memory_space<vmem_shared>>)
        tpu.yield
      }) : () -> ()
    }
    %while3A_99 = arith.constant 1 : i32
    scf.for %while3A_105 = %while3A_97 to %while3A_93 step %while3A_99  : i32 {
      %rem3A = arith.constant 2 : i32
      %rem3A_106 = arith.remsi %while3A_105, %rem3A : i32
      %dma_wait3A_107 = arith.constant 0 : i32
      %dma_wait3A_108 = arith.constant 0 : i32
      %dma_wait3A_109 = tpu.memref_slice %arg8[%rem3A_106, %dma_wait3A_107, %dma_wait3A_108] : memref<2x64x136xf32, #tpu.memory_space<vmem>> -> memref<1x64x136xf32, #tpu.memory_space<vmem>>
      %dma_wait3A_110 = tpu.memref_squeeze %dma_wait3A_109 : memref<1x64x136xf32, #tpu.memory_space<vmem>> -> memref<64x136xf32, #tpu.memory_space<vmem>>
      %dma_wait3A_111 = arith.constant 0 : i32
      %dma_wait3A_112 = tpu.memref_slice %arg6[%while3A_105, %dma_wait3A_111] : memref<191x64xi32, #tpu.memory_space<vmem>> -> memref<1x64xi32, #tpu.memory_space<vmem>>
      %dma_wait3A_113 = tpu.memref_squeeze %dma_wait3A_112 : memref<1x64xi32, #tpu.memory_space<vmem>> -> memref<64xi32, #tpu.memory_space<vmem>>
      %dma_wait3A_114 = arith.constant 0 : i32
      %dma_wait3A_115 = arith.constant 0 : i32
      %dma_wait3A_116 = tpu.memref_slice %arg2[%dma_wait3A_114, %dma_wait3A_115] : memref<10240x136xf32, #tpu.memory_space<hbm>> -> memref<10240x136xf32, #tpu.memory_space<hbm>>
      tpu.wait_indirect_dma semaphore(%arg11 : memref<!tpu.dma_semaphore, #tpu.memory_space<semaphore_mem>>) src(%dma_wait3A_116 : memref<10240x136xf32, #tpu.memory_space<hbm>>) dst(%dma_wait3A_110 : memref<64x136xf32, #tpu.memory_space<vmem>>)
      %sub3A = arith.constant 1 : i32
      %sub3A_117 = arith.subi %select_n3A, %sub3A : i32
      %lt3A = arith.cmpi slt, %while3A_105, %sub3A_117 : i32
      %convert_element_type3A = arith.extui %lt3A : i1 to i32
      %cond3A = arith.constant 0 : i32
      %cond3A_118 = arith.cmpi ne, %convert_element_type3A, %cond3A : i32
      scf.if %cond3A_118 {
        %add3A_119 = arith.constant 1 : i32
        %add3A_120 = arith.addi %while3A_105, %add3A_119 : i32
        %sub3A_121 = arith.constant 1 : i32
        %sub3A_122 = arith.subi %sub3A_121, %rem3A_106 : i32
        %dma_start3A_123 = arith.constant 0 : i32
        %dma_start3A_124 = arith.constant 0 : i32
        %dma_start3A_125 = tpu.memref_slice %arg8[%sub3A_122, %dma_start3A_123, %dma_start3A_124] : memref<2x64x136xf32, #tpu.memory_space<vmem>> -> memref<1x64x136xf32, #tpu.memory_space<vmem>>
        %dma_start3A_126 = tpu.memref_squeeze %dma_start3A_125 : memref<1x64x136xf32, #tpu.memory_space<vmem>> -> memref<64x136xf32, #tpu.memory_space<vmem>>
        %dma_start3A_127 = arith.constant 0 : i32
        %dma_start3A_128 = tpu.memref_slice %arg6[%add3A_120, %dma_start3A_127] : memref<191x64xi32, #tpu.memory_space<vmem>> -> memref<1x64xi32, #tpu.memory_space<vmem>>
        %dma_start3A_129 = tpu.memref_squeeze %dma_start3A_128 : memref<1x64xi32, #tpu.memory_space<vmem>> -> memref<64xi32, #tpu.memory_space<vmem>>
        %dma_start3A_130 = arith.constant 0 : i32
        %dma_start3A_131 = arith.constant 0 : i32
        %dma_start3A_132 = tpu.memref_slice %arg2[%dma_start3A_130, %dma_start3A_131] : memref<10240x136xf32, #tpu.memory_space<hbm>> -> memref<10240x136xf32, #tpu.memory_space<hbm>>
        tpu.enqueue_indirect_dma source(%dma_start3A_132 : memref<10240x136xf32, #tpu.memory_space<hbm>>) target(%dma_start3A_126 : memref<64x136xf32, #tpu.memory_space<vmem>>) offsets(%dma_start3A_129 : memref<64xi32, #tpu.memory_space<vmem>>) semaphore(%arg11 : memref<!tpu.dma_semaphore, #tpu.memory_space<semaphore_mem>>)
      } else {
      }
      "tpu.region"() ({
        %run_scoped3A_119 = tpu.sem_alloc : memref<!tpu.dma_semaphore, #tpu.memory_space<semaphore_mem>>
        %dma_start3A_120 = arith.constant 0 : i32
        %dma_start3A_121 = arith.constant 0 : i32
        %dma_start3A_122 = tpu.memref_slice %arg8[%rem3A_106, %dma_start3A_120, %dma_start3A_121] : memref<2x64x136xf32, #tpu.memory_space<vmem>> -> memref<1x64x136xf32, #tpu.memory_space<vmem>>
        %dma_start3A_123 = tpu.memref_squeeze %dma_start3A_122 : memref<1x64x136xf32, #tpu.memory_space<vmem>> -> memref<64x136xf32, #tpu.memory_space<vmem>>
        %dma_start3A_124 = arith.constant 0 : i32
        %dma_start3A_125 = tpu.memref_slice %arg7[%while3A_105, %dma_start3A_124] : memref<191x64xi32, #tpu.memory_space<vmem>> -> memref<1x64xi32, #tpu.memory_space<vmem>>
        %dma_start3A_126 = tpu.memref_squeeze %dma_start3A_125 : memref<1x64xi32, #tpu.memory_space<vmem>> -> memref<64xi32, #tpu.memory_space<vmem>>
        %dma_start3A_127 = arith.constant 0 : i32
        %dma_start3A_128 = arith.constant 0 : i32
        %dma_start3A_129 = tpu.memref_slice %arg9[%dma_start3A_127, %dma_start3A_128] : memref<10240x136xf32, #tpu.memory_space<vmem_shared>> -> memref<10240x136xf32, #tpu.memory_space<vmem_shared>>
        tpu.enqueue_indirect_dma source(%dma_start3A_123 : memref<64x136xf32, #tpu.memory_space<vmem>>) target(%dma_start3A_129 : memref<10240x136xf32, #tpu.memory_space<vmem_shared>>) offsets(%dma_start3A_126 : memref<64xi32, #tpu.memory_space<vmem>>) semaphore(%run_scoped3A_119 : memref<!tpu.dma_semaphore, #tpu.memory_space<semaphore_mem>>) {add = true}
        %dma_wait3A_130 = arith.constant 0 : i32
        %dma_wait3A_131 = arith.constant 0 : i32
        %dma_wait3A_132 = tpu.memref_slice %arg8[%rem3A_106, %dma_wait3A_130, %dma_wait3A_131] : memref<2x64x136xf32, #tpu.memory_space<vmem>> -> memref<1x64x136xf32, #tpu.memory_space<vmem>>
        %dma_wait3A_133 = tpu.memref_squeeze %dma_wait3A_132 : memref<1x64x136xf32, #tpu.memory_space<vmem>> -> memref<64x136xf32, #tpu.memory_space<vmem>>
        %dma_wait3A_134 = arith.constant 0 : i32
        %dma_wait3A_135 = tpu.memref_slice %arg7[%while3A_105, %dma_wait3A_134] : memref<191x64xi32, #tpu.memory_space<vmem>> -> memref<1x64xi32, #tpu.memory_space<vmem>>
        %dma_wait3A_136 = tpu.memref_squeeze %dma_wait3A_135 : memref<1x64xi32, #tpu.memory_space<vmem>> -> memref<64xi32, #tpu.memory_space<vmem>>
        %dma_wait3A_137 = arith.constant 0 : i32
        %dma_wait3A_138 = arith.constant 0 : i32
        %dma_wait3A_139 = tpu.memref_slice %arg9[%dma_wait3A_137, %dma_wait3A_138] : memref<10240x136xf32, #tpu.memory_space<vmem_shared>> -> memref<10240x136xf32, #tpu.memory_space<vmem_shared>>
        tpu.wait_indirect_dma semaphore(%run_scoped3A_119 : memref<!tpu.dma_semaphore, #tpu.memory_space<semaphore_mem>>) src(%dma_wait3A_133 : memref<64x136xf32, #tpu.memory_space<vmem>>) dst(%dma_wait3A_139 : memref<10240x136xf32, #tpu.memory_space<vmem_shared>>)
        tpu.yield
      }) : () -> ()
    }
    %barrier3A_100 = arith.constant 0 : index
    tpu.barrier barrier_id(%barrier3A_100)
    %mul3A_101 = arith.constant 640 : i32
    %mul3A_102 = arith.muli %arg1, %mul3A_101 : i32
    %mul3A_103 = arith.constant 640 : i32
    %mul3A_104 = arith.muli %arg1, %mul3A_103 : i32
    "tpu.region"() ({
      %run_scoped3A_105 = tpu.sem_alloc : memref<!tpu.dma_semaphore, #tpu.memory_space<semaphore_mem>>
      %dma_start3A_106 = arith.constant 0 : i32
      %dma_start3A_107 = arith.constant 0 : i32
      %dma_start3A_108 = tpu.memref_slice %arg5[%arg0, %dma_start3A_106, %dma_start3A_107] : memref<2x10240x136xf32, #tpu.memory_space<hbm>> -> memref<1x10240x136xf32, #tpu.memory_space<hbm>>
      %dma_start3A_109 = tpu.memref_squeeze %dma_start3A_108 : memref<1x10240x136xf32, #tpu.memory_space<hbm>> -> memref<10240x136xf32, #tpu.memory_space<hbm>>
      %dma_start3A_110 = arith.constant 0 : i32
      %dma_start3A_111 = tpu.memref_slice %dma_start3A_109[%mul3A_104, %dma_start3A_110] : memref<10240x136xf32, #tpu.memory_space<hbm>> -> memref<640x136xf32, #tpu.memory_space<hbm>>
      %dma_start3A_112 = arith.constant 0 : i32
      %dma_start3A_113 = tpu.memref_slice %arg9[%mul3A_102, %dma_start3A_112] : memref<10240x136xf32, #tpu.memory_space<vmem_shared>> -> memref<640x136xf32, #tpu.memory_space<vmem_shared>>
      tpu.enqueue_dma source(%dma_start3A_113 : memref<640x136xf32, #tpu.memory_space<vmem_shared>>) target(%dma_start3A_111 : memref<640x136xf32, #tpu.memory_space<hbm>>) target_semaphore(%run_scoped3A_105 : memref<!tpu.dma_semaphore, #tpu.memory_space<semaphore_mem>>)
      %dma_wait3A_114 = arith.constant 0 : i32
      %dma_wait3A_115 = arith.constant 0 : i32
      %dma_wait3A_116 = tpu.memref_slice %arg5[%arg0, %dma_wait3A_114, %dma_wait3A_115] : memref<2x10240x136xf32, #tpu.memory_space<hbm>> -> memref<1x10240x136xf32, #tpu.memory_space<hbm>>
      %dma_wait3A_117 = tpu.memref_squeeze %dma_wait3A_116 : memref<1x10240x136xf32, #tpu.memory_space<hbm>> -> memref<10240x136xf32, #tpu.memory_space<hbm>>
      %dma_wait3A_118 = arith.constant 0 : i32
      %dma_wait3A_119 = tpu.memref_slice %dma_wait3A_117[%mul3A_104, %dma_wait3A_118] : memref<10240x136xf32, #tpu.memory_space<hbm>> -> memref<640x136xf32, #tpu.memory_space<hbm>>
      %dma_wait3A_120 = arith.constant 0 : i32
      %dma_wait3A_121 = tpu.memref_slice %arg9[%mul3A_102, %dma_wait3A_120] : memref<10240x136xf32, #tpu.memory_space<vmem_shared>> -> memref<640x136xf32, #tpu.memory_space<vmem_shared>>
      tpu.wait_dma2 semaphore(%run_scoped3A_105 : memref<!tpu.dma_semaphore, #tpu.memory_space<semaphore_mem>>) src(%dma_wait3A_121 : memref<640x136xf32, #tpu.memory_space<vmem_shared>>) dst(%dma_wait3A_119 : memref<640x136xf32, #tpu.memory_space<hbm>>)
      tpu.yield
    }) : () -> ()
    return
  }
}

module attributes {stable_mosaic.version = 14 : i64} {
  func.func @_dense_body(%arg0: i32, %arg1: memref<512x128xf32, #tpu.memory_space<vmem>>, %arg2: memref<2x512x136xf32, #tpu.memory_space<vmem>>, %arg3: memref<128x128xf32, #tpu.memory_space<vmem>>, %arg4: memref<128x128xf32, #tpu.memory_space<vmem>>, %arg5: memref<1x128xf32, #tpu.memory_space<vmem>>, %arg6: memref<128x64xf32, #tpu.memory_space<vmem>>, %arg7: memref<1x64xf32, #tpu.memory_space<vmem>>, %arg8: memref<1x64xf32, #tpu.memory_space<vmem>>, %arg9: memref<128x64xf32, #tpu.memory_space<vmem>>, %arg10: memref<1x64xf32, #tpu.memory_space<vmem>>, %arg11: memref<512x80xf32, #tpu.memory_space<vmem>>, %arg12: memref<512x1xf32, #tpu.memory_space<vmem>>, %arg13: memref<512x1xf32, #tpu.memory_space<vmem>>, %arg14: memref<512x64xf32, #tpu.memory_space<vmem>>) attributes {dimension_semantics = [#tpu.dimension_semantics<arbitrary>], iteration_bounds = array<i64: 20>, scalar_prefetch = 0 : i64, scratch_operands = 0 : i64, tpu.core_type = #tpu.core_type<tc>, window_params = [{transform_indices = @transform_0, window_bounds = array<i64: 512, 128>}, {transform_indices = @transform_1, window_bounds = array<i64: 2, 512, 136>}, {pipeline_mode = #tpu.pipeline_mode<synchronous>, transform_indices = @transform_2, window_bounds = array<i64: 128, 128>}, {pipeline_mode = #tpu.pipeline_mode<synchronous>, transform_indices = @transform_3, window_bounds = array<i64: 128, 128>}, {pipeline_mode = #tpu.pipeline_mode<synchronous>, transform_indices = @transform_4, window_bounds = array<i64: 1, 128>}, {pipeline_mode = #tpu.pipeline_mode<synchronous>, transform_indices = @transform_5, window_bounds = array<i64: 128, 64>}, {pipeline_mode = #tpu.pipeline_mode<synchronous>, transform_indices = @transform_6, window_bounds = array<i64: 1, 64>}, {pipeline_mode = #tpu.pipeline_mode<synchronous>, transform_indices = @transform_7, window_bounds = array<i64: 1, 64>}, {pipeline_mode = #tpu.pipeline_mode<synchronous>, transform_indices = @transform_8, window_bounds = array<i64: 128, 64>}, {pipeline_mode = #tpu.pipeline_mode<synchronous>, transform_indices = @transform_9, window_bounds = array<i64: 1, 64>}, {transform_indices = @transform_10, window_bounds = array<i64: 512, 80>}, {transform_indices = @transform_11, window_bounds = array<i64: 512, 1>}, {transform_indices = @transform_12, window_bounds = array<i64: 512, 1>}, {transform_indices = @transform_13, window_bounds = array<i64: 512, 64>}]} {
    %get3A = arith.constant 0 : index
    %get3A_0 = arith.constant 0 : index
    %get3A_1 = arith.constant 0 : index
    %get3A_2 = vector.load %arg2[%get3A, %get3A_0, %get3A_1] : memref<2x512x136xf32, #tpu.memory_space<vmem>>, vector<1x512x136xf32>
    %get3A_3 = vector.shape_cast %get3A_2 : vector<1x512x136xf32> to vector<512x136xf32>
    %get3A_4 = arith.constant 1 : index
    %get3A_5 = arith.constant 0 : index
    %get3A_6 = arith.constant 0 : index
    %get3A_7 = vector.load %arg2[%get3A_4, %get3A_5, %get3A_6] : memref<2x512x136xf32, #tpu.memory_space<vmem>>, vector<1x512x136xf32>
    %get3A_8 = vector.shape_cast %get3A_7 : vector<1x512x136xf32> to vector<512x136xf32>
    %add3A = arith.addf %get3A_3, %get3A_8 : vector<512x136xf32>
    %slice3A = vector.extract_strided_slice %add3A {offsets = [0, 128], sizes = [512, 1], strides = [1, 1]} : vector<512x136xf32> to vector<512x1xf32>
    %max3A = arith.constant 1.000000e+00 : f32
    %max3A_9 = vector.broadcast %max3A : f32 to vector<512x1xf32>
    %max3A_10 = arith.maximumf %slice3A, %max3A_9 : vector<512x1xf32>
    %slice3A_11 = vector.extract_strided_slice %add3A {offsets = [0, 0], sizes = [512, 128], strides = [1, 1]} : vector<512x136xf32> to vector<512x128xf32>
    %div3A = vector.broadcast %max3A_10 : vector<512x1xf32> to vector<512x128xf32>
    %div3A_12 = arith.divf %slice3A_11, %div3A : vector<512x128xf32>
    %get3A_13 = arith.constant 0 : index
    %get3A_14 = arith.constant 0 : index
    %get3A_15 = vector.load %arg1[%get3A_13, %get3A_14] : memref<512x128xf32, #tpu.memory_space<vmem>>, vector<512x128xf32>
    %get3A_16 = arith.constant 0 : index
    %get3A_17 = arith.constant 0 : index
    %get3A_18 = vector.load %arg3[%get3A_16, %get3A_17] : memref<128x128xf32, #tpu.memory_space<vmem>>, vector<128x128xf32>
    %dot_general3A = arith.constant dense<0.000000e+00> : vector<512x128xf32>
    %dot_general3A_19 = tpu.matmul %get3A_15, %get3A_18, %dot_general3A {dimension_numbers = #tpu.dot_dimension_numbers<[1], [0], [0], [1], [0, 0, 1, 1], [], []>, precision = #tpu.contract_precision<fp32>, transpose_lhs_hint = false} : vector<512x128xf32>, vector<128x128xf32>, vector<512x128xf32> -> vector<512x128xf32>
    %get3A_20 = arith.constant 0 : index
    %get3A_21 = arith.constant 0 : index
    %get3A_22 = vector.load %arg4[%get3A_20, %get3A_21] : memref<128x128xf32, #tpu.memory_space<vmem>>, vector<128x128xf32>
    %dot_general3A_23 = arith.constant dense<0.000000e+00> : vector<512x128xf32>
    %dot_general3A_24 = tpu.matmul %div3A_12, %get3A_22, %dot_general3A_23 {dimension_numbers = #tpu.dot_dimension_numbers<[1], [0], [0], [1], [0, 0, 1, 1], [], []>, precision = #tpu.contract_precision<fp32>, transpose_lhs_hint = false} : vector<512x128xf32>, vector<128x128xf32>, vector<512x128xf32> -> vector<512x128xf32>
    %add3A_25 = arith.addf %dot_general3A_19, %dot_general3A_24 : vector<512x128xf32>
    %get3A_26 = arith.constant 0 : index
    %get3A_27 = arith.constant 0 : index
    %get3A_28 = vector.load %arg5[%get3A_26, %get3A_27] : memref<1x128xf32, #tpu.memory_space<vmem>>, vector<1x128xf32>
    %add3A_29 = vector.broadcast %get3A_28 : vector<1x128xf32> to vector<512x128xf32>
    %add3A_30 = arith.addf %add3A_25, %add3A_29 : vector<512x128xf32>
    %gt3A = arith.constant 0.000000e+00 : f32
    %gt3A_31 = vector.broadcast %gt3A : f32 to vector<512x128xf32>
    %gt3A_32 = arith.cmpf ogt, %add3A_30, %gt3A_31 : vector<512x128xf32>
    %exp3A = math.exp %add3A_30 : vector<512x128xf32>
    %sub3A = arith.constant 1.000000e+00 : f32
    %sub3A_33 = vector.broadcast %sub3A : f32 to vector<512x128xf32>
    %sub3A_34 = arith.subf %exp3A, %sub3A_33 : vector<512x128xf32>
    %select_n3A = arith.select %gt3A_32, %add3A_30, %sub3A_34 : vector<512x128xi1>, vector<512x128xf32>
    %get3A_35 = arith.constant 0 : index
    %get3A_36 = arith.constant 0 : index
    %get3A_37 = vector.load %arg6[%get3A_35, %get3A_36] : memref<128x64xf32, #tpu.memory_space<vmem>>, vector<128x64xf32>
    %dot_general3A_38 = arith.constant dense<0.000000e+00> : vector<512x64xf32>
    %dot_general3A_39 = tpu.matmul %select_n3A, %get3A_37, %dot_general3A_38 {dimension_numbers = #tpu.dot_dimension_numbers<[1], [0], [0], [1], [0, 0, 1, 1], [], []>, precision = #tpu.contract_precision<fp32>, transpose_lhs_hint = false} : vector<512x128xf32>, vector<128x64xf32>, vector<512x64xf32> -> vector<512x64xf32>
    %get3A_40 = arith.constant 0 : index
    %get3A_41 = arith.constant 0 : index
    %get3A_42 = vector.load %arg7[%get3A_40, %get3A_41] : memref<1x64xf32, #tpu.memory_space<vmem>>, vector<1x64xf32>
    %mul3A = vector.broadcast %get3A_42 : vector<1x64xf32> to vector<512x64xf32>
    %mul3A_43 = arith.mulf %dot_general3A_39, %mul3A : vector<512x64xf32>
    %reduce_sum3A = arith.constant dense<0.000000e+00> : vector<512xf32>
    %reduce_sum3A_44 = vector.multi_reduction <add>, %mul3A_43, %reduce_sum3A [1] : vector<512x64xf32> to vector<512xf32>
    %broadcast_in_dim3A = vector.shape_cast %reduce_sum3A_44 : vector<512xf32> to vector<512x1xf32>
    %swap3A = arith.constant 0 : index
    %swap3A_45 = arith.constant 0 : index
    %swap3A_46 = vector.load %arg12[%swap3A, %swap3A_45] : memref<512x1xf32, #tpu.memory_space<vmem>>, vector<512x1xf32>
    tpu.vector_store %arg12[%swap3A, %swap3A_45], %broadcast_in_dim3A {strides = array<i32>} : memref<512x1xf32, #tpu.memory_space<vmem>>, vector<512x1xf32>,
    %get3A_47 = arith.constant 0 : index
    %get3A_48 = arith.constant 0 : index
    %get3A_49 = vector.load %arg8[%get3A_47, %get3A_48] : memref<1x64xf32, #tpu.memory_space<vmem>>, vector<1x64xf32>
    %mul3A_50 = vector.broadcast %get3A_49 : vector<1x64xf32> to vector<512x64xf32>
    %mul3A_51 = arith.mulf %dot_general3A_39, %mul3A_50 : vector<512x64xf32>
    %reduce_sum3A_52 = arith.constant dense<0.000000e+00> : vector<512xf32>
    %reduce_sum3A_53 = vector.multi_reduction <add>, %mul3A_51, %reduce_sum3A_52 [1] : vector<512x64xf32> to vector<512xf32>
    %broadcast_in_dim3A_54 = vector.shape_cast %reduce_sum3A_53 : vector<512xf32> to vector<512x1xf32>
    %swap3A_55 = arith.constant 0 : index
    %swap3A_56 = arith.constant 0 : index
    %swap3A_57 = vector.load %arg13[%swap3A_55, %swap3A_56] : memref<512x1xf32, #tpu.memory_space<vmem>>, vector<512x1xf32>
    tpu.vector_store %arg13[%swap3A_55, %swap3A_56], %broadcast_in_dim3A_54 {strides = array<i32>} : memref<512x1xf32, #tpu.memory_space<vmem>>, vector<512x1xf32>,
    %get3A_58 = arith.constant 0 : index
    %get3A_59 = arith.constant 0 : index
    %get3A_60 = vector.load %arg9[%get3A_58, %get3A_59] : memref<128x64xf32, #tpu.memory_space<vmem>>, vector<128x64xf32>
    %dot_general3A_61 = arith.constant dense<0.000000e+00> : vector<512x64xf32>
    %dot_general3A_62 = tpu.matmul %select_n3A, %get3A_60, %dot_general3A_61 {dimension_numbers = #tpu.dot_dimension_numbers<[1], [0], [0], [1], [0, 0, 1, 1], [], []>, precision = #tpu.contract_precision<fp32>, transpose_lhs_hint = false} : vector<512x128xf32>, vector<128x64xf32>, vector<512x64xf32> -> vector<512x64xf32>
    %get3A_63 = arith.constant 0 : index
    %get3A_64 = arith.constant 0 : index
    %get3A_65 = vector.load %arg10[%get3A_63, %get3A_64] : memref<1x64xf32, #tpu.memory_space<vmem>>, vector<1x64xf32>
    %add3A_66 = vector.broadcast %get3A_65 : vector<1x64xf32> to vector<512x64xf32>
    %add3A_67 = arith.addf %dot_general3A_62, %add3A_66 : vector<512x64xf32>
    %swap3A_68 = arith.constant 0 : index
    %swap3A_69 = arith.constant 0 : index
    %swap3A_70 = vector.load %arg14[%swap3A_68, %swap3A_69] : memref<512x64xf32, #tpu.memory_space<vmem>>, vector<512x64xf32>
    tpu.vector_store %arg14[%swap3A_68, %swap3A_69], %add3A_67 {strides = array<i32>} : memref<512x64xf32, #tpu.memory_space<vmem>>, vector<512x64xf32>,
    %broadcast_in_dim3A_71 = arith.constant 1.000000e+00 : f32
    %broadcast_in_dim3A_72 = vector.broadcast %broadcast_in_dim3A_71 : f32 to vector<512x1xf32>
    %broadcast_in_dim3A_73 = arith.constant 0.000000e+00 : f32
    %broadcast_in_dim3A_74 = vector.broadcast %broadcast_in_dim3A_73 : f32 to vector<512x15xf32>
    %concatenate3A = tpu.concatenate %dot_general3A_39, %broadcast_in_dim3A_72, %broadcast_in_dim3A_74 in 1 : vector<512x64xf32>, vector<512x1xf32>, vector<512x15xf32> -> vector<512x80xf32>
    %swap3A_75 = arith.constant 0 : index
    %swap3A_76 = arith.constant 0 : index
    %swap3A_77 = vector.load %arg11[%swap3A_75, %swap3A_76] : memref<512x80xf32, #tpu.memory_space<vmem>>, vector<512x80xf32>
    tpu.vector_store %arg11[%swap3A_75, %swap3A_76], %concatenate3A {strides = array<i32>} : memref<512x80xf32, #tpu.memory_space<vmem>>, vector<512x80xf32>,
    return
  }
  func.func @transform_0(%arg0: i32) -> (i32, i32) {
    %c0_i32 = arith.constant 0 : i32
    %c0_i32_0 = arith.constant 0 : i32
    return %arg0, %c0_i32 : i32, i32
  }
  func.func @transform_1(%arg0: i32) -> (i32, i32, i32) {
    %c0_i32 = arith.constant 0 : i32
    %c0_i32_0 = arith.constant 0 : i32
    %c0_i32_1 = arith.constant 0 : i32
    return %c0_i32, %arg0, %c0_i32_0 : i32, i32, i32
  }
  func.func @transform_2(%arg0: i32) -> (i32, i32) {
    %c0_i32 = arith.constant 0 : i32
    %c0_i32_0 = arith.constant 0 : i32
    %c0_i32_1 = arith.constant 0 : i32
    return %c0_i32, %c0_i32_0 : i32, i32
  }
  func.func @transform_3(%arg0: i32) -> (i32, i32) {
    %c0_i32 = arith.constant 0 : i32
    %c0_i32_0 = arith.constant 0 : i32
    %c0_i32_1 = arith.constant 0 : i32
    return %c0_i32, %c0_i32_0 : i32, i32
  }
  func.func @transform_4(%arg0: i32) -> (i32, i32) {
    %c0_i32 = arith.constant 0 : i32
    %c0_i32_0 = arith.constant 0 : i32
    %c0_i32_1 = arith.constant 0 : i32
    return %c0_i32, %c0_i32_0 : i32, i32
  }
  func.func @transform_5(%arg0: i32) -> (i32, i32) {
    %c0_i32 = arith.constant 0 : i32
    %c0_i32_0 = arith.constant 0 : i32
    %c0_i32_1 = arith.constant 0 : i32
    return %c0_i32, %c0_i32_0 : i32, i32
  }
  func.func @transform_6(%arg0: i32) -> (i32, i32) {
    %c0_i32 = arith.constant 0 : i32
    %c0_i32_0 = arith.constant 0 : i32
    %c0_i32_1 = arith.constant 0 : i32
    return %c0_i32, %c0_i32_0 : i32, i32
  }
  func.func @transform_7(%arg0: i32) -> (i32, i32) {
    %c0_i32 = arith.constant 0 : i32
    %c0_i32_0 = arith.constant 0 : i32
    %c0_i32_1 = arith.constant 0 : i32
    return %c0_i32, %c0_i32_0 : i32, i32
  }
  func.func @transform_8(%arg0: i32) -> (i32, i32) {
    %c0_i32 = arith.constant 0 : i32
    %c0_i32_0 = arith.constant 0 : i32
    %c0_i32_1 = arith.constant 0 : i32
    return %c0_i32, %c0_i32_0 : i32, i32
  }
  func.func @transform_9(%arg0: i32) -> (i32, i32) {
    %c0_i32 = arith.constant 0 : i32
    %c0_i32_0 = arith.constant 0 : i32
    %c0_i32_1 = arith.constant 0 : i32
    return %c0_i32, %c0_i32_0 : i32, i32
  }
  func.func @transform_10(%arg0: i32) -> (i32, i32) {
    %c0_i32 = arith.constant 0 : i32
    %c0_i32_0 = arith.constant 0 : i32
    return %arg0, %c0_i32 : i32, i32
  }
  func.func @transform_11(%arg0: i32) -> (i32, i32) {
    %c0_i32 = arith.constant 0 : i32
    %c0_i32_0 = arith.constant 0 : i32
    return %arg0, %c0_i32 : i32, i32
  }
  func.func @transform_12(%arg0: i32) -> (i32, i32) {
    %c0_i32 = arith.constant 0 : i32
    %c0_i32_0 = arith.constant 0 : i32
    return %arg0, %c0_i32 : i32, i32
  }
  func.func @transform_13(%arg0: i32) -> (i32, i32) {
    %c0_i32 = arith.constant 0 : i32
    %c0_i32_0 = arith.constant 0 : i32
    return %arg0, %c0_i32 : i32, i32
  }
}

module attributes {stable_mosaic.version = 14 : i64} {
  func.func @_final_body(%arg0: i32, %arg1: memref<2x400x80xf32, #tpu.memory_space<vmem>>, %arg2: memref<400x64xf32, #tpu.memory_space<vmem>>, %arg3: memref<400x64xf32, #tpu.memory_space<vmem>>) attributes {dimension_semantics = [#tpu.dimension_semantics<arbitrary>], iteration_bounds = array<i64: 25>, scalar_prefetch = 0 : i64, scratch_operands = 0 : i64, tpu.core_type = #tpu.core_type<tc>, window_params = [{transform_indices = @transform_0, window_bounds = array<i64: 2, 400, 80>}, {transform_indices = @transform_1, window_bounds = array<i64: 400, 64>}, {transform_indices = @transform_2, window_bounds = array<i64: 400, 64>}]} {
    %get3A = arith.constant 0 : index
    %get3A_0 = arith.constant 0 : index
    %get3A_1 = arith.constant 0 : index
    %get3A_2 = vector.load %arg1[%get3A, %get3A_0, %get3A_1] : memref<2x400x80xf32, #tpu.memory_space<vmem>>, vector<1x400x80xf32>
    %get3A_3 = vector.shape_cast %get3A_2 : vector<1x400x80xf32> to vector<400x80xf32>
    %get3A_4 = arith.constant 1 : index
    %get3A_5 = arith.constant 0 : index
    %get3A_6 = arith.constant 0 : index
    %get3A_7 = vector.load %arg1[%get3A_4, %get3A_5, %get3A_6] : memref<2x400x80xf32, #tpu.memory_space<vmem>>, vector<1x400x80xf32>
    %get3A_8 = vector.shape_cast %get3A_7 : vector<1x400x80xf32> to vector<400x80xf32>
    %add3A = arith.addf %get3A_3, %get3A_8 : vector<400x80xf32>
    %slice3A = vector.extract_strided_slice %add3A {offsets = [0, 0], sizes = [400, 64], strides = [1, 1]} : vector<400x80xf32> to vector<400x64xf32>
    %slice3A_9 = vector.extract_strided_slice %add3A {offsets = [0, 64], sizes = [400, 1], strides = [1, 1]} : vector<400x80xf32> to vector<400x1xf32>
    %add3A_10 = arith.constant 9.99999971E-10 : f32
    %add3A_11 = vector.broadcast %add3A_10 : f32 to vector<400x1xf32>
    %add3A_12 = arith.addf %slice3A_9, %add3A_11 : vector<400x1xf32>
    %div3A = vector.broadcast %add3A_12 : vector<400x1xf32> to vector<400x64xf32>
    %div3A_13 = arith.divf %slice3A, %div3A : vector<400x64xf32>
    %get3A_14 = arith.constant 0 : index
    %get3A_15 = arith.constant 0 : index
    %get3A_16 = vector.load %arg2[%get3A_14, %get3A_15] : memref<400x64xf32, #tpu.memory_space<vmem>>, vector<400x64xf32>
    %add3A_17 = arith.addf %div3A_13, %get3A_16 : vector<400x64xf32>
    %swap3A = arith.constant 0 : index
    %swap3A_18 = arith.constant 0 : index
    %swap3A_19 = vector.load %arg3[%swap3A, %swap3A_18] : memref<400x64xf32, #tpu.memory_space<vmem>>, vector<400x64xf32>
    tpu.vector_store %arg3[%swap3A, %swap3A_18], %add3A_17 {strides = array<i32>} : memref<400x64xf32, #tpu.memory_space<vmem>>, vector<400x64xf32>,
    return
  }
  func.func @transform_0(%arg0: i32) -> (i32, i32, i32) {
    %c0_i32 = arith.constant 0 : i32
    %c0_i32_0 = arith.constant 0 : i32
    %c0_i32_1 = arith.constant 0 : i32
    return %c0_i32, %arg0, %c0_i32_0 : i32, i32, i32
  }
  func.func @transform_1(%arg0: i32) -> (i32, i32) {
    %c0_i32 = arith.constant 0 : i32
    %c0_i32_0 = arith.constant 0 : i32
    return %arg0, %c0_i32 : i32, i32
  }
  func.func @transform_2(%arg0: i32) -> (i32, i32) {
    %c0_i32 = arith.constant 0 : i32
    %c0_i32_0 = arith.constant 0 : i32
    return %arg0, %c0_i32 : i32, i32
  }
}

</mosaic_0001>

<sc_bundles>
// kernel: kernel.6.cloned.1.call-start
scs
__scs_entry_jumppad:
0x0: {  	(pc) =	sbr.rel $0x88, $3  }
0x1: {  	(tag) =	ssettag $0x0;
	lr =	simm.s32 $0x1  }
0x2: {  	[smem:$0x3F97] =	sst lr;
	_ =	strace $0xD0000000  }
0x3: {  	_ = 	snop  }
0x4: {  	_ = 	snop  }
0x5: {  	_ = 	snop  }
0x6: {  	_ = 	snop  }
0x7: {  	_ = 	snop  }
__scs_overlays_trampoline_lowered:
0x8: {  	[smem:$0x3FA6] =	sst s0  }
0x9: {  	[smem:$0x3FA7] =	sst s1  }
0xa: {  	[smem:$0x3FA8] =	sst s2  }
0xb: {  	[smem:$0x3FA9] =	sst s3  }
0xc: {  	[smem:$0x3FAA] =	sst s4  }
0xd: {  	[smem:$0x3FAB] =	sst s5  }
0xe: {  	[smem:$0x3FAC] =	sst s6  }
0xf: {  	[smem:$0x3FAD] =	sst s7  }
0x10: {  	[smem:$0x3FAE] =	sst s8  }
0x11: {  	[smem:$0x3FAF] =	sst s9;
	s0 =	simm.s32 @!p0 $0x0  }
0x12: {  	s1 =	sld [smem:$0x3F95];
	s0 =	simm.s32 @p0 $0x1  }
0x13: {  	[smem:$0x3FB0] =	sst s0;
	s0 =	simm.s32 @!p1 $0x0  }
0x14: {  	s2 =	sld [smem:$0x3F94];
	s0 =	simm.s32 @p1 $0x1  }
0x15: {  	[smem:$0x3FB1] =	sst s0;
	s0 =	simm.s32 @!p2 $0x0  }
0x16: {  	s3 =	sld [smem:$0x3FDB];
	s0 =	simm.s32 @p2 $0x1  }
0x17: {  	s4 =	simm.s32 $0x1BF5;
	[smem:$0x3FB3] =	sst s0  }
0x18: {  	s0 =	sld [smem:$0x3F96];
	_ =	swait.ge [sflag:s4], $0x0  }
0x19: {  	s7 =	sld [smem:$0x3F97]  }
0x1a: {  	s8 =	sadd.s32 $0xFFFFE003, lr  }
0x1b: {  	s9 =	sadd.s32 $0xFFFFFEF7, lr;
	s5 =	simm.s32 $0xFFFFFFFF;
	p2 =	slt.u32 s8, $0xFFFFF086  }
0x1c: {  	p1 =	slt.u32 s9, $0xF7A;
	s5 =	simm.s32 @!p2 $0x0  }
0x1d: {  	s5 =	simm.s32 @p1 $0x1;
	p0 =	seq.s32 s7, s2  }
0x1e: {  	s7 =	smul.u32 @!p0 $0xF7A, s2;
	p2 =	seq.s32 @!p0 s5, $0x0  }
0x1f: {  	s9 =	smul.u32 $0xF7A, s1;
	s8 =	simm.s32 @!p0 $0x1BF5;
	p2 =	por !p2, p0  }
0x20: {  	[sflag:s8] =	ssyncset.s32 @!p0 $0xFFFFF086;
	s6 =	sadd.s32 @!p0 s3, s7;
	s7 =	simm.s32 @!p0 $0x108  }
0x21: {  	s3 =	sadd.s32 s3, s9;
	s6 =	sadd.s32 @!p0 $0x88, s6;
	s7 =	simm.s32 @p2 $0x1082  }
0x22: {  	[simem:s7], [sflag:s8] =	dma.local @!p0 [hbm:s6], $0xF7A  }
0x23: {  	s9 =	sor.u32 $0xD0000000, s2;
	s6 =	simm.s32 $0x108;
	_ =	swait.ge @!p0 [sflag:s8], $0x0  }
0x24: {  	s3 =	sadd.s32 $0x88, s3;
	s6 =	simm.s32 @!p1 $0x1082;
	[sflag:s4] =	ssyncset.s32 $0xFFFFF086  }
0x25: {  	[simem:s6], [sflag:s4] =	dma.local [hbm:s3], $0xF7A  }
0x26: {  	[smem:$0x3F97] =	sst s1;
	(tag) =	ssettag s2;
	_ =	strace s9  }
0x27: {  	s1 =	sld [smem:$0x3FA7]  }
0x28: {  	s2 =	sld [smem:$0x3FA8]  }
0x29: {  	s4 =	sld [smem:$0x3FAA]  }
0x2a: {  	p0 =	seq.s32 s5, $0x0;
	s5 =	sld [smem:$0x3FAB]  }
0x2b: {  	s6 =	sld [smem:$0x3FAC]  }
0x2c: {  	s7 =	sld [smem:$0x3FAD]  }
0x2d: {  	s3 =	simm.s32 $0x108;
	s8 =	sld [smem:$0x3FAE]  }
0x2e: {  	s3 =	simm.s32 @!p0 $0x1082;
	s9 =	sld [smem:$0x3FAF]  }
0x2f: {  	lr =	sadd.s32 s0, s3;
	s0 =	sld [smem:$0x3FA6]  }
0x30: {  	s3 =	sld [smem:$0x3FA9]  }
0x31: {  	[smem:$0x3FB2] =	sst s10  }
0x32: {  	s10 =	sld [smem:$0x3FB0];
	_ =	sdelay $0x3  }
0x33: {  	p0 =	seq.s32 s10, $0x1;
	s10 =	sld [smem:$0x3FB2];
	_ =	sdelay $0x3  }
0x34: {  	[smem:$0x3FB2] =	sst s10  }
0x35: {  	s10 =	sld [smem:$0x3FB1];
	_ =	sdelay $0x3  }
0x36: {  	p1 =	seq.s32 s10, $0x1;
	s10 =	sld [smem:$0x3FB2];
	_ =	sdelay $0x3  }
0x37: {  	[smem:$0x3FB2] =	sst s10  }
0x38: {  	s10 =	sld [smem:$0x3FB3]  }
0x39: {  	_ = 	snop;
	(pc) =	sbr.ind lr, $3  }
0x3a: {  	_ = 	snop  }
0x3b: {  	_ = 	snop  }
0x3c: {  	p2 =	seq.s32 s10, $0x1;
	s10 =	sld [smem:$0x3FB2]  }
0x3d: {  	_ =	shalt  }
0x3e: {  	_ =	shalt  }
0x3f: {  	_ =	shalt  }
0x40: {  	_ =	shalt  }
0x41: {  	_ =	shalt  }
0x42: {  	_ =	shalt  }
0x43: {  	_ =	shalt  }
0x44: {  	_ =	shalt  }
0x45: {  	_ =	shalt  }
0x46: {  	_ =	shalt  }
0x47: {  	_ =	shalt  }
0x48: {  	_ =	shalt  }
0x49: {  	_ =	shalt  }
0x4a: {  	_ =	shalt  }
0x4b: {  	_ =	shalt  }
0x4c: {  	_ =	shalt  }
0x4d: {  	_ =	shalt  }
0x4e: {  	_ =	shalt  }
0x4f: {  	_ =	shalt  }
0x50: {  	_ =	shalt  }
0x51: {  	_ =	shalt  }
0x52: {  	_ =	shalt  }
0x53: {  	_ =	shalt  }
0x54: {  	_ =	shalt  }
0x55: {  	_ =	shalt  }
0x56: {  	_ =	shalt  }
0x57: {  	_ =	shalt  }
0x58: {  	_ =	shalt  }
0x59: {  	_ =	shalt  }
0x5a: {  	_ =	shalt  }
0x5b: {  	_ =	shalt  }
0x5c: {  	_ =	shalt  }
0x5d: {  	_ =	shalt  }
0x5e: {  	_ =	shalt  }
0x5f: {  	_ =	shalt  }
0x60: {  	_ =	shalt  }
0x61: {  	_ =	shalt  }
0x62: {  	_ =	shalt  }
0x63: {  	_ =	shalt  }
0x64: {  	_ =	shalt  }
0x65: {  	_ =	shalt  }
0x66: {  	_ =	shalt  }
0x67: {  	_ =	shalt  }
0x68: {  	_ =	shalt  }
0x69: {  	_ =	shalt  }
0x6a: {  	_ =	shalt  }
0x6b: {  	_ =	shalt  }
0x6c: {  	_ =	shalt  }
0x6d: {  	_ =	shalt  }
0x6e: {  	_ =	shalt  }
0x6f: {  	_ =	shalt  }
0x70: {  	_ =	shalt  }
0x71: {  	_ =	shalt  }
0x72: {  	_ =	shalt  }
0x73: {  	_ =	shalt  }
0x74: {  	_ =	shalt  }
0x75: {  	_ =	shalt  }
0x76: {  	_ =	shalt  }
0x77: {  	_ =	shalt  }
0x78: {  	_ =	shalt  }
0x79: {  	_ =	shalt  }
0x7a: {  	_ =	shalt  }
0x7b: {  	_ =	shalt  }
0x7c: {  	_ =	shalt  }
0x7d: {  	_ =	shalt  }
0x7e: {  	_ =	shalt  }
0x7f: {  	_ =	shalt  }
0x80: {  	_ =	shalt  }
0x81: {  	_ =	shalt  }
0x82: {  	_ =	shalt  }
0x83: {  	_ =	shalt  }
0x84: {  	_ =	shalt  }
0x85: {  	_ =	shalt  }
0x86: {  	_ =	shalt  }
0x87: {  	_ =	shalt  }
.Lfunc_end0:
.L_simem_size_0:
called_computation_lowered:
.L_overlay_start_0:
0x88: {  	s2 =	sld [smem:$0x3FD9]  }
0x89: {  	s3 =	sld [smem:$0x3FFE];
	_ =	sdelay $0x1  }
0x8a: {  	s1 =	srdreg.scid  }
0x8b: {  	s0 =	sand.u32 $0x1, s1  }
0x8c: {  	s16 =	sshll.u32 s0, $0xA;
	s2 =	sadd.s32 s3, s2  }
0x8d: {  	s2 =	sadd.s32 s2, s16  }
0x8e: {  	[smem:$0x3FBE] =	sst s2  }
0x8f: {  	_ = 	snop  }
0x90: {  	(tm) =	ssettm $0x1  }
0x91: {  	s17 =	sld [smem:$0x3FFB];
	_ =	sdelay $0x3  }
0x92: {  	_ =	strace s17  }
0x93: {  	s2 =	sld [smem:$0x3FFC];
	_ =	sdelay $0x3  }
0x94: {  	_ =	strace s2  }
0x95: {  	s2 =	sld [smem:$0x3FFD];
	_ =	sdelay $0x3  }
0x96: {  	_ =	strace s2  }
0x97: {  	_ =	strace $0x8FFFFFFF  }
0x98: {  	s18 =	sld [smem:$0x3FDB];
	_ =	sdelay $0x1  }
0x99: {  	s19 =	simm.s32 $_scs_section_size  }
0x9a: {  	s4 =	simm.s32 $_size__tile_overlayer_lowered;
	s5 =	simm.s32 $_tile_overlayer_lowered  }
0x9b: {  	s22 =	simm.s32 $0x1BFF;
	s21 =	sshll.u32 s5, $0x1;
	s2 =	sadd.s32 s19, s18  }
0x9c: {  	s6 =	simm.s32 $0x0;
	s20 =	sshll.u32 s4, $0x1;
	s4 =	sadd.s32 s21, s2  }
0x9d: {  	[timem:s6], [sflag:s22] =	dma.local [hbm:s4], s20  }
0x9e: {  	_ =	swait.ge [sflag:s22], s20  }
0x9f: {  	s3 =	ssub.s32 $0x0, s20;
	[sflag:s22] =	ssyncset.done $0x0  }
0xa0: {  	[sflag:s22] =	ssyncadd.s32 s3;
	_ =	sdelay $0x1  }
0xa1: {  	s23 =	simm.s32 $0x1B8B  }
0xa2: {  	_ =	swait.ge [sflag:s23], $0x1  }
0xa3: {  	[sflag:s23] =	ssyncset.done $0x0  }
0xa4: {  	s25 =	simm.s32 $0x1B8E;
	s24 =	sld [smem:$0x3FFE];
	[sflag:s23] =	ssyncadd.s32 $0xFFFFFFFF  }
0xa5: {  	s26 =	simm.s32 $execute0_lowered;
	[smem:$0x3FD2] =	sst s25  }
0xa6: {  	s4 =	sshll.u32 s26, $0x1;
	_ =	strace $0x80000046;
	[dreg:$0x1] =	wrdreg $0xFFFFFFFF  }
0xa7: {  	s28 =	simm.s32 $_size_execute0_lowered;
	s2 =	sadd.s32 s2, s4;
	[dreg:$0x0] =	wrdreg $0x0  }
0xa8: {  	s4 =	sshll.u32 s28, $0x1;
	[dreg:$0x2] =	wrdreg s2  }
0xa9: {  	[dreg:$0x3] =	wrdreg s4  }
0xaa: {  	[dreg:$0x4] =	wrdreg $0xC0  }
0xab: {  	_ =	task [dreg:s6], $0x5FFFF  }
0xac: {  	[dreg:$0x1] =	wrdreg $0xFFFFFFFF  }
0xad: {  	[dreg:$0x0] =	wrdreg $0x60  }
0xae: {  	[dreg:$0x2] =	wrdreg s24  }
0xaf: {  	[dreg:$0x3] =	wrdreg $0xA3800  }
0xb0: {  	[dreg:$0x4] =	wrdreg $0x9  }
0xb1: {  	_ =	task.clear_ibuf [dreg:s6], $0x5FFFF;
	_ =	strace $0x90000046  }
0xb2: {  	s29 =	simm.s32 $0x9;
	_ =	strace $0x80000048  }
0xb3: {  	_ =	swait.ge [sflag:s29], $0x1  }
0xb4: {  	[sflag:s29] =	ssyncadd.s32 $0xFFFFFFFF  }
0xb5: {  	_ =	strace $0x90000048  }
0xb6: {  	_ =	sfence  }
0xb7: {  	s30 =	sld [smem:$0x0];
	_ =	sdelay $0x2  }
0xb8: {  	s31 =	sshll.u32 s1, $0xD;
	s1 =	sshrl.u32 s1, $0x2  }
0xb9: {  	s3 =	sand.u32 $0x4000, s31;
	s1 =	sadd.s32 s1, s30  }
0xba: {  	s0 =	sor.u32 s3, s0;
	s1 =	sshll.u32 s1, $0x11  }
0xbb: {  	s0 =	sor.u32 s1, s0  }
0xbc: {  	s0 =	sadd.s32 $0x8F2B, s0  }
0xbd: {  	[sflag:s0] =	ssyncadd.remote.s32 $0x1  }
0xbe: {  	_ =	sfence.sel $0xFFFF  }
0xbf: {  	[dreg:$0x0] =	wrdreg $0xFFFFFFFF;
	(pc) =	sbr.abs _section_cstart, $3  }
0xc0: {  	[dreg:$0x1] =	wrdreg $0xFFFFFFFF  }
0xc1: {  	_ =	task.clear_ibuf [dreg:s6], $0x2FFFF;
	_ =	strace $0x9FFFFFFF  }
0xc2: {  	(tm) =	ssettm $0x7FFFFFFF  }
0xc3: {  	_ =	shalt  }
tec
execute0_lowered:
.L_overlay_start_1:
0x0: {  	(tag) =	ssettag $0x1  }
0x1: {  	s5 =	rddreg [dreg:$0x0]  }
0x2: {  	s2 =	rddreg [dreg:$0x1]  }
0x3: {  	s0 =	stileid.u32;
	s4 =	srdreg.scid  }
0x4: {  	s3 =	simm.s32 $0x0;
	s21 =	simm.s32 $0x3;
	s6 =	smul.u32 $0x7A, s0  }
0x5: {  	s22 =	simm.s32 $0x1;
	s23 =	simm.s32 $0x40;
	s8 =	smul.u32 $0xBF, s0  }
0x6: {  	s26 =	simm.s32 $0x0;
	s7 =	sand.u32 $0x1, s4;
	s10 =	smul.u32 $0x55000, s0  }
0x7: {  	[smem:$0x7FF] =	sst s3;
	s4 =	sadd.s32 $0x28C00, s5;
	s20 =	smul.u32 $0x15400, s0  }
0x8: {  	p0 =	seq.s32 s7, $0x0;
	s29 =	smul.u32 $0x2A800, s7;
	s7 =	ssub.s32 $0x2, s7  }
0x9: {  	_ =	strace $0x80000047;
	s6 =	sadd.s32 $0xBF0, s6;
	s30 =	sshrl.u32 s7, $0x1  }
0xa: {  	s31 =	sshrl.u32 s10, $0x2;
	s25 =	sshrl.u32 s20, $0x3;
	s6 =	smov.u32 @p0 s8  }
0xb: {  	s18 =	sadd.s32 s29, s5;
	s19 =	ssub.s32 s7, s30;
	s17 =	sadd.s32 s31, s2  }
0xc: {  	s8 =	sadd.s32 s20, s2;
	s20 =	simm.s32 $0x5F80;
	s6 =	sshll.u32 s6, $0x3  }
0xd: {  	s10 =	sadd.s32 $0x4400, s17;
	s11 =	sadd.s32 $0x6600, s17;
	s12 =	sadd.s32 $0x8800, s17  }
0xe: {  	s13 =	sadd.s32 $0xAA00, s17;
	s14 =	sadd.s32 $0xCC00, s17;
	s15 =	sadd.s32 $0xEE00, s17  }
0xf: {  	s16 =	sadd.s32 $0x11000, s17;
	s24 =	sadd.s32 $0x67400, s18;
	s18 =	smax.u32 s19, $0x1  }
0x10: {  	s9 =	sadd.s32 s6, s5;
	s5 =	simm.s32 $0xBE;
	s24 =	sadd.s32 s25, s24  }
0x11: {  	s25 =	simm.s32 $0x2;
	s5 =	simm.s32 @!p0 $0x79;
	s6 =	sadd.s32 $0x5D400, s9  }
0x12: {  	v0 =	vimm.f32 $0.0e+00;
	s7 =	sadd.s32 $0x53400, s9;
	s9 =	sadd.s32 $0x2200, s17;
	s17 =	sadd.s32 $0x13200, s17  }
.LBB2_1:
0x13: {  	[tilespmem:s3], [sflag:$0x1] =	stream.linear.gather [hbm4b:s6+s3], $0x2FC0, $0x38;
	[tilespmem:$0x1F780] =	vst v63  }
0x14: {  	s0 =	simm.s32 $0x2FC0;
	s28 =	simm.s32 $0x0;
	s29 =	simm.s32 $0x220  }
0x15: {  	[tilespmem:s0], [sflag:$0x1] =	stream.linear.gather [hbm4b:s7+s3], $0x2FC0, $0x38;
	[tilespmem:$0x1F780] =	vst v63  }
.LBB2_2:
0x16: {  	p0 =	sne.s32 s29, $0x85E0;
	[tilespmem:s28+$0x5FF0] =	vst v0  }
0x17: {  	[tilespmem:s28+$0x5F80] =	vst v0  }
0x18: {  	[tilespmem:s28+$0x5F90] =	vst v0  }
.Ltmp0:
0x19: {  	[tilespmem:s28+$0x5FA0] =	vst v0;
	(pc) =	sbr.rel @p0 .LBB2_2-.Ltmp0, $4  }
0x1a: {  	[tilespmem:s28+$0x5FB0] =	vst v0  }
0x1b: {  	[tilespmem:s28+$0x5FC0] =	vst v0  }
0x1c: {  	[tilespmem:s28+$0x5FD0] =	vst v0  }
0x1d: {  	[tilespmem:s28+$0x5FE0] =	vst v0;
	s28 =	sshra.s32 s29, $0x2;
	s29 =	sadd.s32 $0x220, s29  }
0x1e: {  	[tilespmem:s28+$0x5FF0] =	vst v0  }
0x1f: {  	[tilespmem:s28+$0x5F80] =	vst v0  }
0x20: {  	[tilespmem:s28+$0x5F90] =	vst v0  }
0x21: {  	[tilespmem:s28+$0x5FA0] =	vst v0  }
0x22: {  	[tilespmem:s28+$0x5FB0] =	vst v0  }
0x23: {  	[tilespmem:s28+$0x5FC0] =	vst v0  }
0x24: {  	[tilespmem:s28+$0x5FD0] =	vst v0  }
0x25: {  	[tilespmem:s28+$0x5FE0] =	vst v0  }
0x26: {  	[spmem:s8] =	stream.linear.scatter [tilespmem:s20], [sflag:$0x3], $0x2200, $0x38;
	[tilespmem:$0x1F780] =	vst v63  }
0x27: {  	_ =	swait.ge [sflag:s21], $0x2200  }
0x28: {  	[sflag:s21] =	ssyncset.done $0x0  }
0x29: {  	[sflag:s21] =	ssyncadd.s32 $0xFFFFDE00  }
0x2a: {  	[spmem:s9] =	stream.linear.scatter [tilespmem:s20], [sflag:$0x3], $0x2200, $0x38;
	[tilespmem:$0x1F780] =	vst v63  }
0x2b: {  	_ =	swait.ge [sflag:s21], $0x2200  }
0x2c: {  	[sflag:s21] =	ssyncset.done $0x0  }
0x2d: {  	[sflag:s21] =	ssyncadd.s32 $0xFFFFDE00  }
0x2e: {  	[spmem:s10] =	stream.linear.scatter [tilespmem:s20], [sflag:$0x3], $0x2200, $0x38;
	[tilespmem:$0x1F780] =	vst v63  }
0x2f: {  	_ =	swait.ge [sflag:s21], $0x2200  }
0x30: {  	[sflag:s21] =	ssyncset.done $0x0  }
0x31: {  	[sflag:s21] =	ssyncadd.s32 $0xFFFFDE00  }
0x32: {  	[spmem:s11] =	stream.linear.scatter [tilespmem:s20], [sflag:$0x3], $0x2200, $0x38;
	[tilespmem:$0x1F780] =	vst v63  }
0x33: {  	_ =	swait.ge [sflag:s21], $0x2200  }
0x34: {  	[sflag:s21] =	ssyncset.done $0x0  }
0x35: {  	[sflag:s21] =	ssyncadd.s32 $0xFFFFDE00  }
0x36: {  	[spmem:s12] =	stream.linear.scatter [tilespmem:s20], [sflag:$0x3], $0x2200, $0x38;
	[tilespmem:$0x1F780] =	vst v63  }
0x37: {  	_ =	swait.ge [sflag:s21], $0x2200  }
0x38: {  	[sflag:s21] =	ssyncset.done $0x0  }
0x39: {  	[sflag:s21] =	ssyncadd.s32 $0xFFFFDE00  }
0x3a: {  	[spmem:s13] =	stream.linear.scatter [tilespmem:s20], [sflag:$0x3], $0x2200, $0x38;
	[tilespmem:$0x1F780] =	vst v63  }
0x3b: {  	_ =	swait.ge [sflag:s21], $0x2200  }
0x3c: {  	[sflag:s21] =	ssyncset.done $0x0  }
0x3d: {  	[sflag:s21] =	ssyncadd.s32 $0xFFFFDE00  }
0x3e: {  	[spmem:s14] =	stream.linear.scatter [tilespmem:s20], [sflag:$0x3], $0x2200, $0x38;
	[tilespmem:$0x1F780] =	vst v63  }
0x3f: {  	_ =	swait.ge [sflag:s21], $0x2200  }
0x40: {  	[sflag:s21] =	ssyncset.done $0x0  }
0x41: {  	[sflag:s21] =	ssyncadd.s32 $0xFFFFDE00  }
0x42: {  	[spmem:s15] =	stream.linear.scatter [tilespmem:s20], [sflag:$0x3], $0x2200, $0x38;
	[tilespmem:$0x1F780] =	vst v63  }
0x43: {  	_ =	swait.ge [sflag:s21], $0x2200  }
0x44: {  	[sflag:s21] =	ssyncset.done $0x0  }
0x45: {  	[sflag:s21] =	ssyncadd.s32 $0xFFFFDE00  }
0x46: {  	[spmem:s16] =	stream.linear.scatter [tilespmem:s20], [sflag:$0x3], $0x2200, $0x38;
	[tilespmem:$0x1F780] =	vst v63  }
0x47: {  	_ =	swait.ge [sflag:s21], $0x2200  }
0x48: {  	[sflag:s21] =	ssyncset.done $0x0  }
0x49: {  	[sflag:s21] =	ssyncadd.s32 $0xFFFFDE00  }
0x4a: {  	[spmem:s17] =	stream.linear.scatter [tilespmem:s20], [sflag:$0x3], $0x2200, $0x38;
	[tilespmem:$0x1F780] =	vst v63  }
0x4b: {  	_ =	swait.ge [sflag:s21], $0x2200  }
0x4c: {  	[sflag:s21] =	ssyncset.done $0x0  }
0x4d: {  	[sflag:s21] =	ssyncadd.s32 $0xFFFFDE00  }
0x4e: {  	_ =	swait.ge [sflag:s22], $0x2FC0  }
0x4f: {  	[sflag:s22] =	ssyncset.done $0x0  }
0x50: {  	p1 =	sne.s32 s5, $0x1;
	[sflag:s22] =	ssyncadd.s32 $0xFFFFD040  }
.Ltmp1:
0x51: {  	_ =	swait.ge [sflag:s22], $0x2FC0;
	(pc) =	sbr.rel @!p1 .LBB2_8-.Ltmp1, $4  }
0x52: {  	[sflag:s22] =	ssyncset.done $0x0  }
0x53: {  	s28 =	simm.s32 $0x0;
	s30 =	simm.s32 $0x1;
	[sflag:s22] =	ssyncadd.s32 $0xFFFFD040  }
0x54: {  	p0 =	por $0x0, $0x0;
	s29 =	sand.u32 $0x1, s28;
	[bflag:$0x0] =	sbarrier.arrive $0xFFFF  }
0x55: {  	[tilespmem:s20], [sflag:$0x2] =	stream.indirect.gather [hbm4b:s4+s23], $0x88, s28, s23, $0xb8;
	[tilespmem:$0x1F780] =	vst v63  }
0x56: {  	s28 =	sxor.u32 $0x1, s29  }
0x57: {  	s28 =	smul.u32 $0x8800, s28  }
0x58: {  	_ =	swait.ge [sflag:s25], $0x2200;
	s29 =	smul.u32 $0x8800, s29  }
0x59: {  	s31 =	simm.s32 $0x40;
	[sflag:s25] =	ssyncset.done $0x0;
	s28 =	sshrl.u32 s28, $0x2  }
0x5a: {  	p1 =	sne.s32 s5, $0x2;
	[sflag:s25] =	ssyncadd.s32 $0xFFFFDE00;
	s28 =	sadd.s32 $0x5F80, s28  }
0x5b: {  	[tilespmem:s28], [sflag:$0x2] =	stream.indirect.gather [hbm4b:s4+s23], $0x88, s31, s23, $0xb8;
	[tilespmem:$0x1F780] =	vst v63  }
.Ltmp2:
0x5c: {  	_ = 	snop;
	(pc) =	sbr.rel @!p1 .LBB2_5-.Ltmp2, $4  }
0x5d: {  	p0 =	por $0x1, $0x1;
	s28 =	sshrl.u32 s29, $0x2  }
0x5e: {  	s29 =	simm.s32 $0x2FC0;
	s31 =	simm.s32 $0x2;
	s28 =	sadd.s32 $0x5F80, s28  }
0x5f: {  	[spmem:s2] =	stream.indirect.scatter.add.f32 [tilespmem:s28], [sflag:$0x3], $0x88, s29, s23, $0xb8;
	[tilespmem:$0x1F780] =	vst v63  }
0x60: {  	s29 =	sand.u32 $0x1, s30;
	s28 =	simm.s32 $0x100;
	_ =	swait.ge [sflag:s21], $0x2200  }
.LBB2_6:
0x61: {  	s30 =	sxor.u32 $0x1, s29  }
0x62: {  	[sflag:s21] =	ssyncset.done $0x0;
	s0 =	smov.u32 s31;
	s31 =	sadd.s32 $0x1, s31  }
0x63: {  	p1 =	sne.s32 s5, s31;
	s30 =	smul.u32 $0x8800, s30;
	[sflag:s21] =	ssyncadd.s32 $0xFFFFDE00  }
0x64: {  	s1 =	sshra.s32 s28, $0x2;
	_ =	swait.ge [sflag:s25], $0x2200  }
0x65: {  	s29 =	smul.u32 $0x8800, s29;
	[sflag:s25] =	ssyncset.done $0x0;
	s30 =	sshrl.u32 s30, $0x2  }
0x66: {  	s19 =	sadd.s32 $0x40, s1;
	[sflag:s25] =	ssyncadd.s32 $0xFFFFDE00;
	s30 =	sadd.s32 $0x5F80, s30  }
0x67: {  	[tilespmem:s30], [sflag:$0x2] =	stream.indirect.gather [hbm4b:s4+s23], $0x88, s19, s23, $0xb8;
	[tilespmem:$0x1F780] =	vst v63  }
.Ltmp3:
0x68: {  	_ = 	snop;
	(pc) =	sbr.rel @p1 .LBB2_6-.Ltmp3, $4  }
0x69: {  	s1 =	sadd.s32 $0x2FC0, s1;
	s19 =	sshrl.u32 s29, $0x2  }
0x6a: {  	s19 =	sadd.s32 $0x5F80, s19  }
0x6b: {  	[spmem:s2] =	stream.indirect.scatter.add.f32 [tilespmem:s19], [sflag:$0x3], $0x88, s1, s23, $0xb8;
	[tilespmem:$0x1F780] =	vst v63  }
0x6c: {  	s28 =	sadd.s32 $0x100, s28;
	s29 =	sand.u32 $0x1, s0;
	_ =	swait.ge [sflag:s21], $0x2200  }
0x6d: {  	s30 =	smov.u32 s31  }
.LBB2_8:
0x6e: {  	s0 =	sxor.u32 $0x1, s29;
	[sflag:s21] =	ssyncset.done @p0 $0x0  }
0x6f: {  	s0 =	smul.u32 $0x8800, s0;
	[sflag:s21] =	ssyncadd.s32 @p0 $0xFFFFDE00  }
0x70: {  	s1 =	sshra.s32 s28, $0x2;
	s19 =	smul.u32 $0x8800, s29;
	_ =	swait.ge [sflag:s25], $0x2200  }
0x71: {  	s31 =	sadd.s32 $0x40, s1;
	[sflag:s25] =	ssyncset.done $0x0;
	s0 =	sshrl.u32 s0, $0x2  }
0x72: {  	s19 =	sshrl.u32 s19, $0x2;
	[sflag:s25] =	ssyncadd.s32 $0xFFFFDE00;
	s0 =	sadd.s32 $0x5F80, s0  }
0x73: {  	[tilespmem:s0], [sflag:$0x2] =	stream.indirect.gather [hbm4b:s4+s23], $0x88, s31, s23, $0xb8;
	[tilespmem:$0x1F780] =	vst v63  }
0x74: {  	s1 =	sadd.s32 $0x2FC0, s1;
	s0 =	sadd.s32 $0x5F80, s19  }
0x75: {  	[spmem:s2] =	stream.indirect.scatter.add.f32 [tilespmem:s0], [sflag:$0x3], $0x88, s1, s23, $0xb8;
	[tilespmem:$0x1F780] =	vst v63  }
0x76: {  	p0 =	sge.u32 s30, s5;
	s0 =	sand.u32 $0x1, s30;
	_ =	swait.ge [sflag:s21], $0x2200  }
0x77: {  	s1 =	sxor.u32 @!p0 $0x1, s0;
	[sflag:s21] =	ssyncset.done $0x0  }
0x78: {  	s19 =	sadd.s32 $0x100, s28;
	s1 =	smul.u32 @!p0 $0x8800, s1;
	[sflag:s21] =	ssyncadd.s32 $0xFFFFDE00  }
0x79: {  	s29 =	simm.s32 @!p0 $0x40;
	s28 =	sshra.s32 @!p0 s19, $0x2;
	_ =	swait.ge [sflag:s25], $0x2200  }
0x7a: {  	s28 =	sadd.s32 @!p0 $0x40, s28;
	s1 =	sshrl.u32 @!p0 s1, $0x2;
	[sflag:s25] =	ssyncset.done $0x0  }
0x7b: {  	s0 =	smul.u32 $0x8800, s0;
	s1 =	sadd.s32 @!p0 $0x5F80, s1;
	[sflag:s25] =	ssyncadd.s32 $0xFFFFDE00  }
0x7c: {  	[tilespmem:s1], [sflag:$0x2] =	stream.indirect.gather @!p0 [hbm4b:s4+s29], $0x88, s28, s29, $0xb8;
	[tilespmem:$0x1F780] =	vst v63  }
0x7d: {  	s0 =	sshrl.u32 s0, $0x2;
	s29 =	sshra.s32 s19, $0x2  }
0x7e: {  	s0 =	sadd.s32 $0x5F80, s0;
	s1 =	sadd.s32 $0x2FC0, s29  }
0x7f: {  	[spmem:s2] =	stream.indirect.scatter.add.f32 [tilespmem:s0], [sflag:$0x3], $0x88, s1, s23, $0xb8;
	[tilespmem:$0x1F780] =	vst v63  }
0x80: {  	_ =	swait.ge [sflag:s21], $0x2200  }
0x81: {  	s26 =	sadd.s32 $0x1, s26;
	s30 =	stileid.u32;
	[sflag:s21] =	ssyncset.done $0x0  }
0x82: {  	s31 =	sshrl.u32 s8, $0x3;
	s0 =	sshll.u32 s30, $0x6;
	[sflag:s21] =	ssyncadd.s32 $0xFFFFDE00  }
0x83: {  	p0 =	sne.s32 s26, s18;
	s0 =	sor.u32 $0x1C03, s0;
	[bflag:$0x0] =	sbarrier.arrive $0xFFFF  }
0x84: {  	[hbm:s24], [sflag:s0] =	dma.local [spmem:s31], $0x2A80  }
.Ltmp4:
0x85: {  	_ = 	snop;
	(pc) =	sbr.rel @p0 .LBB2_1-.Ltmp4, $4  }
.Ltmp5:
0x86: {  	_ = 	snop;
	(pc) =	sbr.rel @!p0 .LBB2_9-.Ltmp5, $4  }
0x87: {  	_ =	swait.ge [sflag:s21], $0x2A80  }
0x88: {  	[sflag:s21] =	ssyncset.done $0x0  }
0x89: {  	[sflag:s21] =	ssyncadd.s32 $0xFFFFD580  }
0x8a: {  	_ = 	snop  }
.LBB2_5:
.Ltmp6:
0x8b: {  	(pc) =	sbr.rel .LBB2_8-.Ltmp6, $2  }
0x8c: {  	_ =	sdelay $0x2  }
0x8d: {  	s30 =	simm.s32 $0x2  }
.LBB2_9:
0x8e: {  	_ =	sfence.sel $0x180000  }
0x8f: {  	[bflag:$0x0] =	sbarrier.arrive $0xFFFF  }
0x90: {  	_ =	strace $0x90000047  }
0x91: {  	s0 =	stileid.u32;
	[bflag:$0x2] =	sbarrier.arrive $0xFFFF  }
0x92: {  	p0 =	sne.s32 s0, $0x0;
	s0 =	rddreg [dreg:$0x2]  }
0x93: {  	s0 =	sadd.s32 @!p0 $0x100000, s0  }
0x94: {  	[sflag:s0] =	ssyncadd.tile.s32 @!p0 $0x1;
	_ =	shalt  }
.Lfunc_end2:
_tile_overlayer_lowered:
.L_overlay_start_2:
0x95: {  	(tag) =	ssettag $0x2  }
0x96: {  	s0 =	rddreg [dreg:$0x0];
	s2 =	stileid.u32  }
0x97: {  	s1 =	rddreg [dreg:$0x1];
	p0 =	sne.s32 s2, $0x0  }
0x98: {  	s3 =	rddreg [dreg:$0x2];
	[bflag:$0x3] =	sbarrier.arrive $0xFFFF;
	s2 =	simm.s32 @!p0 $0x1C03  }
0x99: {  	[timem:s3], [sflag:s2] =	dma.local @!p0 [hbm:s0], s1  }
0x9a: {  	s0 =	simm.s32 @!p0 $0x3  }
0x9b: {  	_ =	swait.ge @!p0 [sflag:s0], s1  }
0x9c: {  	s1 =	ssub.s32 @!p0 $0x0, s1;
	[sflag:s0] =	ssyncset.done @!p0 $0x0  }
0x9d: {  	[sflag:s0] =	ssyncadd.s32 @!p0 s1  }
0x9e: {  	[bflag:$0x3] =	sbarrier.arrive $0xFFFF  }
0x9f: {  	_ =	shalt  }

// kernel: kernel.9.cloned.1.call-start
scs
__scs_entry_jumppad:
0x0: {  	(pc) =	sbr.rel $0x88, $3  }
0x1: {  	(tag) =	ssettag $0x0;
	lr =	simm.s32 $0x1  }
0x2: {  	[smem:$0x3F97] =	sst lr;
	_ =	strace $0xD0000000  }
0x3: {  	_ = 	snop  }
0x4: {  	_ = 	snop  }
0x5: {  	_ = 	snop  }
0x6: {  	_ = 	snop  }
0x7: {  	_ = 	snop  }
__scs_overlays_trampoline_lowered:
0x8: {  	[smem:$0x3FA6] =	sst s0  }
0x9: {  	[smem:$0x3FA7] =	sst s1  }
0xa: {  	[smem:$0x3FA8] =	sst s2  }
0xb: {  	[smem:$0x3FA9] =	sst s3  }
0xc: {  	[smem:$0x3FAA] =	sst s4  }
0xd: {  	[smem:$0x3FAB] =	sst s5  }
0xe: {  	[smem:$0x3FAC] =	sst s6  }
0xf: {  	[smem:$0x3FAD] =	sst s7  }
0x10: {  	[smem:$0x3FAE] =	sst s8  }
0x11: {  	[smem:$0x3FAF] =	sst s9;
	s0 =	simm.s32 @!p0 $0x0  }
0x12: {  	s1 =	sld [smem:$0x3F95];
	s0 =	simm.s32 @p0 $0x1  }
0x13: {  	[smem:$0x3FB0] =	sst s0;
	s0 =	simm.s32 @!p1 $0x0  }
0x14: {  	s2 =	sld [smem:$0x3F94];
	s0 =	simm.s32 @p1 $0x1  }
0x15: {  	[smem:$0x3FB1] =	sst s0;
	s0 =	simm.s32 @!p2 $0x0  }
0x16: {  	s3 =	sld [smem:$0x3FDB];
	s0 =	simm.s32 @p2 $0x1  }
0x17: {  	s4 =	simm.s32 $0x1BF5;
	[smem:$0x3FB3] =	sst s0  }
0x18: {  	s0 =	sld [smem:$0x3F96];
	_ =	swait.ge [sflag:s4], $0x0  }
0x19: {  	s7 =	sld [smem:$0x3F97]  }
0x1a: {  	s8 =	sadd.s32 $0xFFFFE003, lr  }
0x1b: {  	s9 =	sadd.s32 $0xFFFFFEF7, lr;
	s5 =	simm.s32 $0xFFFFFFFF;
	p2 =	slt.u32 s8, $0xFFFFF086  }
0x1c: {  	p1 =	slt.u32 s9, $0xF7A;
	s5 =	simm.s32 @!p2 $0x0  }
0x1d: {  	s5 =	simm.s32 @p1 $0x1;
	p0 =	seq.s32 s7, s2  }
0x1e: {  	s7 =	smul.u32 @!p0 $0xF7A, s2;
	p2 =	seq.s32 @!p0 s5, $0x0  }
0x1f: {  	s9 =	smul.u32 $0xF7A, s1;
	s8 =	simm.s32 @!p0 $0x1BF5;
	p2 =	por !p2, p0  }
0x20: {  	[sflag:s8] =	ssyncset.s32 @!p0 $0xFFFFF086;
	s6 =	sadd.s32 @!p0 s3, s7;
	s7 =	simm.s32 @!p0 $0x108  }
0x21: {  	s3 =	sadd.s32 s3, s9;
	s6 =	sadd.s32 @!p0 $0x88, s6;
	s7 =	simm.s32 @p2 $0x1082  }
0x22: {  	[simem:s7], [sflag:s8] =	dma.local @!p0 [hbm:s6], $0xF7A  }
0x23: {  	s9 =	sor.u32 $0xD0000000, s2;
	s6 =	simm.s32 $0x108;
	_ =	swait.ge @!p0 [sflag:s8], $0x0  }
0x24: {  	s3 =	sadd.s32 $0x88, s3;
	s6 =	simm.s32 @!p1 $0x1082;
	[sflag:s4] =	ssyncset.s32 $0xFFFFF086  }
0x25: {  	[simem:s6], [sflag:s4] =	dma.local [hbm:s3], $0xF7A  }
0x26: {  	[smem:$0x3F97] =	sst s1;
	(tag) =	ssettag s2;
	_ =	strace s9  }
0x27: {  	s1 =	sld [smem:$0x3FA7]  }
0x28: {  	s2 =	sld [smem:$0x3FA8]  }
0x29: {  	s4 =	sld [smem:$0x3FAA]  }
0x2a: {  	p0 =	seq.s32 s5, $0x0;
	s5 =	sld [smem:$0x3FAB]  }
0x2b: {  	s6 =	sld [smem:$0x3FAC]  }
0x2c: {  	s7 =	sld [smem:$0x3FAD]  }
0x2d: {  	s3 =	simm.s32 $0x108;
	s8 =	sld [smem:$0x3FAE]  }
0x2e: {  	s3 =	simm.s32 @!p0 $0x1082;
	s9 =	sld [smem:$0x3FAF]  }
0x2f: {  	lr =	sadd.s32 s0, s3;
	s0 =	sld [smem:$0x3FA6]  }
0x30: {  	s3 =	sld [smem:$0x3FA9]  }
0x31: {  	[smem:$0x3FB2] =	sst s10  }
0x32: {  	s10 =	sld [smem:$0x3FB0];
	_ =	sdelay $0x3  }
0x33: {  	p0 =	seq.s32 s10, $0x1;
	s10 =	sld [smem:$0x3FB2];
	_ =	sdelay $0x3  }
0x34: {  	[smem:$0x3FB2] =	sst s10  }
0x35: {  	s10 =	sld [smem:$0x3FB1];
	_ =	sdelay $0x3  }
0x36: {  	p1 =	seq.s32 s10, $0x1;
	s10 =	sld [smem:$0x3FB2];
	_ =	sdelay $0x3  }
0x37: {  	[smem:$0x3FB2] =	sst s10  }
0x38: {  	s10 =	sld [smem:$0x3FB3]  }
0x39: {  	_ = 	snop;
	(pc) =	sbr.ind lr, $3  }
0x3a: {  	_ = 	snop  }
0x3b: {  	_ = 	snop  }
0x3c: {  	p2 =	seq.s32 s10, $0x1;
	s10 =	sld [smem:$0x3FB2]  }
0x3d: {  	_ =	shalt  }
0x3e: {  	_ =	shalt  }
0x3f: {  	_ =	shalt  }
0x40: {  	_ =	shalt  }
0x41: {  	_ =	shalt  }
0x42: {  	_ =	shalt  }
0x43: {  	_ =	shalt  }
0x44: {  	_ =	shalt  }
0x45: {  	_ =	shalt  }
0x46: {  	_ =	shalt  }
0x47: {  	_ =	shalt  }
0x48: {  	_ =	shalt  }
0x49: {  	_ =	shalt  }
0x4a: {  	_ =	shalt  }
0x4b: {  	_ =	shalt  }
0x4c: {  	_ =	shalt  }
0x4d: {  	_ =	shalt  }
0x4e: {  	_ =	shalt  }
0x4f: {  	_ =	shalt  }
0x50: {  	_ =	shalt  }
0x51: {  	_ =	shalt  }
0x52: {  	_ =	shalt  }
0x53: {  	_ =	shalt  }
0x54: {  	_ =	shalt  }
0x55: {  	_ =	shalt  }
0x56: {  	_ =	shalt  }
0x57: {  	_ =	shalt  }
0x58: {  	_ =	shalt  }
0x59: {  	_ =	shalt  }
0x5a: {  	_ =	shalt  }
0x5b: {  	_ =	shalt  }
0x5c: {  	_ =	shalt  }
0x5d: {  	_ =	shalt  }
0x5e: {  	_ =	shalt  }
0x5f: {  	_ =	shalt  }
0x60: {  	_ =	shalt  }
0x61: {  	_ =	shalt  }
0x62: {  	_ =	shalt  }
0x63: {  	_ =	shalt  }
0x64: {  	_ =	shalt  }
0x65: {  	_ =	shalt  }
0x66: {  	_ =	shalt  }
0x67: {  	_ =	shalt  }
0x68: {  	_ =	shalt  }
0x69: {  	_ =	shalt  }
0x6a: {  	_ =	shalt  }
0x6b: {  	_ =	shalt  }
0x6c: {  	_ =	shalt  }
0x6d: {  	_ =	shalt  }
0x6e: {  	_ =	shalt  }
0x6f: {  	_ =	shalt  }
0x70: {  	_ =	shalt  }
0x71: {  	_ =	shalt  }
0x72: {  	_ =	shalt  }
0x73: {  	_ =	shalt  }
0x74: {  	_ =	shalt  }
0x75: {  	_ =	shalt  }
0x76: {  	_ =	shalt  }
0x77: {  	_ =	shalt  }
0x78: {  	_ =	shalt  }
0x79: {  	_ =	shalt  }
0x7a: {  	_ =	shalt  }
0x7b: {  	_ =	shalt  }
0x7c: {  	_ =	shalt  }
0x7d: {  	_ =	shalt  }
0x7e: {  	_ =	shalt  }
0x7f: {  	_ =	shalt  }
0x80: {  	_ =	shalt  }
0x81: {  	_ =	shalt  }
0x82: {  	_ =	shalt  }
0x83: {  	_ =	shalt  }
0x84: {  	_ =	shalt  }
0x85: {  	_ =	shalt  }
0x86: {  	_ =	shalt  }
0x87: {  	_ =	shalt  }
.Lfunc_end0:
.L_simem_size_0:
called_computation.1_lowered:
.L_overlay_start_0:
0x88: {  	s2 =	sld [smem:$0x3FD9]  }
0x89: {  	s3 =	sld [smem:$0x3FFE];
	_ =	sdelay $0x1  }
0x8a: {  	s1 =	srdreg.scid  }
0x8b: {  	s0 =	sand.u32 $0x1, s1  }
0x8c: {  	s17 =	sshll.u32 s0, $0xA;
	s2 =	sadd.s32 s3, s2  }
0x8d: {  	s2 =	sadd.s32 s2, s17  }
0x8e: {  	[smem:$0x3FBE] =	sst s2  }
0x8f: {  	_ = 	snop  }
0x90: {  	s2 =	sld [smem:$0x3FD0];
	(tm) =	ssettm $0x1  }
0x91: {  	s18 =	sld [smem:$0x3FFB];
	_ =	sdelay $0x3  }
0x92: {  	_ =	strace s18  }
0x93: {  	s3 =	sld [smem:$0x3FFC];
	_ =	sdelay $0x3  }
0x94: {  	_ =	strace s3  }
0x95: {  	s3 =	sld [smem:$0x3FFD];
	_ =	sdelay $0x3  }
0x96: {  	_ =	strace s3  }
0x97: {  	_ =	strace $0x8FFFFFFF  }
0x98: {  	s19 =	sld [smem:$0x3FDB];
	_ =	sdelay $0x1  }
0x99: {  	s4 =	simm.s32 $_scs_section_size  }
0x9a: {  	s5 =	simm.s32 $_size__tile_overlayer_lowered;
	s6 =	simm.s32 $_tile_overlayer_lowered  }
0x9b: {  	s22 =	simm.s32 $0x1BFF;
	s21 =	sshll.u32 s6, $0x1;
	s3 =	sadd.s32 s4, s19  }
0x9c: {  	s7 =	simm.s32 $0x0;
	s20 =	sshll.u32 s5, $0x1;
	s5 =	sadd.s32 s21, s3  }
0x9d: {  	[timem:s7], [sflag:s22] =	dma.local [hbm:s5], s20  }
0x9e: {  	_ =	swait.ge [sflag:s22], s20  }
0x9f: {  	s4 =	ssub.s32 $0x0, s20;
	[sflag:s22] =	ssyncset.done $0x0  }
0xa0: {  	[sflag:s22] =	ssyncadd.s32 s4;
	_ =	sdelay $0x1  }
0xa1: {  	s23 =	simm.s32 $0x1B8B  }
0xa2: {  	_ =	swait.ge [sflag:s23], $0x1  }
0xa3: {  	[sflag:s23] =	ssyncset.done $0x0  }
0xa4: {  	s25 =	simm.s32 $0x1B8E;
	s24 =	sld [smem:$0x3FFE];
	[sflag:s23] =	ssyncadd.s32 $0xFFFFFFFF  }
0xa5: {  	s26 =	simm.s32 $execute0_lowered;
	[smem:$0x3FD2] =	sst s25  }
0xa6: {  	s5 =	sshll.u32 s26, $0x1;
	_ =	strace $0x80000049;
	[dreg:$0x1] =	wrdreg $0xFFFFFFFF  }
0xa7: {  	s28 =	simm.s32 $_size_execute0_lowered;
	s3 =	sadd.s32 s3, s5;
	[dreg:$0x0] =	wrdreg $0x0  }
0xa8: {  	s5 =	sshll.u32 s28, $0x1;
	[dreg:$0x2] =	wrdreg s3  }
0xa9: {  	[dreg:$0x3] =	wrdreg s5  }
0xaa: {  	[dreg:$0x4] =	wrdreg $0xC0  }
0xab: {  	_ =	task [dreg:s7], $0x5FFFF  }
0xac: {  	[dreg:$0x1] =	wrdreg $0xFFFFFFFF  }
0xad: {  	[dreg:$0x0] =	wrdreg $0x60  }
0xae: {  	[dreg:$0x2] =	wrdreg s24  }
0xaf: {  	[dreg:$0x3] =	wrdreg s2  }
0xb0: {  	[dreg:$0x4] =	wrdreg $0x105000  }
0xb1: {  	[dreg:$0x5] =	wrdreg $0x9  }
0xb2: {  	_ =	task.clear_ibuf [dreg:s7], $0x6FFFF;
	_ =	strace $0x90000049  }
0xb3: {  	s29 =	simm.s32 $0x9;
	_ =	strace $0x8000004B  }
0xb4: {  	_ =	swait.ge [sflag:s29], $0x1  }
0xb5: {  	[sflag:s29] =	ssyncadd.s32 $0xFFFFFFFF  }
0xb6: {  	_ =	strace $0x9000004B  }
0xb7: {  	_ =	sfence  }
0xb8: {  	s30 =	sld [smem:$0x0];
	_ =	sdelay $0x2  }
0xb9: {  	s31 =	sshll.u32 s1, $0xD;
	s1 =	sshrl.u32 s1, $0x2  }
0xba: {  	s3 =	sand.u32 $0x4000, s31;
	s1 =	sadd.s32 s1, s30  }
0xbb: {  	s0 =	sor.u32 s3, s0;
	s1 =	sshll.u32 s1, $0x11  }
0xbc: {  	s0 =	sor.u32 s1, s0  }
0xbd: {  	s0 =	sadd.s32 $0x8F2B, s0  }
0xbe: {  	[sflag:s0] =	ssyncadd.remote.s32 $0x1  }
0xbf: {  	_ =	sfence.sel $0xFFFF  }
0xc0: {  	[dreg:$0x0] =	wrdreg $0xFFFFFFFF;
	(pc) =	sbr.abs _section_cstart, $3  }
0xc1: {  	[dreg:$0x1] =	wrdreg $0xFFFFFFFF  }
0xc2: {  	_ =	task.clear_ibuf [dreg:s7], $0x2FFFF;
	_ =	strace $0x9FFFFFFF  }
0xc3: {  	(tm) =	ssettm $0x7FFFFFFF  }
tec
execute0_lowered:
.L_overlay_start_1:
0x0: {  	(tag) =	ssettag $0x1  }
0x1: {  	s0 =	rddreg [dreg:$0x0]  }
0x2: {  	s8 =	rddreg [dreg:$0x1]  }
0x3: {  	s2 =	rddreg [dreg:$0x2]  }
0x4: {  	s1 =	stileid.u32;
	s4 =	srdreg.scid;
	s3 =	simm.s32 $0x0  }
0x5: {  	s18 =	simm.s32 $0x6500;
	s19 =	simm.s32 $0x8D00;
	s20 =	simm.s32 $0xB500  }
0x6: {  	s21 =	simm.s32 $0x3;
	s22 =	simm.s32 $0x1;
	s23 =	simm.s32 $0x80  }
0x7: {  	s25 =	simm.s32 $0x2;
	s26 =	simm.s32 $0x0;
	s5 =	smul.u32 $0x38, s1  }
0x8: {  	s7 =	sand.u32 $0x1, s4;
	s6 =	smul.u32 $0x65, s1;
	[smem:$0x7FF] =	sst s3  }
0x9: {  	s4 =	sadd.s32 $0xC00, s0;
	s30 =	sadd.s32 $0x1A200, s0;
	s12 =	smul.u32 $0x32000, s1  }
0xa: {  	s17 =	smul.u32 $0xC800, s1;
	p0 =	seq.s32 s7, $0x0;
	_ =	strace $0x8000004A  }
0xb: {  	[dreg:$0x4] =	wrdreg s30;
	s10 =	smul.u32 $0x19000, s7;
	s7 =	ssub.s32 $0x2, s7  }
0xc: {  	s9 =	sadd.s32 $0x650, s5;
	s31 =	sshrl.u32 s7, $0x1;
	s12 =	sshrl.u32 s12, $0x2  }
0xd: {  	s9 =	smov.u32 @p0 s6;
	s6 =	sadd.s32 $0x19C00, s0;
	s16 =	ssub.s32 s7, s31  }
0xe: {  	s7 =	simm.s32 $0x65;
	s14 =	sadd.s32 s12, s2;
	s9 =	sshll.u32 s9, $0x4  }
0xf: {  	s7 =	simm.s32 @!p0 $0x38;
	s12 =	sadd.s32 $0x5000, s14;
	s13 =	sadd.s32 $0x7800, s14  }
0x10: {  	s16 =	smax.u32 s16, $0x1;
	s11 =	sadd.s32 s9, s0;
	s0 =	sadd.s32 s10, s0  }
0x11: {  	s8 =	sadd.s32 s8, s9;
	s10 =	sadd.s32 s17, s2;
	s15 =	sadd.s32 $0xFFFFFFFF, s7  }
0x12: {  	s17 =	sshrl.u32 s17, $0x3;
	s9 =	sadd.s32 $0xBC400, s11;
	s0 =	sadd.s32 $0x1A800, s0  }
0x13: {  	v0 =	vimm.f32 $0.0e+00;
	s11 =	sadd.s32 $0x2800, s14;
	s14 =	sadd.s32 $0xA000, s14;
	s24 =	sadd.s32 s17, s0  }
.LBB2_1:
0x14: {  	[tilespmem:s3], [sflag:$0x1] =	stream.linear.gather [hbm4b:s8+s3], $0x3280, $0x38;
	[tilespmem:$0x1CD00] =	vst v63  }
0x15: {  	s0 =	simm.s32 $0x3280  }
0x16: {  	[tilespmem:s0], [sflag:$0x1] =	stream.linear.gather [hbm4b:s9+s3], $0x3280, $0x38;
	[tilespmem:$0x1CD00] =	vst v63  }
0x17: {  	s31 =	rddreg [dreg:$0x4]  }
0x18: {  	[tilespmem:s18], [sflag:$0x1] =	stream.linear.gather [hbm4b:s31+s3], $0x2800, $0x38;
	[tilespmem:$0x1CD00] =	vst v63  }
0x19: {  	s17 =	simm.s32 $0x140;
	s0 =	simm.s32 $0x0  }
0x1a: {  	[tilespmem:s19], [sflag:$0x1] =	stream.linear.gather [hbm4b:s6+s3], $0x2800, $0x38;
	[tilespmem:$0x1CD00] =	vst v63  }
.LBB2_2:
0x1b: {  	p0 =	sne.s32 s17, $0x9EC0;
	[tilespmem:s0+$0xB540] =	vst v0;
	s28 =	smov.u32 s17;
	s17 =	sadd.s32 $0x140, s17  }
.Ltmp0:
0x1c: {  	[tilespmem:s0+$0xB530] =	vst v0;
	(pc) =	sbr.rel @p0 .LBB2_2-.Ltmp0, $4  }
0x1d: {  	[tilespmem:s0+$0xB520] =	vst v0  }
0x1e: {  	[tilespmem:s0+$0xB500] =	vst v0  }
0x1f: {  	[tilespmem:s0+$0xB510] =	vst v0  }
0x20: {  	s0 =	sshra.s32 s28, $0x2  }
0x21: {  	[tilespmem:s0+$0xB540] =	vst v0  }
0x22: {  	[tilespmem:s0+$0xB530] =	vst v0  }
0x23: {  	[tilespmem:s0+$0xB520] =	vst v0  }
0x24: {  	[tilespmem:s0+$0xB500] =	vst v0  }
0x25: {  	[tilespmem:s0+$0xB510] =	vst v0  }
0x26: {  	[spmem:s10] =	stream.linear.scatter [tilespmem:s20], [sflag:$0x3], $0x2800, $0x38;
	[tilespmem:$0x1CD00] =	vst v63  }
0x27: {  	_ =	swait.ge [sflag:s21], $0x2800  }
0x28: {  	[sflag:s21] =	ssyncset.done $0x0  }
0x29: {  	[sflag:s21] =	ssyncadd.s32 $0xFFFFD800  }
0x2a: {  	[spmem:s11] =	stream.linear.scatter [tilespmem:s20], [sflag:$0x3], $0x2800, $0x38;
	[tilespmem:$0x1CD00] =	vst v63  }
0x2b: {  	_ =	swait.ge [sflag:s21], $0x2800  }
0x2c: {  	[sflag:s21] =	ssyncset.done $0x0  }
0x2d: {  	[sflag:s21] =	ssyncadd.s32 $0xFFFFD800  }
0x2e: {  	[spmem:s12] =	stream.linear.scatter [tilespmem:s20], [sflag:$0x3], $0x2800, $0x38;
	[tilespmem:$0x1CD00] =	vst v63  }
0x2f: {  	_ =	swait.ge [sflag:s21], $0x2800  }
0x30: {  	[sflag:s21] =	ssyncset.done $0x0  }
0x31: {  	[sflag:s21] =	ssyncadd.s32 $0xFFFFD800  }
0x32: {  	[spmem:s13] =	stream.linear.scatter [tilespmem:s20], [sflag:$0x3], $0x2800, $0x38;
	[tilespmem:$0x1CD00] =	vst v63  }
0x33: {  	_ =	swait.ge [sflag:s21], $0x2800  }
0x34: {  	[sflag:s21] =	ssyncset.done $0x0  }
0x35: {  	[sflag:s21] =	ssyncadd.s32 $0xFFFFD800  }
0x36: {  	[spmem:s14] =	stream.linear.scatter [tilespmem:s20], [sflag:$0x3], $0x2800, $0x38;
	[tilespmem:$0x1CD00] =	vst v63  }
0x37: {  	_ =	swait.ge [sflag:s21], $0x2800  }
0x38: {  	[sflag:s21] =	ssyncset.done $0x0  }
0x39: {  	[sflag:s21] =	ssyncadd.s32 $0xFFFFD800  }
0x3a: {  	_ =	swait.ge [sflag:s22], $0x3280  }
0x3b: {  	[sflag:s22] =	ssyncset.done $0x0  }
0x3c: {  	[sflag:s22] =	ssyncadd.s32 $0xFFFFCD80  }
0x3d: {  	_ =	swait.ge [sflag:s22], $0x3280  }
0x3e: {  	[sflag:s22] =	ssyncset.done $0x0  }
0x3f: {  	[sflag:s22] =	ssyncadd.s32 $0xFFFFCD80  }
0x40: {  	_ =	swait.ge [sflag:s22], $0x2800  }
0x41: {  	[sflag:s22] =	ssyncset.done $0x0  }
0x42: {  	[sflag:s22] =	ssyncadd.s32 $0xFFFFD800  }
0x43: {  	_ =	swait.ge [sflag:s22], $0x2800  }
0x44: {  	[sflag:s22] =	ssyncset.done $0x0  }
0x45: {  	s28 =	simm.s32 $0x0;
	s29 =	simm.s32 $0x3280;
	[sflag:s22] =	ssyncadd.s32 $0xFFFFD800  }
0x46: {  	p0 =	por $0x0, $0x0;
	s30 =	simm.s32 $0x0;
	[bflag:$0x0] =	sbarrier.arrive $0xFFFF  }
0x47: {  	[tilespmem:s20], [sflag:$0x2] =	stream.indirect.gather [hbm4b:s4+s23], $0x50, s28, s23, $0xb8;
	[tilespmem:$0x1CD00] =	vst v63  }
.LBB2_4:
0x48: {  	s0 =	sand.u32 $0x1, s30;
	p1 =	sge.u32 s30, s15  }
0x49: {  	s17 =	simm.s32 $0x1;
	_ =	swait.ge [sflag:s25], $0x2800;
	s31 =	sxor.u32 @!p1 $0x1, s0  }
0x4a: {  	s17 =	simm.s32 @!p0 $0x0;
	[sflag:s25] =	ssyncset.done $0x0;
	s31 =	smul.u32 @!p1 $0xA000, s31  }
0x4b: {  	s1 =	sshll.u32 @!p1 s30, $0x7;
	s5 =	simm.s32 @!p1 $0x80;
	s0 =	smul.u32 $0xA000, s0  }
0x4c: {  	s17 =	smul.u32 $0xA000, s17;
	s1 =	sand.u32 @!p1 $0x3FFFFF80, s1;
	s31 =	sshrl.u32 @!p1 s31, $0x2  }
0x4d: {  	v1 =	vmov s28;
	[sflag:s25] =	ssyncadd.s32 $0xFFFFD800;
	s1 =	sadd.s32 @!p1 $0x80, s1;
	s31 =	sadd.s32 @!p1 $0xB500, s31  }
0x4e: {  	v2 =	vmov s29;
	[tilespmem:s31], [sflag:$0x2] =	stream.indirect.gather @!p1 [hbm4b:s4+s5], $0x50, s1, s5, $0xb8;
	[tilespmem:$0x1CD00] =	vst v63  }
0x4f: {  	s5 =	sshrl.u32 s17, $0x2;
	s17 =	sshrl.u32 s0, $0x2  }
0x50: {  	s0 =	sadd.s32 $0xB780, s5;
	s31 =	sadd.s32 $0xB500, s17;
	s17 =	simm.s32 $0x0  }
.LBB2_5:
0x51: {  	s1 =	sshra.s32 s17, $0x2  }
0x52: {  	v3 =	vld.idx.msk [tilespmem:v1+s1+$0x0 ss:$0x1], $0xffff  }
0x53: {  	v4 =	vld.idx.msk [tilespmem:v2+s1+$0x0 ss:$0x1], $0xffff;
	_ =	sdelay $0x6  }
0x54: {  	v3 =	vld.idx.msk [tilespmem:v3+s18+$0x0], $0xffff  }
0x55: {  	v4 =	vld.idx.msk [tilespmem:v4+s19+$0x0], $0xffff;
	_ =	sdelay $0x4  }
0x56: {  	v3 =	vadd.f32 v4, v3;
	_ =	sdelay $0x1  }
0x57: {  	v4 =	vmul.f32 $2.000000030e-01, v3;
	_ =	sdelay $0x1  }
0x58: {  	v3 =	vmax.f32 v3, v4  }
0x59: {  	v3 =	vmul.f32 $1.442695020e+00, v3;
	_ =	sdelay $0x1  }
0x5a: {  	(erf) = vpow2.f32 v3;
	_ =	sdelay $0x6  }
0x5b: {  	v26 =	vld [tilespmem:s0+$0xFFFFFD80];
	_ =	sdelay $0x1  }
0x5c: {  	v27 =	vld [tilespmem:s0+$0xFFFFFD90];
	v3 =	vpop (erf)  }
0x5d: {  	v5 =	vbroadcast v3, $0x0  }
0x5e: {  	v28 =	vld [tilespmem:s0+$0xFFFFFDA0]  }
0x5f: {  	v4 =	vmul.f32 v5, v26  }
0x60: {  	v29 =	vld [tilespmem:s0+$0xFFFFFDB0]  }
0x61: {  	[tilespmem:s0+$0xFFFFFD80] =	vst v4;
	v4 =	vmul.f32 v5, v27  }
0x62: {  	v30 =	vld [tilespmem:s0+$0xFFFFFDC0]  }
0x63: {  	[tilespmem:s0+$0xFFFFFD90] =	vst v4;
	v4 =	vmul.f32 v5, v28  }
0x64: {  	v31 =	vld [tilespmem:s0+$0xFFFFFDD0]  }
0x65: {  	[tilespmem:s0+$0xFFFFFDA0] =	vst v4;
	v4 =	vmul.f32 v29, v5  }
0x66: {  	v33 =	vld [tilespmem:s0+$0xFFFFFDE0]  }
0x67: {  	v32 =	vbroadcast v3, $0x1;
	[tilespmem:s0+$0xFFFFFDB0] =	vst v4;
	v4 =	vmul.f32 v30, v5  }
0x68: {  	v34 =	vld [tilespmem:s0+$0xFFFFFDF0]  }
0x69: {  	[tilespmem:s0+$0xFFFFFDC0] =	vst v4;
	v4 =	vmul.f32 v31, v32  }
0x6a: {  	v35 =	vld [tilespmem:s0+$0xFFFFFE00]  }
0x6b: {  	[tilespmem:s0+$0xFFFFFDD0] =	vst v4;
	v4 =	vmul.f32 v33, v32  }
0x6c: {  	v36 =	vld [tilespmem:s0+$0xFFFFFE10]  }
0x6d: {  	[tilespmem:s0+$0xFFFFFDE0] =	vst v4;
	v4 =	vmul.f32 v34, v32  }
0x6e: {  	v37 =	vld [tilespmem:s0+$0xFFFFFE20]  }
0x6f: {  	[tilespmem:s0+$0xFFFFFDF0] =	vst v4;
	v4 =	vmul.f32 v35, v32  }
0x70: {  	v39 =	vld [tilespmem:s0+$0xFFFFFE30]  }
0x71: {  	v38 =	vbroadcast v3, $0x2;
	[tilespmem:s0+$0xFFFFFE00] =	vst v4;
	v4 =	vmul.f32 v36, v32  }
0x72: {  	v40 =	vld [tilespmem:s0+$0xFFFFFE40]  }
0x73: {  	[tilespmem:s0+$0xFFFFFE10] =	vst v4;
	v4 =	vmul.f32 v37, v38  }
0x74: {  	v41 =	vld [tilespmem:s0+$0xFFFFFE50]  }
0x75: {  	[tilespmem:s0+$0xFFFFFE20] =	vst v4;
	v4 =	vmul.f32 v39, v38  }
0x76: {  	v42 =	vld [tilespmem:s0+$0xFFFFFE60]  }
0x77: {  	[tilespmem:s0+$0xFFFFFE30] =	vst v4;
	v4 =	vmul.f32 v40, v38  }
0x78: {  	v43 =	vld [tilespmem:s0+$0xFFFFFE70]  }
0x79: {  	[tilespmem:s0+$0xFFFFFE40] =	vst v4;
	v4 =	vmul.f32 v41, v38  }
0x7a: {  	v45 =	vld [tilespmem:s0+$0xFFFFFE80]  }
0x7b: {  	v44 =	vbroadcast v3, $0x3;
	[tilespmem:s0+$0xFFFFFE50] =	vst v4;
	v4 =	vmul.f32 v42, v38  }
0x7c: {  	v46 =	vld [tilespmem:s0+$0xFFFFFE90]  }
0x7d: {  	[tilespmem:s0+$0xFFFFFE60] =	vst v4;
	v4 =	vmul.f32 v43, v44  }
0x7e: {  	v47 =	vld [tilespmem:s0+$0xFFFFFEA0]  }
0x7f: {  	[tilespmem:s0+$0xFFFFFE70] =	vst v4;
	v4 =	vmul.f32 v45, v44  }
0x80: {  	v48 =	vld [tilespmem:s0+$0xFFFFFEB0]  }
0x81: {  	[tilespmem:s0+$0xFFFFFE80] =	vst v4;
	v4 =	vmul.f32 v46, v44  }
0x82: {  	v49 =	vld [tilespmem:s0+$0xFFFFFEC0]  }
0x83: {  	[tilespmem:s0+$0xFFFFFE90] =	vst v4;
	v4 =	vmul.f32 v47, v44  }
0x84: {  	v51 =	vld [tilespmem:s0+$0xFFFFFED0]  }
0x85: {  	v50 =	vbroadcast v3, $0x4;
	[tilespmem:s0+$0xFFFFFEA0] =	vst v4;
	v4 =	vmul.f32 v48, v44  }
0x86: {  	v52 =	vld [tilespmem:s0+$0xFFFFFEE0]  }
0x87: {  	[tilespmem:s0+$0xFFFFFEB0] =	vst v4;
	v4 =	vmul.f32 v49, v50  }
0x88: {  	v53 =	vld [tilespmem:s0+$0xFFFFFEF0]  }
0x89: {  	[tilespmem:s0+$0xFFFFFEC0] =	vst v4;
	v4 =	vmul.f32 v51, v50  }
0x8a: {  	v54 =	vld [tilespmem:s0+$0xFFFFFF00]  }
0x8b: {  	[tilespmem:s0+$0xFFFFFED0] =	vst v4;
	v4 =	vmul.f32 v52, v50  }
0x8c: {  	v55 =	vld [tilespmem:s0+$0xFFFFFF10]  }
0x8d: {  	[tilespmem:s0+$0xFFFFFEE0] =	vst v4;
	v4 =	vmul.f32 v53, v50  }
0x8e: {  	v57 =	vld [tilespmem:s0+$0xFFFFFF20]  }
0x8f: {  	v56 =	vbroadcast v3, $0x5;
	[tilespmem:s0+$0xFFFFFEF0] =	vst v4;
	v4 =	vmul.f32 v54, v50  }
0x90: {  	v58 =	vld [tilespmem:s0+$0xFFFFFF30]  }
0x91: {  	[tilespmem:s0+$0xFFFFFF00] =	vst v4;
	v4 =	vmul.f32 v55, v56  }
0x92: {  	v59 =	vld [tilespmem:s0+$0xFFFFFF40]  }
0x93: {  	[tilespmem:s0+$0xFFFFFF10] =	vst v4;
	v4 =	vmul.f32 v57, v56  }
0x94: {  	v60 =	vld [tilespmem:s0+$0xFFFFFF50]  }
0x95: {  	[tilespmem:s0+$0xFFFFFF20] =	vst v4;
	v4 =	vmul.f32 v58, v56  }
0x96: {  	v61 =	vld [tilespmem:s0+$0xFFFFFF60]  }
0x97: {  	[tilespmem:s0+$0xFFFFFF30] =	vst v4;
	v4 =	vmul.f32 v59, v56  }
0x98: {  	v63 =	vld [tilespmem:s0+$0xFFFFFF70]  }
0x99: {  	v62 =	vbroadcast v3, $0x6;
	[tilespmem:s0+$0xFFFFFF40] =	vst v4;
	v4 =	vmul.f32 v60, v56  }
0x9a: {  	v8 =	vld [tilespmem:s0+$0xFFFFFF80]  }
0x9b: {  	[tilespmem:s0+$0xFFFFFF50] =	vst v4;
	v4 =	vmul.f32 v61, v62  }
0x9c: {  	v9 =	vld [tilespmem:s0+$0xFFFFFF90]  }
0x9d: {  	[tilespmem:s0+$0xFFFFFF60] =	vst v4;
	v4 =	vmul.f32 v63, v62  }
0x9e: {  	v10 =	vld [tilespmem:s0+$0xFFFFFFA0]  }
0x9f: {  	[tilespmem:s0+$0xFFFFFF70] =	vst v4;
	v4 =	vmul.f32 v8, v62  }
0xa0: {  	v11 =	vld [tilespmem:s0+$0xFFFFFFB0]  }
0xa1: {  	[tilespmem:s0+$0xFFFFFF80] =	vst v4;
	v4 =	vmul.f32 v9, v62  }
0xa2: {  	v13 =	vld [tilespmem:s0+$0xFFFFFFC0]  }
0xa3: {  	v12 =	vbroadcast v3, $0x7;
	[tilespmem:s0+$0xFFFFFF90] =	vst v4;
	v4 =	vmul.f32 v10, v62  }
0xa4: {  	v14 =	vld [tilespmem:s0+$0xFFFFFFD0]  }
0xa5: {  	[tilespmem:s0+$0xFFFFFFA0] =	vst v4;
	v4 =	vmul.f32 v11, v12  }
0xa6: {  	v15 =	vld [tilespmem:s0+$0xFFFFFFE0]  }
0xa7: {  	[tilespmem:s0+$0xFFFFFFB0] =	vst v4;
	v4 =	vmul.f32 v13, v12  }
0xa8: {  	v16 =	vld [tilespmem:s0+$0xFFFFFFF0]  }
0xa9: {  	[tilespmem:s0+$0xFFFFFFC0] =	vst v4;
	v4 =	vmul.f32 v14, v12  }
0xaa: {  	v17 =	vld [tilespmem:s0+$0x0]  }
0xab: {  	[tilespmem:s0+$0xFFFFFFD0] =	vst v4;
	v4 =	vmul.f32 v15, v12  }
0xac: {  	v19 =	vld [tilespmem:s0+$0x10]  }
0xad: {  	v18 =	vbroadcast v3, $0x8;
	[tilespmem:s0+$0xFFFFFFE0] =	vst v4;
	v4 =	vmul.f32 v16, v12  }
0xae: {  	v20 =	vld [tilespmem:s0+$0x20]  }
0xaf: {  	[tilespmem:s0+$0xFFFFFFF0] =	vst v4;
	v4 =	vmul.f32 v17, v18  }
0xb0: {  	v21 =	vld [tilespmem:s0+$0x30]  }
0xb1: {  	[tilespmem:s0+$0x0] =	vst v4;
	v4 =	vmul.f32 v19, v18  }
0xb2: {  	v22 =	vld [tilespmem:s0+$0x40]  }
0xb3: {  	[tilespmem:s0+$0x10] =	vst v4;
	v4 =	vmul.f32 v20, v18  }
0xb4: {  	v23 =	vld [tilespmem:s0+$0x50]  }
0xb5: {  	[tilespmem:s0+$0x20] =	vst v4;
	v4 =	vmul.f32 v21, v18  }
0xb6: {  	v25 =	vld [tilespmem:s0+$0x60]  }
0xb7: {  	v24 =	vbroadcast v3, $0x9;
	[tilespmem:s0+$0x30] =	vst v4;
	v4 =	vmul.f32 v22, v18  }
0xb8: {  	v26 =	vld [tilespmem:s0+$0x70]  }
0xb9: {  	[tilespmem:s0+$0x40] =	vst v4;
	v4 =	vmul.f32 v23, v24  }
0xba: {  	v27 =	vld [tilespmem:s0+$0x80]  }
0xbb: {  	[tilespmem:s0+$0x50] =	vst v4;
	v4 =	vmul.f32 v25, v24  }
0xbc: {  	v28 =	vld [tilespmem:s0+$0x90]  }
0xbd: {  	[tilespmem:s0+$0x60] =	vst v4;
	v4 =	vmul.f32 v26, v24  }
0xbe: {  	v29 =	vld [tilespmem:s0+$0xA0]  }
0xbf: {  	[tilespmem:s0+$0x70] =	vst v4;
	v4 =	vmul.f32 v27, v24  }
0xc0: {  	v31 =	vld [tilespmem:s0+$0xB0]  }
0xc1: {  	v30 =	vbroadcast v3, $0xA;
	[tilespmem:s0+$0x80] =	vst v4;
	v4 =	vmul.f32 v28, v24  }
0xc2: {  	v32 =	vld [tilespmem:s0+$0xC0]  }
0xc3: {  	[tilespmem:s0+$0x90] =	vst v4;
	v4 =	vmul.f32 v29, v30  }
0xc4: {  	v33 =	vld [tilespmem:s0+$0xD0]  }
0xc5: {  	[tilespmem:s0+$0xA0] =	vst v4;
	v4 =	vmul.f32 v31, v30  }
0xc6: {  	v34 =	vld [tilespmem:s0+$0xE0]  }
0xc7: {  	[tilespmem:s0+$0xB0] =	vst v4;
	v4 =	vmul.f32 v32, v30  }
0xc8: {  	v35 =	vld [tilespmem:s0+$0xF0]  }
0xc9: {  	[tilespmem:s0+$0xC0] =	vst v4;
	v4 =	vmul.f32 v33, v30  }
0xca: {  	v37 =	vld [tilespmem:s0+$0x100]  }
0xcb: {  	v36 =	vbroadcast v3, $0xB;
	[tilespmem:s0+$0xD0] =	vst v4;
	v4 =	vmul.f32 v34, v30  }
0xcc: {  	v38 =	vld [tilespmem:s0+$0x110]  }
0xcd: {  	[tilespmem:s0+$0xE0] =	vst v4;
	v4 =	vmul.f32 v35, v36  }
0xce: {  	v39 =	vld [tilespmem:s0+$0x120]  }
0xcf: {  	[tilespmem:s0+$0xF0] =	vst v4;
	v4 =	vmul.f32 v37, v36  }
0xd0: {  	v40 =	vld [tilespmem:s0+$0x130]  }
0xd1: {  	[tilespmem:s0+$0x100] =	vst v4;
	v4 =	vmul.f32 v38, v36  }
0xd2: {  	v41 =	vld [tilespmem:s0+$0x140]  }
0xd3: {  	[tilespmem:s0+$0x110] =	vst v4;
	v4 =	vmul.f32 v39, v36  }
0xd4: {  	v43 =	vld [tilespmem:s0+$0x150]  }
0xd5: {  	v42 =	vbroadcast v3, $0xC;
	[tilespmem:s0+$0x120] =	vst v4;
	v4 =	vmul.f32 v40, v36  }
0xd6: {  	v44 =	vld [tilespmem:s0+$0x160]  }
0xd7: {  	[tilespmem:s0+$0x130] =	vst v4;
	v4 =	vmul.f32 v41, v42  }
0xd8: {  	v45 =	vld [tilespmem:s0+$0x170]  }
0xd9: {  	[tilespmem:s0+$0x140] =	vst v4;
	v4 =	vmul.f32 v43, v42  }
0xda: {  	v46 =	vld [tilespmem:s0+$0x180]  }
0xdb: {  	[tilespmem:s0+$0x150] =	vst v4;
	v4 =	vmul.f32 v44, v42  }
0xdc: {  	v47 =	vld [tilespmem:s0+$0x190]  }
0xdd: {  	[tilespmem:s0+$0x160] =	vst v4;
	v4 =	vmul.f32 v45, v42  }
0xde: {  	v49 =	vld [tilespmem:s0+$0x1A0]  }
0xdf: {  	v48 =	vbroadcast v3, $0xD;
	[tilespmem:s0+$0x170] =	vst v4;
	v4 =	vmul.f32 v46, v42  }
0xe0: {  	v50 =	vld [tilespmem:s0+$0x1B0]  }
0xe1: {  	[tilespmem:s0+$0x180] =	vst v4;
	v4 =	vmul.f32 v47, v48  }
0xe2: {  	v51 =	vld [tilespmem:s0+$0x1C0]  }
0xe3: {  	[tilespmem:s0+$0x190] =	vst v4;
	v4 =	vmul.f32 v49, v48  }
0xe4: {  	v52 =	vld [tilespmem:s0+$0x1D0]  }
0xe5: {  	[tilespmem:s0+$0x1A0] =	vst v4;
	v4 =	vmul.f32 v50, v48  }
0xe6: {  	v53 =	vld [tilespmem:s0+$0x1E0]  }
0xe7: {  	[tilespmem:s0+$0x1B0] =	vst v4;
	v4 =	vmul.f32 v51, v48  }
0xe8: {  	v55 =	vld [tilespmem:s0+$0x1F0]  }
0xe9: {  	v54 =	vbroadcast v3, $0xE;
	[tilespmem:s0+$0x1C0] =	vst v4;
	v4 =	vmul.f32 v52, v48  }
0xea: {  	v56 =	vld [tilespmem:s0+$0x200]  }
0xeb: {  	[tilespmem:s0+$0x1D0] =	vst v4;
	v4 =	vmul.f32 v53, v54  }
0xec: {  	v57 =	vld [tilespmem:s0+$0x210]  }
0xed: {  	[tilespmem:s0+$0x1E0] =	vst v4;
	v4 =	vmul.f32 v55, v54  }
0xee: {  	v58 =	vld [tilespmem:s0+$0x220]  }
0xef: {  	[tilespmem:s0+$0x1F0] =	vst v4;
	v4 =	vmul.f32 v56, v54  }
0xf0: {  	v59 =	vld [tilespmem:s0+$0x230]  }
0xf1: {  	[tilespmem:s0+$0x200] =	vst v4;
	v4 =	vmul.f32 v57, v54  }
0xf2: {  	v60 =	vld [tilespmem:s0+$0x240]  }
0xf3: {  	v3 =	vbroadcast v3, $0xF;
	[tilespmem:s0+$0x210] =	vst v4;
	v4 =	vmul.f32 v58, v54  }
0xf4: {  	v61 =	vld [tilespmem:s0+$0x250]  }
0xf5: {  	[tilespmem:s0+$0x220] =	vst v4;
	v4 =	vmul.f32 v59, v3  }
0xf6: {  	v62 =	vld [tilespmem:s0+$0x260]  }
0xf7: {  	v63 =	vld [tilespmem:s0+$0x270];
	[tilespmem:s0+$0x230] =	vst v4;
	v4 =	vmul.f32 v60, v3;
	_ =	sdelay $0x1  }
0xf8: {  	p1 =	sne.s32 s17, $0x1C0;
	[tilespmem:s0+$0x240] =	vst v4;
	v4 =	vmul.f32 v61, v3  }
.Ltmp1:
0xf9: {  	_ = 	snop;
	(pc) =	sbr.rel @p1 .LBB2_5-.Ltmp1, $4  }
0xfa: {  	[tilespmem:s0+$0x250] =	vst v4;
	v4 =	vmul.f32 v62, v3  }
0xfb: {  	v3 =	vmul.f32 v63, v3  }
0xfc: {  	[tilespmem:s0+$0x260] =	vst v4  }
0xfd: {  	s17 =	sadd.s32 $0x40, s17;
	[tilespmem:s0+$0x270] =	vst v3;
	s0 =	sadd.s32 $0x500, s0  }
0xfe: {  	s0 =	sshll.u32 s30, $0x9;
	s30 =	sadd.s32 $0x1, s30  }
0xff: {  	s0 =	sshra.s32 s0, $0x2;
	p1 =	sne.s32 s30, s7  }
.Ltmp2:
0x100: {  	s0 =	sadd.s32 $0x3280, s0;
	(pc) =	sbr.rel @p1 .LBB2_4-.Ltmp2, $4  }
0x101: {  	[spmem:s2] =	stream.indirect.scatter.add.f32 [tilespmem:s31], [sflag:$0x3], $0x50, s0, s23, $0xb8;
	[tilespmem:$0x1CD00] =	vst v63  }
0x102: {  	_ =	swait.ge [sflag:s21], $0x2800  }
0x103: {  	s29 =	sadd.s32 $0x80, s29;
	[sflag:s21] =	ssyncset.done $0x0  }
0x104: {  	s28 =	sadd.s32 $0x80, s28;
	p0 =	por !p0, !p0;
	[sflag:s21] =	ssyncadd.s32 $0xFFFFD800  }
0x105: {  	s0 =	stileid.u32;
	s26 =	sadd.s32 $0x1, s26  }
0x106: {  	[bflag:$0x0] =	sbarrier.arrive $0xFFFF;
	s0 =	sshll.u32 s0, $0x6;
	p0 =	sne.s32 s26, s16  }
.Ltmp3:
0x107: {  	s1 =	sshrl.u32 s10, $0x3;
	s0 =	sor.u32 $0x1C03, s0;
	(pc) =	sbr.rel @p0 .LBB2_1-.Ltmp3, $4  }
0x108: {  	[hbm:s24], [sflag:s0] =	dma.local [spmem:s1], $0x1900  }
0x109: {  	_ =	swait.ge [sflag:s21], $0x1900  }
0x10a: {  	[sflag:s21] =	ssyncset.done $0x0  }
0x10b: {  	[sflag:s21] =	ssyncadd.s32 $0xFFFFE700  }
0x10c: {  	_ =	sfence.sel $0x180000  }
0x10d: {  	[bflag:$0x0] =	sbarrier.arrive $0xFFFF  }
0x10e: {  	_ =	strace $0x9000004A  }
0x10f: {  	s0 =	stileid.u32;
	[bflag:$0x2] =	sbarrier.arrive $0xFFFF  }
0x110: {  	p0 =	sne.s32 s0, $0x0;
	s0 =	rddreg [dreg:$0x3]  }
0x111: {  	s0 =	sadd.s32 @!p0 $0x100000, s0  }
0x112: {  	[sflag:s0] =	ssyncadd.tile.s32 @!p0 $0x1;
	_ =	shalt  }
.Lfunc_end2:
_tile_overlayer_lowered:
.L_overlay_start_2:
0x113: {  	(tag) =	ssettag $0x2  }
0x114: {  	s0 =	rddreg [dreg:$0x0];
	s2 =	stileid.u32  }
0x115: {  	s1 =	rddreg [dreg:$0x1];
	p0 =	sne.s32 s2, $0x0  }
0x116: {  	s3 =	rddreg [dreg:$0x2];
	[bflag:$0x3] =	sbarrier.arrive $0xFFFF;
	s2 =	simm.s32 @!p0 $0x1C03  }
0x117: {  	[timem:s3], [sflag:s2] =	dma.local @!p0 [hbm:s0], s1  }
0x118: {  	s0 =	simm.s32 @!p0 $0x3  }
0x119: {  	_ =	swait.ge @!p0 [sflag:s0], s1  }
0x11a: {  	s1 =	ssub.s32 @!p0 $0x0, s1;
	[sflag:s0] =	ssyncset.done @!p0 $0x0  }
0x11b: {  	[sflag:s0] =	ssyncadd.s32 @!p0 s1  }
0x11c: {  	[bflag:$0x3] =	sbarrier.arrive $0xFFFF  }
0x11d: {  	_ =	shalt  }

</sc_bundles>
